<compile_context>
chip_gen: v7x
topology: tpu7x:2x2x1
jax: 0.10.2.dev20260603
libtpu: 0.0.44.dev20260713+nightly
codegen_flags: <defaults>
</compile_context>

<pallas_src>
import functools

import jax
import jax.numpy as jnp
from jax import lax
from jax.experimental import pallas as pl
from jax.experimental.pallas import tpu as pltpu
from jax.experimental.pallas import tpu_sc as plsc

NV = 10000
NVP = 10240
BLK = 1024
NG = NVP // BLK
CI = 256
HID = 128
HW = 14
NPIX = HW * HW
VW = 8

NTILES = 32
NCH = 160
NBC = 8
NB = NCH // NBC
EPT = NCH * 128
PE = NTILES * EPT
ACC_R = NVP
ZR = ACC_R // 16
OWR = ACC_R // 16

_f32 = jnp.float32



def _dot(a, b):
    return jnp.dot(a, b, preferred_element_type=_f32)


def _dot_x3(a, b):
    bf = jnp.bfloat16
    ah = a.astype(bf)
    al = (a - ah.astype(_f32)).astype(bf)
    bh = b.astype(bf)
    bl = (b - bh.astype(_f32)).astype(bf)
    d = jnp.dot(ah, bl, preferred_element_type=_f32)
    d = d + jnp.dot(al, bh, preferred_element_type=_f32)
    d = d + jnp.dot(ah, bh, preferred_element_type=_f32)
    return d


def _tc0_body(vp, f2, wb, bbv, a0, b0m, b0v, a1, b1m, b1v, h0o, h1o):
    v = vp[...]
    gx = jnp.clip((v[:, 0:1] + 1.0) * (0.5 * (HW - 1)), 0.0, HW - 1.0)
    gy = jnp.clip((v[:, 1:2] + 1.0) * (0.5 * (HW - 1)), 0.0, HW - 1.0)
    x0 = jnp.floor(gx)
    y0 = jnp.floor(gy)
    x1 = jnp.minimum(x0 + 1.0, HW - 1.0)
    y1 = jnp.minimum(y0 + 1.0, HW - 1.0)
    wx = gx - x0
    wy = gy - y0
    col = lax.broadcasted_iota(jnp.int32, (BLK, CI), 1)
    i00 = (y0 * HW + x0).astype(jnp.int32)
    i01 = (y0 * HW + x1).astype(jnp.int32)
    i10 = (y1 * HW + x0).astype(jnp.int32)
    i11 = (y1 * HW + x1).astype(jnp.int32)
    p = ((col == i00).astype(_f32) * ((1.0 - wx) * (1.0 - wy))
         + (col == i01).astype(_f32) * (wx * (1.0 - wy))
         + (col == i10).astype(_f32) * ((1.0 - wx) * wy)
         + (col == i11).astype(_f32) * (wx * wy))
    img = _dot_x3(p, f2[...])
    nop = jnp.maximum(_dot(img, wb[...]) + bbv[...], 0.0)
    h0o[...] = _dot(nop, a0[...]) + _dot(v, b0m[...]) + b0v[...]
    h1o[...] = _dot(nop, a1[...]) + _dot(v, b1m[...]) + b1v[...]


def _mid_body(h0p, pa, pb, vp, a0, b0m, b0v, a1, b1m, b1v, h0o, h1o):
    nop = jnp.maximum(h0p[...] + pa[0] + pb[0], 0.0)
    v = vp[...]
    h0o[...] = _dot(nop, a0[...]) + _dot(v, b0m[...]) + b0v[...]
    h1o[...] = _dot(nop, a1[...]) + _dot(v, b1m[...]) + b1v[...]


def _fin_body(h0p, pa, pb, vp, ao, bom, bov, outo):
    nop = jnp.maximum(h0p[...] + pa[0] + pb[0], 0.0)
    v = vp[...]
    d = _dot(nop, ao[...]) + _dot(v, bom[...]) + bov[...]
    outo[...] = v + jnp.tanh(d[:, :VW])


_w_spec = pl.BlockSpec((HID, HID), lambda i: (0, 0))
_bm_spec = pl.BlockSpec((VW, HID), lambda i: (0, 0))
_v_spec = pl.BlockSpec((BLK, VW), lambda i: (i, 0))
_b_spec = pl.BlockSpec((1, HID), lambda i: (0, 0))
_r_spec = pl.BlockSpec((BLK, HID), lambda i: (i, 0))
_pa_spec = pl.BlockSpec((1, BLK, HID), lambda i: (0, i, 0))
_pb_spec = pl.BlockSpec((1, BLK, HID), lambda i: (1, i, 0))
_row_shape = jax.ShapeDtypeStruct((NVP, HID), _f32)


def _tc0(vp, f2, wb, bbv, a0, b0m, b0v, a1, b1m, b1v):
    return pl.pallas_call(
        _tc0_body,
        grid=(NG,),
        in_specs=[_v_spec,
                  pl.BlockSpec((CI, CI), lambda i: (0, 0)),
                  pl.BlockSpec((CI, HID), lambda i: (0, 0)),
                  _b_spec, _w_spec, _bm_spec, _b_spec, _w_spec, _bm_spec,
                  _b_spec],
        out_specs=[_r_spec, _r_spec],
        out_shape=[_row_shape, _row_shape],
    )(vp, f2, wb, bbv, a0, b0m, b0v, a1, b1m, b1v)


def _tc_mid(h0p, p, vp, a0, b0m, b0v, a1, b1m, b1v):
    return pl.pallas_call(
        _mid_body,
        grid=(NG,),
        in_specs=[_r_spec, _pa_spec, _pb_spec, _v_spec,
                  _w_spec, _bm_spec, _b_spec, _w_spec, _bm_spec, _b_spec],
        out_specs=[_r_spec, _r_spec],
        out_shape=[_row_shape, _row_shape],
    )(h0p, p, p, vp, a0, b0m, b0v, a1, b1m, b1v)


def _tc_fin(h0p, p, vp, ao, bom, bov):
    return pl.pallas_call(
        _fin_body,
        grid=(NG,),
        in_specs=[_r_spec, _pa_spec, _pb_spec, _v_spec,
                  _w_spec, _bm_spec, _b_spec],
        out_specs=_v_spec,
        out_shape=jax.ShapeDtypeStruct((NVP, VW), _f32),
    )(h0p, p, p, vp, ao, bom, bov)



@functools.cache
def _sc_agg_call():
    mesh = plsc.VectorSubcoreMesh(core_axis_name="c", subcore_axis_name="s")

    @functools.partial(
        pl.kernel,
        mesh=mesh,
        out_type=jax.ShapeDtypeStruct((2, NVP, HID), _f32),
        scratch_types=[
            pltpu.VMEM_SHARED((ACC_R, HID), _f32),
            pltpu.VMEM((2, NBC, 128), jnp.int32),
            pltpu.VMEM((2, NBC, 128), jnp.int32),
            pltpu.VMEM((128, HID), _f32),
            pltpu.VMEM((128, HID), _f32),
            pltpu.SemaphoreType.DMA,
            pltpu.SemaphoreType.DMA,
            pltpu.SemaphoreType.DMA,
            pltpu.SemaphoreType.DMA,
        ],
    )
    def _sc_agg(h1_hbm, sd_hbm, zer_hbm, out_hbm,
                acc, sd0, sd1, r0, r1, s0, s1, i0, i1):
        cid = lax.axis_index("c")
        sid = lax.axis_index("s")
        wid = cid * 16 + sid
        pltpu.sync_copy(zer_hbm, acc.at[pl.ds(sid * ZR, ZR)])
        plsc.subcore_barrier()

        pltpu.sync_copy(sd_hbm.at[wid, 0], sd0)
        pltpu.async_copy(sd_hbm.at[wid, 1], sd1, i1)
        rbuf = [r0, r1]
        rsem = [s0, s1]
        pltpu.async_copy(h1_hbm.at[sd0.at[0, 0]], r0, s0)
        pltpu.async_copy(h1_hbm.at[sd0.at[0, 1]], r1, s1)

        def chunk(sd, sd_next, k, prefetch_pred):
            rb = rbuf[k % 2]
            pltpu.make_async_copy(h1_hbm.at[sd.at[0, 0]], rb,
                                  rsem[k % 2]).wait()
            pltpu.sync_copy(rb, acc.at[sd.at[1, k]], add=True)
            if k < NBC - 2:
                pltpu.async_copy(h1_hbm.at[sd.at[0, k + 2]], rb, rsem[k % 2])
            elif prefetch_pred is True:
                pltpu.async_copy(h1_hbm.at[sd_next.at[0, k + 2 - NBC]],
                                 rb, rsem[k % 2])
            else:
                @pl.when(prefetch_pred)
                def _():
                    pltpu.async_copy(h1_hbm.at[sd_next.at[0, k + 2 - NBC]],
                                     rb, rsem[k % 2])

        def body(h, carry):
            b0 = 2 * h
            have_next = b0 + 2 < NB
            for k in range(NBC - 2):
                chunk(sd0, sd1, k, True)
            pltpu.make_async_copy(sd_hbm.at[wid, 0], sd1, i1).wait()
            for k in range(NBC - 2, NBC):
                chunk(sd0, sd1, k, True)
            @pl.when(have_next)
            def _():
                pltpu.async_copy(sd_hbm.at[wid, b0 + 2], sd0, i0)
            for k in range(NBC - 2):
                chunk(sd1, sd0, k, True)

            @pl.when(have_next)
            def _():
                pltpu.make_async_copy(sd_hbm.at[wid, 0], sd0, i0).wait()
            for k in range(NBC - 2, NBC):
                chunk(sd1, sd0, k, have_next)
            @pl.when(have_next)
            def _():
                pltpu.async_copy(sd_hbm.at[wid, b0 + 3], sd1, i1)
            return carry

        lax.fori_loop(0, NB // 2, body, 0)
        plsc.subcore_barrier()
        pltpu.sync_copy(acc.at[pl.ds(sid * OWR, OWR)],
                        out_hbm.at[cid, pl.ds(sid * OWR, OWR)])

    return _sc_agg



def _split_w(w):
    return w[:HID], jnp.pad(w[HID:], ((0, VW - 3), (0, 0)))


def kernel(x, verts, edges, Wb, bb,
           g0_w0W, g0_w0b, g0_w1W, g0_w1b,
           g1_w0W, g1_w0b, g1_w1W, g1_w1b,
           g2_w0W, g2_w0b, g2_w1W, g2_w1b,
           Wo, bo):
    f2 = jnp.pad(x[0].reshape(CI, NPIX).T, ((0, CI - NPIX), (0, 0)))
    vp = jnp.pad(verts, ((0, NVP - NV), (0, VW - 3)))
    bbv = bb[None, :]
    w0 = [_split_w(w) for w in (g0_w0W, g1_w0W, g2_w0W)]
    w1 = [_split_w(w) for w in (g0_w1W, g1_w1W, g2_w1W)]
    b0 = [b[None, :] for b in (g0_w0b, g1_w0b, g2_w0b)]
    b1 = [b[None, :] for b in (g0_w1b, g1_w1b, g2_w1b)]
    ao = jnp.pad(Wo[:HID], ((0, 0), (0, HID - 3)))
    bom = jnp.pad(Wo[HID:], ((0, VW - 3), (0, HID - 3)))
    bov = jnp.pad(bo, (0, HID - 3))[None, :]

    ne = edges.shape[0]
    rpt = 2 * ne // NTILES
    npad = EPT - rpt
    srcs = jnp.concatenate([edges[:, 1], edges[:, 0]]).reshape(NTILES, rpt)
    dsts = jnp.concatenate([edges[:, 0], edges[:, 1]]).reshape(NTILES, rpt)
    pad_s = jnp.broadcast_to((jnp.arange(npad, dtype=jnp.int32) * 37) % NV,
                             (NTILES, npad))
    pad_d = jnp.broadcast_to(
        NV + (jnp.arange(npad, dtype=jnp.int32) % (NVP - NV)), (NTILES, npad))
    sidx = jnp.concatenate([srcs, pad_s], axis=1).reshape(NTILES, NB, NBC, 128)
    didx = jnp.concatenate([dsts, pad_d], axis=1).reshape(NTILES, NB, NBC, 128)
    sd = jnp.stack([sidx, didx], axis=2)
    zer = jnp.zeros((ZR, HID), _f32)

    sc_agg = _sc_agg_call()
    h0, h1 = _tc0(vp, f2, Wb, bbv,
                  w0[0][0], w0[0][1], b0[0],
                  w1[0][0], w1[0][1], b1[0])
    for l in range(3):
        p = sc_agg(h1, sd, zer)
        if l < 2:
            h0, h1 = _tc_mid(h0, p, vp,
                             w0[l + 1][0], w0[l + 1][1], b0[l + 1],
                             w1[l + 1][0], w1[l + 1][1], b1[l + 1])
        else:
            outp = _tc_fin(h0, p, vp, ao, bom, bov)
    return outp[:NV, :3]

# --- scband reference (transcript-rebuilt; emitter-appended) ---
"""Pipeline reference for scband-mesh-rcnngraph-conv-head-8701603742214 (READ-ONLY COPY).

The authoritative reference and input builder live on the scoring server;
editing this copy changes nothing except your own understanding.
"""

import jax, jax.numpy as jnp
import numpy as np

N_VERTS = 10000
N_EDGES = 320000
C_IMG = 256
HID = 128
HH = 14
WW = 14
N_GCONV = 3


def vert_align(x, verts):
    # pytorch3d vert_align: bilinear sample (align_corners=True, border padding)
    C, H, W = x.shape[1], x.shape[2], x.shape[3]
    gx = jnp.clip((verts[:, 0] + 1.0) * 0.5 * (W - 1), 0.0, W - 1)
    gy = jnp.clip((verts[:, 1] + 1.0) * 0.5 * (H - 1), 0.0, H - 1)
    x0 = jnp.floor(gx)
    y0 = jnp.floor(gy)
    x1 = jnp.minimum(x0 + 1.0, W - 1)
    y1 = jnp.minimum(y0 + 1.0, H - 1)
    wx = gx - x0
    wy = gy - y0
    x0i = x0.astype(jnp.int32); x1i = x1.astype(jnp.int32)
    y0i = y0.astype(jnp.int32); y1i = y1.astype(jnp.int32)
    f = x[0]  # [C,H,W]
    f00 = f[:, y0i, x0i]
    f01 = f[:, y0i, x1i]
    f10 = f[:, y1i, x0i]
    f11 = f[:, y1i, x1i]
    out = (f00 * (1 - wx) * (1 - wy) + f01 * wx * (1 - wy)
           + f10 * (1 - wx) * wy + f11 * wx * wy)
    return out.T  # [N, C]


def setup_inputs(seed: int = 0) -> dict:
    key = jax.random.key(seed)
    ks = jax.random.split(key, 32)
    inp = {}
    inp["x"] = jax.random.normal(ks[0], (1, C_IMG, HH, WW), dtype=jnp.float32)
    inp["verts"] = jax.random.uniform(ks[1], (N_VERTS, 3), dtype=jnp.float32)
    inp["edges"] = jax.random.randint(ks[2], (N_EDGES, 2), 0, N_VERTS, dtype=jnp.int32)
    # bottleneck: Linear(img_feat_dim=256 -> hidden=128), std=0.01 per module init
    inp["Wb"] = 0.01 * jax.random.normal(ks[3], (C_IMG, HID), dtype=jnp.float32)
    inp["bb"] = jnp.zeros((HID,), dtype=jnp.float32)
    # GraphConv layers: stage 0 -> input_dim = hidden + 0 + 3 = 131 for all layers
    d_in = HID + 3
    for l in range(N_GCONV):
        k = jax.random.split(ks[4 + l], 4)
        inp[f"g{l}_w0W"] = 0.02 * jax.random.normal(k[0], (d_in, HID), dtype=jnp.float32)
        inp[f"g{l}_w0b"] = jnp.zeros((HID,), dtype=jnp.float32)
        inp[f"g{l}_w1W"] = 0.02 * jax.random.normal(k[1], (d_in, HID), dtype=jnp.float32)
        inp[f"g{l}_w1b"] = jnp.zeros((HID,), dtype=jnp.float32)
    # verts_offset Linear(hidden+3 -> 3), zero-init per module (use small random for nontrivial output)
    inp["Wo"] = 0.01 * jax.random.normal(ks[10], (HID + 3, 3), dtype=jnp.float32)
    inp["bo"] = jnp.zeros((3,), dtype=jnp.float32)
    return inp


def reference(x, verts, edges, Wb, bb,
              g0_w0W, g0_w0b, g0_w1W, g0_w1b,
              g1_w0W, g1_w0b, g1_w1W, g1_w1b,
              g2_w0W, g2_w0b, g2_w1W, g2_w1b,
              Wo, bo):
    gw0W = [g0_w0W, g1_w0W, g2_w0W]
    gw0b = [g0_w0b, g1_w0b, g2_w0b]
    gw1W = [g0_w1W, g1_w1W, g2_w1W]
    gw1b = [g0_w1b, g1_w1b, g2_w1b]
    # vert_align + bottleneck
    img_feats = vert_align(x, verts)
    img_feats = jax.nn.relu(img_feats @ Wb + bb)
    vert_feats = jnp.concatenate([img_feats, verts], axis=1)  # [N, 131]
    i = edges[:, 0]
    j = edges[:, 1]
    nopos = vert_feats
    for l in range(N_GCONV):
        h0 = vert_feats @ gw0W[l] + gw0b[l]
        h1 = vert_feats @ gw1W[l] + gw1b[l]
        # undirected gather-scatter: each edge contributes both directions
        agg = jnp.zeros_like(h0).at[i].add(h1[j]).at[j].add(h1[i])
        nopos = jax.nn.relu(h0 + agg)
        vert_feats = jnp.concatenate([nopos, verts], axis=1)
    deform = jnp.tanh(vert_feats @ Wo + bo)
    new_verts = verts + deform  # mesh.offset_verts(deform)
    return new_verts

if __name__ == "__main__":
    import jax
    _d = setup_inputs()
    print(jax.jit(kernel)(*tuple(_d.values())))

</pallas_src>

<mosaic_0001>
#map = affine_map<(d0, d1) -> (0, 0)>
#map1 = affine_map<(d0, d1) -> (0, 0, 0, 0, 0)>
#map2 = affine_map<(d0, d1) -> (0, 0, 0)>
module attributes {stable_mosaic.version = 14 : i64} {
  func.func @_sc_agg(%arg0: i32, %arg1: i32, %arg2: memref<10240x128xf32, #tpu.memory_space<hbm>>, %arg3: memref<32x20x2x8x128xi32, #tpu.memory_space<hbm>>, %arg4: memref<640x128xf32, #tpu.memory_space<hbm>>, %arg5: memref<2x10240x128xf32, #tpu.memory_space<hbm>>, %arg6: memref<10240x128xf32, #tpu.memory_space<vmem_shared>>, %arg7: memref<2x8x128xi32, #tpu.memory_space<vmem>>, %arg8: memref<2x8x128xi32, #tpu.memory_space<vmem>>, %arg9: memref<128x128xf32, #tpu.memory_space<vmem>>, %arg10: memref<128x128xf32, #tpu.memory_space<vmem>>, %arg11: memref<!tpu.dma_semaphore, #tpu.memory_space<semaphore_mem>>, %arg12: memref<!tpu.dma_semaphore, #tpu.memory_space<semaphore_mem>>, %arg13: memref<!tpu.dma_semaphore, #tpu.memory_space<semaphore_mem>>, %arg14: memref<!tpu.dma_semaphore, #tpu.memory_space<semaphore_mem>>) attributes {dimension_semantics = [#tpu.dimension_semantics<core_parallel>, #tpu.dimension_semantics<subcore_parallel>], iteration_bounds = array<i64: 2, 16>, scalar_prefetch = 0 : i64, scratch_operands = 9 : i64, tpu.core_type = #tpu.core_type<sc_vector_subcore>, window_params = [{transform_indices = #map}, {transform_indices = #map1}, {transform_indices = #map}, {transform_indices = #map2}]} {
    %mul3A = arith.constant 16 : i32
    %mul3A_0 = arith.muli %arg0, %mul3A : i32
    %add3A = arith.addi %mul3A_0, %arg1 : i32
    %mul3A_1 = arith.constant 640 : i32
    %mul3A_2 = arith.muli %arg1, %mul3A_1 : i32
    "tpu.region"() ({
      %run_scoped3A_39 = tpu.sem_alloc : memref<!tpu.dma_semaphore, #tpu.memory_space<semaphore_mem>>
      %dma_start3A_40 = arith.constant 0 : i32
      %dma_start3A_41 = tpu.memref_slice %arg6[%mul3A_2, %dma_start3A_40] : memref<10240x128xf32, #tpu.memory_space<vmem_shared>> -> memref<640x128xf32, #tpu.memory_space<vmem_shared>>
      tpu.enqueue_dma source(%arg4 : memref<640x128xf32, #tpu.memory_space<hbm>>) target(%dma_start3A_41 : memref<640x128xf32, #tpu.memory_space<vmem_shared>>) target_semaphore(%run_scoped3A_39 : memref<!tpu.dma_semaphore, #tpu.memory_space<semaphore_mem>>)
      %dma_wait3A = arith.constant 0 : i32
      %dma_wait3A_42 = tpu.memref_slice %arg6[%mul3A_2, %dma_wait3A] : memref<10240x128xf32, #tpu.memory_space<vmem_shared>> -> memref<640x128xf32, #tpu.memory_space<vmem_shared>>
      tpu.wait_dma2 semaphore(%run_scoped3A_39 : memref<!tpu.dma_semaphore, #tpu.memory_space<semaphore_mem>>) src(%arg4 : memref<640x128xf32, #tpu.memory_space<hbm>>) dst(%dma_wait3A_42 : memref<640x128xf32, #tpu.memory_space<vmem_shared>>)
      tpu.yield
    }) : () -> ()
    %barrier3A = arith.constant 0 : index
    tpu.barrier barrier_id(%barrier3A)
    %run_scoped3A = arith.constant 0 : i32
    "tpu.region"() ({
      %run_scoped3A_39 = tpu.sem_alloc : memref<!tpu.dma_semaphore, #tpu.memory_space<semaphore_mem>>
      %dma_start3A_40 = arith.constant 0 : i32
      %dma_start3A_41 = arith.constant 0 : i32
      %dma_start3A_42 = arith.constant 0 : i32
      %dma_start3A_43 = tpu.memref_slice %arg3[%add3A, %run_scoped3A, %dma_start3A_40, %dma_start3A_41, %dma_start3A_42] : memref<32x20x2x8x128xi32, #tpu.memory_space<hbm>> -> memref<1x1x2x8x128xi32, #tpu.memory_space<hbm>>
      %dma_start3A_44 = tpu.memref_squeeze %dma_start3A_43 : memref<1x1x2x8x128xi32, #tpu.memory_space<hbm>> -> memref<2x8x128xi32, #tpu.memory_space<hbm>>
      %dma_start3A_45 = arith.constant 0 : i32
      %dma_start3A_46 = arith.constant 0 : i32
      %dma_start3A_47 = arith.constant 0 : i32
      %dma_start3A_48 = tpu.memref_slice %arg3[%add3A, %run_scoped3A, %dma_start3A_45, %dma_start3A_46, %dma_start3A_47] : memref<32x20x2x8x128xi32, #tpu.memory_space<hbm>> -> memref<1x1x2x8x128xi32, #tpu.memory_space<hbm>>
      %dma_start3A_49 = tpu.memref_squeeze %dma_start3A_48 : memref<1x1x2x8x128xi32, #tpu.memory_space<hbm>> -> memref<2x8x128xi32, #tpu.memory_space<hbm>>
      tpu.enqueue_dma source(%dma_start3A_49 : memref<2x8x128xi32, #tpu.memory_space<hbm>>) target(%arg7 : memref<2x8x128xi32, #tpu.memory_space<vmem>>) target_semaphore(%run_scoped3A_39 : memref<!tpu.dma_semaphore, #tpu.memory_space<semaphore_mem>>)
      %dma_wait3A = arith.constant 0 : i32
      %dma_wait3A_50 = arith.constant 0 : i32
      %dma_wait3A_51 = arith.constant 0 : i32
      %dma_wait3A_52 = tpu.memref_slice %arg3[%add3A, %run_scoped3A, %dma_wait3A, %dma_wait3A_50, %dma_wait3A_51] : memref<32x20x2x8x128xi32, #tpu.memory_space<hbm>> -> memref<1x1x2x8x128xi32, #tpu.memory_space<hbm>>
      %dma_wait3A_53 = tpu.memref_squeeze %dma_wait3A_52 : memref<1x1x2x8x128xi32, #tpu.memory_space<hbm>> -> memref<2x8x128xi32, #tpu.memory_space<hbm>>
      %dma_wait3A_54 = arith.constant 0 : i32
      %dma_wait3A_55 = arith.constant 0 : i32
      %dma_wait3A_56 = arith.constant 0 : i32
      %dma_wait3A_57 = tpu.memref_slice %arg3[%add3A, %run_scoped3A, %dma_wait3A_54, %dma_wait3A_55, %dma_wait3A_56] : memref<32x20x2x8x128xi32, #tpu.memory_space<hbm>> -> memref<1x1x2x8x128xi32, #tpu.memory_space<hbm>>
      %dma_wait3A_58 = tpu.memref_squeeze %dma_wait3A_57 : memref<1x1x2x8x128xi32, #tpu.memory_space<hbm>> -> memref<2x8x128xi32, #tpu.memory_space<hbm>>
      tpu.wait_dma2 semaphore(%run_scoped3A_39 : memref<!tpu.dma_semaphore, #tpu.memory_space<semaphore_mem>>) src(%dma_wait3A_58 : memref<2x8x128xi32, #tpu.memory_space<hbm>>) dst(%arg7 : memref<2x8x128xi32, #tpu.memory_space<vmem>>)
      tpu.yield
    }) : () -> ()
    %dma_start3A = arith.constant 1 : i32
    %dma_start3A_3 = arith.constant 0 : i32
    %dma_start3A_4 = arith.constant 0 : i32
    %dma_start3A_5 = arith.constant 0 : i32
    %dma_start3A_6 = tpu.memref_slice %arg3[%add3A, %dma_start3A, %dma_start3A_3, %dma_start3A_4, %dma_start3A_5] : memref<32x20x2x8x128xi32, #tpu.memory_space<hbm>> -> memref<1x1x2x8x128xi32, #tpu.memory_space<hbm>>
    %dma_start3A_7 = tpu.memref_squeeze %dma_start3A_6 : memref<1x1x2x8x128xi32, #tpu.memory_space<hbm>> -> memref<2x8x128xi32, #tpu.memory_space<hbm>>
    %dma_start3A_8 = arith.constant 0 : i32
    %dma_start3A_9 = arith.constant 0 : i32
    %dma_start3A_10 = arith.constant 0 : i32
    %dma_start3A_11 = tpu.memref_slice %arg3[%add3A, %dma_start3A, %dma_start3A_8, %dma_start3A_9, %dma_start3A_10] : memref<32x20x2x8x128xi32, #tpu.memory_space<hbm>> -> memref<1x1x2x8x128xi32, #tpu.memory_space<hbm>>
    %dma_start3A_12 = tpu.memref_squeeze %dma_start3A_11 : memref<1x1x2x8x128xi32, #tpu.memory_space<hbm>> -> memref<2x8x128xi32, #tpu.memory_space<hbm>>
    tpu.enqueue_dma source(%dma_start3A_12 : memref<2x8x128xi32, #tpu.memory_space<hbm>>) target(%arg8 : memref<2x8x128xi32, #tpu.memory_space<vmem>>) target_semaphore(%arg14 : memref<!tpu.dma_semaphore, #tpu.memory_space<semaphore_mem>>)
    %dma_start3A_13 = arith.constant 0 : i32
    %dma_start3A_14 = arith.constant 0 : i32
    %dma_start3A_15 = arith.constant 0 : i32
    %dma_start3A_16 = tpu.memref_slice %arg7[%dma_start3A_13, %dma_start3A_14, %dma_start3A_15] : memref<2x8x128xi32, #tpu.memory_space<vmem>> -> memref<1x1x128xi32, #tpu.memory_space<vmem>>
    %dma_start3A_17 = tpu.memref_squeeze %dma_start3A_16 : memref<1x1x128xi32, #tpu.memory_space<vmem>> -> memref<128xi32, #tpu.memory_space<vmem>>
    %dma_start3A_18 = arith.constant 0 : i32
    %dma_start3A_19 = arith.constant 0 : i32
    %dma_start3A_20 = tpu.memref_slice %arg2[%dma_start3A_18, %dma_start3A_19] : memref<10240x128xf32, #tpu.memory_space<hbm>> -> memref<10240x128xf32, #tpu.memory_space<hbm>>
    tpu.enqueue_indirect_dma source(%dma_start3A_20 : memref<10240x128xf32, #tpu.memory_space<hbm>>) target(%arg9 : memref<128x128xf32, #tpu.memory_space<vmem>>) offsets(%dma_start3A_17 : memref<128xi32, #tpu.memory_space<vmem>>) semaphore(%arg11 : memref<!tpu.dma_semaphore, #tpu.memory_space<semaphore_mem>>)
    %dma_start3A_21 = arith.constant 0 : i32
    %dma_start3A_22 = arith.constant 1 : i32
    %dma_start3A_23 = arith.constant 0 : i32
    %dma_start3A_24 = tpu.memref_slice %arg7[%dma_start3A_21, %dma_start3A_22, %dma_start3A_23] : memref<2x8x128xi32, #tpu.memory_space<vmem>> -> memref<1x1x128xi32, #tpu.memory_space<vmem>>
    %dma_start3A_25 = tpu.memref_squeeze %dma_start3A_24 : memref<1x1x128xi32, #tpu.memory_space<vmem>> -> memref<128xi32, #tpu.memory_space<vmem>>
    %dma_start3A_26 = arith.constant 0 : i32
    %dma_start3A_27 = arith.constant 0 : i32
    %dma_start3A_28 = tpu.memref_slice %arg2[%dma_start3A_26, %dma_start3A_27] : memref<10240x128xf32, #tpu.memory_space<hbm>> -> memref<10240x128xf32, #tpu.memory_space<hbm>>
    tpu.enqueue_indirect_dma source(%dma_start3A_28 : memref<10240x128xf32, #tpu.memory_space<hbm>>) target(%arg10 : memref<128x128xf32, #tpu.memory_space<vmem>>) offsets(%dma_start3A_25 : memref<128xi32, #tpu.memory_space<vmem>>) semaphore(%arg12 : memref<!tpu.dma_semaphore, #tpu.memory_space<semaphore_mem>>)
    %scan3A = arith.constant 0 : i32
    %scan3A_29 = arith.constant 0 : i32
    %scan3A_30 = arith.constant 10 : i32
    %scan3A_31 = arith.addi %scan3A_29, %scan3A_30 : i32
    %scan3A_32 = arith.constant 1 : i32
    scf.for %scan3A_39 = %scan3A_29 to %scan3A_31 step %scan3A_32  : i32 {
      %mul3A_40 = arith.constant 2 : i32
      %mul3A_41 = arith.muli %mul3A_40, %scan3A_39 : i32
      %add3A_42 = arith.constant 2 : i32
      %add3A_43 = arith.addi %mul3A_41, %add3A_42 : i32
      %lt3A = arith.constant 20 : i32
      %lt3A_44 = arith.cmpi slt, %add3A_43, %lt3A : i32
      %dma_wait3A = arith.constant 0 : i32
      %dma_wait3A_45 = arith.constant 0 : i32
      %dma_wait3A_46 = arith.constant 0 : i32
      %dma_wait3A_47 = tpu.memref_slice %arg7[%dma_wait3A, %dma_wait3A_45, %dma_wait3A_46] : memref<2x8x128xi32, #tpu.memory_space<vmem>> -> memref<1x1x128xi32, #tpu.memory_space<vmem>>
      %dma_wait3A_48 = tpu.memref_squeeze %dma_wait3A_47 : memref<1x1x128xi32, #tpu.memory_space<vmem>> -> memref<128xi32, #tpu.memory_space<vmem>>
      %dma_wait3A_49 = arith.constant 0 : i32
      %dma_wait3A_50 = arith.constant 0 : i32
      %dma_wait3A_51 = tpu.memref_slice %arg2[%dma_wait3A_49, %dma_wait3A_50] : memref<10240x128xf32, #tpu.memory_space<hbm>> -> memref<10240x128xf32, #tpu.memory_space<hbm>>
      tpu.wait_indirect_dma semaphore(%arg11 : memref<!tpu.dma_semaphore, #tpu.memory_space<semaphore_mem>>) src(%dma_wait3A_51 : memref<10240x128xf32, #tpu.memory_space<hbm>>) dst(%arg9 : memref<128x128xf32, #tpu.memory_space<vmem>>)
      %run_scoped3A_52 = arith.constant 1 : i32
      %run_scoped3A_53 = arith.constant 0 : i32
      "tpu.region"() ({
        %run_scoped3A_340 = tpu.sem_alloc : memref<!tpu.dma_semaphore, #tpu.memory_space<semaphore_mem>>
        %dma_start3A_341 = arith.constant 0 : i32
        %dma_start3A_342 = tpu.memref_slice %arg7[%run_scoped3A_52, %run_scoped3A_53, %dma_start3A_341] : memref<2x8x128xi32, #tpu.memory_space<vmem>> -> memref<1x1x128xi32, #tpu.memory_space<vmem>>
        %dma_start3A_343 = tpu.memref_squeeze %dma_start3A_342 : memref<1x1x128xi32, #tpu.memory_space<vmem>> -> memref<128xi32, #tpu.memory_space<vmem>>
        %dma_start3A_344 = arith.constant 0 : i32
        %dma_start3A_345 = arith.constant 0 : i32
        %dma_start3A_346 = tpu.memref_slice %arg6[%dma_start3A_344, %dma_start3A_345] : memref<10240x128xf32, #tpu.memory_space<vmem_shared>> -> memref<10240x128xf32, #tpu.memory_space<vmem_shared>>
        tpu.enqueue_indirect_dma source(%arg9 : memref<128x128xf32, #tpu.memory_space<vmem>>) target(%dma_start3A_346 : memref<10240x128xf32, #tpu.memory_space<vmem_shared>>) offsets(%dma_start3A_343 : memref<128xi32, #tpu.memory_space<vmem>>) semaphore(%run_scoped3A_340 : memref<!tpu.dma_semaphore, #tpu.memory_space<semaphore_mem>>) {add = true}
        %dma_wait3A_347 = arith.constant 0 : i32
        %dma_wait3A_348 = tpu.memref_slice %arg7[%run_scoped3A_52, %run_scoped3A_53, %dma_wait3A_347] : memref<2x8x128xi32, #tpu.memory_space<vmem>> -> memref<1x1x128xi32, #tpu.memory_space<vmem>>
        %dma_wait3A_349 = tpu.memref_squeeze %dma_wait3A_348 : memref<1x1x128xi32, #tpu.memory_space<vmem>> -> memref<128xi32, #tpu.memory_space<vmem>>
        %dma_wait3A_350 = arith.constant 0 : i32
        %dma_wait3A_351 = arith.constant 0 : i32
        %dma_wait3A_352 = tpu.memref_slice %arg6[%dma_wait3A_350, %dma_wait3A_351] : memref<10240x128xf32, #tpu.memory_space<vmem_shared>> -> memref<10240x128xf32, #tpu.memory_space<vmem_shared>>
        tpu.wait_indirect_dma semaphore(%run_scoped3A_340 : memref<!tpu.dma_semaphore, #tpu.memory_space<semaphore_mem>>) src(%arg9 : memref<128x128xf32, #tpu.memory_space<vmem>>) dst(%dma_wait3A_352 : memref<10240x128xf32, #tpu.memory_space<vmem_shared>>)
        tpu.yield
      }) : () -> ()
      %dma_start3A_54 = arith.constant 0 : i32
      %dma_start3A_55 = arith.constant 2 : i32
      %dma_start3A_56 = arith.constant 0 : i32
      %dma_start3A_57 = tpu.memref_slice %arg7[%dma_start3A_54, %dma_start3A_55, %dma_start3A_56] : memref<2x8x128xi32, #tpu.memory_space<vmem>> -> memref<1x1x128xi32, #tpu.memory_space<vmem>>
      %dma_start3A_58 = tpu.memref_squeeze %dma_start3A_57 : memref<1x1x128xi32, #tpu.memory_space<vmem>> -> memref<128xi32, #tpu.memory_space<vmem>>
      %dma_start3A_59 = arith.constant 0 : i32
      %dma_start3A_60 = arith.constant 0 : i32
      %dma_start3A_61 = tpu.memref_slice %arg2[%dma_start3A_59, %dma_start3A_60] : memref<10240x128xf32, #tpu.memory_space<hbm>> -> memref<10240x128xf32, #tpu.memory_space<hbm>>
      tpu.enqueue_indirect_dma source(%dma_start3A_61 : memref<10240x128xf32, #tpu.memory_space<hbm>>) target(%arg9 : memref<128x128xf32, #tpu.memory_space<vmem>>) offsets(%dma_start3A_58 : memref<128xi32, #tpu.memory_space<vmem>>) semaphore(%arg11 : memref<!tpu.dma_semaphore, #tpu.memory_space<semaphore_mem>>)
      %dma_wait3A_62 = arith.constant 0 : i32
      %dma_wait3A_63 = arith.constant 0 : i32
      %dma_wait3A_64 = arith.constant 0 : i32
      %dma_wait3A_65 = tpu.memref_slice %arg7[%dma_wait3A_62, %dma_wait3A_63, %dma_wait3A_64] : memref<2x8x128xi32, #tpu.memory_space<vmem>> -> memref<1x1x128xi32, #tpu.memory_space<vmem>>
      %dma_wait3A_66 = tpu.memref_squeeze %dma_wait3A_65 : memref<1x1x128xi32, #tpu.memory_space<vmem>> -> memref<128xi32, #tpu.memory_space<vmem>>
      %dma_wait3A_67 = arith.constant 0 : i32
      %dma_wait3A_68 = arith.constant 0 : i32
      %dma_wait3A_69 = tpu.memref_slice %arg2[%dma_wait3A_67, %dma_wait3A_68] : memref<10240x128xf32, #tpu.memory_space<hbm>> -> memref<10240x128xf32, #tpu.memory_space<hbm>>
      tpu.wait_indirect_dma semaphore(%arg12 : memref<!tpu.dma_semaphore, #tpu.memory_space<semaphore_mem>>) src(%dma_wait3A_69 : memref<10240x128xf32, #tpu.memory_space<hbm>>) dst(%arg10 : memref<128x128xf32, #tpu.memory_space<vmem>>)
      %run_scoped3A_70 = arith.constant 1 : i32
      %run_scoped3A_71 = arith.constant 1 : i32
      "tpu.region"() ({
        %run_scoped3A_340 = tpu.sem_alloc : memref<!tpu.dma_semaphore, #tpu.memory_space<semaphore_mem>>
        %dma_start3A_341 = arith.constant 0 : i32
        %dma_start3A_342 = tpu.memref_slice %arg7[%run_scoped3A_70, %run_scoped3A_71, %dma_start3A_341] : memref<2x8x128xi32, #tpu.memory_space<vmem>> -> memref<1x1x128xi32, #tpu.memory_space<vmem>>
        %dma_start3A_343 = tpu.memref_squeeze %dma_start3A_342 : memref<1x1x128xi32, #tpu.memory_space<vmem>> -> memref<128xi32, #tpu.memory_space<vmem>>
        %dma_start3A_344 = arith.constant 0 : i32
        %dma_start3A_345 = arith.constant 0 : i32
        %dma_start3A_346 = tpu.memref_slice %arg6[%dma_start3A_344, %dma_start3A_345] : memref<10240x128xf32, #tpu.memory_space<vmem_shared>> -> memref<10240x128xf32, #tpu.memory_space<vmem_shared>>
        tpu.enqueue_indirect_dma source(%arg10 : memref<128x128xf32, #tpu.memory_space<vmem>>) target(%dma_start3A_346 : memref<10240x128xf32, #tpu.memory_space<vmem_shared>>) offsets(%dma_start3A_343 : memref<128xi32, #tpu.memory_space<vmem>>) semaphore(%run_scoped3A_340 : memref<!tpu.dma_semaphore, #tpu.memory_space<semaphore_mem>>) {add = true}
        %dma_wait3A_347 = arith.constant 0 : i32
        %dma_wait3A_348 = tpu.memref_slice %arg7[%run_scoped3A_70, %run_scoped3A_71, %dma_wait3A_347] : memref<2x8x128xi32, #tpu.memory_space<vmem>> -> memref<1x1x128xi32, #tpu.memory_space<vmem>>
        %dma_wait3A_349 = tpu.memref_squeeze %dma_wait3A_348 : memref<1x1x128xi32, #tpu.memory_space<vmem>> -> memref<128xi32, #tpu.memory_space<vmem>>
        %dma_wait3A_350 = arith.constant 0 : i32
        %dma_wait3A_351 = arith.constant 0 : i32
        %dma_wait3A_352 = tpu.memref_slice %arg6[%dma_wait3A_350, %dma_wait3A_351] : memref<10240x128xf32, #tpu.memory_space<vmem_shared>> -> memref<10240x128xf32, #tpu.memory_space<vmem_shared>>
        tpu.wait_indirect_dma semaphore(%run_scoped3A_340 : memref<!tpu.dma_semaphore, #tpu.memory_space<semaphore_mem>>) src(%arg10 : memref<128x128xf32, #tpu.memory_space<vmem>>) dst(%dma_wait3A_352 : memref<10240x128xf32, #tpu.memory_space<vmem_shared>>)
        tpu.yield
      }) : () -> ()
      %dma_start3A_72 = arith.constant 0 : i32
      %dma_start3A_73 = arith.constant 3 : i32
      %dma_start3A_74 = arith.constant 0 : i32
      %dma_start3A_75 = tpu.memref_slice %arg7[%dma_start3A_72, %dma_start3A_73, %dma_start3A_74] : memref<2x8x128xi32, #tpu.memory_space<vmem>> -> memref<1x1x128xi32, #tpu.memory_space<vmem>>
      %dma_start3A_76 = tpu.memref_squeeze %dma_start3A_75 : memref<1x1x128xi32, #tpu.memory_space<vmem>> -> memref<128xi32, #tpu.memory_space<vmem>>
      %dma_start3A_77 = arith.constant 0 : i32
      %dma_start3A_78 = arith.constant 0 : i32
      %dma_start3A_79 = tpu.memref_slice %arg2[%dma_start3A_77, %dma_start3A_78] : memref<10240x128xf32, #tpu.memory_space<hbm>> -> memref<10240x128xf32, #tpu.memory_space<hbm>>
      tpu.enqueue_indirect_dma source(%dma_start3A_79 : memref<10240x128xf32, #tpu.memory_space<hbm>>) target(%arg10 : memref<128x128xf32, #tpu.memory_space<vmem>>) offsets(%dma_start3A_76 : memref<128xi32, #tpu.memory_space<vmem>>) semaphore(%arg12 : memref<!tpu.dma_semaphore, #tpu.memory_space<semaphore_mem>>)
      %dma_wait3A_80 = arith.constant 0 : i32
      %dma_wait3A_81 = arith.constant 0 : i32
      %dma_wait3A_82 = arith.constant 0 : i32
      %dma_wait3A_83 = tpu.memref_slice %arg7[%dma_wait3A_80, %dma_wait3A_81, %dma_wait3A_82] : memref<2x8x128xi32, #tpu.memory_space<vmem>> -> memref<1x1x128xi32, #tpu.memory_space<vmem>>
      %dma_wait3A_84 = tpu.memref_squeeze %dma_wait3A_83 : memref<1x1x128xi32, #tpu.memory_space<vmem>> -> memref<128xi32, #tpu.memory_space<vmem>>
      %dma_wait3A_85 = arith.constant 0 : i32
      %dma_wait3A_86 = arith.constant 0 : i32
      %dma_wait3A_87 = tpu.memref_slice %arg2[%dma_wait3A_85, %dma_wait3A_86] : memref<10240x128xf32, #tpu.memory_space<hbm>> -> memref<10240x128xf32, #tpu.memory_space<hbm>>
      tpu.wait_indirect_dma semaphore(%arg11 : memref<!tpu.dma_semaphore, #tpu.memory_space<semaphore_mem>>) src(%dma_wait3A_87 : memref<10240x128xf32, #tpu.memory_space<hbm>>) dst(%arg9 : memref<128x128xf32, #tpu.memory_space<vmem>>)
      %run_scoped3A_88 = arith.constant 1 : i32
      %run_scoped3A_89 = arith.constant 2 : i32
      "tpu.region"() ({
        %run_scoped3A_340 = tpu.sem_alloc : memref<!tpu.dma_semaphore, #tpu.memory_space<semaphore_mem>>
        %dma_start3A_341 = arith.constant 0 : i32
        %dma_start3A_342 = tpu.memref_slice %arg7[%run_scoped3A_88, %run_scoped3A_89, %dma_start3A_341] : memref<2x8x128xi32, #tpu.memory_space<vmem>> -> memref<1x1x128xi32, #tpu.memory_space<vmem>>
        %dma_start3A_343 = tpu.memref_squeeze %dma_start3A_342 : memref<1x1x128xi32, #tpu.memory_space<vmem>> -> memref<128xi32, #tpu.memory_space<vmem>>
        %dma_start3A_344 = arith.constant 0 : i32
        %dma_start3A_345 = arith.constant 0 : i32
        %dma_start3A_346 = tpu.memref_slice %arg6[%dma_start3A_344, %dma_start3A_345] : memref<10240x128xf32, #tpu.memory_space<vmem_shared>> -> memref<10240x128xf32, #tpu.memory_space<vmem_shared>>
        tpu.enqueue_indirect_dma source(%arg9 : memref<128x128xf32, #tpu.memory_space<vmem>>) target(%dma_start3A_346 : memref<10240x128xf32, #tpu.memory_space<vmem_shared>>) offsets(%dma_start3A_343 : memref<128xi32, #tpu.memory_space<vmem>>) semaphore(%run_scoped3A_340 : memref<!tpu.dma_semaphore, #tpu.memory_space<semaphore_mem>>) {add = true}
        %dma_wait3A_347 = arith.constant 0 : i32
        %dma_wait3A_348 = tpu.memref_slice %arg7[%run_scoped3A_88, %run_scoped3A_89, %dma_wait3A_347] : memref<2x8x128xi32, #tpu.memory_space<vmem>> -> memref<1x1x128xi32, #tpu.memory_space<vmem>>
        %dma_wait3A_349 = tpu.memref_squeeze %dma_wait3A_348 : memref<1x1x128xi32, #tpu.memory_space<vmem>> -> memref<128xi32, #tpu.memory_space<vmem>>
        %dma_wait3A_350 = arith.constant 0 : i32
        %dma_wait3A_351 = arith.constant 0 : i32
        %dma_wait3A_352 = tpu.memref_slice %arg6[%dma_wait3A_350, %dma_wait3A_351] : memref<10240x128xf32, #tpu.memory_space<vmem_shared>> -> memref<10240x128xf32, #tpu.memory_space<vmem_shared>>
        tpu.wait_indirect_dma semaphore(%run_scoped3A_340 : memref<!tpu.dma_semaphore, #tpu.memory_space<semaphore_mem>>) src(%arg9 : memref<128x128xf32, #tpu.memory_space<vmem>>) dst(%dma_wait3A_352 : memref<10240x128xf32, #tpu.memory_space<vmem_shared>>)
        tpu.yield
      }) : () -> ()
      %dma_start3A_90 = arith.constant 0 : i32
      %dma_start3A_91 = arith.constant 4 : i32
      %dma_start3A_92 = arith.constant 0 : i32
      %dma_start3A_93 = tpu.memref_slice %arg7[%dma_start3A_90, %dma_start3A_91, %dma_start3A_92] : memref<2x8x128xi32, #tpu.memory_space<vmem>> -> memref<1x1x128xi32, #tpu.memory_space<vmem>>
      %dma_start3A_94 = tpu.memref_squeeze %dma_start3A_93 : memref<1x1x128xi32, #tpu.memory_space<vmem>> -> memref<128xi32, #tpu.memory_space<vmem>>
      %dma_start3A_95 = arith.constant 0 : i32
      %dma_start3A_96 = arith.constant 0 : i32
      %dma_start3A_97 = tpu.memref_slice %arg2[%dma_start3A_95, %dma_start3A_96] : memref<10240x128xf32, #tpu.memory_space<hbm>> -> memref<10240x128xf32, #tpu.memory_space<hbm>>
      tpu.enqueue_indirect_dma source(%dma_start3A_97 : memref<10240x128xf32, #tpu.memory_space<hbm>>) target(%arg9 : memref<128x128xf32, #tpu.memory_space<vmem>>) offsets(%dma_start3A_94 : memref<128xi32, #tpu.memory_space<vmem>>) semaphore(%arg11 : memref<!tpu.dma_semaphore, #tpu.memory_space<semaphore_mem>>)
      %dma_wait3A_98 = arith.constant 0 : i32
      %dma_wait3A_99 = arith.constant 0 : i32
      %dma_wait3A_100 = arith.constant 0 : i32
      %dma_wait3A_101 = tpu.memref_slice %arg7[%dma_wait3A_98, %dma_wait3A_99, %dma_wait3A_100] : memref<2x8x128xi32, #tpu.memory_space<vmem>> -> memref<1x1x128xi32, #tpu.memory_space<vmem>>
      %dma_wait3A_102 = tpu.memref_squeeze %dma_wait3A_101 : memref<1x1x128xi32, #tpu.memory_space<vmem>> -> memref<128xi32, #tpu.memory_space<vmem>>
      %dma_wait3A_103 = arith.constant 0 : i32
      %dma_wait3A_104 = arith.constant 0 : i32
      %dma_wait3A_105 = tpu.memref_slice %arg2[%dma_wait3A_103, %dma_wait3A_104] : memref<10240x128xf32, #tpu.memory_space<hbm>> -> memref<10240x128xf32, #tpu.memory_space<hbm>>
      tpu.wait_indirect_dma semaphore(%arg12 : memref<!tpu.dma_semaphore, #tpu.memory_space<semaphore_mem>>) src(%dma_wait3A_105 : memref<10240x128xf32, #tpu.memory_space<hbm>>) dst(%arg10 : memref<128x128xf32, #tpu.memory_space<vmem>>)
      %run_scoped3A_106 = arith.constant 1 : i32
      %run_scoped3A_107 = arith.constant 3 : i32
      "tpu.region"() ({
        %run_scoped3A_340 = tpu.sem_alloc : memref<!tpu.dma_semaphore, #tpu.memory_space<semaphore_mem>>
        %dma_start3A_341 = arith.constant 0 : i32
        %dma_start3A_342 = tpu.memref_slice %arg7[%run_scoped3A_106, %run_scoped3A_107, %dma_start3A_341] : memref<2x8x128xi32, #tpu.memory_space<vmem>> -> memref<1x1x128xi32, #tpu.memory_space<vmem>>
        %dma_start3A_343 = tpu.memref_squeeze %dma_start3A_342 : memref<1x1x128xi32, #tpu.memory_space<vmem>> -> memref<128xi32, #tpu.memory_space<vmem>>
        %dma_start3A_344 = arith.constant 0 : i32
        %dma_start3A_345 = arith.constant 0 : i32
        %dma_start3A_346 = tpu.memref_slice %arg6[%dma_start3A_344, %dma_start3A_345] : memref<10240x128xf32, #tpu.memory_space<vmem_shared>> -> memref<10240x128xf32, #tpu.memory_space<vmem_shared>>
        tpu.enqueue_indirect_dma source(%arg10 : memref<128x128xf32, #tpu.memory_space<vmem>>) target(%dma_start3A_346 : memref<10240x128xf32, #tpu.memory_space<vmem_shared>>) offsets(%dma_start3A_343 : memref<128xi32, #tpu.memory_space<vmem>>) semaphore(%run_scoped3A_340 : memref<!tpu.dma_semaphore, #tpu.memory_space<semaphore_mem>>) {add = true}
        %dma_wait3A_347 = arith.constant 0 : i32
        %dma_wait3A_348 = tpu.memref_slice %arg7[%run_scoped3A_106, %run_scoped3A_107, %dma_wait3A_347] : memref<2x8x128xi32, #tpu.memory_space<vmem>> -> memref<1x1x128xi32, #tpu.memory_space<vmem>>
        %dma_wait3A_349 = tpu.memref_squeeze %dma_wait3A_348 : memref<1x1x128xi32, #tpu.memory_space<vmem>> -> memref<128xi32, #tpu.memory_space<vmem>>
        %dma_wait3A_350 = arith.constant 0 : i32
        %dma_wait3A_351 = arith.constant 0 : i32
        %dma_wait3A_352 = tpu.memref_slice %arg6[%dma_wait3A_350, %dma_wait3A_351] : memref<10240x128xf32, #tpu.memory_space<vmem_shared>> -> memref<10240x128xf32, #tpu.memory_space<vmem_shared>>
        tpu.wait_indirect_dma semaphore(%run_scoped3A_340 : memref<!tpu.dma_semaphore, #tpu.memory_space<semaphore_mem>>) src(%arg10 : memref<128x128xf32, #tpu.memory_space<vmem>>) dst(%dma_wait3A_352 : memref<10240x128xf32, #tpu.memory_space<vmem_shared>>)
        tpu.yield
      }) : () -> ()
      %dma_start3A_108 = arith.constant 0 : i32
      %dma_start3A_109 = arith.constant 5 : i32
      %dma_start3A_110 = arith.constant 0 : i32
      %dma_start3A_111 = tpu.memref_slice %arg7[%dma_start3A_108, %dma_start3A_109, %dma_start3A_110] : memref<2x8x128xi32, #tpu.memory_space<vmem>> -> memref<1x1x128xi32, #tpu.memory_space<vmem>>
      %dma_start3A_112 = tpu.memref_squeeze %dma_start3A_111 : memref<1x1x128xi32, #tpu.memory_space<vmem>> -> memref<128xi32, #tpu.memory_space<vmem>>
      %dma_start3A_113 = arith.constant 0 : i32
      %dma_start3A_114 = arith.constant 0 : i32
      %dma_start3A_115 = tpu.memref_slice %arg2[%dma_start3A_113, %dma_start3A_114] : memref<10240x128xf32, #tpu.memory_space<hbm>> -> memref<10240x128xf32, #tpu.memory_space<hbm>>
      tpu.enqueue_indirect_dma source(%dma_start3A_115 : memref<10240x128xf32, #tpu.memory_space<hbm>>) target(%arg10 : memref<128x128xf32, #tpu.memory_space<vmem>>) offsets(%dma_start3A_112 : memref<128xi32, #tpu.memory_space<vmem>>) semaphore(%arg12 : memref<!tpu.dma_semaphore, #tpu.memory_space<semaphore_mem>>)
      %dma_wait3A_116 = arith.constant 0 : i32
      %dma_wait3A_117 = arith.constant 0 : i32
      %dma_wait3A_118 = arith.constant 0 : i32
      %dma_wait3A_119 = tpu.memref_slice %arg7[%dma_wait3A_116, %dma_wait3A_117, %dma_wait3A_118] : memref<2x8x128xi32, #tpu.memory_space<vmem>> -> memref<1x1x128xi32, #tpu.memory_space<vmem>>
      %dma_wait3A_120 = tpu.memref_squeeze %dma_wait3A_119 : memref<1x1x128xi32, #tpu.memory_space<vmem>> -> memref<128xi32, #tpu.memory_space<vmem>>
      %dma_wait3A_121 = arith.constant 0 : i32
      %dma_wait3A_122 = arith.constant 0 : i32
      %dma_wait3A_123 = tpu.memref_slice %arg2[%dma_wait3A_121, %dma_wait3A_122] : memref<10240x128xf32, #tpu.memory_space<hbm>> -> memref<10240x128xf32, #tpu.memory_space<hbm>>
      tpu.wait_indirect_dma semaphore(%arg11 : memref<!tpu.dma_semaphore, #tpu.memory_space<semaphore_mem>>) src(%dma_wait3A_123 : memref<10240x128xf32, #tpu.memory_space<hbm>>) dst(%arg9 : memref<128x128xf32, #tpu.memory_space<vmem>>)
      %run_scoped3A_124 = arith.constant 1 : i32
      %run_scoped3A_125 = arith.constant 4 : i32
      "tpu.region"() ({
        %run_scoped3A_340 = tpu.sem_alloc : memref<!tpu.dma_semaphore, #tpu.memory_space<semaphore_mem>>
        %dma_start3A_341 = arith.constant 0 : i32
        %dma_start3A_342 = tpu.memref_slice %arg7[%run_scoped3A_124, %run_scoped3A_125, %dma_start3A_341] : memref<2x8x128xi32, #tpu.memory_space<vmem>> -> memref<1x1x128xi32, #tpu.memory_space<vmem>>
        %dma_start3A_343 = tpu.memref_squeeze %dma_start3A_342 : memref<1x1x128xi32, #tpu.memory_space<vmem>> -> memref<128xi32, #tpu.memory_space<vmem>>
        %dma_start3A_344 = arith.constant 0 : i32
        %dma_start3A_345 = arith.constant 0 : i32
        %dma_start3A_346 = tpu.memref_slice %arg6[%dma_start3A_344, %dma_start3A_345] : memref<10240x128xf32, #tpu.memory_space<vmem_shared>> -> memref<10240x128xf32, #tpu.memory_space<vmem_shared>>
        tpu.enqueue_indirect_dma source(%arg9 : memref<128x128xf32, #tpu.memory_space<vmem>>) target(%dma_start3A_346 : memref<10240x128xf32, #tpu.memory_space<vmem_shared>>) offsets(%dma_start3A_343 : memref<128xi32, #tpu.memory_space<vmem>>) semaphore(%run_scoped3A_340 : memref<!tpu.dma_semaphore, #tpu.memory_space<semaphore_mem>>) {add = true}
        %dma_wait3A_347 = arith.constant 0 : i32
        %dma_wait3A_348 = tpu.memref_slice %arg7[%run_scoped3A_124, %run_scoped3A_125, %dma_wait3A_347] : memref<2x8x128xi32, #tpu.memory_space<vmem>> -> memref<1x1x128xi32, #tpu.memory_space<vmem>>
        %dma_wait3A_349 = tpu.memref_squeeze %dma_wait3A_348 : memref<1x1x128xi32, #tpu.memory_space<vmem>> -> memref<128xi32, #tpu.memory_space<vmem>>
        %dma_wait3A_350 = arith.constant 0 : i32
        %dma_wait3A_351 = arith.constant 0 : i32
        %dma_wait3A_352 = tpu.memref_slice %arg6[%dma_wait3A_350, %dma_wait3A_351] : memref<10240x128xf32, #tpu.memory_space<vmem_shared>> -> memref<10240x128xf32, #tpu.memory_space<vmem_shared>>
        tpu.wait_indirect_dma semaphore(%run_scoped3A_340 : memref<!tpu.dma_semaphore, #tpu.memory_space<semaphore_mem>>) src(%arg9 : memref<128x128xf32, #tpu.memory_space<vmem>>) dst(%dma_wait3A_352 : memref<10240x128xf32, #tpu.memory_space<vmem_shared>>)
        tpu.yield
      }) : () -> ()
      %dma_start3A_126 = arith.constant 0 : i32
      %dma_start3A_127 = arith.constant 6 : i32
      %dma_start3A_128 = arith.constant 0 : i32
      %dma_start3A_129 = tpu.memref_slice %arg7[%dma_start3A_126, %dma_start3A_127, %dma_start3A_128] : memref<2x8x128xi32, #tpu.memory_space<vmem>> -> memref<1x1x128xi32, #tpu.memory_space<vmem>>
      %dma_start3A_130 = tpu.memref_squeeze %dma_start3A_129 : memref<1x1x128xi32, #tpu.memory_space<vmem>> -> memref<128xi32, #tpu.memory_space<vmem>>
      %dma_start3A_131 = arith.constant 0 : i32
      %dma_start3A_132 = arith.constant 0 : i32
      %dma_start3A_133 = tpu.memref_slice %arg2[%dma_start3A_131, %dma_start3A_132] : memref<10240x128xf32, #tpu.memory_space<hbm>> -> memref<10240x128xf32, #tpu.memory_space<hbm>>
      tpu.enqueue_indirect_dma source(%dma_start3A_133 : memref<10240x128xf32, #tpu.memory_space<hbm>>) target(%arg9 : memref<128x128xf32, #tpu.memory_space<vmem>>) offsets(%dma_start3A_130 : memref<128xi32, #tpu.memory_space<vmem>>) semaphore(%arg11 : memref<!tpu.dma_semaphore, #tpu.memory_space<semaphore_mem>>)
      %dma_wait3A_134 = arith.constant 0 : i32
      %dma_wait3A_135 = arith.constant 0 : i32
      %dma_wait3A_136 = arith.constant 0 : i32
      %dma_wait3A_137 = tpu.memref_slice %arg7[%dma_wait3A_134, %dma_wait3A_135, %dma_wait3A_136] : memref<2x8x128xi32, #tpu.memory_space<vmem>> -> memref<1x1x128xi32, #tpu.memory_space<vmem>>
      %dma_wait3A_138 = tpu.memref_squeeze %dma_wait3A_137 : memref<1x1x128xi32, #tpu.memory_space<vmem>> -> memref<128xi32, #tpu.memory_space<vmem>>
      %dma_wait3A_139 = arith.constant 0 : i32
      %dma_wait3A_140 = arith.constant 0 : i32
      %dma_wait3A_141 = tpu.memref_slice %arg2[%dma_wait3A_139, %dma_wait3A_140] : memref<10240x128xf32, #tpu.memory_space<hbm>> -> memref<10240x128xf32, #tpu.memory_space<hbm>>
      tpu.wait_indirect_dma semaphore(%arg12 : memref<!tpu.dma_semaphore, #tpu.memory_space<semaphore_mem>>) src(%dma_wait3A_141 : memref<10240x128xf32, #tpu.memory_space<hbm>>) dst(%arg10 : memref<128x128xf32, #tpu.memory_space<vmem>>)
      %run_scoped3A_142 = arith.constant 1 : i32
      %run_scoped3A_143 = arith.constant 5 : i32
      "tpu.region"() ({
        %run_scoped3A_340 = tpu.sem_alloc : memref<!tpu.dma_semaphore, #tpu.memory_space<semaphore_mem>>
        %dma_start3A_341 = arith.constant 0 : i32
        %dma_start3A_342 = tpu.memref_slice %arg7[%run_scoped3A_142, %run_scoped3A_143, %dma_start3A_341] : memref<2x8x128xi32, #tpu.memory_space<vmem>> -> memref<1x1x128xi32, #tpu.memory_space<vmem>>
        %dma_start3A_343 = tpu.memref_squeeze %dma_start3A_342 : memref<1x1x128xi32, #tpu.memory_space<vmem>> -> memref<128xi32, #tpu.memory_space<vmem>>
        %dma_start3A_344 = arith.constant 0 : i32
        %dma_start3A_345 = arith.constant 0 : i32
        %dma_start3A_346 = tpu.memref_slice %arg6[%dma_start3A_344, %dma_start3A_345] : memref<10240x128xf32, #tpu.memory_space<vmem_shared>> -> memref<10240x128xf32, #tpu.memory_space<vmem_shared>>
        tpu.enqueue_indirect_dma source(%arg10 : memref<128x128xf32, #tpu.memory_space<vmem>>) target(%dma_start3A_346 : memref<10240x128xf32, #tpu.memory_space<vmem_shared>>) offsets(%dma_start3A_343 : memref<128xi32, #tpu.memory_space<vmem>>) semaphore(%run_scoped3A_340 : memref<!tpu.dma_semaphore, #tpu.memory_space<semaphore_mem>>) {add = true}
        %dma_wait3A_347 = arith.constant 0 : i32
        %dma_wait3A_348 = tpu.memref_slice %arg7[%run_scoped3A_142, %run_scoped3A_143, %dma_wait3A_347] : memref<2x8x128xi32, #tpu.memory_space<vmem>> -> memref<1x1x128xi32, #tpu.memory_space<vmem>>
        %dma_wait3A_349 = tpu.memref_squeeze %dma_wait3A_348 : memref<1x1x128xi32, #tpu.memory_space<vmem>> -> memref<128xi32, #tpu.memory_space<vmem>>
        %dma_wait3A_350 = arith.constant 0 : i32
        %dma_wait3A_351 = arith.constant 0 : i32
        %dma_wait3A_352 = tpu.memref_slice %arg6[%dma_wait3A_350, %dma_wait3A_351] : memref<10240x128xf32, #tpu.memory_space<vmem_shared>> -> memref<10240x128xf32, #tpu.memory_space<vmem_shared>>
        tpu.wait_indirect_dma semaphore(%run_scoped3A_340 : memref<!tpu.dma_semaphore, #tpu.memory_space<semaphore_mem>>) src(%arg10 : memref<128x128xf32, #tpu.memory_space<vmem>>) dst(%dma_wait3A_352 : memref<10240x128xf32, #tpu.memory_space<vmem_shared>>)
        tpu.yield
      }) : () -> ()
      %dma_start3A_144 = arith.constant 0 : i32
      %dma_start3A_145 = arith.constant 7 : i32
      %dma_start3A_146 = arith.constant 0 : i32
      %dma_start3A_147 = tpu.memref_slice %arg7[%dma_start3A_144, %dma_start3A_145, %dma_start3A_146] : memref<2x8x128xi32, #tpu.memory_space<vmem>> -> memref<1x1x128xi32, #tpu.memory_space<vmem>>
      %dma_start3A_148 = tpu.memref_squeeze %dma_start3A_147 : memref<1x1x128xi32, #tpu.memory_space<vmem>> -> memref<128xi32, #tpu.memory_space<vmem>>
      %dma_start3A_149 = arith.constant 0 : i32
      %dma_start3A_150 = arith.constant 0 : i32
      %dma_start3A_151 = tpu.memref_slice %arg2[%dma_start3A_149, %dma_start3A_150] : memref<10240x128xf32, #tpu.memory_space<hbm>> -> memref<10240x128xf32, #tpu.memory_space<hbm>>
      tpu.enqueue_indirect_dma source(%dma_start3A_151 : memref<10240x128xf32, #tpu.memory_space<hbm>>) target(%arg10 : memref<128x128xf32, #tpu.memory_space<vmem>>) offsets(%dma_start3A_148 : memref<128xi32, #tpu.memory_space<vmem>>) semaphore(%arg12 : memref<!tpu.dma_semaphore, #tpu.memory_space<semaphore_mem>>)
      %dma_wait3A_152 = arith.constant 0 : i32
      %dma_wait3A_153 = arith.constant 0 : i32
      %dma_wait3A_154 = arith.constant 0 : i32
      %dma_wait3A_155 = arith.constant 0 : i32
      %dma_wait3A_156 = tpu.memref_slice %arg3[%add3A, %dma_wait3A_152, %dma_wait3A_153, %dma_wait3A_154, %dma_wait3A_155] : memref<32x20x2x8x128xi32, #tpu.memory_space<hbm>> -> memref<1x1x2x8x128xi32, #tpu.memory_space<hbm>>
      %dma_wait3A_157 = tpu.memref_squeeze %dma_wait3A_156 : memref<1x1x2x8x128xi32, #tpu.memory_space<hbm>> -> memref<2x8x128xi32, #tpu.memory_space<hbm>>
      %dma_wait3A_158 = arith.constant 0 : i32
      %dma_wait3A_159 = arith.constant 0 : i32
      %dma_wait3A_160 = arith.constant 0 : i32
      %dma_wait3A_161 = tpu.memref_slice %arg3[%add3A, %dma_wait3A_152, %dma_wait3A_158, %dma_wait3A_159, %dma_wait3A_160] : memref<32x20x2x8x128xi32, #tpu.memory_space<hbm>> -> memref<1x1x2x8x128xi32, #tpu.memory_space<hbm>>
      %dma_wait3A_162 = tpu.memref_squeeze %dma_wait3A_161 : memref<1x1x2x8x128xi32, #tpu.memory_space<hbm>> -> memref<2x8x128xi32, #tpu.memory_space<hbm>>
      tpu.wait_dma2 semaphore(%arg14 : memref<!tpu.dma_semaphore, #tpu.memory_space<semaphore_mem>>) src(%dma_wait3A_162 : memref<2x8x128xi32, #tpu.memory_space<hbm>>) dst(%arg8 : memref<2x8x128xi32, #tpu.memory_space<vmem>>)
      %dma_wait3A_163 = arith.constant 0 : i32
      %dma_wait3A_164 = arith.constant 0 : i32
      %dma_wait3A_165 = arith.constant 0 : i32
      %dma_wait3A_166 = tpu.memref_slice %arg7[%dma_wait3A_163, %dma_wait3A_164, %dma_wait3A_165] : memref<2x8x128xi32, #tpu.memory_space<vmem>> -> memref<1x1x128xi32, #tpu.memory_space<vmem>>
      %dma_wait3A_167 = tpu.memref_squeeze %dma_wait3A_166 : memref<1x1x128xi32, #tpu.memory_space<vmem>> -> memref<128xi32, #tpu.memory_space<vmem>>
      %dma_wait3A_168 = arith.constant 0 : i32
      %dma_wait3A_169 = arith.constant 0 : i32
      %dma_wait3A_170 = tpu.memref_slice %arg2[%dma_wait3A_168, %dma_wait3A_169] : memref<10240x128xf32, #tpu.memory_space<hbm>> -> memref<10240x128xf32, #tpu.memory_space<hbm>>
      tpu.wait_indirect_dma semaphore(%arg11 : memref<!tpu.dma_semaphore, #tpu.memory_space<semaphore_mem>>) src(%dma_wait3A_170 : memref<10240x128xf32, #tpu.memory_space<hbm>>) dst(%arg9 : memref<128x128xf32, #tpu.memory_space<vmem>>)
      %run_scoped3A_171 = arith.constant 1 : i32
      %run_scoped3A_172 = arith.constant 6 : i32
      "tpu.region"() ({
        %run_scoped3A_340 = tpu.sem_alloc : memref<!tpu.dma_semaphore, #tpu.memory_space<semaphore_mem>>
        %dma_start3A_341 = arith.constant 0 : i32
        %dma_start3A_342 = tpu.memref_slice %arg7[%run_scoped3A_171, %run_scoped3A_172, %dma_start3A_341] : memref<2x8x128xi32, #tpu.memory_space<vmem>> -> memref<1x1x128xi32, #tpu.memory_space<vmem>>
        %dma_start3A_343 = tpu.memref_squeeze %dma_start3A_342 : memref<1x1x128xi32, #tpu.memory_space<vmem>> -> memref<128xi32, #tpu.memory_space<vmem>>
        %dma_start3A_344 = arith.constant 0 : i32
        %dma_start3A_345 = arith.constant 0 : i32
        %dma_start3A_346 = tpu.memref_slice %arg6[%dma_start3A_344, %dma_start3A_345] : memref<10240x128xf32, #tpu.memory_space<vmem_shared>> -> memref<10240x128xf32, #tpu.memory_space<vmem_shared>>
        tpu.enqueue_indirect_dma source(%arg9 : memref<128x128xf32, #tpu.memory_space<vmem>>) target(%dma_start3A_346 : memref<10240x128xf32, #tpu.memory_space<vmem_shared>>) offsets(%dma_start3A_343 : memref<128xi32, #tpu.memory_space<vmem>>) semaphore(%run_scoped3A_340 : memref<!tpu.dma_semaphore, #tpu.memory_space<semaphore_mem>>) {add = true}
        %dma_wait3A_347 = arith.constant 0 : i32
        %dma_wait3A_348 = tpu.memref_slice %arg7[%run_scoped3A_171, %run_scoped3A_172, %dma_wait3A_347] : memref<2x8x128xi32, #tpu.memory_space<vmem>> -> memref<1x1x128xi32, #tpu.memory_space<vmem>>
        %dma_wait3A_349 = tpu.memref_squeeze %dma_wait3A_348 : memref<1x1x128xi32, #tpu.memory_space<vmem>> -> memref<128xi32, #tpu.memory_space<vmem>>
        %dma_wait3A_350 = arith.constant 0 : i32
        %dma_wait3A_351 = arith.constant 0 : i32
        %dma_wait3A_352 = tpu.memref_slice %arg6[%dma_wait3A_350, %dma_wait3A_351] : memref<10240x128xf32, #tpu.memory_space<vmem_shared>> -> memref<10240x128xf32, #tpu.memory_space<vmem_shared>>
        tpu.wait_indirect_dma semaphore(%run_scoped3A_340 : memref<!tpu.dma_semaphore, #tpu.memory_space<semaphore_mem>>) src(%arg9 : memref<128x128xf32, #tpu.memory_space<vmem>>) dst(%dma_wait3A_352 : memref<10240x128xf32, #tpu.memory_space<vmem_shared>>)
        tpu.yield
      }) : () -> ()
      %dma_start3A_173 = arith.constant 0 : i32
      %dma_start3A_174 = arith.constant 0 : i32
      %dma_start3A_175 = arith.constant 0 : i32
      %dma_start3A_176 = tpu.memref_slice %arg8[%dma_start3A_173, %dma_start3A_174, %dma_start3A_175] : memref<2x8x128xi32, #tpu.memory_space<vmem>> -> memref<1x1x128xi32, #tpu.memory_space<vmem>>
      %dma_start3A_177 = tpu.memref_squeeze %dma_start3A_176 : memref<1x1x128xi32, #tpu.memory_space<vmem>> -> memref<128xi32, #tpu.memory_space<vmem>>
      %dma_start3A_178 = arith.constant 0 : i32
      %dma_start3A_179 = arith.constant 0 : i32
      %dma_start3A_180 = tpu.memref_slice %arg2[%dma_start3A_178, %dma_start3A_179] : memref<10240x128xf32, #tpu.memory_space<hbm>> -> memref<10240x128xf32, #tpu.memory_space<hbm>>
      tpu.enqueue_indirect_dma source(%dma_start3A_180 : memref<10240x128xf32, #tpu.memory_space<hbm>>) target(%arg9 : memref<128x128xf32, #tpu.memory_space<vmem>>) offsets(%dma_start3A_177 : memref<128xi32, #tpu.memory_space<vmem>>) semaphore(%arg11 : memref<!tpu.dma_semaphore, #tpu.memory_space<semaphore_mem>>)
      %dma_wait3A_181 = arith.constant 0 : i32
      %dma_wait3A_182 = arith.constant 0 : i32
      %dma_wait3A_183 = arith.constant 0 : i32
      %dma_wait3A_184 = tpu.memref_slice %arg7[%dma_wait3A_181, %dma_wait3A_182, %dma_wait3A_183] : memref<2x8x128xi32, #tpu.memory_space<vmem>> -> memref<1x1x128xi32, #tpu.memory_space<vmem>>
      %dma_wait3A_185 = tpu.memref_squeeze %dma_wait3A_184 : memref<1x1x128xi32, #tpu.memory_space<vmem>> -> memref<128xi32, #tpu.memory_space<vmem>>
      %dma_wait3A_186 = arith.constant 0 : i32
      %dma_wait3A_187 = arith.constant 0 : i32
      %dma_wait3A_188 = tpu.memref_slice %arg2[%dma_wait3A_186, %dma_wait3A_187] : memref<10240x128xf32, #tpu.memory_space<hbm>> -> memref<10240x128xf32, #tpu.memory_space<hbm>>
      tpu.wait_indirect_dma semaphore(%arg12 : memref<!tpu.dma_semaphore, #tpu.memory_space<semaphore_mem>>) src(%dma_wait3A_188 : memref<10240x128xf32, #tpu.memory_space<hbm>>) dst(%arg10 : memref<128x128xf32, #tpu.memory_space<vmem>>)
      %run_scoped3A_189 = arith.constant 1 : i32
      %run_scoped3A_190 = arith.constant 7 : i32
      "tpu.region"() ({
        %run_scoped3A_340 = tpu.sem_alloc : memref<!tpu.dma_semaphore, #tpu.memory_space<semaphore_mem>>
        %dma_start3A_341 = arith.constant 0 : i32
        %dma_start3A_342 = tpu.memref_slice %arg7[%run_scoped3A_189, %run_scoped3A_190, %dma_start3A_341] : memref<2x8x128xi32, #tpu.memory_space<vmem>> -> memref<1x1x128xi32, #tpu.memory_space<vmem>>
        %dma_start3A_343 = tpu.memref_squeeze %dma_start3A_342 : memref<1x1x128xi32, #tpu.memory_space<vmem>> -> memref<128xi32, #tpu.memory_space<vmem>>
        %dma_start3A_344 = arith.constant 0 : i32
        %dma_start3A_345 = arith.constant 0 : i32
        %dma_start3A_346 = tpu.memref_slice %arg6[%dma_start3A_344, %dma_start3A_345] : memref<10240x128xf32, #tpu.memory_space<vmem_shared>> -> memref<10240x128xf32, #tpu.memory_space<vmem_shared>>
        tpu.enqueue_indirect_dma source(%arg10 : memref<128x128xf32, #tpu.memory_space<vmem>>) target(%dma_start3A_346 : memref<10240x128xf32, #tpu.memory_space<vmem_shared>>) offsets(%dma_start3A_343 : memref<128xi32, #tpu.memory_space<vmem>>) semaphore(%run_scoped3A_340 : memref<!tpu.dma_semaphore, #tpu.memory_space<semaphore_mem>>) {add = true}
        %dma_wait3A_347 = arith.constant 0 : i32
        %dma_wait3A_348 = tpu.memref_slice %arg7[%run_scoped3A_189, %run_scoped3A_190, %dma_wait3A_347] : memref<2x8x128xi32, #tpu.memory_space<vmem>> -> memref<1x1x128xi32, #tpu.memory_space<vmem>>
        %dma_wait3A_349 = tpu.memref_squeeze %dma_wait3A_348 : memref<1x1x128xi32, #tpu.memory_space<vmem>> -> memref<128xi32, #tpu.memory_space<vmem>>
        %dma_wait3A_350 = arith.constant 0 : i32
        %dma_wait3A_351 = arith.constant 0 : i32
        %dma_wait3A_352 = tpu.memref_slice %arg6[%dma_wait3A_350, %dma_wait3A_351] : memref<10240x128xf32, #tpu.memory_space<vmem_shared>> -> memref<10240x128xf32, #tpu.memory_space<vmem_shared>>
        tpu.wait_indirect_dma semaphore(%run_scoped3A_340 : memref<!tpu.dma_semaphore, #tpu.memory_space<semaphore_mem>>) src(%arg10 : memref<128x128xf32, #tpu.memory_space<vmem>>) dst(%dma_wait3A_352 : memref<10240x128xf32, #tpu.memory_space<vmem_shared>>)
        tpu.yield
      }) : () -> ()
      %dma_start3A_191 = arith.constant 0 : i32
      %dma_start3A_192 = arith.constant 1 : i32
      %dma_start3A_193 = arith.constant 0 : i32
      %dma_start3A_194 = tpu.memref_slice %arg8[%dma_start3A_191, %dma_start3A_192, %dma_start3A_193] : memref<2x8x128xi32, #tpu.memory_space<vmem>> -> memref<1x1x128xi32, #tpu.memory_space<vmem>>
      %dma_start3A_195 = tpu.memref_squeeze %dma_start3A_194 : memref<1x1x128xi32, #tpu.memory_space<vmem>> -> memref<128xi32, #tpu.memory_space<vmem>>
      %dma_start3A_196 = arith.constant 0 : i32
      %dma_start3A_197 = arith.constant 0 : i32
      %dma_start3A_198 = tpu.memref_slice %arg2[%dma_start3A_196, %dma_start3A_197] : memref<10240x128xf32, #tpu.memory_space<hbm>> -> memref<10240x128xf32, #tpu.memory_space<hbm>>
      tpu.enqueue_indirect_dma source(%dma_start3A_198 : memref<10240x128xf32, #tpu.memory_space<hbm>>) target(%arg10 : memref<128x128xf32, #tpu.memory_space<vmem>>) offsets(%dma_start3A_195 : memref<128xi32, #tpu.memory_space<vmem>>) semaphore(%arg12 : memref<!tpu.dma_semaphore, #tpu.memory_space<semaphore_mem>>)
      %convert_element_type3A = arith.extui %lt3A_44 : i1 to i32
      %cond3A = arith.constant 0 : i32
      %cond3A_199 = arith.cmpi ne, %convert_element_type3A, %cond3A : i32
      scf.if %cond3A_199 {
        %add3A_340 = arith.constant 2 : i32
        %add3A_341 = arith.addi %mul3A_41, %add3A_340 : i32
        %dma_start3A_342 = arith.constant 0 : i32
        %dma_start3A_343 = arith.constant 0 : i32
        %dma_start3A_344 = arith.constant 0 : i32
        %dma_start3A_345 = tpu.memref_slice %arg3[%add3A, %add3A_341, %dma_start3A_342, %dma_start3A_343, %dma_start3A_344] : memref<32x20x2x8x128xi32, #tpu.memory_space<hbm>> -> memref<1x1x2x8x128xi32, #tpu.memory_space<hbm>>
        %dma_start3A_346 = tpu.memref_squeeze %dma_start3A_345 : memref<1x1x2x8x128xi32, #tpu.memory_space<hbm>> -> memref<2x8x128xi32, #tpu.memory_space<hbm>>
        %dma_start3A_347 = arith.constant 0 : i32
        %dma_start3A_348 = arith.constant 0 : i32
        %dma_start3A_349 = arith.constant 0 : i32
        %dma_start3A_350 = tpu.memref_slice %arg3[%add3A, %add3A_341, %dma_start3A_347, %dma_start3A_348, %dma_start3A_349] : memref<32x20x2x8x128xi32, #tpu.memory_space<hbm>> -> memref<1x1x2x8x128xi32, #tpu.memory_space<hbm>>
        %dma_start3A_351 = tpu.memref_squeeze %dma_start3A_350 : memref<1x1x2x8x128xi32, #tpu.memory_space<hbm>> -> memref<2x8x128xi32, #tpu.memory_space<hbm>>
        tpu.enqueue_dma source(%dma_start3A_351 : memref<2x8x128xi32, #tpu.memory_space<hbm>>) target(%arg7 : memref<2x8x128xi32, #tpu.memory_space<vmem>>) target_semaphore(%arg13 : memref<!tpu.dma_semaphore, #tpu.memory_space<semaphore_mem>>)
      } else {
      }
      %dma_wait3A_200 = arith.constant 0 : i32
      %dma_wait3A_201 = arith.constant 0 : i32
      %dma_wait3A_202 = arith.constant 0 : i32
      %dma_wait3A_203 = tpu.memref_slice %arg8[%dma_wait3A_200, %dma_wait3A_201, %dma_wait3A_202] : memref<2x8x128xi32, #tpu.memory_space<vmem>> -> memref<1x1x128xi32, #tpu.memory_space<vmem>>
      %dma_wait3A_204 = tpu.memref_squeeze %dma_wait3A_203 : memref<1x1x128xi32, #tpu.memory_space<vmem>> -> memref<128xi32, #tpu.memory_space<vmem>>
      %dma_wait3A_205 = arith.constant 0 : i32
      %dma_wait3A_206 = arith.constant 0 : i32
      %dma_wait3A_207 = tpu.memref_slice %arg2[%dma_wait3A_205, %dma_wait3A_206] : memref<10240x128xf32, #tpu.memory_space<hbm>> -> memref<10240x128xf32, #tpu.memory_space<hbm>>
      tpu.wait_indirect_dma semaphore(%arg11 : memref<!tpu.dma_semaphore, #tpu.memory_space<semaphore_mem>>) src(%dma_wait3A_207 : memref<10240x128xf32, #tpu.memory_space<hbm>>) dst(%arg9 : memref<128x128xf32, #tpu.memory_space<vmem>>)
      %run_scoped3A_208 = arith.constant 1 : i32
      %run_scoped3A_209 = arith.constant 0 : i32
      "tpu.region"() ({
        %run_scoped3A_340 = tpu.sem_alloc : memref<!tpu.dma_semaphore, #tpu.memory_space<semaphore_mem>>
        %dma_start3A_341 = arith.constant 0 : i32
        %dma_start3A_342 = tpu.memref_slice %arg8[%run_scoped3A_208, %run_scoped3A_209, %dma_start3A_341] : memref<2x8x128xi32, #tpu.memory_space<vmem>> -> memref<1x1x128xi32, #tpu.memory_space<vmem>>
        %dma_start3A_343 = tpu.memref_squeeze %dma_start3A_342 : memref<1x1x128xi32, #tpu.memory_space<vmem>> -> memref<128xi32, #tpu.memory_space<vmem>>
        %dma_start3A_344 = arith.constant 0 : i32
        %dma_start3A_345 = arith.constant 0 : i32
        %dma_start3A_346 = tpu.memref_slice %arg6[%dma_start3A_344, %dma_start3A_345] : memref<10240x128xf32, #tpu.memory_space<vmem_shared>> -> memref<10240x128xf32, #tpu.memory_space<vmem_shared>>
        tpu.enqueue_indirect_dma source(%arg9 : memref<128x128xf32, #tpu.memory_space<vmem>>) target(%dma_start3A_346 : memref<10240x128xf32, #tpu.memory_space<vmem_shared>>) offsets(%dma_start3A_343 : memref<128xi32, #tpu.memory_space<vmem>>) semaphore(%run_scoped3A_340 : memref<!tpu.dma_semaphore, #tpu.memory_space<semaphore_mem>>) {add = true}
        %dma_wait3A_347 = arith.constant 0 : i32
        %dma_wait3A_348 = tpu.memref_slice %arg8[%run_scoped3A_208, %run_scoped3A_209, %dma_wait3A_347] : memref<2x8x128xi32, #tpu.memory_space<vmem>> -> memref<1x1x128xi32, #tpu.memory_space<vmem>>
        %dma_wait3A_349 = tpu.memref_squeeze %dma_wait3A_348 : memref<1x1x128xi32, #tpu.memory_space<vmem>> -> memref<128xi32, #tpu.memory_space<vmem>>
        %dma_wait3A_350 = arith.constant 0 : i32
        %dma_wait3A_351 = arith.constant 0 : i32
        %dma_wait3A_352 = tpu.memref_slice %arg6[%dma_wait3A_350, %dma_wait3A_351] : memref<10240x128xf32, #tpu.memory_space<vmem_shared>> -> memref<10240x128xf32, #tpu.memory_space<vmem_shared>>
        tpu.wait_indirect_dma semaphore(%run_scoped3A_340 : memref<!tpu.dma_semaphore, #tpu.memory_space<semaphore_mem>>) src(%arg9 : memref<128x128xf32, #tpu.memory_space<vmem>>) dst(%dma_wait3A_352 : memref<10240x128xf32, #tpu.memory_space<vmem_shared>>)
        tpu.yield
      }) : () -> ()
      %dma_start3A_210 = arith.constant 0 : i32
      %dma_start3A_211 = arith.constant 2 : i32
      %dma_start3A_212 = arith.constant 0 : i32
      %dma_start3A_213 = tpu.memref_slice %arg8[%dma_start3A_210, %dma_start3A_211, %dma_start3A_212] : memref<2x8x128xi32, #tpu.memory_space<vmem>> -> memref<1x1x128xi32, #tpu.memory_space<vmem>>
      %dma_start3A_214 = tpu.memref_squeeze %dma_start3A_213 : memref<1x1x128xi32, #tpu.memory_space<vmem>> -> memref<128xi32, #tpu.memory_space<vmem>>
      %dma_start3A_215 = arith.constant 0 : i32
      %dma_start3A_216 = arith.constant 0 : i32
      %dma_start3A_217 = tpu.memref_slice %arg2[%dma_start3A_215, %dma_start3A_216] : memref<10240x128xf32, #tpu.memory_space<hbm>> -> memref<10240x128xf32, #tpu.memory_space<hbm>>
      tpu.enqueue_indirect_dma source(%dma_start3A_217 : memref<10240x128xf32, #tpu.memory_space<hbm>>) target(%arg9 : memref<128x128xf32, #tpu.memory_space<vmem>>) offsets(%dma_start3A_214 : memref<128xi32, #tpu.memory_space<vmem>>) semaphore(%arg11 : memref<!tpu.dma_semaphore, #tpu.memory_space<semaphore_mem>>)
      %dma_wait3A_218 = arith.constant 0 : i32
      %dma_wait3A_219 = arith.constant 0 : i32
      %dma_wait3A_220 = arith.constant 0 : i32
      %dma_wait3A_221 = tpu.memref_slice %arg8[%dma_wait3A_218, %dma_wait3A_219, %dma_wait3A_220] : memref<2x8x128xi32, #tpu.memory_space<vmem>> -> memref<1x1x128xi32, #tpu.memory_space<vmem>>
      %dma_wait3A_222 = tpu.memref_squeeze %dma_wait3A_221 : memref<1x1x128xi32, #tpu.memory_space<vmem>> -> memref<128xi32, #tpu.memory_space<vmem>>
      %dma_wait3A_223 = arith.constant 0 : i32
      %dma_wait3A_224 = arith.constant 0 : i32
      %dma_wait3A_225 = tpu.memref_slice %arg2[%dma_wait3A_223, %dma_wait3A_224] : memref<10240x128xf32, #tpu.memory_space<hbm>> -> memref<10240x128xf32, #tpu.memory_space<hbm>>
      tpu.wait_indirect_dma semaphore(%arg12 : memref<!tpu.dma_semaphore, #tpu.memory_space<semaphore_mem>>) src(%dma_wait3A_225 : memref<10240x128xf32, #tpu.memory_space<hbm>>) dst(%arg10 : memref<128x128xf32, #tpu.memory_space<vmem>>)
      %run_scoped3A_226 = arith.constant 1 : i32
      %run_scoped3A_227 = arith.constant 1 : i32
      "tpu.region"() ({
        %run_scoped3A_340 = tpu.sem_alloc : memref<!tpu.dma_semaphore, #tpu.memory_space<semaphore_mem>>
        %dma_start3A_341 = arith.constant 0 : i32
        %dma_start3A_342 = tpu.memref_slice %arg8[%run_scoped3A_226, %run_scoped3A_227, %dma_start3A_341] : memref<2x8x128xi32, #tpu.memory_space<vmem>> -> memref<1x1x128xi32, #tpu.memory_space<vmem>>
        %dma_start3A_343 = tpu.memref_squeeze %dma_start3A_342 : memref<1x1x128xi32, #tpu.memory_space<vmem>> -> memref<128xi32, #tpu.memory_space<vmem>>
        %dma_start3A_344 = arith.constant 0 : i32
        %dma_start3A_345 = arith.constant 0 : i32
        %dma_start3A_346 = tpu.memref_slice %arg6[%dma_start3A_344, %dma_start3A_345] : memref<10240x128xf32, #tpu.memory_space<vmem_shared>> -> memref<10240x128xf32, #tpu.memory_space<vmem_shared>>
        tpu.enqueue_indirect_dma source(%arg10 : memref<128x128xf32, #tpu.memory_space<vmem>>) target(%dma_start3A_346 : memref<10240x128xf32, #tpu.memory_space<vmem_shared>>) offsets(%dma_start3A_343 : memref<128xi32, #tpu.memory_space<vmem>>) semaphore(%run_scoped3A_340 : memref<!tpu.dma_semaphore, #tpu.memory_space<semaphore_mem>>) {add = true}
        %dma_wait3A_347 = arith.constant 0 : i32
        %dma_wait3A_348 = tpu.memref_slice %arg8[%run_scoped3A_226, %run_scoped3A_227, %dma_wait3A_347] : memref<2x8x128xi32, #tpu.memory_space<vmem>> -> memref<1x1x128xi32, #tpu.memory_space<vmem>>
        %dma_wait3A_349 = tpu.memref_squeeze %dma_wait3A_348 : memref<1x1x128xi32, #tpu.memory_space<vmem>> -> memref<128xi32, #tpu.memory_space<vmem>>
        %dma_wait3A_350 = arith.constant 0 : i32
        %dma_wait3A_351 = arith.constant 0 : i32
        %dma_wait3A_352 = tpu.memref_slice %arg6[%dma_wait3A_350, %dma_wait3A_351] : memref<10240x128xf32, #tpu.memory_space<vmem_shared>> -> memref<10240x128xf32, #tpu.memory_space<vmem_shared>>
        tpu.wait_indirect_dma semaphore(%run_scoped3A_340 : memref<!tpu.dma_semaphore, #tpu.memory_space<semaphore_mem>>) src(%arg10 : memref<128x128xf32, #tpu.memory_space<vmem>>) dst(%dma_wait3A_352 : memref<10240x128xf32, #tpu.memory_space<vmem_shared>>)
        tpu.yield
      }) : () -> ()
      %dma_start3A_228 = arith.constant 0 : i32
      %dma_start3A_229 = arith.constant 3 : i32
      %dma_start3A_230 = arith.constant 0 : i32
      %dma_start3A_231 = tpu.memref_slice %arg8[%dma_start3A_228, %dma_start3A_229, %dma_start3A_230] : memref<2x8x128xi32, #tpu.memory_space<vmem>> -> memref<1x1x128xi32, #tpu.memory_space<vmem>>
      %dma_start3A_232 = tpu.memref_squeeze %dma_start3A_231 : memref<1x1x128xi32, #tpu.memory_space<vmem>> -> memref<128xi32, #tpu.memory_space<vmem>>
      %dma_start3A_233 = arith.constant 0 : i32
      %dma_start3A_234 = arith.constant 0 : i32
      %dma_start3A_235 = tpu.memref_slice %arg2[%dma_start3A_233, %dma_start3A_234] : memref<10240x128xf32, #tpu.memory_space<hbm>> -> memref<10240x128xf32, #tpu.memory_space<hbm>>
      tpu.enqueue_indirect_dma source(%dma_start3A_235 : memref<10240x128xf32, #tpu.memory_space<hbm>>) target(%arg10 : memref<128x128xf32, #tpu.memory_space<vmem>>) offsets(%dma_start3A_232 : memref<128xi32, #tpu.memory_space<vmem>>) semaphore(%arg12 : memref<!tpu.dma_semaphore, #tpu.memory_space<semaphore_mem>>)
      %dma_wait3A_236 = arith.constant 0 : i32
      %dma_wait3A_237 = arith.constant 0 : i32
      %dma_wait3A_238 = arith.constant 0 : i32
      %dma_wait3A_239 = tpu.memref_slice %arg8[%dma_wait3A_236, %dma_wait3A_237, %dma_wait3A_238] : memref<2x8x128xi32, #tpu.memory_space<vmem>> -> memref<1x1x128xi32, #tpu.memory_space<vmem>>
      %dma_wait3A_240 = tpu.memref_squeeze %dma_wait3A_239 : memref<1x1x128xi32, #tpu.memory_space<vmem>> -> memref<128xi32, #tpu.memory_space<vmem>>
      %dma_wait3A_241 = arith.constant 0 : i32
      %dma_wait3A_242 = arith.constant 0 : i32
      %dma_wait3A_243 = tpu.memref_slice %arg2[%dma_wait3A_241, %dma_wait3A_242] : memref<10240x128xf32, #tpu.memory_space<hbm>> -> memref<10240x128xf32, #tpu.memory_space<hbm>>
      tpu.wait_indirect_dma semaphore(%arg11 : memref<!tpu.dma_semaphore, #tpu.memory_space<semaphore_mem>>) src(%dma_wait3A_243 : memref<10240x128xf32, #tpu.memory_space<hbm>>) dst(%arg9 : memref<128x128xf32, #tpu.memory_space<vmem>>)
      %run_scoped3A_244 = arith.constant 1 : i32
      %run_scoped3A_245 = arith.constant 2 : i32
      "tpu.region"() ({
        %run_scoped3A_340 = tpu.sem_alloc : memref<!tpu.dma_semaphore, #tpu.memory_space<semaphore_mem>>
        %dma_start3A_341 = arith.constant 0 : i32
        %dma_start3A_342 = tpu.memref_slice %arg8[%run_scoped3A_244, %run_scoped3A_245, %dma_start3A_341] : memref<2x8x128xi32, #tpu.memory_space<vmem>> -> memref<1x1x128xi32, #tpu.memory_space<vmem>>
        %dma_start3A_343 = tpu.memref_squeeze %dma_start3A_342 : memref<1x1x128xi32, #tpu.memory_space<vmem>> -> memref<128xi32, #tpu.memory_space<vmem>>
        %dma_start3A_344 = arith.constant 0 : i32
        %dma_start3A_345 = arith.constant 0 : i32
        %dma_start3A_346 = tpu.memref_slice %arg6[%dma_start3A_344, %dma_start3A_345] : memref<10240x128xf32, #tpu.memory_space<vmem_shared>> -> memref<10240x128xf32, #tpu.memory_space<vmem_shared>>
        tpu.enqueue_indirect_dma source(%arg9 : memref<128x128xf32, #tpu.memory_space<vmem>>) target(%dma_start3A_346 : memref<10240x128xf32, #tpu.memory_space<vmem_shared>>) offsets(%dma_start3A_343 : memref<128xi32, #tpu.memory_space<vmem>>) semaphore(%run_scoped3A_340 : memref<!tpu.dma_semaphore, #tpu.memory_space<semaphore_mem>>) {add = true}
        %dma_wait3A_347 = arith.constant 0 : i32
        %dma_wait3A_348 = tpu.memref_slice %arg8[%run_scoped3A_244, %run_scoped3A_245, %dma_wait3A_347] : memref<2x8x128xi32, #tpu.memory_space<vmem>> -> memref<1x1x128xi32, #tpu.memory_space<vmem>>
        %dma_wait3A_349 = tpu.memref_squeeze %dma_wait3A_348 : memref<1x1x128xi32, #tpu.memory_space<vmem>> -> memref<128xi32, #tpu.memory_space<vmem>>
        %dma_wait3A_350 = arith.constant 0 : i32
        %dma_wait3A_351 = arith.constant 0 : i32
        %dma_wait3A_352 = tpu.memref_slice %arg6[%dma_wait3A_350, %dma_wait3A_351] : memref<10240x128xf32, #tpu.memory_space<vmem_shared>> -> memref<10240x128xf32, #tpu.memory_space<vmem_shared>>
        tpu.wait_indirect_dma semaphore(%run_scoped3A_340 : memref<!tpu.dma_semaphore, #tpu.memory_space<semaphore_mem>>) src(%arg9 : memref<128x128xf32, #tpu.memory_space<vmem>>) dst(%dma_wait3A_352 : memref<10240x128xf32, #tpu.memory_space<vmem_shared>>)
        tpu.yield
      }) : () -> ()
      %dma_start3A_246 = arith.constant 0 : i32
      %dma_start3A_247 = arith.constant 4 : i32
      %dma_start3A_248 = arith.constant 0 : i32
      %dma_start3A_249 = tpu.memref_slice %arg8[%dma_start3A_246, %dma_start3A_247, %dma_start3A_248] : memref<2x8x128xi32, #tpu.memory_space<vmem>> -> memref<1x1x128xi32, #tpu.memory_space<vmem>>
      %dma_start3A_250 = tpu.memref_squeeze %dma_start3A_249 : memref<1x1x128xi32, #tpu.memory_space<vmem>> -> memref<128xi32, #tpu.memory_space<vmem>>
      %dma_start3A_251 = arith.constant 0 : i32
      %dma_start3A_252 = arith.constant 0 : i32
      %dma_start3A_253 = tpu.memref_slice %arg2[%dma_start3A_251, %dma_start3A_252] : memref<10240x128xf32, #tpu.memory_space<hbm>> -> memref<10240x128xf32, #tpu.memory_space<hbm>>
      tpu.enqueue_indirect_dma source(%dma_start3A_253 : memref<10240x128xf32, #tpu.memory_space<hbm>>) target(%arg9 : memref<128x128xf32, #tpu.memory_space<vmem>>) offsets(%dma_start3A_250 : memref<128xi32, #tpu.memory_space<vmem>>) semaphore(%arg11 : memref<!tpu.dma_semaphore, #tpu.memory_space<semaphore_mem>>)
      %dma_wait3A_254 = arith.constant 0 : i32
      %dma_wait3A_255 = arith.constant 0 : i32
      %dma_wait3A_256 = arith.constant 0 : i32
      %dma_wait3A_257 = tpu.memref_slice %arg8[%dma_wait3A_254, %dma_wait3A_255, %dma_wait3A_256] : memref<2x8x128xi32, #tpu.memory_space<vmem>> -> memref<1x1x128xi32, #tpu.memory_space<vmem>>
      %dma_wait3A_258 = tpu.memref_squeeze %dma_wait3A_257 : memref<1x1x128xi32, #tpu.memory_space<vmem>> -> memref<128xi32, #tpu.memory_space<vmem>>
      %dma_wait3A_259 = arith.constant 0 : i32
      %dma_wait3A_260 = arith.constant 0 : i32
      %dma_wait3A_261 = tpu.memref_slice %arg2[%dma_wait3A_259, %dma_wait3A_260] : memref<10240x128xf32, #tpu.memory_space<hbm>> -> memref<10240x128xf32, #tpu.memory_space<hbm>>
      tpu.wait_indirect_dma semaphore(%arg12 : memref<!tpu.dma_semaphore, #tpu.memory_space<semaphore_mem>>) src(%dma_wait3A_261 : memref<10240x128xf32, #tpu.memory_space<hbm>>) dst(%arg10 : memref<128x128xf32, #tpu.memory_space<vmem>>)
      %run_scoped3A_262 = arith.constant 1 : i32
      %run_scoped3A_263 = arith.constant 3 : i32
      "tpu.region"() ({
        %run_scoped3A_340 = tpu.sem_alloc : memref<!tpu.dma_semaphore, #tpu.memory_space<semaphore_mem>>
        %dma_start3A_341 = arith.constant 0 : i32
        %dma_start3A_342 = tpu.memref_slice %arg8[%run_scoped3A_262, %run_scoped3A_263, %dma_start3A_341] : memref<2x8x128xi32, #tpu.memory_space<vmem>> -> memref<1x1x128xi32, #tpu.memory_space<vmem>>
        %dma_start3A_343 = tpu.memref_squeeze %dma_start3A_342 : memref<1x1x128xi32, #tpu.memory_space<vmem>> -> memref<128xi32, #tpu.memory_space<vmem>>
        %dma_start3A_344 = arith.constant 0 : i32
        %dma_start3A_345 = arith.constant 0 : i32
        %dma_start3A_346 = tpu.memref_slice %arg6[%dma_start3A_344, %dma_start3A_345] : memref<10240x128xf32, #tpu.memory_space<vmem_shared>> -> memref<10240x128xf32, #tpu.memory_space<vmem_shared>>
        tpu.enqueue_indirect_dma source(%arg10 : memref<128x128xf32, #tpu.memory_space<vmem>>) target(%dma_start3A_346 : memref<10240x128xf32, #tpu.memory_space<vmem_shared>>) offsets(%dma_start3A_343 : memref<128xi32, #tpu.memory_space<vmem>>) semaphore(%run_scoped3A_340 : memref<!tpu.dma_semaphore, #tpu.memory_space<semaphore_mem>>) {add = true}
        %dma_wait3A_347 = arith.constant 0 : i32
        %dma_wait3A_348 = tpu.memref_slice %arg8[%run_scoped3A_262, %run_scoped3A_263, %dma_wait3A_347] : memref<2x8x128xi32, #tpu.memory_space<vmem>> -> memref<1x1x128xi32, #tpu.memory_space<vmem>>
        %dma_wait3A_349 = tpu.memref_squeeze %dma_wait3A_348 : memref<1x1x128xi32, #tpu.memory_space<vmem>> -> memref<128xi32, #tpu.memory_space<vmem>>
        %dma_wait3A_350 = arith.constant 0 : i32
        %dma_wait3A_351 = arith.constant 0 : i32
        %dma_wait3A_352 = tpu.memref_slice %arg6[%dma_wait3A_350, %dma_wait3A_351] : memref<10240x128xf32, #tpu.memory_space<vmem_shared>> -> memref<10240x128xf32, #tpu.memory_space<vmem_shared>>
        tpu.wait_indirect_dma semaphore(%run_scoped3A_340 : memref<!tpu.dma_semaphore, #tpu.memory_space<semaphore_mem>>) src(%arg10 : memref<128x128xf32, #tpu.memory_space<vmem>>) dst(%dma_wait3A_352 : memref<10240x128xf32, #tpu.memory_space<vmem_shared>>)
        tpu.yield
      }) : () -> ()
      %dma_start3A_264 = arith.constant 0 : i32
      %dma_start3A_265 = arith.constant 5 : i32
      %dma_start3A_266 = arith.constant 0 : i32
      %dma_start3A_267 = tpu.memref_slice %arg8[%dma_start3A_264, %dma_start3A_265, %dma_start3A_266] : memref<2x8x128xi32, #tpu.memory_space<vmem>> -> memref<1x1x128xi32, #tpu.memory_space<vmem>>
      %dma_start3A_268 = tpu.memref_squeeze %dma_start3A_267 : memref<1x1x128xi32, #tpu.memory_space<vmem>> -> memref<128xi32, #tpu.memory_space<vmem>>
      %dma_start3A_269 = arith.constant 0 : i32
      %dma_start3A_270 = arith.constant 0 : i32
      %dma_start3A_271 = tpu.memref_slice %arg2[%dma_start3A_269, %dma_start3A_270] : memref<10240x128xf32, #tpu.memory_space<hbm>> -> memref<10240x128xf32, #tpu.memory_space<hbm>>
      tpu.enqueue_indirect_dma source(%dma_start3A_271 : memref<10240x128xf32, #tpu.memory_space<hbm>>) target(%arg10 : memref<128x128xf32, #tpu.memory_space<vmem>>) offsets(%dma_start3A_268 : memref<128xi32, #tpu.memory_space<vmem>>) semaphore(%arg12 : memref<!tpu.dma_semaphore, #tpu.memory_space<semaphore_mem>>)
      %dma_wait3A_272 = arith.constant 0 : i32
      %dma_wait3A_273 = arith.constant 0 : i32
      %dma_wait3A_274 = arith.constant 0 : i32
      %dma_wait3A_275 = tpu.memref_slice %arg8[%dma_wait3A_272, %dma_wait3A_273, %dma_wait3A_274] : memref<2x8x128xi32, #tpu.memory_space<vmem>> -> memref<1x1x128xi32, #tpu.memory_space<vmem>>
      %dma_wait3A_276 = tpu.memref_squeeze %dma_wait3A_275 : memref<1x1x128xi32, #tpu.memory_space<vmem>> -> memref<128xi32, #tpu.memory_space<vmem>>
      %dma_wait3A_277 = arith.constant 0 : i32
      %dma_wait3A_278 = arith.constant 0 : i32
      %dma_wait3A_279 = tpu.memref_slice %arg2[%dma_wait3A_277, %dma_wait3A_278] : memref<10240x128xf32, #tpu.memory_space<hbm>> -> memref<10240x128xf32, #tpu.memory_space<hbm>>
      tpu.wait_indirect_dma semaphore(%arg11 : memref<!tpu.dma_semaphore, #tpu.memory_space<semaphore_mem>>) src(%dma_wait3A_279 : memref<10240x128xf32, #tpu.memory_space<hbm>>) dst(%arg9 : memref<128x128xf32, #tpu.memory_space<vmem>>)
      %run_scoped3A_280 = arith.constant 1 : i32
      %run_scoped3A_281 = arith.constant 4 : i32
      "tpu.region"() ({
        %run_scoped3A_340 = tpu.sem_alloc : memref<!tpu.dma_semaphore, #tpu.memory_space<semaphore_mem>>
        %dma_start3A_341 = arith.constant 0 : i32
        %dma_start3A_342 = tpu.memref_slice %arg8[%run_scoped3A_280, %run_scoped3A_281, %dma_start3A_341] : memref<2x8x128xi32, #tpu.memory_space<vmem>> -> memref<1x1x128xi32, #tpu.memory_space<vmem>>
        %dma_start3A_343 = tpu.memref_squeeze %dma_start3A_342 : memref<1x1x128xi32, #tpu.memory_space<vmem>> -> memref<128xi32, #tpu.memory_space<vmem>>
        %dma_start3A_344 = arith.constant 0 : i32
        %dma_start3A_345 = arith.constant 0 : i32
        %dma_start3A_346 = tpu.memref_slice %arg6[%dma_start3A_344, %dma_start3A_345] : memref<10240x128xf32, #tpu.memory_space<vmem_shared>> -> memref<10240x128xf32, #tpu.memory_space<vmem_shared>>
        tpu.enqueue_indirect_dma source(%arg9 : memref<128x128xf32, #tpu.memory_space<vmem>>) target(%dma_start3A_346 : memref<10240x128xf32, #tpu.memory_space<vmem_shared>>) offsets(%dma_start3A_343 : memref<128xi32, #tpu.memory_space<vmem>>) semaphore(%run_scoped3A_340 : memref<!tpu.dma_semaphore, #tpu.memory_space<semaphore_mem>>) {add = true}
        %dma_wait3A_347 = arith.constant 0 : i32
        %dma_wait3A_348 = tpu.memref_slice %arg8[%run_scoped3A_280, %run_scoped3A_281, %dma_wait3A_347] : memref<2x8x128xi32, #tpu.memory_space<vmem>> -> memref<1x1x128xi32, #tpu.memory_space<vmem>>
        %dma_wait3A_349 = tpu.memref_squeeze %dma_wait3A_348 : memref<1x1x128xi32, #tpu.memory_space<vmem>> -> memref<128xi32, #tpu.memory_space<vmem>>
        %dma_wait3A_350 = arith.constant 0 : i32
        %dma_wait3A_351 = arith.constant 0 : i32
        %dma_wait3A_352 = tpu.memref_slice %arg6[%dma_wait3A_350, %dma_wait3A_351] : memref<10240x128xf32, #tpu.memory_space<vmem_shared>> -> memref<10240x128xf32, #tpu.memory_space<vmem_shared>>
        tpu.wait_indirect_dma semaphore(%run_scoped3A_340 : memref<!tpu.dma_semaphore, #tpu.memory_space<semaphore_mem>>) src(%arg9 : memref<128x128xf32, #tpu.memory_space<vmem>>) dst(%dma_wait3A_352 : memref<10240x128xf32, #tpu.memory_space<vmem_shared>>)
        tpu.yield
      }) : () -> ()
      %dma_start3A_282 = arith.constant 0 : i32
      %dma_start3A_283 = arith.constant 6 : i32
      %dma_start3A_284 = arith.constant 0 : i32
      %dma_start3A_285 = tpu.memref_slice %arg8[%dma_start3A_282, %dma_start3A_283, %dma_start3A_284] : memref<2x8x128xi32, #tpu.memory_space<vmem>> -> memref<1x1x128xi32, #tpu.memory_space<vmem>>
      %dma_start3A_286 = tpu.memref_squeeze %dma_start3A_285 : memref<1x1x128xi32, #tpu.memory_space<vmem>> -> memref<128xi32, #tpu.memory_space<vmem>>
      %dma_start3A_287 = arith.constant 0 : i32
      %dma_start3A_288 = arith.constant 0 : i32
      %dma_start3A_289 = tpu.memref_slice %arg2[%dma_start3A_287, %dma_start3A_288] : memref<10240x128xf32, #tpu.memory_space<hbm>> -> memref<10240x128xf32, #tpu.memory_space<hbm>>
      tpu.enqueue_indirect_dma source(%dma_start3A_289 : memref<10240x128xf32, #tpu.memory_space<hbm>>) target(%arg9 : memref<128x128xf32, #tpu.memory_space<vmem>>) offsets(%dma_start3A_286 : memref<128xi32, #tpu.memory_space<vmem>>) semaphore(%arg11 : memref<!tpu.dma_semaphore, #tpu.memory_space<semaphore_mem>>)
      %dma_wait3A_290 = arith.constant 0 : i32
      %dma_wait3A_291 = arith.constant 0 : i32
      %dma_wait3A_292 = arith.constant 0 : i32
      %dma_wait3A_293 = tpu.memref_slice %arg8[%dma_wait3A_290, %dma_wait3A_291, %dma_wait3A_292] : memref<2x8x128xi32, #tpu.memory_space<vmem>> -> memref<1x1x128xi32, #tpu.memory_space<vmem>>
      %dma_wait3A_294 = tpu.memref_squeeze %dma_wait3A_293 : memref<1x1x128xi32, #tpu.memory_space<vmem>> -> memref<128xi32, #tpu.memory_space<vmem>>
      %dma_wait3A_295 = arith.constant 0 : i32
      %dma_wait3A_296 = arith.constant 0 : i32
      %dma_wait3A_297 = tpu.memref_slice %arg2[%dma_wait3A_295, %dma_wait3A_296] : memref<10240x128xf32, #tpu.memory_space<hbm>> -> memref<10240x128xf32, #tpu.memory_space<hbm>>
      tpu.wait_indirect_dma semaphore(%arg12 : memref<!tpu.dma_semaphore, #tpu.memory_space<semaphore_mem>>) src(%dma_wait3A_297 : memref<10240x128xf32, #tpu.memory_space<hbm>>) dst(%arg10 : memref<128x128xf32, #tpu.memory_space<vmem>>)
      %run_scoped3A_298 = arith.constant 1 : i32
      %run_scoped3A_299 = arith.constant 5 : i32
      "tpu.region"() ({
        %run_scoped3A_340 = tpu.sem_alloc : memref<!tpu.dma_semaphore, #tpu.memory_space<semaphore_mem>>
        %dma_start3A_341 = arith.constant 0 : i32
        %dma_start3A_342 = tpu.memref_slice %arg8[%run_scoped3A_298, %run_scoped3A_299, %dma_start3A_341] : memref<2x8x128xi32, #tpu.memory_space<vmem>> -> memref<1x1x128xi32, #tpu.memory_space<vmem>>
        %dma_start3A_343 = tpu.memref_squeeze %dma_start3A_342 : memref<1x1x128xi32, #tpu.memory_space<vmem>> -> memref<128xi32, #tpu.memory_space<vmem>>
        %dma_start3A_344 = arith.constant 0 : i32
        %dma_start3A_345 = arith.constant 0 : i32
        %dma_start3A_346 = tpu.memref_slice %arg6[%dma_start3A_344, %dma_start3A_345] : memref<10240x128xf32, #tpu.memory_space<vmem_shared>> -> memref<10240x128xf32, #tpu.memory_space<vmem_shared>>
        tpu.enqueue_indirect_dma source(%arg10 : memref<128x128xf32, #tpu.memory_space<vmem>>) target(%dma_start3A_346 : memref<10240x128xf32, #tpu.memory_space<vmem_shared>>) offsets(%dma_start3A_343 : memref<128xi32, #tpu.memory_space<vmem>>) semaphore(%run_scoped3A_340 : memref<!tpu.dma_semaphore, #tpu.memory_space<semaphore_mem>>) {add = true}
        %dma_wait3A_347 = arith.constant 0 : i32
        %dma_wait3A_348 = tpu.memref_slice %arg8[%run_scoped3A_298, %run_scoped3A_299, %dma_wait3A_347] : memref<2x8x128xi32, #tpu.memory_space<vmem>> -> memref<1x1x128xi32, #tpu.memory_space<vmem>>
        %dma_wait3A_349 = tpu.memref_squeeze %dma_wait3A_348 : memref<1x1x128xi32, #tpu.memory_space<vmem>> -> memref<128xi32, #tpu.memory_space<vmem>>
        %dma_wait3A_350 = arith.constant 0 : i32
        %dma_wait3A_351 = arith.constant 0 : i32
        %dma_wait3A_352 = tpu.memref_slice %arg6[%dma_wait3A_350, %dma_wait3A_351] : memref<10240x128xf32, #tpu.memory_space<vmem_shared>> -> memref<10240x128xf32, #tpu.memory_space<vmem_shared>>
        tpu.wait_indirect_dma semaphore(%run_scoped3A_340 : memref<!tpu.dma_semaphore, #tpu.memory_space<semaphore_mem>>) src(%arg10 : memref<128x128xf32, #tpu.memory_space<vmem>>) dst(%dma_wait3A_352 : memref<10240x128xf32, #tpu.memory_space<vmem_shared>>)
        tpu.yield
      }) : () -> ()
      %dma_start3A_300 = arith.constant 0 : i32
      %dma_start3A_301 = arith.constant 7 : i32
      %dma_start3A_302 = arith.constant 0 : i32
      %dma_start3A_303 = tpu.memref_slice %arg8[%dma_start3A_300, %dma_start3A_301, %dma_start3A_302] : memref<2x8x128xi32, #tpu.memory_space<vmem>> -> memref<1x1x128xi32, #tpu.memory_space<vmem>>
      %dma_start3A_304 = tpu.memref_squeeze %dma_start3A_303 : memref<1x1x128xi32, #tpu.memory_space<vmem>> -> memref<128xi32, #tpu.memory_space<vmem>>
      %dma_start3A_305 = arith.constant 0 : i32
      %dma_start3A_306 = arith.constant 0 : i32
      %dma_start3A_307 = tpu.memref_slice %arg2[%dma_start3A_305, %dma_start3A_306] : memref<10240x128xf32, #tpu.memory_space<hbm>> -> memref<10240x128xf32, #tpu.memory_space<hbm>>
      tpu.enqueue_indirect_dma source(%dma_start3A_307 : memref<10240x128xf32, #tpu.memory_space<hbm>>) target(%arg10 : memref<128x128xf32, #tpu.memory_space<vmem>>) offsets(%dma_start3A_304 : memref<128xi32, #tpu.memory_space<vmem>>) semaphore(%arg12 : memref<!tpu.dma_semaphore, #tpu.memory_space<semaphore_mem>>)
      %convert_element_type3A_308 = arith.extui %lt3A_44 : i1 to i32
      %cond3A_309 = arith.constant 0 : i32
      %cond3A_310 = arith.cmpi ne, %convert_element_type3A_308, %cond3A_309 : i32
      scf.if %cond3A_310 {
        %dma_wait3A_340 = arith.constant 0 : i32
        %dma_wait3A_341 = arith.constant 0 : i32
        %dma_wait3A_342 = arith.constant 0 : i32
        %dma_wait3A_343 = arith.constant 0 : i32
        %dma_wait3A_344 = tpu.memref_slice %arg3[%add3A, %dma_wait3A_340, %dma_wait3A_341, %dma_wait3A_342, %dma_wait3A_343] : memref<32x20x2x8x128xi32, #tpu.memory_space<hbm>> -> memref<1x1x2x8x128xi32, #tpu.memory_space<hbm>>
        %dma_wait3A_345 = tpu.memref_squeeze %dma_wait3A_344 : memref<1x1x2x8x128xi32, #tpu.memory_space<hbm>> -> memref<2x8x128xi32, #tpu.memory_space<hbm>>
        %dma_wait3A_346 = arith.constant 0 : i32
        %dma_wait3A_347 = arith.constant 0 : i32
        %dma_wait3A_348 = arith.constant 0 : i32
        %dma_wait3A_349 = tpu.memref_slice %arg3[%add3A, %dma_wait3A_340, %dma_wait3A_346, %dma_wait3A_347, %dma_wait3A_348] : memref<32x20x2x8x128xi32, #tpu.memory_space<hbm>> -> memref<1x1x2x8x128xi32, #tpu.memory_space<hbm>>
        %dma_wait3A_350 = tpu.memref_squeeze %dma_wait3A_349 : memref<1x1x2x8x128xi32, #tpu.memory_space<hbm>> -> memref<2x8x128xi32, #tpu.memory_space<hbm>>
        tpu.wait_dma2 semaphore(%arg13 : memref<!tpu.dma_semaphore, #tpu.memory_space<semaphore_mem>>) src(%dma_wait3A_350 : memref<2x8x128xi32, #tpu.memory_space<hbm>>) dst(%arg7 : memref<2x8x128xi32, #tpu.memory_space<vmem>>)
      } else {
      }
      %dma_wait3A_311 = arith.constant 0 : i32
      %dma_wait3A_312 = arith.constant 0 : i32
      %dma_wait3A_313 = arith.constant 0 : i32
      %dma_wait3A_314 = tpu.memref_slice %arg8[%dma_wait3A_311, %dma_wait3A_312, %dma_wait3A_313] : memref<2x8x128xi32, #tpu.memory_space<vmem>> -> memref<1x1x128xi32, #tpu.memory_space<vmem>>
      %dma_wait3A_315 = tpu.memref_squeeze %dma_wait3A_314 : memref<1x1x128xi32, #tpu.memory_space<vmem>> -> memref<128xi32, #tpu.memory_space<vmem>>
      %dma_wait3A_316 = arith.constant 0 : i32
      %dma_wait3A_317 = arith.constant 0 : i32
      %dma_wait3A_318 = tpu.memref_slice %arg2[%dma_wait3A_316, %dma_wait3A_317] : memref<10240x128xf32, #tpu.memory_space<hbm>> -> memref<10240x128xf32, #tpu.memory_space<hbm>>
      tpu.wait_indirect_dma semaphore(%arg11 : memref<!tpu.dma_semaphore, #tpu.memory_space<semaphore_mem>>) src(%dma_wait3A_318 : memref<10240x128xf32, #tpu.memory_space<hbm>>) dst(%arg9 : memref<128x128xf32, #tpu.memory_space<vmem>>)
      %run_scoped3A_319 = arith.constant 1 : i32
      %run_scoped3A_320 = arith.constant 6 : i32
      "tpu.region"() ({
        %run_scoped3A_340 = tpu.sem_alloc : memref<!tpu.dma_semaphore, #tpu.memory_space<semaphore_mem>>
        %dma_start3A_341 = arith.constant 0 : i32
        %dma_start3A_342 = tpu.memref_slice %arg8[%run_scoped3A_319, %run_scoped3A_320, %dma_start3A_341] : memref<2x8x128xi32, #tpu.memory_space<vmem>> -> memref<1x1x128xi32, #tpu.memory_space<vmem>>
        %dma_start3A_343 = tpu.memref_squeeze %dma_start3A_342 : memref<1x1x128xi32, #tpu.memory_space<vmem>> -> memref<128xi32, #tpu.memory_space<vmem>>
        %dma_start3A_344 = arith.constant 0 : i32
        %dma_start3A_345 = arith.constant 0 : i32
        %dma_start3A_346 = tpu.memref_slice %arg6[%dma_start3A_344, %dma_start3A_345] : memref<10240x128xf32, #tpu.memory_space<vmem_shared>> -> memref<10240x128xf32, #tpu.memory_space<vmem_shared>>
        tpu.enqueue_indirect_dma source(%arg9 : memref<128x128xf32, #tpu.memory_space<vmem>>) target(%dma_start3A_346 : memref<10240x128xf32, #tpu.memory_space<vmem_shared>>) offsets(%dma_start3A_343 : memref<128xi32, #tpu.memory_space<vmem>>) semaphore(%run_scoped3A_340 : memref<!tpu.dma_semaphore, #tpu.memory_space<semaphore_mem>>) {add = true}
        %dma_wait3A_347 = arith.constant 0 : i32
        %dma_wait3A_348 = tpu.memref_slice %arg8[%run_scoped3A_319, %run_scoped3A_320, %dma_wait3A_347] : memref<2x8x128xi32, #tpu.memory_space<vmem>> -> memref<1x1x128xi32, #tpu.memory_space<vmem>>
        %dma_wait3A_349 = tpu.memref_squeeze %dma_wait3A_348 : memref<1x1x128xi32, #tpu.memory_space<vmem>> -> memref<128xi32, #tpu.memory_space<vmem>>
        %dma_wait3A_350 = arith.constant 0 : i32
        %dma_wait3A_351 = arith.constant 0 : i32
        %dma_wait3A_352 = tpu.memref_slice %arg6[%dma_wait3A_350, %dma_wait3A_351] : memref<10240x128xf32, #tpu.memory_space<vmem_shared>> -> memref<10240x128xf32, #tpu.memory_space<vmem_shared>>
        tpu.wait_indirect_dma semaphore(%run_scoped3A_340 : memref<!tpu.dma_semaphore, #tpu.memory_space<semaphore_mem>>) src(%arg9 : memref<128x128xf32, #tpu.memory_space<vmem>>) dst(%dma_wait3A_352 : memref<10240x128xf32, #tpu.memory_space<vmem_shared>>)
        tpu.yield
      }) : () -> ()
      %convert_element_type3A_321 = arith.extui %lt3A_44 : i1 to i32
      %cond3A_322 = arith.constant 0 : i32
      %cond3A_323 = arith.cmpi ne, %convert_element_type3A_321, %cond3A_322 : i32
      scf.if %cond3A_323 {
        %dma_start3A_340 = arith.constant 0 : i32
        %dma_start3A_341 = arith.constant 0 : i32
        %dma_start3A_342 = arith.constant 0 : i32
        %dma_start3A_343 = tpu.memref_slice %arg7[%dma_start3A_340, %dma_start3A_341, %dma_start3A_342] : memref<2x8x128xi32, #tpu.memory_space<vmem>> -> memref<1x1x128xi32, #tpu.memory_space<vmem>>
        %dma_start3A_344 = tpu.memref_squeeze %dma_start3A_343 : memref<1x1x128xi32, #tpu.memory_space<vmem>> -> memref<128xi32, #tpu.memory_space<vmem>>
        %dma_start3A_345 = arith.constant 0 : i32
        %dma_start3A_346 = arith.constant 0 : i32
        %dma_start3A_347 = tpu.memref_slice %arg2[%dma_start3A_345, %dma_start3A_346] : memref<10240x128xf32, #tpu.memory_space<hbm>> -> memref<10240x128xf32, #tpu.memory_space<hbm>>
        tpu.enqueue_indirect_dma source(%dma_start3A_347 : memref<10240x128xf32, #tpu.memory_space<hbm>>) target(%arg9 : memref<128x128xf32, #tpu.memory_space<vmem>>) offsets(%dma_start3A_344 : memref<128xi32, #tpu.memory_space<vmem>>) semaphore(%arg11 : memref<!tpu.dma_semaphore, #tpu.memory_space<semaphore_mem>>)
      } else {
      }
      %dma_wait3A_324 = arith.constant 0 : i32
      %dma_wait3A_325 = arith.constant 0 : i32
      %dma_wait3A_326 = arith.constant 0 : i32
      %dma_wait3A_327 = tpu.memref_slice %arg8[%dma_wait3A_324, %dma_wait3A_325, %dma_wait3A_326] : memref<2x8x128xi32, #tpu.memory_space<vmem>> -> memref<1x1x128xi32, #tpu.memory_space<vmem>>
      %dma_wait3A_328 = tpu.memref_squeeze %dma_wait3A_327 : memref<1x1x128xi32, #tpu.memory_space<vmem>> -> memref<128xi32, #tpu.memory_space<vmem>>
      %dma_wait3A_329 = arith.constant 0 : i32
      %dma_wait3A_330 = arith.constant 0 : i32
      %dma_wait3A_331 = tpu.memref_slice %arg2[%dma_wait3A_329, %dma_wait3A_330] : memref<10240x128xf32, #tpu.memory_space<hbm>> -> memref<10240x128xf32, #tpu.memory_space<hbm>>
      tpu.wait_indirect_dma semaphore(%arg12 : memref<!tpu.dma_semaphore, #tpu.memory_space<semaphore_mem>>) src(%dma_wait3A_331 : memref<10240x128xf32, #tpu.memory_space<hbm>>) dst(%arg10 : memref<128x128xf32, #tpu.memory_space<vmem>>)
      %run_scoped3A_332 = arith.constant 1 : i32
      %run_scoped3A_333 = arith.constant 7 : i32
      "tpu.region"() ({
        %run_scoped3A_340 = tpu.sem_alloc : memref<!tpu.dma_semaphore, #tpu.memory_space<semaphore_mem>>
        %dma_start3A_341 = arith.constant 0 : i32
        %dma_start3A_342 = tpu.memref_slice %arg8[%run_scoped3A_332, %run_scoped3A_333, %dma_start3A_341] : memref<2x8x128xi32, #tpu.memory_space<vmem>> -> memref<1x1x128xi32, #tpu.memory_space<vmem>>
        %dma_start3A_343 = tpu.memref_squeeze %dma_start3A_342 : memref<1x1x128xi32, #tpu.memory_space<vmem>> -> memref<128xi32, #tpu.memory_space<vmem>>
        %dma_start3A_344 = arith.constant 0 : i32
        %dma_start3A_345 = arith.constant 0 : i32
        %dma_start3A_346 = tpu.memref_slice %arg6[%dma_start3A_344, %dma_start3A_345] : memref<10240x128xf32, #tpu.memory_space<vmem_shared>> -> memref<10240x128xf32, #tpu.memory_space<vmem_shared>>
        tpu.enqueue_indirect_dma source(%arg10 : memref<128x128xf32, #tpu.memory_space<vmem>>) target(%dma_start3A_346 : memref<10240x128xf32, #tpu.memory_space<vmem_shared>>) offsets(%dma_start3A_343 : memref<128xi32, #tpu.memory_space<vmem>>) semaphore(%run_scoped3A_340 : memref<!tpu.dma_semaphore, #tpu.memory_space<semaphore_mem>>) {add = true}
        %dma_wait3A_347 = arith.constant 0 : i32
        %dma_wait3A_348 = tpu.memref_slice %arg8[%run_scoped3A_332, %run_scoped3A_333, %dma_wait3A_347] : memref<2x8x128xi32, #tpu.memory_space<vmem>> -> memref<1x1x128xi32, #tpu.memory_space<vmem>>
        %dma_wait3A_349 = tpu.memref_squeeze %dma_wait3A_348 : memref<1x1x128xi32, #tpu.memory_space<vmem>> -> memref<128xi32, #tpu.memory_space<vmem>>
        %dma_wait3A_350 = arith.constant 0 : i32
        %dma_wait3A_351 = arith.constant 0 : i32
        %dma_wait3A_352 = tpu.memref_slice %arg6[%dma_wait3A_350, %dma_wait3A_351] : memref<10240x128xf32, #tpu.memory_space<vmem_shared>> -> memref<10240x128xf32, #tpu.memory_space<vmem_shared>>
        tpu.wait_indirect_dma semaphore(%run_scoped3A_340 : memref<!tpu.dma_semaphore, #tpu.memory_space<semaphore_mem>>) src(%arg10 : memref<128x128xf32, #tpu.memory_space<vmem>>) dst(%dma_wait3A_352 : memref<10240x128xf32, #tpu.memory_space<vmem_shared>>)
        tpu.yield
      }) : () -> ()
      %convert_element_type3A_334 = arith.extui %lt3A_44 : i1 to i32
      %cond3A_335 = arith.constant 0 : i32
      %cond3A_336 = arith.cmpi ne, %convert_element_type3A_334, %cond3A_335 : i32
      scf.if %cond3A_336 {
        %dma_start3A_340 = arith.constant 0 : i32
        %dma_start3A_341 = arith.constant 1 : i32
        %dma_start3A_342 = arith.constant 0 : i32
        %dma_start3A_343 = tpu.memref_slice %arg7[%dma_start3A_340, %dma_start3A_341, %dma_start3A_342] : memref<2x8x128xi32, #tpu.memory_space<vmem>> -> memref<1x1x128xi32, #tpu.memory_space<vmem>>
        %dma_start3A_344 = tpu.memref_squeeze %dma_start3A_343 : memref<1x1x128xi32, #tpu.memory_space<vmem>> -> memref<128xi32, #tpu.memory_space<vmem>>
        %dma_start3A_345 = arith.constant 0 : i32
        %dma_start3A_346 = arith.constant 0 : i32
        %dma_start3A_347 = tpu.memref_slice %arg2[%dma_start3A_345, %dma_start3A_346] : memref<10240x128xf32, #tpu.memory_space<hbm>> -> memref<10240x128xf32, #tpu.memory_space<hbm>>
        tpu.enqueue_indirect_dma source(%dma_start3A_347 : memref<10240x128xf32, #tpu.memory_space<hbm>>) target(%arg10 : memref<128x128xf32, #tpu.memory_space<vmem>>) offsets(%dma_start3A_344 : memref<128xi32, #tpu.memory_space<vmem>>) semaphore(%arg12 : memref<!tpu.dma_semaphore, #tpu.memory_space<semaphore_mem>>)
      } else {
      }
      %convert_element_type3A_337 = arith.extui %lt3A_44 : i1 to i32
      %cond3A_338 = arith.constant 0 : i32
      %cond3A_339 = arith.cmpi ne, %convert_element_type3A_337, %cond3A_338 : i32
      scf.if %cond3A_339 {
        %add3A_340 = arith.constant 3 : i32
        %add3A_341 = arith.addi %mul3A_41, %add3A_340 : i32
        %dma_start3A_342 = arith.constant 0 : i32
        %dma_start3A_343 = arith.constant 0 : i32
        %dma_start3A_344 = arith.constant 0 : i32
        %dma_start3A_345 = tpu.memref_slice %arg3[%add3A, %add3A_341, %dma_start3A_342, %dma_start3A_343, %dma_start3A_344] : memref<32x20x2x8x128xi32, #tpu.memory_space<hbm>> -> memref<1x1x2x8x128xi32, #tpu.memory_space<hbm>>
        %dma_start3A_346 = tpu.memref_squeeze %dma_start3A_345 : memref<1x1x2x8x128xi32, #tpu.memory_space<hbm>> -> memref<2x8x128xi32, #tpu.memory_space<hbm>>
        %dma_start3A_347 = arith.constant 0 : i32
        %dma_start3A_348 = arith.constant 0 : i32
        %dma_start3A_349 = arith.constant 0 : i32
        %dma_start3A_350 = tpu.memref_slice %arg3[%add3A, %add3A_341, %dma_start3A_347, %dma_start3A_348, %dma_start3A_349] : memref<32x20x2x8x128xi32, #tpu.memory_space<hbm>> -> memref<1x1x2x8x128xi32, #tpu.memory_space<hbm>>
        %dma_start3A_351 = tpu.memref_squeeze %dma_start3A_350 : memref<1x1x2x8x128xi32, #tpu.memory_space<hbm>> -> memref<2x8x128xi32, #tpu.memory_space<hbm>>
        tpu.enqueue_dma source(%dma_start3A_351 : memref<2x8x128xi32, #tpu.memory_space<hbm>>) target(%arg8 : memref<2x8x128xi32, #tpu.memory_space<vmem>>) target_semaphore(%arg14 : memref<!tpu.dma_semaphore, #tpu.memory_space<semaphore_mem>>)
      } else {
      }
    }
    %scan3A_33 = arith.constant 10 : i32
    %barrier3A_34 = arith.constant 0 : index
    tpu.barrier barrier_id(%barrier3A_34)
    %mul3A_35 = arith.constant 640 : i32
    %mul3A_36 = arith.muli %arg1, %mul3A_35 : i32
    %mul3A_37 = arith.constant 640 : i32
    %mul3A_38 = arith.muli %arg1, %mul3A_37 : i32
    "tpu.region"() ({
      %run_scoped3A_39 = tpu.sem_alloc : memref<!tpu.dma_semaphore, #tpu.memory_space<semaphore_mem>>
      %dma_start3A_40 = arith.constant 0 : i32
      %dma_start3A_41 = tpu.memref_slice %arg5[%arg0, %mul3A_38, %dma_start3A_40] : memref<2x10240x128xf32, #tpu.memory_space<hbm>> -> memref<1x640x128xf32, #tpu.memory_space<hbm>>
      %dma_start3A_42 = tpu.memref_squeeze %dma_start3A_41 : memref<1x640x128xf32, #tpu.memory_space<hbm>> -> memref<640x128xf32, #tpu.memory_space<hbm>>
      %dma_start3A_43 = arith.constant 0 : i32
      %dma_start3A_44 = tpu.memref_slice %arg6[%mul3A_36, %dma_start3A_43] : memref<10240x128xf32, #tpu.memory_space<vmem_shared>> -> memref<640x128xf32, #tpu.memory_space<vmem_shared>>
      tpu.enqueue_dma source(%dma_start3A_44 : memref<640x128xf32, #tpu.memory_space<vmem_shared>>) target(%dma_start3A_42 : memref<640x128xf32, #tpu.memory_space<hbm>>) target_semaphore(%run_scoped3A_39 : memref<!tpu.dma_semaphore, #tpu.memory_space<semaphore_mem>>)
      %dma_wait3A = arith.constant 0 : i32
      %dma_wait3A_45 = tpu.memref_slice %arg5[%arg0, %mul3A_38, %dma_wait3A] : memref<2x10240x128xf32, #tpu.memory_space<hbm>> -> memref<1x640x128xf32, #tpu.memory_space<hbm>>
      %dma_wait3A_46 = tpu.memref_squeeze %dma_wait3A_45 : memref<1x640x128xf32, #tpu.memory_space<hbm>> -> memref<640x128xf32, #tpu.memory_space<hbm>>
      %dma_wait3A_47 = arith.constant 0 : i32
      %dma_wait3A_48 = tpu.memref_slice %arg6[%mul3A_36, %dma_wait3A_47] : memref<10240x128xf32, #tpu.memory_space<vmem_shared>> -> memref<640x128xf32, #tpu.memory_space<vmem_shared>>
      tpu.wait_dma2 semaphore(%run_scoped3A_39 : memref<!tpu.dma_semaphore, #tpu.memory_space<semaphore_mem>>) src(%dma_wait3A_48 : memref<640x128xf32, #tpu.memory_space<vmem_shared>>) dst(%dma_wait3A_46 : memref<640x128xf32, #tpu.memory_space<hbm>>)
      tpu.yield
    }) : () -> ()
    return
  }
}

#map = affine_map<(d0, d1) -> (0, 0)>
#map1 = affine_map<(d0, d1) -> (0, 0, 0, 0, 0)>
#map2 = affine_map<(d0, d1) -> (0, 0, 0)>
module attributes {stable_mosaic.version = 14 : i64} {
  func.func @_sc_agg(%arg0: i32, %arg1: i32, %arg2: memref<10240x128xf32, #tpu.memory_space<hbm>>, %arg3: memref<32x20x2x8x128xi32, #tpu.memory_space<hbm>>, %arg4: memref<640x128xf32, #tpu.memory_space<hbm>>, %arg5: memref<2x10240x128xf32, #tpu.memory_space<hbm>>, %arg6: memref<10240x128xf32, #tpu.memory_space<vmem_shared>>, %arg7: memref<2x8x128xi32, #tpu.memory_space<vmem>>, %arg8: memref<2x8x128xi32, #tpu.memory_space<vmem>>, %arg9: memref<128x128xf32, #tpu.memory_space<vmem>>, %arg10: memref<128x128xf32, #tpu.memory_space<vmem>>, %arg11: memref<!tpu.dma_semaphore, #tpu.memory_space<semaphore_mem>>, %arg12: memref<!tpu.dma_semaphore, #tpu.memory_space<semaphore_mem>>, %arg13: memref<!tpu.dma_semaphore, #tpu.memory_space<semaphore_mem>>, %arg14: memref<!tpu.dma_semaphore, #tpu.memory_space<semaphore_mem>>) attributes {dimension_semantics = [#tpu.dimension_semantics<core_parallel>, #tpu.dimension_semantics<subcore_parallel>], iteration_bounds = array<i64: 2, 16>, scalar_prefetch = 0 : i64, scratch_operands = 9 : i64, tpu.core_type = #tpu.core_type<sc_vector_subcore>, window_params = [{transform_indices = #map}, {transform_indices = #map1}, {transform_indices = #map}, {transform_indices = #map2}]} {
    %mul3A = arith.constant 16 : i32
    %mul3A_0 = arith.muli %arg0, %mul3A : i32
    %add3A = arith.addi %mul3A_0, %arg1 : i32
    %mul3A_1 = arith.constant 640 : i32
    %mul3A_2 = arith.muli %arg1, %mul3A_1 : i32
    "tpu.region"() ({
      %run_scoped3A_39 = tpu.sem_alloc : memref<!tpu.dma_semaphore, #tpu.memory_space<semaphore_mem>>
      %dma_start3A_40 = arith.constant 0 : i32
      %dma_start3A_41 = tpu.memref_slice %arg6[%mul3A_2, %dma_start3A_40] : memref<10240x128xf32, #tpu.memory_space<vmem_shared>> -> memref<640x128xf32, #tpu.memory_space<vmem_shared>>
      tpu.enqueue_dma source(%arg4 : memref<640x128xf32, #tpu.memory_space<hbm>>) target(%dma_start3A_41 : memref<640x128xf32, #tpu.memory_space<vmem_shared>>) target_semaphore(%run_scoped3A_39 : memref<!tpu.dma_semaphore, #tpu.memory_space<semaphore_mem>>)
      %dma_wait3A = arith.constant 0 : i32
      %dma_wait3A_42 = tpu.memref_slice %arg6[%mul3A_2, %dma_wait3A] : memref<10240x128xf32, #tpu.memory_space<vmem_shared>> -> memref<640x128xf32, #tpu.memory_space<vmem_shared>>
      tpu.wait_dma2 semaphore(%run_scoped3A_39 : memref<!tpu.dma_semaphore, #tpu.memory_space<semaphore_mem>>) src(%arg4 : memref<640x128xf32, #tpu.memory_space<hbm>>) dst(%dma_wait3A_42 : memref<640x128xf32, #tpu.memory_space<vmem_shared>>)
      tpu.yield
    }) : () -> ()
    %barrier3A = arith.constant 0 : index
    tpu.barrier barrier_id(%barrier3A)
    %run_scoped3A = arith.constant 0 : i32
    "tpu.region"() ({
      %run_scoped3A_39 = tpu.sem_alloc : memref<!tpu.dma_semaphore, #tpu.memory_space<semaphore_mem>>
      %dma_start3A_40 = arith.constant 0 : i32
      %dma_start3A_41 = arith.constant 0 : i32
      %dma_start3A_42 = arith.constant 0 : i32
      %dma_start3A_43 = tpu.memref_slice %arg3[%add3A, %run_scoped3A, %dma_start3A_40, %dma_start3A_41, %dma_start3A_42] : memref<32x20x2x8x128xi32, #tpu.memory_space<hbm>> -> memref<1x1x2x8x128xi32, #tpu.memory_space<hbm>>
      %dma_start3A_44 = tpu.memref_squeeze %dma_start3A_43 : memref<1x1x2x8x128xi32, #tpu.memory_space<hbm>> -> memref<2x8x128xi32, #tpu.memory_space<hbm>>
      %dma_start3A_45 = arith.constant 0 : i32
      %dma_start3A_46 = arith.constant 0 : i32
      %dma_start3A_47 = arith.constant 0 : i32
      %dma_start3A_48 = tpu.memref_slice %arg3[%add3A, %run_scoped3A, %dma_start3A_45, %dma_start3A_46, %dma_start3A_47] : memref<32x20x2x8x128xi32, #tpu.memory_space<hbm>> -> memref<1x1x2x8x128xi32, #tpu.memory_space<hbm>>
      %dma_start3A_49 = tpu.memref_squeeze %dma_start3A_48 : memref<1x1x2x8x128xi32, #tpu.memory_space<hbm>> -> memref<2x8x128xi32, #tpu.memory_space<hbm>>
      tpu.enqueue_dma source(%dma_start3A_49 : memref<2x8x128xi32, #tpu.memory_space<hbm>>) target(%arg7 : memref<2x8x128xi32, #tpu.memory_space<vmem>>) target_semaphore(%run_scoped3A_39 : memref<!tpu.dma_semaphore, #tpu.memory_space<semaphore_mem>>)
      %dma_wait3A = arith.constant 0 : i32
      %dma_wait3A_50 = arith.constant 0 : i32
      %dma_wait3A_51 = arith.constant 0 : i32
      %dma_wait3A_52 = tpu.memref_slice %arg3[%add3A, %run_scoped3A, %dma_wait3A, %dma_wait3A_50, %dma_wait3A_51] : memref<32x20x2x8x128xi32, #tpu.memory_space<hbm>> -> memref<1x1x2x8x128xi32, #tpu.memory_space<hbm>>
      %dma_wait3A_53 = tpu.memref_squeeze %dma_wait3A_52 : memref<1x1x2x8x128xi32, #tpu.memory_space<hbm>> -> memref<2x8x128xi32, #tpu.memory_space<hbm>>
      %dma_wait3A_54 = arith.constant 0 : i32
      %dma_wait3A_55 = arith.constant 0 : i32
      %dma_wait3A_56 = arith.constant 0 : i32
      %dma_wait3A_57 = tpu.memref_slice %arg3[%add3A, %run_scoped3A, %dma_wait3A_54, %dma_wait3A_55, %dma_wait3A_56] : memref<32x20x2x8x128xi32, #tpu.memory_space<hbm>> -> memref<1x1x2x8x128xi32, #tpu.memory_space<hbm>>
      %dma_wait3A_58 = tpu.memref_squeeze %dma_wait3A_57 : memref<1x1x2x8x128xi32, #tpu.memory_space<hbm>> -> memref<2x8x128xi32, #tpu.memory_space<hbm>>
      tpu.wait_dma2 semaphore(%run_scoped3A_39 : memref<!tpu.dma_semaphore, #tpu.memory_space<semaphore_mem>>) src(%dma_wait3A_58 : memref<2x8x128xi32, #tpu.memory_space<hbm>>) dst(%arg7 : memref<2x8x128xi32, #tpu.memory_space<vmem>>)
      tpu.yield
    }) : () -> ()
    %dma_start3A = arith.constant 1 : i32
    %dma_start3A_3 = arith.constant 0 : i32
    %dma_start3A_4 = arith.constant 0 : i32
    %dma_start3A_5 = arith.constant 0 : i32
    %dma_start3A_6 = tpu.memref_slice %arg3[%add3A, %dma_start3A, %dma_start3A_3, %dma_start3A_4, %dma_start3A_5] : memref<32x20x2x8x128xi32, #tpu.memory_space<hbm>> -> memref<1x1x2x8x128xi32, #tpu.memory_space<hbm>>
    %dma_start3A_7 = tpu.memref_squeeze %dma_start3A_6 : memref<1x1x2x8x128xi32, #tpu.memory_space<hbm>> -> memref<2x8x128xi32, #tpu.memory_space<hbm>>
    %dma_start3A_8 = arith.constant 0 : i32
    %dma_start3A_9 = arith.constant 0 : i32
    %dma_start3A_10 = arith.constant 0 : i32
    %dma_start3A_11 = tpu.memref_slice %arg3[%add3A, %dma_start3A, %dma_start3A_8, %dma_start3A_9, %dma_start3A_10] : memref<32x20x2x8x128xi32, #tpu.memory_space<hbm>> -> memref<1x1x2x8x128xi32, #tpu.memory_space<hbm>>
    %dma_start3A_12 = tpu.memref_squeeze %dma_start3A_11 : memref<1x1x2x8x128xi32, #tpu.memory_space<hbm>> -> memref<2x8x128xi32, #tpu.memory_space<hbm>>
    tpu.enqueue_dma source(%dma_start3A_12 : memref<2x8x128xi32, #tpu.memory_space<hbm>>) target(%arg8 : memref<2x8x128xi32, #tpu.memory_space<vmem>>) target_semaphore(%arg14 : memref<!tpu.dma_semaphore, #tpu.memory_space<semaphore_mem>>)
    %dma_start3A_13 = arith.constant 0 : i32
    %dma_start3A_14 = arith.constant 0 : i32
    %dma_start3A_15 = arith.constant 0 : i32
    %dma_start3A_16 = tpu.memref_slice %arg7[%dma_start3A_13, %dma_start3A_14, %dma_start3A_15] : memref<2x8x128xi32, #tpu.memory_space<vmem>> -> memref<1x1x128xi32, #tpu.memory_space<vmem>>
    %dma_start3A_17 = tpu.memref_squeeze %dma_start3A_16 : memref<1x1x128xi32, #tpu.memory_space<vmem>> -> memref<128xi32, #tpu.memory_space<vmem>>
    %dma_start3A_18 = arith.constant 0 : i32
    %dma_start3A_19 = arith.constant 0 : i32
    %dma_start3A_20 = tpu.memref_slice %arg2[%dma_start3A_18, %dma_start3A_19] : memref<10240x128xf32, #tpu.memory_space<hbm>> -> memref<10240x128xf32, #tpu.memory_space<hbm>>
    tpu.enqueue_indirect_dma source(%dma_start3A_20 : memref<10240x128xf32, #tpu.memory_space<hbm>>) target(%arg9 : memref<128x128xf32, #tpu.memory_space<vmem>>) offsets(%dma_start3A_17 : memref<128xi32, #tpu.memory_space<vmem>>) semaphore(%arg11 : memref<!tpu.dma_semaphore, #tpu.memory_space<semaphore_mem>>)
    %dma_start3A_21 = arith.constant 0 : i32
    %dma_start3A_22 = arith.constant 1 : i32
    %dma_start3A_23 = arith.constant 0 : i32
    %dma_start3A_24 = tpu.memref_slice %arg7[%dma_start3A_21, %dma_start3A_22, %dma_start3A_23] : memref<2x8x128xi32, #tpu.memory_space<vmem>> -> memref<1x1x128xi32, #tpu.memory_space<vmem>>
    %dma_start3A_25 = tpu.memref_squeeze %dma_start3A_24 : memref<1x1x128xi32, #tpu.memory_space<vmem>> -> memref<128xi32, #tpu.memory_space<vmem>>
    %dma_start3A_26 = arith.constant 0 : i32
    %dma_start3A_27 = arith.constant 0 : i32
    %dma_start3A_28 = tpu.memref_slice %arg2[%dma_start3A_26, %dma_start3A_27] : memref<10240x128xf32, #tpu.memory_space<hbm>> -> memref<10240x128xf32, #tpu.memory_space<hbm>>
    tpu.enqueue_indirect_dma source(%dma_start3A_28 : memref<10240x128xf32, #tpu.memory_space<hbm>>) target(%arg10 : memref<128x128xf32, #tpu.memory_space<vmem>>) offsets(%dma_start3A_25 : memref<128xi32, #tpu.memory_space<vmem>>) semaphore(%arg12 : memref<!tpu.dma_semaphore, #tpu.memory_space<semaphore_mem>>)
    %scan3A = arith.constant 0 : i32
    %scan3A_29 = arith.constant 0 : i32
    %scan3A_30 = arith.constant 10 : i32
    %scan3A_31 = arith.addi %scan3A_29, %scan3A_30 : i32
    %scan3A_32 = arith.constant 1 : i32
    scf.for %scan3A_39 = %scan3A_29 to %scan3A_31 step %scan3A_32  : i32 {
      %mul3A_40 = arith.constant 2 : i32
      %mul3A_41 = arith.muli %mul3A_40, %scan3A_39 : i32
      %add3A_42 = arith.constant 2 : i32
      %add3A_43 = arith.addi %mul3A_41, %add3A_42 : i32
      %lt3A = arith.constant 20 : i32
      %lt3A_44 = arith.cmpi slt, %add3A_43, %lt3A : i32
      %dma_wait3A = arith.constant 0 : i32
      %dma_wait3A_45 = arith.constant 0 : i32
      %dma_wait3A_46 = arith.constant 0 : i32
      %dma_wait3A_47 = tpu.memref_slice %arg7[%dma_wait3A, %dma_wait3A_45, %dma_wait3A_46] : memref<2x8x128xi32, #tpu.memory_space<vmem>> -> memref<1x1x128xi32, #tpu.memory_space<vmem>>
      %dma_wait3A_48 = tpu.memref_squeeze %dma_wait3A_47 : memref<1x1x128xi32, #tpu.memory_space<vmem>> -> memref<128xi32, #tpu.memory_space<vmem>>
      %dma_wait3A_49 = arith.constant 0 : i32
      %dma_wait3A_50 = arith.constant 0 : i32
      %dma_wait3A_51 = tpu.memref_slice %arg2[%dma_wait3A_49, %dma_wait3A_50] : memref<10240x128xf32, #tpu.memory_space<hbm>> -> memref<10240x128xf32, #tpu.memory_space<hbm>>
      tpu.wait_indirect_dma semaphore(%arg11 : memref<!tpu.dma_semaphore, #tpu.memory_space<semaphore_mem>>) src(%dma_wait3A_51 : memref<10240x128xf32, #tpu.memory_space<hbm>>) dst(%arg9 : memref<128x128xf32, #tpu.memory_space<vmem>>)
      %run_scoped3A_52 = arith.constant 1 : i32
      %run_scoped3A_53 = arith.constant 0 : i32
      "tpu.region"() ({
        %run_scoped3A_340 = tpu.sem_alloc : memref<!tpu.dma_semaphore, #tpu.memory_space<semaphore_mem>>
        %dma_start3A_341 = arith.constant 0 : i32
        %dma_start3A_342 = tpu.memref_slice %arg7[%run_scoped3A_52, %run_scoped3A_53, %dma_start3A_341] : memref<2x8x128xi32, #tpu.memory_space<vmem>> -> memref<1x1x128xi32, #tpu.memory_space<vmem>>
        %dma_start3A_343 = tpu.memref_squeeze %dma_start3A_342 : memref<1x1x128xi32, #tpu.memory_space<vmem>> -> memref<128xi32, #tpu.memory_space<vmem>>
        %dma_start3A_344 = arith.constant 0 : i32
        %dma_start3A_345 = arith.constant 0 : i32
        %dma_start3A_346 = tpu.memref_slice %arg6[%dma_start3A_344, %dma_start3A_345] : memref<10240x128xf32, #tpu.memory_space<vmem_shared>> -> memref<10240x128xf32, #tpu.memory_space<vmem_shared>>
        tpu.enqueue_indirect_dma source(%arg9 : memref<128x128xf32, #tpu.memory_space<vmem>>) target(%dma_start3A_346 : memref<10240x128xf32, #tpu.memory_space<vmem_shared>>) offsets(%dma_start3A_343 : memref<128xi32, #tpu.memory_space<vmem>>) semaphore(%run_scoped3A_340 : memref<!tpu.dma_semaphore, #tpu.memory_space<semaphore_mem>>) {add = true}
        %dma_wait3A_347 = arith.constant 0 : i32
        %dma_wait3A_348 = tpu.memref_slice %arg7[%run_scoped3A_52, %run_scoped3A_53, %dma_wait3A_347] : memref<2x8x128xi32, #tpu.memory_space<vmem>> -> memref<1x1x128xi32, #tpu.memory_space<vmem>>
        %dma_wait3A_349 = tpu.memref_squeeze %dma_wait3A_348 : memref<1x1x128xi32, #tpu.memory_space<vmem>> -> memref<128xi32, #tpu.memory_space<vmem>>
        %dma_wait3A_350 = arith.constant 0 : i32
        %dma_wait3A_351 = arith.constant 0 : i32
        %dma_wait3A_352 = tpu.memref_slice %arg6[%dma_wait3A_350, %dma_wait3A_351] : memref<10240x128xf32, #tpu.memory_space<vmem_shared>> -> memref<10240x128xf32, #tpu.memory_space<vmem_shared>>
        tpu.wait_indirect_dma semaphore(%run_scoped3A_340 : memref<!tpu.dma_semaphore, #tpu.memory_space<semaphore_mem>>) src(%arg9 : memref<128x128xf32, #tpu.memory_space<vmem>>) dst(%dma_wait3A_352 : memref<10240x128xf32, #tpu.memory_space<vmem_shared>>)
        tpu.yield
      }) : () -> ()
      %dma_start3A_54 = arith.constant 0 : i32
      %dma_start3A_55 = arith.constant 2 : i32
      %dma_start3A_56 = arith.constant 0 : i32
      %dma_start3A_57 = tpu.memref_slice %arg7[%dma_start3A_54, %dma_start3A_55, %dma_start3A_56] : memref<2x8x128xi32, #tpu.memory_space<vmem>> -> memref<1x1x128xi32, #tpu.memory_space<vmem>>
      %dma_start3A_58 = tpu.memref_squeeze %dma_start3A_57 : memref<1x1x128xi32, #tpu.memory_space<vmem>> -> memref<128xi32, #tpu.memory_space<vmem>>
      %dma_start3A_59 = arith.constant 0 : i32
      %dma_start3A_60 = arith.constant 0 : i32
      %dma_start3A_61 = tpu.memref_slice %arg2[%dma_start3A_59, %dma_start3A_60] : memref<10240x128xf32, #tpu.memory_space<hbm>> -> memref<10240x128xf32, #tpu.memory_space<hbm>>
      tpu.enqueue_indirect_dma source(%dma_start3A_61 : memref<10240x128xf32, #tpu.memory_space<hbm>>) target(%arg9 : memref<128x128xf32, #tpu.memory_space<vmem>>) offsets(%dma_start3A_58 : memref<128xi32, #tpu.memory_space<vmem>>) semaphore(%arg11 : memref<!tpu.dma_semaphore, #tpu.memory_space<semaphore_mem>>)
      %dma_wait3A_62 = arith.constant 0 : i32
      %dma_wait3A_63 = arith.constant 0 : i32
      %dma_wait3A_64 = arith.constant 0 : i32
      %dma_wait3A_65 = tpu.memref_slice %arg7[%dma_wait3A_62, %dma_wait3A_63, %dma_wait3A_64] : memref<2x8x128xi32, #tpu.memory_space<vmem>> -> memref<1x1x128xi32, #tpu.memory_space<vmem>>
      %dma_wait3A_66 = tpu.memref_squeeze %dma_wait3A_65 : memref<1x1x128xi32, #tpu.memory_space<vmem>> -> memref<128xi32, #tpu.memory_space<vmem>>
      %dma_wait3A_67 = arith.constant 0 : i32
      %dma_wait3A_68 = arith.constant 0 : i32
      %dma_wait3A_69 = tpu.memref_slice %arg2[%dma_wait3A_67, %dma_wait3A_68] : memref<10240x128xf32, #tpu.memory_space<hbm>> -> memref<10240x128xf32, #tpu.memory_space<hbm>>
      tpu.wait_indirect_dma semaphore(%arg12 : memref<!tpu.dma_semaphore, #tpu.memory_space<semaphore_mem>>) src(%dma_wait3A_69 : memref<10240x128xf32, #tpu.memory_space<hbm>>) dst(%arg10 : memref<128x128xf32, #tpu.memory_space<vmem>>)
      %run_scoped3A_70 = arith.constant 1 : i32
      %run_scoped3A_71 = arith.constant 1 : i32
      "tpu.region"() ({
        %run_scoped3A_340 = tpu.sem_alloc : memref<!tpu.dma_semaphore, #tpu.memory_space<semaphore_mem>>
        %dma_start3A_341 = arith.constant 0 : i32
        %dma_start3A_342 = tpu.memref_slice %arg7[%run_scoped3A_70, %run_scoped3A_71, %dma_start3A_341] : memref<2x8x128xi32, #tpu.memory_space<vmem>> -> memref<1x1x128xi32, #tpu.memory_space<vmem>>
        %dma_start3A_343 = tpu.memref_squeeze %dma_start3A_342 : memref<1x1x128xi32, #tpu.memory_space<vmem>> -> memref<128xi32, #tpu.memory_space<vmem>>
        %dma_start3A_344 = arith.constant 0 : i32
        %dma_start3A_345 = arith.constant 0 : i32
        %dma_start3A_346 = tpu.memref_slice %arg6[%dma_start3A_344, %dma_start3A_345] : memref<10240x128xf32, #tpu.memory_space<vmem_shared>> -> memref<10240x128xf32, #tpu.memory_space<vmem_shared>>
        tpu.enqueue_indirect_dma source(%arg10 : memref<128x128xf32, #tpu.memory_space<vmem>>) target(%dma_start3A_346 : memref<10240x128xf32, #tpu.memory_space<vmem_shared>>) offsets(%dma_start3A_343 : memref<128xi32, #tpu.memory_space<vmem>>) semaphore(%run_scoped3A_340 : memref<!tpu.dma_semaphore, #tpu.memory_space<semaphore_mem>>) {add = true}
        %dma_wait3A_347 = arith.constant 0 : i32
        %dma_wait3A_348 = tpu.memref_slice %arg7[%run_scoped3A_70, %run_scoped3A_71, %dma_wait3A_347] : memref<2x8x128xi32, #tpu.memory_space<vmem>> -> memref<1x1x128xi32, #tpu.memory_space<vmem>>
        %dma_wait3A_349 = tpu.memref_squeeze %dma_wait3A_348 : memref<1x1x128xi32, #tpu.memory_space<vmem>> -> memref<128xi32, #tpu.memory_space<vmem>>
        %dma_wait3A_350 = arith.constant 0 : i32
        %dma_wait3A_351 = arith.constant 0 : i32
        %dma_wait3A_352 = tpu.memref_slice %arg6[%dma_wait3A_350, %dma_wait3A_351] : memref<10240x128xf32, #tpu.memory_space<vmem_shared>> -> memref<10240x128xf32, #tpu.memory_space<vmem_shared>>
        tpu.wait_indirect_dma semaphore(%run_scoped3A_340 : memref<!tpu.dma_semaphore, #tpu.memory_space<semaphore_mem>>) src(%arg10 : memref<128x128xf32, #tpu.memory_space<vmem>>) dst(%dma_wait3A_352 : memref<10240x128xf32, #tpu.memory_space<vmem_shared>>)
        tpu.yield
      }) : () -> ()
      %dma_start3A_72 = arith.constant 0 : i32
      %dma_start3A_73 = arith.constant 3 : i32
      %dma_start3A_74 = arith.constant 0 : i32
      %dma_start3A_75 = tpu.memref_slice %arg7[%dma_start3A_72, %dma_start3A_73, %dma_start3A_74] : memref<2x8x128xi32, #tpu.memory_space<vmem>> -> memref<1x1x128xi32, #tpu.memory_space<vmem>>
      %dma_start3A_76 = tpu.memref_squeeze %dma_start3A_75 : memref<1x1x128xi32, #tpu.memory_space<vmem>> -> memref<128xi32, #tpu.memory_space<vmem>>
      %dma_start3A_77 = arith.constant 0 : i32
      %dma_start3A_78 = arith.constant 0 : i32
      %dma_start3A_79 = tpu.memref_slice %arg2[%dma_start3A_77, %dma_start3A_78] : memref<10240x128xf32, #tpu.memory_space<hbm>> -> memref<10240x128xf32, #tpu.memory_space<hbm>>
      tpu.enqueue_indirect_dma source(%dma_start3A_79 : memref<10240x128xf32, #tpu.memory_space<hbm>>) target(%arg10 : memref<128x128xf32, #tpu.memory_space<vmem>>) offsets(%dma_start3A_76 : memref<128xi32, #tpu.memory_space<vmem>>) semaphore(%arg12 : memref<!tpu.dma_semaphore, #tpu.memory_space<semaphore_mem>>)
      %dma_wait3A_80 = arith.constant 0 : i32
      %dma_wait3A_81 = arith.constant 0 : i32
      %dma_wait3A_82 = arith.constant 0 : i32
      %dma_wait3A_83 = tpu.memref_slice %arg7[%dma_wait3A_80, %dma_wait3A_81, %dma_wait3A_82] : memref<2x8x128xi32, #tpu.memory_space<vmem>> -> memref<1x1x128xi32, #tpu.memory_space<vmem>>
      %dma_wait3A_84 = tpu.memref_squeeze %dma_wait3A_83 : memref<1x1x128xi32, #tpu.memory_space<vmem>> -> memref<128xi32, #tpu.memory_space<vmem>>
      %dma_wait3A_85 = arith.constant 0 : i32
      %dma_wait3A_86 = arith.constant 0 : i32
      %dma_wait3A_87 = tpu.memref_slice %arg2[%dma_wait3A_85, %dma_wait3A_86] : memref<10240x128xf32, #tpu.memory_space<hbm>> -> memref<10240x128xf32, #tpu.memory_space<hbm>>
      tpu.wait_indirect_dma semaphore(%arg11 : memref<!tpu.dma_semaphore, #tpu.memory_space<semaphore_mem>>) src(%dma_wait3A_87 : memref<10240x128xf32, #tpu.memory_space<hbm>>) dst(%arg9 : memref<128x128xf32, #tpu.memory_space<vmem>>)
      %run_scoped3A_88 = arith.constant 1 : i32
      %run_scoped3A_89 = arith.constant 2 : i32
      "tpu.region"() ({
        %run_scoped3A_340 = tpu.sem_alloc : memref<!tpu.dma_semaphore, #tpu.memory_space<semaphore_mem>>
        %dma_start3A_341 = arith.constant 0 : i32
        %dma_start3A_342 = tpu.memref_slice %arg7[%run_scoped3A_88, %run_scoped3A_89, %dma_start3A_341] : memref<2x8x128xi32, #tpu.memory_space<vmem>> -> memref<1x1x128xi32, #tpu.memory_space<vmem>>
        %dma_start3A_343 = tpu.memref_squeeze %dma_start3A_342 : memref<1x1x128xi32, #tpu.memory_space<vmem>> -> memref<128xi32, #tpu.memory_space<vmem>>
        %dma_start3A_344 = arith.constant 0 : i32
        %dma_start3A_345 = arith.constant 0 : i32
        %dma_start3A_346 = tpu.memref_slice %arg6[%dma_start3A_344, %dma_start3A_345] : memref<10240x128xf32, #tpu.memory_space<vmem_shared>> -> memref<10240x128xf32, #tpu.memory_space<vmem_shared>>
        tpu.enqueue_indirect_dma source(%arg9 : memref<128x128xf32, #tpu.memory_space<vmem>>) target(%dma_start3A_346 : memref<10240x128xf32, #tpu.memory_space<vmem_shared>>) offsets(%dma_start3A_343 : memref<128xi32, #tpu.memory_space<vmem>>) semaphore(%run_scoped3A_340 : memref<!tpu.dma_semaphore, #tpu.memory_space<semaphore_mem>>) {add = true}
        %dma_wait3A_347 = arith.constant 0 : i32
        %dma_wait3A_348 = tpu.memref_slice %arg7[%run_scoped3A_88, %run_scoped3A_89, %dma_wait3A_347] : memref<2x8x128xi32, #tpu.memory_space<vmem>> -> memref<1x1x128xi32, #tpu.memory_space<vmem>>
        %dma_wait3A_349 = tpu.memref_squeeze %dma_wait3A_348 : memref<1x1x128xi32, #tpu.memory_space<vmem>> -> memref<128xi32, #tpu.memory_space<vmem>>
        %dma_wait3A_350 = arith.constant 0 : i32
        %dma_wait3A_351 = arith.constant 0 : i32
        %dma_wait3A_352 = tpu.memref_slice %arg6[%dma_wait3A_350, %dma_wait3A_351] : memref<10240x128xf32, #tpu.memory_space<vmem_shared>> -> memref<10240x128xf32, #tpu.memory_space<vmem_shared>>
        tpu.wait_indirect_dma semaphore(%run_scoped3A_340 : memref<!tpu.dma_semaphore, #tpu.memory_space<semaphore_mem>>) src(%arg9 : memref<128x128xf32, #tpu.memory_space<vmem>>) dst(%dma_wait3A_352 : memref<10240x128xf32, #tpu.memory_space<vmem_shared>>)
        tpu.yield
      }) : () -> ()
      %dma_start3A_90 = arith.constant 0 : i32
      %dma_start3A_91 = arith.constant 4 : i32
      %dma_start3A_92 = arith.constant 0 : i32
      %dma_start3A_93 = tpu.memref_slice %arg7[%dma_start3A_90, %dma_start3A_91, %dma_start3A_92] : memref<2x8x128xi32, #tpu.memory_space<vmem>> -> memref<1x1x128xi32, #tpu.memory_space<vmem>>
      %dma_start3A_94 = tpu.memref_squeeze %dma_start3A_93 : memref<1x1x128xi32, #tpu.memory_space<vmem>> -> memref<128xi32, #tpu.memory_space<vmem>>
      %dma_start3A_95 = arith.constant 0 : i32
      %dma_start3A_96 = arith.constant 0 : i32
      %dma_start3A_97 = tpu.memref_slice %arg2[%dma_start3A_95, %dma_start3A_96] : memref<10240x128xf32, #tpu.memory_space<hbm>> -> memref<10240x128xf32, #tpu.memory_space<hbm>>
      tpu.enqueue_indirect_dma source(%dma_start3A_97 : memref<10240x128xf32, #tpu.memory_space<hbm>>) target(%arg9 : memref<128x128xf32, #tpu.memory_space<vmem>>) offsets(%dma_start3A_94 : memref<128xi32, #tpu.memory_space<vmem>>) semaphore(%arg11 : memref<!tpu.dma_semaphore, #tpu.memory_space<semaphore_mem>>)
      %dma_wait3A_98 = arith.constant 0 : i32
      %dma_wait3A_99 = arith.constant 0 : i32
      %dma_wait3A_100 = arith.constant 0 : i32
      %dma_wait3A_101 = tpu.memref_slice %arg7[%dma_wait3A_98, %dma_wait3A_99, %dma_wait3A_100] : memref<2x8x128xi32, #tpu.memory_space<vmem>> -> memref<1x1x128xi32, #tpu.memory_space<vmem>>
      %dma_wait3A_102 = tpu.memref_squeeze %dma_wait3A_101 : memref<1x1x128xi32, #tpu.memory_space<vmem>> -> memref<128xi32, #tpu.memory_space<vmem>>
      %dma_wait3A_103 = arith.constant 0 : i32
      %dma_wait3A_104 = arith.constant 0 : i32
      %dma_wait3A_105 = tpu.memref_slice %arg2[%dma_wait3A_103, %dma_wait3A_104] : memref<10240x128xf32, #tpu.memory_space<hbm>> -> memref<10240x128xf32, #tpu.memory_space<hbm>>
      tpu.wait_indirect_dma semaphore(%arg12 : memref<!tpu.dma_semaphore, #tpu.memory_space<semaphore_mem>>) src(%dma_wait3A_105 : memref<10240x128xf32, #tpu.memory_space<hbm>>) dst(%arg10 : memref<128x128xf32, #tpu.memory_space<vmem>>)
      %run_scoped3A_106 = arith.constant 1 : i32
      %run_scoped3A_107 = arith.constant 3 : i32
      "tpu.region"() ({
        %run_scoped3A_340 = tpu.sem_alloc : memref<!tpu.dma_semaphore, #tpu.memory_space<semaphore_mem>>
        %dma_start3A_341 = arith.constant 0 : i32
        %dma_start3A_342 = tpu.memref_slice %arg7[%run_scoped3A_106, %run_scoped3A_107, %dma_start3A_341] : memref<2x8x128xi32, #tpu.memory_space<vmem>> -> memref<1x1x128xi32, #tpu.memory_space<vmem>>
        %dma_start3A_343 = tpu.memref_squeeze %dma_start3A_342 : memref<1x1x128xi32, #tpu.memory_space<vmem>> -> memref<128xi32, #tpu.memory_space<vmem>>
        %dma_start3A_344 = arith.constant 0 : i32
        %dma_start3A_345 = arith.constant 0 : i32
        %dma_start3A_346 = tpu.memref_slice %arg6[%dma_start3A_344, %dma_start3A_345] : memref<10240x128xf32, #tpu.memory_space<vmem_shared>> -> memref<10240x128xf32, #tpu.memory_space<vmem_shared>>
        tpu.enqueue_indirect_dma source(%arg10 : memref<128x128xf32, #tpu.memory_space<vmem>>) target(%dma_start3A_346 : memref<10240x128xf32, #tpu.memory_space<vmem_shared>>) offsets(%dma_start3A_343 : memref<128xi32, #tpu.memory_space<vmem>>) semaphore(%run_scoped3A_340 : memref<!tpu.dma_semaphore, #tpu.memory_space<semaphore_mem>>) {add = true}
        %dma_wait3A_347 = arith.constant 0 : i32
        %dma_wait3A_348 = tpu.memref_slice %arg7[%run_scoped3A_106, %run_scoped3A_107, %dma_wait3A_347] : memref<2x8x128xi32, #tpu.memory_space<vmem>> -> memref<1x1x128xi32, #tpu.memory_space<vmem>>
        %dma_wait3A_349 = tpu.memref_squeeze %dma_wait3A_348 : memref<1x1x128xi32, #tpu.memory_space<vmem>> -> memref<128xi32, #tpu.memory_space<vmem>>
        %dma_wait3A_350 = arith.constant 0 : i32
        %dma_wait3A_351 = arith.constant 0 : i32
        %dma_wait3A_352 = tpu.memref_slice %arg6[%dma_wait3A_350, %dma_wait3A_351] : memref<10240x128xf32, #tpu.memory_space<vmem_shared>> -> memref<10240x128xf32, #tpu.memory_space<vmem_shared>>
        tpu.wait_indirect_dma semaphore(%run_scoped3A_340 : memref<!tpu.dma_semaphore, #tpu.memory_space<semaphore_mem>>) src(%arg10 : memref<128x128xf32, #tpu.memory_space<vmem>>) dst(%dma_wait3A_352 : memref<10240x128xf32, #tpu.memory_space<vmem_shared>>)
        tpu.yield
      }) : () -> ()
      %dma_start3A_108 = arith.constant 0 : i32
      %dma_start3A_109 = arith.constant 5 : i32
      %dma_start3A_110 = arith.constant 0 : i32
      %dma_start3A_111 = tpu.memref_slice %arg7[%dma_start3A_108, %dma_start3A_109, %dma_start3A_110] : memref<2x8x128xi32, #tpu.memory_space<vmem>> -> memref<1x1x128xi32, #tpu.memory_space<vmem>>
      %dma_start3A_112 = tpu.memref_squeeze %dma_start3A_111 : memref<1x1x128xi32, #tpu.memory_space<vmem>> -> memref<128xi32, #tpu.memory_space<vmem>>
      %dma_start3A_113 = arith.constant 0 : i32
      %dma_start3A_114 = arith.constant 0 : i32
      %dma_start3A_115 = tpu.memref_slice %arg2[%dma_start3A_113, %dma_start3A_114] : memref<10240x128xf32, #tpu.memory_space<hbm>> -> memref<10240x128xf32, #tpu.memory_space<hbm>>
      tpu.enqueue_indirect_dma source(%dma_start3A_115 : memref<10240x128xf32, #tpu.memory_space<hbm>>) target(%arg10 : memref<128x128xf32, #tpu.memory_space<vmem>>) offsets(%dma_start3A_112 : memref<128xi32, #tpu.memory_space<vmem>>) semaphore(%arg12 : memref<!tpu.dma_semaphore, #tpu.memory_space<semaphore_mem>>)
      %dma_wait3A_116 = arith.constant 0 : i32
      %dma_wait3A_117 = arith.constant 0 : i32
      %dma_wait3A_118 = arith.constant 0 : i32
      %dma_wait3A_119 = tpu.memref_slice %arg7[%dma_wait3A_116, %dma_wait3A_117, %dma_wait3A_118] : memref<2x8x128xi32, #tpu.memory_space<vmem>> -> memref<1x1x128xi32, #tpu.memory_space<vmem>>
      %dma_wait3A_120 = tpu.memref_squeeze %dma_wait3A_119 : memref<1x1x128xi32, #tpu.memory_space<vmem>> -> memref<128xi32, #tpu.memory_space<vmem>>
      %dma_wait3A_121 = arith.constant 0 : i32
      %dma_wait3A_122 = arith.constant 0 : i32
      %dma_wait3A_123 = tpu.memref_slice %arg2[%dma_wait3A_121, %dma_wait3A_122] : memref<10240x128xf32, #tpu.memory_space<hbm>> -> memref<10240x128xf32, #tpu.memory_space<hbm>>
      tpu.wait_indirect_dma semaphore(%arg11 : memref<!tpu.dma_semaphore, #tpu.memory_space<semaphore_mem>>) src(%dma_wait3A_123 : memref<10240x128xf32, #tpu.memory_space<hbm>>) dst(%arg9 : memref<128x128xf32, #tpu.memory_space<vmem>>)
      %run_scoped3A_124 = arith.constant 1 : i32
      %run_scoped3A_125 = arith.constant 4 : i32
      "tpu.region"() ({
        %run_scoped3A_340 = tpu.sem_alloc : memref<!tpu.dma_semaphore, #tpu.memory_space<semaphore_mem>>
        %dma_start3A_341 = arith.constant 0 : i32
        %dma_start3A_342 = tpu.memref_slice %arg7[%run_scoped3A_124, %run_scoped3A_125, %dma_start3A_341] : memref<2x8x128xi32, #tpu.memory_space<vmem>> -> memref<1x1x128xi32, #tpu.memory_space<vmem>>
        %dma_start3A_343 = tpu.memref_squeeze %dma_start3A_342 : memref<1x1x128xi32, #tpu.memory_space<vmem>> -> memref<128xi32, #tpu.memory_space<vmem>>
        %dma_start3A_344 = arith.constant 0 : i32
        %dma_start3A_345 = arith.constant 0 : i32
        %dma_start3A_346 = tpu.memref_slice %arg6[%dma_start3A_344, %dma_start3A_345] : memref<10240x128xf32, #tpu.memory_space<vmem_shared>> -> memref<10240x128xf32, #tpu.memory_space<vmem_shared>>
        tpu.enqueue_indirect_dma source(%arg9 : memref<128x128xf32, #tpu.memory_space<vmem>>) target(%dma_start3A_346 : memref<10240x128xf32, #tpu.memory_space<vmem_shared>>) offsets(%dma_start3A_343 : memref<128xi32, #tpu.memory_space<vmem>>) semaphore(%run_scoped3A_340 : memref<!tpu.dma_semaphore, #tpu.memory_space<semaphore_mem>>) {add = true}
        %dma_wait3A_347 = arith.constant 0 : i32
        %dma_wait3A_348 = tpu.memref_slice %arg7[%run_scoped3A_124, %run_scoped3A_125, %dma_wait3A_347] : memref<2x8x128xi32, #tpu.memory_space<vmem>> -> memref<1x1x128xi32, #tpu.memory_space<vmem>>
        %dma_wait3A_349 = tpu.memref_squeeze %dma_wait3A_348 : memref<1x1x128xi32, #tpu.memory_space<vmem>> -> memref<128xi32, #tpu.memory_space<vmem>>
        %dma_wait3A_350 = arith.constant 0 : i32
        %dma_wait3A_351 = arith.constant 0 : i32
        %dma_wait3A_352 = tpu.memref_slice %arg6[%dma_wait3A_350, %dma_wait3A_351] : memref<10240x128xf32, #tpu.memory_space<vmem_shared>> -> memref<10240x128xf32, #tpu.memory_space<vmem_shared>>
        tpu.wait_indirect_dma semaphore(%run_scoped3A_340 : memref<!tpu.dma_semaphore, #tpu.memory_space<semaphore_mem>>) src(%arg9 : memref<128x128xf32, #tpu.memory_space<vmem>>) dst(%dma_wait3A_352 : memref<10240x128xf32, #tpu.memory_space<vmem_shared>>)
        tpu.yield
      }) : () -> ()
      %dma_start3A_126 = arith.constant 0 : i32
      %dma_start3A_127 = arith.constant 6 : i32
      %dma_start3A_128 = arith.constant 0 : i32
      %dma_start3A_129 = tpu.memref_slice %arg7[%dma_start3A_126, %dma_start3A_127, %dma_start3A_128] : memref<2x8x128xi32, #tpu.memory_space<vmem>> -> memref<1x1x128xi32, #tpu.memory_space<vmem>>
      %dma_start3A_130 = tpu.memref_squeeze %dma_start3A_129 : memref<1x1x128xi32, #tpu.memory_space<vmem>> -> memref<128xi32, #tpu.memory_space<vmem>>
      %dma_start3A_131 = arith.constant 0 : i32
      %dma_start3A_132 = arith.constant 0 : i32
      %dma_start3A_133 = tpu.memref_slice %arg2[%dma_start3A_131, %dma_start3A_132] : memref<10240x128xf32, #tpu.memory_space<hbm>> -> memref<10240x128xf32, #tpu.memory_space<hbm>>
      tpu.enqueue_indirect_dma source(%dma_start3A_133 : memref<10240x128xf32, #tpu.memory_space<hbm>>) target(%arg9 : memref<128x128xf32, #tpu.memory_space<vmem>>) offsets(%dma_start3A_130 : memref<128xi32, #tpu.memory_space<vmem>>) semaphore(%arg11 : memref<!tpu.dma_semaphore, #tpu.memory_space<semaphore_mem>>)
      %dma_wait3A_134 = arith.constant 0 : i32
      %dma_wait3A_135 = arith.constant 0 : i32
      %dma_wait3A_136 = arith.constant 0 : i32
      %dma_wait3A_137 = tpu.memref_slice %arg7[%dma_wait3A_134, %dma_wait3A_135, %dma_wait3A_136] : memref<2x8x128xi32, #tpu.memory_space<vmem>> -> memref<1x1x128xi32, #tpu.memory_space<vmem>>
      %dma_wait3A_138 = tpu.memref_squeeze %dma_wait3A_137 : memref<1x1x128xi32, #tpu.memory_space<vmem>> -> memref<128xi32, #tpu.memory_space<vmem>>
      %dma_wait3A_139 = arith.constant 0 : i32
      %dma_wait3A_140 = arith.constant 0 : i32
      %dma_wait3A_141 = tpu.memref_slice %arg2[%dma_wait3A_139, %dma_wait3A_140] : memref<10240x128xf32, #tpu.memory_space<hbm>> -> memref<10240x128xf32, #tpu.memory_space<hbm>>
      tpu.wait_indirect_dma semaphore(%arg12 : memref<!tpu.dma_semaphore, #tpu.memory_space<semaphore_mem>>) src(%dma_wait3A_141 : memref<10240x128xf32, #tpu.memory_space<hbm>>) dst(%arg10 : memref<128x128xf32, #tpu.memory_space<vmem>>)
      %run_scoped3A_142 = arith.constant 1 : i32
      %run_scoped3A_143 = arith.constant 5 : i32
      "tpu.region"() ({
        %run_scoped3A_340 = tpu.sem_alloc : memref<!tpu.dma_semaphore, #tpu.memory_space<semaphore_mem>>
        %dma_start3A_341 = arith.constant 0 : i32
        %dma_start3A_342 = tpu.memref_slice %arg7[%run_scoped3A_142, %run_scoped3A_143, %dma_start3A_341] : memref<2x8x128xi32, #tpu.memory_space<vmem>> -> memref<1x1x128xi32, #tpu.memory_space<vmem>>
        %dma_start3A_343 = tpu.memref_squeeze %dma_start3A_342 : memref<1x1x128xi32, #tpu.memory_space<vmem>> -> memref<128xi32, #tpu.memory_space<vmem>>
        %dma_start3A_344 = arith.constant 0 : i32
        %dma_start3A_345 = arith.constant 0 : i32
        %dma_start3A_346 = tpu.memref_slice %arg6[%dma_start3A_344, %dma_start3A_345] : memref<10240x128xf32, #tpu.memory_space<vmem_shared>> -> memref<10240x128xf32, #tpu.memory_space<vmem_shared>>
        tpu.enqueue_indirect_dma source(%arg10 : memref<128x128xf32, #tpu.memory_space<vmem>>) target(%dma_start3A_346 : memref<10240x128xf32, #tpu.memory_space<vmem_shared>>) offsets(%dma_start3A_343 : memref<128xi32, #tpu.memory_space<vmem>>) semaphore(%run_scoped3A_340 : memref<!tpu.dma_semaphore, #tpu.memory_space<semaphore_mem>>) {add = true}
        %dma_wait3A_347 = arith.constant 0 : i32
        %dma_wait3A_348 = tpu.memref_slice %arg7[%run_scoped3A_142, %run_scoped3A_143, %dma_wait3A_347] : memref<2x8x128xi32, #tpu.memory_space<vmem>> -> memref<1x1x128xi32, #tpu.memory_space<vmem>>
        %dma_wait3A_349 = tpu.memref_squeeze %dma_wait3A_348 : memref<1x1x128xi32, #tpu.memory_space<vmem>> -> memref<128xi32, #tpu.memory_space<vmem>>
        %dma_wait3A_350 = arith.constant 0 : i32
        %dma_wait3A_351 = arith.constant 0 : i32
        %dma_wait3A_352 = tpu.memref_slice %arg6[%dma_wait3A_350, %dma_wait3A_351] : memref<10240x128xf32, #tpu.memory_space<vmem_shared>> -> memref<10240x128xf32, #tpu.memory_space<vmem_shared>>
        tpu.wait_indirect_dma semaphore(%run_scoped3A_340 : memref<!tpu.dma_semaphore, #tpu.memory_space<semaphore_mem>>) src(%arg10 : memref<128x128xf32, #tpu.memory_space<vmem>>) dst(%dma_wait3A_352 : memref<10240x128xf32, #tpu.memory_space<vmem_shared>>)
        tpu.yield
      }) : () -> ()
      %dma_start3A_144 = arith.constant 0 : i32
      %dma_start3A_145 = arith.constant 7 : i32
      %dma_start3A_146 = arith.constant 0 : i32
      %dma_start3A_147 = tpu.memref_slice %arg7[%dma_start3A_144, %dma_start3A_145, %dma_start3A_146] : memref<2x8x128xi32, #tpu.memory_space<vmem>> -> memref<1x1x128xi32, #tpu.memory_space<vmem>>
      %dma_start3A_148 = tpu.memref_squeeze %dma_start3A_147 : memref<1x1x128xi32, #tpu.memory_space<vmem>> -> memref<128xi32, #tpu.memory_space<vmem>>
      %dma_start3A_149 = arith.constant 0 : i32
      %dma_start3A_150 = arith.constant 0 : i32
      %dma_start3A_151 = tpu.memref_slice %arg2[%dma_start3A_149, %dma_start3A_150] : memref<10240x128xf32, #tpu.memory_space<hbm>> -> memref<10240x128xf32, #tpu.memory_space<hbm>>
      tpu.enqueue_indirect_dma source(%dma_start3A_151 : memref<10240x128xf32, #tpu.memory_space<hbm>>) target(%arg10 : memref<128x128xf32, #tpu.memory_space<vmem>>) offsets(%dma_start3A_148 : memref<128xi32, #tpu.memory_space<vmem>>) semaphore(%arg12 : memref<!tpu.dma_semaphore, #tpu.memory_space<semaphore_mem>>)
      %dma_wait3A_152 = arith.constant 0 : i32
      %dma_wait3A_153 = arith.constant 0 : i32
      %dma_wait3A_154 = arith.constant 0 : i32
      %dma_wait3A_155 = arith.constant 0 : i32
      %dma_wait3A_156 = tpu.memref_slice %arg3[%add3A, %dma_wait3A_152, %dma_wait3A_153, %dma_wait3A_154, %dma_wait3A_155] : memref<32x20x2x8x128xi32, #tpu.memory_space<hbm>> -> memref<1x1x2x8x128xi32, #tpu.memory_space<hbm>>
      %dma_wait3A_157 = tpu.memref_squeeze %dma_wait3A_156 : memref<1x1x2x8x128xi32, #tpu.memory_space<hbm>> -> memref<2x8x128xi32, #tpu.memory_space<hbm>>
      %dma_wait3A_158 = arith.constant 0 : i32
      %dma_wait3A_159 = arith.constant 0 : i32
      %dma_wait3A_160 = arith.constant 0 : i32
      %dma_wait3A_161 = tpu.memref_slice %arg3[%add3A, %dma_wait3A_152, %dma_wait3A_158, %dma_wait3A_159, %dma_wait3A_160] : memref<32x20x2x8x128xi32, #tpu.memory_space<hbm>> -> memref<1x1x2x8x128xi32, #tpu.memory_space<hbm>>
      %dma_wait3A_162 = tpu.memref_squeeze %dma_wait3A_161 : memref<1x1x2x8x128xi32, #tpu.memory_space<hbm>> -> memref<2x8x128xi32, #tpu.memory_space<hbm>>
      tpu.wait_dma2 semaphore(%arg14 : memref<!tpu.dma_semaphore, #tpu.memory_space<semaphore_mem>>) src(%dma_wait3A_162 : memref<2x8x128xi32, #tpu.memory_space<hbm>>) dst(%arg8 : memref<2x8x128xi32, #tpu.memory_space<vmem>>)
      %dma_wait3A_163 = arith.constant 0 : i32
      %dma_wait3A_164 = arith.constant 0 : i32
      %dma_wait3A_165 = arith.constant 0 : i32
      %dma_wait3A_166 = tpu.memref_slice %arg7[%dma_wait3A_163, %dma_wait3A_164, %dma_wait3A_165] : memref<2x8x128xi32, #tpu.memory_space<vmem>> -> memref<1x1x128xi32, #tpu.memory_space<vmem>>
      %dma_wait3A_167 = tpu.memref_squeeze %dma_wait3A_166 : memref<1x1x128xi32, #tpu.memory_space<vmem>> -> memref<128xi32, #tpu.memory_space<vmem>>
      %dma_wait3A_168 = arith.constant 0 : i32
      %dma_wait3A_169 = arith.constant 0 : i32
      %dma_wait3A_170 = tpu.memref_slice %arg2[%dma_wait3A_168, %dma_wait3A_169] : memref<10240x128xf32, #tpu.memory_space<hbm>> -> memref<10240x128xf32, #tpu.memory_space<hbm>>
      tpu.wait_indirect_dma semaphore(%arg11 : memref<!tpu.dma_semaphore, #tpu.memory_space<semaphore_mem>>) src(%dma_wait3A_170 : memref<10240x128xf32, #tpu.memory_space<hbm>>) dst(%arg9 : memref<128x128xf32, #tpu.memory_space<vmem>>)
      %run_scoped3A_171 = arith.constant 1 : i32
      %run_scoped3A_172 = arith.constant 6 : i32
      "tpu.region"() ({
        %run_scoped3A_340 = tpu.sem_alloc : memref<!tpu.dma_semaphore, #tpu.memory_space<semaphore_mem>>
        %dma_start3A_341 = arith.constant 0 : i32
        %dma_start3A_342 = tpu.memref_slice %arg7[%run_scoped3A_171, %run_scoped3A_172, %dma_start3A_341] : memref<2x8x128xi32, #tpu.memory_space<vmem>> -> memref<1x1x128xi32, #tpu.memory_space<vmem>>
        %dma_start3A_343 = tpu.memref_squeeze %dma_start3A_342 : memref<1x1x128xi32, #tpu.memory_space<vmem>> -> memref<128xi32, #tpu.memory_space<vmem>>
        %dma_start3A_344 = arith.constant 0 : i32
        %dma_start3A_345 = arith.constant 0 : i32
        %dma_start3A_346 = tpu.memref_slice %arg6[%dma_start3A_344, %dma_start3A_345] : memref<10240x128xf32, #tpu.memory_space<vmem_shared>> -> memref<10240x128xf32, #tpu.memory_space<vmem_shared>>
        tpu.enqueue_indirect_dma source(%arg9 : memref<128x128xf32, #tpu.memory_space<vmem>>) target(%dma_start3A_346 : memref<10240x128xf32, #tpu.memory_space<vmem_shared>>) offsets(%dma_start3A_343 : memref<128xi32, #tpu.memory_space<vmem>>) semaphore(%run_scoped3A_340 : memref<!tpu.dma_semaphore, #tpu.memory_space<semaphore_mem>>) {add = true}
        %dma_wait3A_347 = arith.constant 0 : i32
        %dma_wait3A_348 = tpu.memref_slice %arg7[%run_scoped3A_171, %run_scoped3A_172, %dma_wait3A_347] : memref<2x8x128xi32, #tpu.memory_space<vmem>> -> memref<1x1x128xi32, #tpu.memory_space<vmem>>
        %dma_wait3A_349 = tpu.memref_squeeze %dma_wait3A_348 : memref<1x1x128xi32, #tpu.memory_space<vmem>> -> memref<128xi32, #tpu.memory_space<vmem>>
        %dma_wait3A_350 = arith.constant 0 : i32
        %dma_wait3A_351 = arith.constant 0 : i32
        %dma_wait3A_352 = tpu.memref_slice %arg6[%dma_wait3A_350, %dma_wait3A_351] : memref<10240x128xf32, #tpu.memory_space<vmem_shared>> -> memref<10240x128xf32, #tpu.memory_space<vmem_shared>>
        tpu.wait_indirect_dma semaphore(%run_scoped3A_340 : memref<!tpu.dma_semaphore, #tpu.memory_space<semaphore_mem>>) src(%arg9 : memref<128x128xf32, #tpu.memory_space<vmem>>) dst(%dma_wait3A_352 : memref<10240x128xf32, #tpu.memory_space<vmem_shared>>)
        tpu.yield
      }) : () -> ()
      %dma_start3A_173 = arith.constant 0 : i32
      %dma_start3A_174 = arith.constant 0 : i32
      %dma_start3A_175 = arith.constant 0 : i32
      %dma_start3A_176 = tpu.memref_slice %arg8[%dma_start3A_173, %dma_start3A_174, %dma_start3A_175] : memref<2x8x128xi32, #tpu.memory_space<vmem>> -> memref<1x1x128xi32, #tpu.memory_space<vmem>>
      %dma_start3A_177 = tpu.memref_squeeze %dma_start3A_176 : memref<1x1x128xi32, #tpu.memory_space<vmem>> -> memref<128xi32, #tpu.memory_space<vmem>>
      %dma_start3A_178 = arith.constant 0 : i32
      %dma_start3A_179 = arith.constant 0 : i32
      %dma_start3A_180 = tpu.memref_slice %arg2[%dma_start3A_178, %dma_start3A_179] : memref<10240x128xf32, #tpu.memory_space<hbm>> -> memref<10240x128xf32, #tpu.memory_space<hbm>>
      tpu.enqueue_indirect_dma source(%dma_start3A_180 : memref<10240x128xf32, #tpu.memory_space<hbm>>) target(%arg9 : memref<128x128xf32, #tpu.memory_space<vmem>>) offsets(%dma_start3A_177 : memref<128xi32, #tpu.memory_space<vmem>>) semaphore(%arg11 : memref<!tpu.dma_semaphore, #tpu.memory_space<semaphore_mem>>)
      %dma_wait3A_181 = arith.constant 0 : i32
      %dma_wait3A_182 = arith.constant 0 : i32
      %dma_wait3A_183 = arith.constant 0 : i32
      %dma_wait3A_184 = tpu.memref_slice %arg7[%dma_wait3A_181, %dma_wait3A_182, %dma_wait3A_183] : memref<2x8x128xi32, #tpu.memory_space<vmem>> -> memref<1x1x128xi32, #tpu.memory_space<vmem>>
      %dma_wait3A_185 = tpu.memref_squeeze %dma_wait3A_184 : memref<1x1x128xi32, #tpu.memory_space<vmem>> -> memref<128xi32, #tpu.memory_space<vmem>>
      %dma_wait3A_186 = arith.constant 0 : i32
      %dma_wait3A_187 = arith.constant 0 : i32
      %dma_wait3A_188 = tpu.memref_slice %arg2[%dma_wait3A_186, %dma_wait3A_187] : memref<10240x128xf32, #tpu.memory_space<hbm>> -> memref<10240x128xf32, #tpu.memory_space<hbm>>
      tpu.wait_indirect_dma semaphore(%arg12 : memref<!tpu.dma_semaphore, #tpu.memory_space<semaphore_mem>>) src(%dma_wait3A_188 : memref<10240x128xf32, #tpu.memory_space<hbm>>) dst(%arg10 : memref<128x128xf32, #tpu.memory_space<vmem>>)
      %run_scoped3A_189 = arith.constant 1 : i32
      %run_scoped3A_190 = arith.constant 7 : i32
      "tpu.region"() ({
        %run_scoped3A_340 = tpu.sem_alloc : memref<!tpu.dma_semaphore, #tpu.memory_space<semaphore_mem>>
        %dma_start3A_341 = arith.constant 0 : i32
        %dma_start3A_342 = tpu.memref_slice %arg7[%run_scoped3A_189, %run_scoped3A_190, %dma_start3A_341] : memref<2x8x128xi32, #tpu.memory_space<vmem>> -> memref<1x1x128xi32, #tpu.memory_space<vmem>>
        %dma_start3A_343 = tpu.memref_squeeze %dma_start3A_342 : memref<1x1x128xi32, #tpu.memory_space<vmem>> -> memref<128xi32, #tpu.memory_space<vmem>>
        %dma_start3A_344 = arith.constant 0 : i32
        %dma_start3A_345 = arith.constant 0 : i32
        %dma_start3A_346 = tpu.memref_slice %arg6[%dma_start3A_344, %dma_start3A_345] : memref<10240x128xf32, #tpu.memory_space<vmem_shared>> -> memref<10240x128xf32, #tpu.memory_space<vmem_shared>>
        tpu.enqueue_indirect_dma source(%arg10 : memref<128x128xf32, #tpu.memory_space<vmem>>) target(%dma_start3A_346 : memref<10240x128xf32, #tpu.memory_space<vmem_shared>>) offsets(%dma_start3A_343 : memref<128xi32, #tpu.memory_space<vmem>>) semaphore(%run_scoped3A_340 : memref<!tpu.dma_semaphore, #tpu.memory_space<semaphore_mem>>) {add = true}
        %dma_wait3A_347 = arith.constant 0 : i32
        %dma_wait3A_348 = tpu.memref_slice %arg7[%run_scoped3A_189, %run_scoped3A_190, %dma_wait3A_347] : memref<2x8x128xi32, #tpu.memory_space<vmem>> -> memref<1x1x128xi32, #tpu.memory_space<vmem>>
        %dma_wait3A_349 = tpu.memref_squeeze %dma_wait3A_348 : memref<1x1x128xi32, #tpu.memory_space<vmem>> -> memref<128xi32, #tpu.memory_space<vmem>>
        %dma_wait3A_350 = arith.constant 0 : i32
        %dma_wait3A_351 = arith.constant 0 : i32
        %dma_wait3A_352 = tpu.memref_slice %arg6[%dma_wait3A_350, %dma_wait3A_351] : memref<10240x128xf32, #tpu.memory_space<vmem_shared>> -> memref<10240x128xf32, #tpu.memory_space<vmem_shared>>
        tpu.wait_indirect_dma semaphore(%run_scoped3A_340 : memref<!tpu.dma_semaphore, #tpu.memory_space<semaphore_mem>>) src(%arg10 : memref<128x128xf32, #tpu.memory_space<vmem>>) dst(%dma_wait3A_352 : memref<10240x128xf32, #tpu.memory_space<vmem_shared>>)
        tpu.yield
      }) : () -> ()
      %dma_start3A_191 = arith.constant 0 : i32
      %dma_start3A_192 = arith.constant 1 : i32
      %dma_start3A_193 = arith.constant 0 : i32
      %dma_start3A_194 = tpu.memref_slice %arg8[%dma_start3A_191, %dma_start3A_192, %dma_start3A_193] : memref<2x8x128xi32, #tpu.memory_space<vmem>> -> memref<1x1x128xi32, #tpu.memory_space<vmem>>
      %dma_start3A_195 = tpu.memref_squeeze %dma_start3A_194 : memref<1x1x128xi32, #tpu.memory_space<vmem>> -> memref<128xi32, #tpu.memory_space<vmem>>
      %dma_start3A_196 = arith.constant 0 : i32
      %dma_start3A_197 = arith.constant 0 : i32
      %dma_start3A_198 = tpu.memref_slice %arg2[%dma_start3A_196, %dma_start3A_197] : memref<10240x128xf32, #tpu.memory_space<hbm>> -> memref<10240x128xf32, #tpu.memory_space<hbm>>
      tpu.enqueue_indirect_dma source(%dma_start3A_198 : memref<10240x128xf32, #tpu.memory_space<hbm>>) target(%arg10 : memref<128x128xf32, #tpu.memory_space<vmem>>) offsets(%dma_start3A_195 : memref<128xi32, #tpu.memory_space<vmem>>) semaphore(%arg12 : memref<!tpu.dma_semaphore, #tpu.memory_space<semaphore_mem>>)
      %convert_element_type3A = arith.extui %lt3A_44 : i1 to i32
      %cond3A = arith.constant 0 : i32
      %cond3A_199 = arith.cmpi ne, %convert_element_type3A, %cond3A : i32
      scf.if %cond3A_199 {
        %add3A_340 = arith.constant 2 : i32
        %add3A_341 = arith.addi %mul3A_41, %add3A_340 : i32
        %dma_start3A_342 = arith.constant 0 : i32
        %dma_start3A_343 = arith.constant 0 : i32
        %dma_start3A_344 = arith.constant 0 : i32
        %dma_start3A_345 = tpu.memref_slice %arg3[%add3A, %add3A_341, %dma_start3A_342, %dma_start3A_343, %dma_start3A_344] : memref<32x20x2x8x128xi32, #tpu.memory_space<hbm>> -> memref<1x1x2x8x128xi32, #tpu.memory_space<hbm>>
        %dma_start3A_346 = tpu.memref_squeeze %dma_start3A_345 : memref<1x1x2x8x128xi32, #tpu.memory_space<hbm>> -> memref<2x8x128xi32, #tpu.memory_space<hbm>>
        %dma_start3A_347 = arith.constant 0 : i32
        %dma_start3A_348 = arith.constant 0 : i32
        %dma_start3A_349 = arith.constant 0 : i32
        %dma_start3A_350 = tpu.memref_slice %arg3[%add3A, %add3A_341, %dma_start3A_347, %dma_start3A_348, %dma_start3A_349] : memref<32x20x2x8x128xi32, #tpu.memory_space<hbm>> -> memref<1x1x2x8x128xi32, #tpu.memory_space<hbm>>
        %dma_start3A_351 = tpu.memref_squeeze %dma_start3A_350 : memref<1x1x2x8x128xi32, #tpu.memory_space<hbm>> -> memref<2x8x128xi32, #tpu.memory_space<hbm>>
        tpu.enqueue_dma source(%dma_start3A_351 : memref<2x8x128xi32, #tpu.memory_space<hbm>>) target(%arg7 : memref<2x8x128xi32, #tpu.memory_space<vmem>>) target_semaphore(%arg13 : memref<!tpu.dma_semaphore, #tpu.memory_space<semaphore_mem>>)
      } else {
      }
      %dma_wait3A_200 = arith.constant 0 : i32
      %dma_wait3A_201 = arith.constant 0 : i32
      %dma_wait3A_202 = arith.constant 0 : i32
      %dma_wait3A_203 = tpu.memref_slice %arg8[%dma_wait3A_200, %dma_wait3A_201, %dma_wait3A_202] : memref<2x8x128xi32, #tpu.memory_space<vmem>> -> memref<1x1x128xi32, #tpu.memory_space<vmem>>
      %dma_wait3A_204 = tpu.memref_squeeze %dma_wait3A_203 : memref<1x1x128xi32, #tpu.memory_space<vmem>> -> memref<128xi32, #tpu.memory_space<vmem>>
      %dma_wait3A_205 = arith.constant 0 : i32
      %dma_wait3A_206 = arith.constant 0 : i32
      %dma_wait3A_207 = tpu.memref_slice %arg2[%dma_wait3A_205, %dma_wait3A_206] : memref<10240x128xf32, #tpu.memory_space<hbm>> -> memref<10240x128xf32, #tpu.memory_space<hbm>>
      tpu.wait_indirect_dma semaphore(%arg11 : memref<!tpu.dma_semaphore, #tpu.memory_space<semaphore_mem>>) src(%dma_wait3A_207 : memref<10240x128xf32, #tpu.memory_space<hbm>>) dst(%arg9 : memref<128x128xf32, #tpu.memory_space<vmem>>)
      %run_scoped3A_208 = arith.constant 1 : i32
      %run_scoped3A_209 = arith.constant 0 : i32
      "tpu.region"() ({
        %run_scoped3A_340 = tpu.sem_alloc : memref<!tpu.dma_semaphore, #tpu.memory_space<semaphore_mem>>
        %dma_start3A_341 = arith.constant 0 : i32
        %dma_start3A_342 = tpu.memref_slice %arg8[%run_scoped3A_208, %run_scoped3A_209, %dma_start3A_341] : memref<2x8x128xi32, #tpu.memory_space<vmem>> -> memref<1x1x128xi32, #tpu.memory_space<vmem>>
        %dma_start3A_343 = tpu.memref_squeeze %dma_start3A_342 : memref<1x1x128xi32, #tpu.memory_space<vmem>> -> memref<128xi32, #tpu.memory_space<vmem>>
        %dma_start3A_344 = arith.constant 0 : i32
        %dma_start3A_345 = arith.constant 0 : i32
        %dma_start3A_346 = tpu.memref_slice %arg6[%dma_start3A_344, %dma_start3A_345] : memref<10240x128xf32, #tpu.memory_space<vmem_shared>> -> memref<10240x128xf32, #tpu.memory_space<vmem_shared>>
        tpu.enqueue_indirect_dma source(%arg9 : memref<128x128xf32, #tpu.memory_space<vmem>>) target(%dma_start3A_346 : memref<10240x128xf32, #tpu.memory_space<vmem_shared>>) offsets(%dma_start3A_343 : memref<128xi32, #tpu.memory_space<vmem>>) semaphore(%run_scoped3A_340 : memref<!tpu.dma_semaphore, #tpu.memory_space<semaphore_mem>>) {add = true}
        %dma_wait3A_347 = arith.constant 0 : i32
        %dma_wait3A_348 = tpu.memref_slice %arg8[%run_scoped3A_208, %run_scoped3A_209, %dma_wait3A_347] : memref<2x8x128xi32, #tpu.memory_space<vmem>> -> memref<1x1x128xi32, #tpu.memory_space<vmem>>
        %dma_wait3A_349 = tpu.memref_squeeze %dma_wait3A_348 : memref<1x1x128xi32, #tpu.memory_space<vmem>> -> memref<128xi32, #tpu.memory_space<vmem>>
        %dma_wait3A_350 = arith.constant 0 : i32
        %dma_wait3A_351 = arith.constant 0 : i32
        %dma_wait3A_352 = tpu.memref_slice %arg6[%dma_wait3A_350, %dma_wait3A_351] : memref<10240x128xf32, #tpu.memory_space<vmem_shared>> -> memref<10240x128xf32, #tpu.memory_space<vmem_shared>>
        tpu.wait_indirect_dma semaphore(%run_scoped3A_340 : memref<!tpu.dma_semaphore, #tpu.memory_space<semaphore_mem>>) src(%arg9 : memref<128x128xf32, #tpu.memory_space<vmem>>) dst(%dma_wait3A_352 : memref<10240x128xf32, #tpu.memory_space<vmem_shared>>)
        tpu.yield
      }) : () -> ()
      %dma_start3A_210 = arith.constant 0 : i32
      %dma_start3A_211 = arith.constant 2 : i32
      %dma_start3A_212 = arith.constant 0 : i32
      %dma_start3A_213 = tpu.memref_slice %arg8[%dma_start3A_210, %dma_start3A_211, %dma_start3A_212] : memref<2x8x128xi32, #tpu.memory_space<vmem>> -> memref<1x1x128xi32, #tpu.memory_space<vmem>>
      %dma_start3A_214 = tpu.memref_squeeze %dma_start3A_213 : memref<1x1x128xi32, #tpu.memory_space<vmem>> -> memref<128xi32, #tpu.memory_space<vmem>>
      %dma_start3A_215 = arith.constant 0 : i32
      %dma_start3A_216 = arith.constant 0 : i32
      %dma_start3A_217 = tpu.memref_slice %arg2[%dma_start3A_215, %dma_start3A_216] : memref<10240x128xf32, #tpu.memory_space<hbm>> -> memref<10240x128xf32, #tpu.memory_space<hbm>>
      tpu.enqueue_indirect_dma source(%dma_start3A_217 : memref<10240x128xf32, #tpu.memory_space<hbm>>) target(%arg9 : memref<128x128xf32, #tpu.memory_space<vmem>>) offsets(%dma_start3A_214 : memref<128xi32, #tpu.memory_space<vmem>>) semaphore(%arg11 : memref<!tpu.dma_semaphore, #tpu.memory_space<semaphore_mem>>)
      %dma_wait3A_218 = arith.constant 0 : i32
      %dma_wait3A_219 = arith.constant 0 : i32
      %dma_wait3A_220 = arith.constant 0 : i32
      %dma_wait3A_221 = tpu.memref_slice %arg8[%dma_wait3A_218, %dma_wait3A_219, %dma_wait3A_220] : memref<2x8x128xi32, #tpu.memory_space<vmem>> -> memref<1x1x128xi32, #tpu.memory_space<vmem>>
      %dma_wait3A_222 = tpu.memref_squeeze %dma_wait3A_221 : memref<1x1x128xi32, #tpu.memory_space<vmem>> -> memref<128xi32, #tpu.memory_space<vmem>>
      %dma_wait3A_223 = arith.constant 0 : i32
      %dma_wait3A_224 = arith.constant 0 : i32
      %dma_wait3A_225 = tpu.memref_slice %arg2[%dma_wait3A_223, %dma_wait3A_224] : memref<10240x128xf32, #tpu.memory_space<hbm>> -> memref<10240x128xf32, #tpu.memory_space<hbm>>
      tpu.wait_indirect_dma semaphore(%arg12 : memref<!tpu.dma_semaphore, #tpu.memory_space<semaphore_mem>>) src(%dma_wait3A_225 : memref<10240x128xf32, #tpu.memory_space<hbm>>) dst(%arg10 : memref<128x128xf32, #tpu.memory_space<vmem>>)
      %run_scoped3A_226 = arith.constant 1 : i32
      %run_scoped3A_227 = arith.constant 1 : i32
      "tpu.region"() ({
        %run_scoped3A_340 = tpu.sem_alloc : memref<!tpu.dma_semaphore, #tpu.memory_space<semaphore_mem>>
        %dma_start3A_341 = arith.constant 0 : i32
        %dma_start3A_342 = tpu.memref_slice %arg8[%run_scoped3A_226, %run_scoped3A_227, %dma_start3A_341] : memref<2x8x128xi32, #tpu.memory_space<vmem>> -> memref<1x1x128xi32, #tpu.memory_space<vmem>>
        %dma_start3A_343 = tpu.memref_squeeze %dma_start3A_342 : memref<1x1x128xi32, #tpu.memory_space<vmem>> -> memref<128xi32, #tpu.memory_space<vmem>>
        %dma_start3A_344 = arith.constant 0 : i32
        %dma_start3A_345 = arith.constant 0 : i32
        %dma_start3A_346 = tpu.memref_slice %arg6[%dma_start3A_344, %dma_start3A_345] : memref<10240x128xf32, #tpu.memory_space<vmem_shared>> -> memref<10240x128xf32, #tpu.memory_space<vmem_shared>>
        tpu.enqueue_indirect_dma source(%arg10 : memref<128x128xf32, #tpu.memory_space<vmem>>) target(%dma_start3A_346 : memref<10240x128xf32, #tpu.memory_space<vmem_shared>>) offsets(%dma_start3A_343 : memref<128xi32, #tpu.memory_space<vmem>>) semaphore(%run_scoped3A_340 : memref<!tpu.dma_semaphore, #tpu.memory_space<semaphore_mem>>) {add = true}
        %dma_wait3A_347 = arith.constant 0 : i32
        %dma_wait3A_348 = tpu.memref_slice %arg8[%run_scoped3A_226, %run_scoped3A_227, %dma_wait3A_347] : memref<2x8x128xi32, #tpu.memory_space<vmem>> -> memref<1x1x128xi32, #tpu.memory_space<vmem>>
        %dma_wait3A_349 = tpu.memref_squeeze %dma_wait3A_348 : memref<1x1x128xi32, #tpu.memory_space<vmem>> -> memref<128xi32, #tpu.memory_space<vmem>>
        %dma_wait3A_350 = arith.constant 0 : i32
        %dma_wait3A_351 = arith.constant 0 : i32
        %dma_wait3A_352 = tpu.memref_slice %arg6[%dma_wait3A_350, %dma_wait3A_351] : memref<10240x128xf32, #tpu.memory_space<vmem_shared>> -> memref<10240x128xf32, #tpu.memory_space<vmem_shared>>
        tpu.wait_indirect_dma semaphore(%run_scoped3A_340 : memref<!tpu.dma_semaphore, #tpu.memory_space<semaphore_mem>>) src(%arg10 : memref<128x128xf32, #tpu.memory_space<vmem>>) dst(%dma_wait3A_352 : memref<10240x128xf32, #tpu.memory_space<vmem_shared>>)
        tpu.yield
      }) : () -> ()
      %dma_start3A_228 = arith.constant 0 : i32
      %dma_start3A_229 = arith.constant 3 : i32
      %dma_start3A_230 = arith.constant 0 : i32
      %dma_start3A_231 = tpu.memref_slice %arg8[%dma_start3A_228, %dma_start3A_229, %dma_start3A_230] : memref<2x8x128xi32, #tpu.memory_space<vmem>> -> memref<1x1x128xi32, #tpu.memory_space<vmem>>
      %dma_start3A_232 = tpu.memref_squeeze %dma_start3A_231 : memref<1x1x128xi32, #tpu.memory_space<vmem>> -> memref<128xi32, #tpu.memory_space<vmem>>
      %dma_start3A_233 = arith.constant 0 : i32
      %dma_start3A_234 = arith.constant 0 : i32
      %dma_start3A_235 = tpu.memref_slice %arg2[%dma_start3A_233, %dma_start3A_234] : memref<10240x128xf32, #tpu.memory_space<hbm>> -> memref<10240x128xf32, #tpu.memory_space<hbm>>
      tpu.enqueue_indirect_dma source(%dma_start3A_235 : memref<10240x128xf32, #tpu.memory_space<hbm>>) target(%arg10 : memref<128x128xf32, #tpu.memory_space<vmem>>) offsets(%dma_start3A_232 : memref<128xi32, #tpu.memory_space<vmem>>) semaphore(%arg12 : memref<!tpu.dma_semaphore, #tpu.memory_space<semaphore_mem>>)
      %dma_wait3A_236 = arith.constant 0 : i32
      %dma_wait3A_237 = arith.constant 0 : i32
      %dma_wait3A_238 = arith.constant 0 : i32
      %dma_wait3A_239 = tpu.memref_slice %arg8[%dma_wait3A_236, %dma_wait3A_237, %dma_wait3A_238] : memref<2x8x128xi32, #tpu.memory_space<vmem>> -> memref<1x1x128xi32, #tpu.memory_space<vmem>>
      %dma_wait3A_240 = tpu.memref_squeeze %dma_wait3A_239 : memref<1x1x128xi32, #tpu.memory_space<vmem>> -> memref<128xi32, #tpu.memory_space<vmem>>
      %dma_wait3A_241 = arith.constant 0 : i32
      %dma_wait3A_242 = arith.constant 0 : i32
      %dma_wait3A_243 = tpu.memref_slice %arg2[%dma_wait3A_241, %dma_wait3A_242] : memref<10240x128xf32, #tpu.memory_space<hbm>> -> memref<10240x128xf32, #tpu.memory_space<hbm>>
      tpu.wait_indirect_dma semaphore(%arg11 : memref<!tpu.dma_semaphore, #tpu.memory_space<semaphore_mem>>) src(%dma_wait3A_243 : memref<10240x128xf32, #tpu.memory_space<hbm>>) dst(%arg9 : memref<128x128xf32, #tpu.memory_space<vmem>>)
      %run_scoped3A_244 = arith.constant 1 : i32
      %run_scoped3A_245 = arith.constant 2 : i32
      "tpu.region"() ({
        %run_scoped3A_340 = tpu.sem_alloc : memref<!tpu.dma_semaphore, #tpu.memory_space<semaphore_mem>>
        %dma_start3A_341 = arith.constant 0 : i32
        %dma_start3A_342 = tpu.memref_slice %arg8[%run_scoped3A_244, %run_scoped3A_245, %dma_start3A_341] : memref<2x8x128xi32, #tpu.memory_space<vmem>> -> memref<1x1x128xi32, #tpu.memory_space<vmem>>
        %dma_start3A_343 = tpu.memref_squeeze %dma_start3A_342 : memref<1x1x128xi32, #tpu.memory_space<vmem>> -> memref<128xi32, #tpu.memory_space<vmem>>
        %dma_start3A_344 = arith.constant 0 : i32
        %dma_start3A_345 = arith.constant 0 : i32
        %dma_start3A_346 = tpu.memref_slice %arg6[%dma_start3A_344, %dma_start3A_345] : memref<10240x128xf32, #tpu.memory_space<vmem_shared>> -> memref<10240x128xf32, #tpu.memory_space<vmem_shared>>
        tpu.enqueue_indirect_dma source(%arg9 : memref<128x128xf32, #tpu.memory_space<vmem>>) target(%dma_start3A_346 : memref<10240x128xf32, #tpu.memory_space<vmem_shared>>) offsets(%dma_start3A_343 : memref<128xi32, #tpu.memory_space<vmem>>) semaphore(%run_scoped3A_340 : memref<!tpu.dma_semaphore, #tpu.memory_space<semaphore_mem>>) {add = true}
        %dma_wait3A_347 = arith.constant 0 : i32
        %dma_wait3A_348 = tpu.memref_slice %arg8[%run_scoped3A_244, %run_scoped3A_245, %dma_wait3A_347] : memref<2x8x128xi32, #tpu.memory_space<vmem>> -> memref<1x1x128xi32, #tpu.memory_space<vmem>>
        %dma_wait3A_349 = tpu.memref_squeeze %dma_wait3A_348 : memref<1x1x128xi32, #tpu.memory_space<vmem>> -> memref<128xi32, #tpu.memory_space<vmem>>
        %dma_wait3A_350 = arith.constant 0 : i32
        %dma_wait3A_351 = arith.constant 0 : i32
        %dma_wait3A_352 = tpu.memref_slice %arg6[%dma_wait3A_350, %dma_wait3A_351] : memref<10240x128xf32, #tpu.memory_space<vmem_shared>> -> memref<10240x128xf32, #tpu.memory_space<vmem_shared>>
        tpu.wait_indirect_dma semaphore(%run_scoped3A_340 : memref<!tpu.dma_semaphore, #tpu.memory_space<semaphore_mem>>) src(%arg9 : memref<128x128xf32, #tpu.memory_space<vmem>>) dst(%dma_wait3A_352 : memref<10240x128xf32, #tpu.memory_space<vmem_shared>>)
        tpu.yield
      }) : () -> ()
      %dma_start3A_246 = arith.constant 0 : i32
      %dma_start3A_247 = arith.constant 4 : i32
      %dma_start3A_248 = arith.constant 0 : i32
      %dma_start3A_249 = tpu.memref_slice %arg8[%dma_start3A_246, %dma_start3A_247, %dma_start3A_248] : memref<2x8x128xi32, #tpu.memory_space<vmem>> -> memref<1x1x128xi32, #tpu.memory_space<vmem>>
      %dma_start3A_250 = tpu.memref_squeeze %dma_start3A_249 : memref<1x1x128xi32, #tpu.memory_space<vmem>> -> memref<128xi32, #tpu.memory_space<vmem>>
      %dma_start3A_251 = arith.constant 0 : i32
      %dma_start3A_252 = arith.constant 0 : i32
      %dma_start3A_253 = tpu.memref_slice %arg2[%dma_start3A_251, %dma_start3A_252] : memref<10240x128xf32, #tpu.memory_space<hbm>> -> memref<10240x128xf32, #tpu.memory_space<hbm>>
      tpu.enqueue_indirect_dma source(%dma_start3A_253 : memref<10240x128xf32, #tpu.memory_space<hbm>>) target(%arg9 : memref<128x128xf32, #tpu.memory_space<vmem>>) offsets(%dma_start3A_250 : memref<128xi32, #tpu.memory_space<vmem>>) semaphore(%arg11 : memref<!tpu.dma_semaphore, #tpu.memory_space<semaphore_mem>>)
      %dma_wait3A_254 = arith.constant 0 : i32
      %dma_wait3A_255 = arith.constant 0 : i32
      %dma_wait3A_256 = arith.constant 0 : i32
      %dma_wait3A_257 = tpu.memref_slice %arg8[%dma_wait3A_254, %dma_wait3A_255, %dma_wait3A_256] : memref<2x8x128xi32, #tpu.memory_space<vmem>> -> memref<1x1x128xi32, #tpu.memory_space<vmem>>
      %dma_wait3A_258 = tpu.memref_squeeze %dma_wait3A_257 : memref<1x1x128xi32, #tpu.memory_space<vmem>> -> memref<128xi32, #tpu.memory_space<vmem>>
      %dma_wait3A_259 = arith.constant 0 : i32
      %dma_wait3A_260 = arith.constant 0 : i32
      %dma_wait3A_261 = tpu.memref_slice %arg2[%dma_wait3A_259, %dma_wait3A_260] : memref<10240x128xf32, #tpu.memory_space<hbm>> -> memref<10240x128xf32, #tpu.memory_space<hbm>>
      tpu.wait_indirect_dma semaphore(%arg12 : memref<!tpu.dma_semaphore, #tpu.memory_space<semaphore_mem>>) src(%dma_wait3A_261 : memref<10240x128xf32, #tpu.memory_space<hbm>>) dst(%arg10 : memref<128x128xf32, #tpu.memory_space<vmem>>)
      %run_scoped3A_262 = arith.constant 1 : i32
      %run_scoped3A_263 = arith.constant 3 : i32
      "tpu.region"() ({
        %run_scoped3A_340 = tpu.sem_alloc : memref<!tpu.dma_semaphore, #tpu.memory_space<semaphore_mem>>
        %dma_start3A_341 = arith.constant 0 : i32
        %dma_start3A_342 = tpu.memref_slice %arg8[%run_scoped3A_262, %run_scoped3A_263, %dma_start3A_341] : memref<2x8x128xi32, #tpu.memory_space<vmem>> -> memref<1x1x128xi32, #tpu.memory_space<vmem>>
        %dma_start3A_343 = tpu.memref_squeeze %dma_start3A_342 : memref<1x1x128xi32, #tpu.memory_space<vmem>> -> memref<128xi32, #tpu.memory_space<vmem>>
        %dma_start3A_344 = arith.constant 0 : i32
        %dma_start3A_345 = arith.constant 0 : i32
        %dma_start3A_346 = tpu.memref_slice %arg6[%dma_start3A_344, %dma_start3A_345] : memref<10240x128xf32, #tpu.memory_space<vmem_shared>> -> memref<10240x128xf32, #tpu.memory_space<vmem_shared>>
        tpu.enqueue_indirect_dma source(%arg10 : memref<128x128xf32, #tpu.memory_space<vmem>>) target(%dma_start3A_346 : memref<10240x128xf32, #tpu.memory_space<vmem_shared>>) offsets(%dma_start3A_343 : memref<128xi32, #tpu.memory_space<vmem>>) semaphore(%run_scoped3A_340 : memref<!tpu.dma_semaphore, #tpu.memory_space<semaphore_mem>>) {add = true}
        %dma_wait3A_347 = arith.constant 0 : i32
        %dma_wait3A_348 = tpu.memref_slice %arg8[%run_scoped3A_262, %run_scoped3A_263, %dma_wait3A_347] : memref<2x8x128xi32, #tpu.memory_space<vmem>> -> memref<1x1x128xi32, #tpu.memory_space<vmem>>
        %dma_wait3A_349 = tpu.memref_squeeze %dma_wait3A_348 : memref<1x1x128xi32, #tpu.memory_space<vmem>> -> memref<128xi32, #tpu.memory_space<vmem>>
        %dma_wait3A_350 = arith.constant 0 : i32
        %dma_wait3A_351 = arith.constant 0 : i32
        %dma_wait3A_352 = tpu.memref_slice %arg6[%dma_wait3A_350, %dma_wait3A_351] : memref<10240x128xf32, #tpu.memory_space<vmem_shared>> -> memref<10240x128xf32, #tpu.memory_space<vmem_shared>>
        tpu.wait_indirect_dma semaphore(%run_scoped3A_340 : memref<!tpu.dma_semaphore, #tpu.memory_space<semaphore_mem>>) src(%arg10 : memref<128x128xf32, #tpu.memory_space<vmem>>) dst(%dma_wait3A_352 : memref<10240x128xf32, #tpu.memory_space<vmem_shared>>)
        tpu.yield
      }) : () -> ()
      %dma_start3A_264 = arith.constant 0 : i32
      %dma_start3A_265 = arith.constant 5 : i32
      %dma_start3A_266 = arith.constant 0 : i32
      %dma_start3A_267 = tpu.memref_slice %arg8[%dma_start3A_264, %dma_start3A_265, %dma_start3A_266] : memref<2x8x128xi32, #tpu.memory_space<vmem>> -> memref<1x1x128xi32, #tpu.memory_space<vmem>>
      %dma_start3A_268 = tpu.memref_squeeze %dma_start3A_267 : memref<1x1x128xi32, #tpu.memory_space<vmem>> -> memref<128xi32, #tpu.memory_space<vmem>>
      %dma_start3A_269 = arith.constant 0 : i32
      %dma_start3A_270 = arith.constant 0 : i32
      %dma_start3A_271 = tpu.memref_slice %arg2[%dma_start3A_269, %dma_start3A_270] : memref<10240x128xf32, #tpu.memory_space<hbm>> -> memref<10240x128xf32, #tpu.memory_space<hbm>>
      tpu.enqueue_indirect_dma source(%dma_start3A_271 : memref<10240x128xf32, #tpu.memory_space<hbm>>) target(%arg10 : memref<128x128xf32, #tpu.memory_space<vmem>>) offsets(%dma_start3A_268 : memref<128xi32, #tpu.memory_space<vmem>>) semaphore(%arg12 : memref<!tpu.dma_semaphore, #tpu.memory_space<semaphore_mem>>)
      %dma_wait3A_272 = arith.constant 0 : i32
      %dma_wait3A_273 = arith.constant 0 : i32
      %dma_wait3A_274 = arith.constant 0 : i32
      %dma_wait3A_275 = tpu.memref_slice %arg8[%dma_wait3A_272, %dma_wait3A_273, %dma_wait3A_274] : memref<2x8x128xi32, #tpu.memory_space<vmem>> -> memref<1x1x128xi32, #tpu.memory_space<vmem>>
      %dma_wait3A_276 = tpu.memref_squeeze %dma_wait3A_275 : memref<1x1x128xi32, #tpu.memory_space<vmem>> -> memref<128xi32, #tpu.memory_space<vmem>>
      %dma_wait3A_277 = arith.constant 0 : i32
      %dma_wait3A_278 = arith.constant 0 : i32
      %dma_wait3A_279 = tpu.memref_slice %arg2[%dma_wait3A_277, %dma_wait3A_278] : memref<10240x128xf32, #tpu.memory_space<hbm>> -> memref<10240x128xf32, #tpu.memory_space<hbm>>
      tpu.wait_indirect_dma semaphore(%arg11 : memref<!tpu.dma_semaphore, #tpu.memory_space<semaphore_mem>>) src(%dma_wait3A_279 : memref<10240x128xf32, #tpu.memory_space<hbm>>) dst(%arg9 : memref<128x128xf32, #tpu.memory_space<vmem>>)
      %run_scoped3A_280 = arith.constant 1 : i32
      %run_scoped3A_281 = arith.constant 4 : i32
      "tpu.region"() ({
        %run_scoped3A_340 = tpu.sem_alloc : memref<!tpu.dma_semaphore, #tpu.memory_space<semaphore_mem>>
        %dma_start3A_341 = arith.constant 0 : i32
        %dma_start3A_342 = tpu.memref_slice %arg8[%run_scoped3A_280, %run_scoped3A_281, %dma_start3A_341] : memref<2x8x128xi32, #tpu.memory_space<vmem>> -> memref<1x1x128xi32, #tpu.memory_space<vmem>>
        %dma_start3A_343 = tpu.memref_squeeze %dma_start3A_342 : memref<1x1x128xi32, #tpu.memory_space<vmem>> -> memref<128xi32, #tpu.memory_space<vmem>>
        %dma_start3A_344 = arith.constant 0 : i32
        %dma_start3A_345 = arith.constant 0 : i32
        %dma_start3A_346 = tpu.memref_slice %arg6[%dma_start3A_344, %dma_start3A_345] : memref<10240x128xf32, #tpu.memory_space<vmem_shared>> -> memref<10240x128xf32, #tpu.memory_space<vmem_shared>>
        tpu.enqueue_indirect_dma source(%arg9 : memref<128x128xf32, #tpu.memory_space<vmem>>) target(%dma_start3A_346 : memref<10240x128xf32, #tpu.memory_space<vmem_shared>>) offsets(%dma_start3A_343 : memref<128xi32, #tpu.memory_space<vmem>>) semaphore(%run_scoped3A_340 : memref<!tpu.dma_semaphore, #tpu.memory_space<semaphore_mem>>) {add = true}
        %dma_wait3A_347 = arith.constant 0 : i32
        %dma_wait3A_348 = tpu.memref_slice %arg8[%run_scoped3A_280, %run_scoped3A_281, %dma_wait3A_347] : memref<2x8x128xi32, #tpu.memory_space<vmem>> -> memref<1x1x128xi32, #tpu.memory_space<vmem>>
        %dma_wait3A_349 = tpu.memref_squeeze %dma_wait3A_348 : memref<1x1x128xi32, #tpu.memory_space<vmem>> -> memref<128xi32, #tpu.memory_space<vmem>>
        %dma_wait3A_350 = arith.constant 0 : i32
        %dma_wait3A_351 = arith.constant 0 : i32
        %dma_wait3A_352 = tpu.memref_slice %arg6[%dma_wait3A_350, %dma_wait3A_351] : memref<10240x128xf32, #tpu.memory_space<vmem_shared>> -> memref<10240x128xf32, #tpu.memory_space<vmem_shared>>
        tpu.wait_indirect_dma semaphore(%run_scoped3A_340 : memref<!tpu.dma_semaphore, #tpu.memory_space<semaphore_mem>>) src(%arg9 : memref<128x128xf32, #tpu.memory_space<vmem>>) dst(%dma_wait3A_352 : memref<10240x128xf32, #tpu.memory_space<vmem_shared>>)
        tpu.yield
      }) : () -> ()
      %dma_start3A_282 = arith.constant 0 : i32
      %dma_start3A_283 = arith.constant 6 : i32
      %dma_start3A_284 = arith.constant 0 : i32
      %dma_start3A_285 = tpu.memref_slice %arg8[%dma_start3A_282, %dma_start3A_283, %dma_start3A_284] : memref<2x8x128xi32, #tpu.memory_space<vmem>> -> memref<1x1x128xi32, #tpu.memory_space<vmem>>
      %dma_start3A_286 = tpu.memref_squeeze %dma_start3A_285 : memref<1x1x128xi32, #tpu.memory_space<vmem>> -> memref<128xi32, #tpu.memory_space<vmem>>
      %dma_start3A_287 = arith.constant 0 : i32
      %dma_start3A_288 = arith.constant 0 : i32
      %dma_start3A_289 = tpu.memref_slice %arg2[%dma_start3A_287, %dma_start3A_288] : memref<10240x128xf32, #tpu.memory_space<hbm>> -> memref<10240x128xf32, #tpu.memory_space<hbm>>
      tpu.enqueue_indirect_dma source(%dma_start3A_289 : memref<10240x128xf32, #tpu.memory_space<hbm>>) target(%arg9 : memref<128x128xf32, #tpu.memory_space<vmem>>) offsets(%dma_start3A_286 : memref<128xi32, #tpu.memory_space<vmem>>) semaphore(%arg11 : memref<!tpu.dma_semaphore, #tpu.memory_space<semaphore_mem>>)
      %dma_wait3A_290 = arith.constant 0 : i32
      %dma_wait3A_291 = arith.constant 0 : i32
      %dma_wait3A_292 = arith.constant 0 : i32
      %dma_wait3A_293 = tpu.memref_slice %arg8[%dma_wait3A_290, %dma_wait3A_291, %dma_wait3A_292] : memref<2x8x128xi32, #tpu.memory_space<vmem>> -> memref<1x1x128xi32, #tpu.memory_space<vmem>>
      %dma_wait3A_294 = tpu.memref_squeeze %dma_wait3A_293 : memref<1x1x128xi32, #tpu.memory_space<vmem>> -> memref<128xi32, #tpu.memory_space<vmem>>
      %dma_wait3A_295 = arith.constant 0 : i32
      %dma_wait3A_296 = arith.constant 0 : i32
      %dma_wait3A_297 = tpu.memref_slice %arg2[%dma_wait3A_295, %dma_wait3A_296] : memref<10240x128xf32, #tpu.memory_space<hbm>> -> memref<10240x128xf32, #tpu.memory_space<hbm>>
      tpu.wait_indirect_dma semaphore(%arg12 : memref<!tpu.dma_semaphore, #tpu.memory_space<semaphore_mem>>) src(%dma_wait3A_297 : memref<10240x128xf32, #tpu.memory_space<hbm>>) dst(%arg10 : memref<128x128xf32, #tpu.memory_space<vmem>>)
      %run_scoped3A_298 = arith.constant 1 : i32
      %run_scoped3A_299 = arith.constant 5 : i32
      "tpu.region"() ({
        %run_scoped3A_340 = tpu.sem_alloc : memref<!tpu.dma_semaphore, #tpu.memory_space<semaphore_mem>>
        %dma_start3A_341 = arith.constant 0 : i32
        %dma_start3A_342 = tpu.memref_slice %arg8[%run_scoped3A_298, %run_scoped3A_299, %dma_start3A_341] : memref<2x8x128xi32, #tpu.memory_space<vmem>> -> memref<1x1x128xi32, #tpu.memory_space<vmem>>
        %dma_start3A_343 = tpu.memref_squeeze %dma_start3A_342 : memref<1x1x128xi32, #tpu.memory_space<vmem>> -> memref<128xi32, #tpu.memory_space<vmem>>
        %dma_start3A_344 = arith.constant 0 : i32
        %dma_start3A_345 = arith.constant 0 : i32
        %dma_start3A_346 = tpu.memref_slice %arg6[%dma_start3A_344, %dma_start3A_345] : memref<10240x128xf32, #tpu.memory_space<vmem_shared>> -> memref<10240x128xf32, #tpu.memory_space<vmem_shared>>
        tpu.enqueue_indirect_dma source(%arg10 : memref<128x128xf32, #tpu.memory_space<vmem>>) target(%dma_start3A_346 : memref<10240x128xf32, #tpu.memory_space<vmem_shared>>) offsets(%dma_start3A_343 : memref<128xi32, #tpu.memory_space<vmem>>) semaphore(%run_scoped3A_340 : memref<!tpu.dma_semaphore, #tpu.memory_space<semaphore_mem>>) {add = true}
        %dma_wait3A_347 = arith.constant 0 : i32
        %dma_wait3A_348 = tpu.memref_slice %arg8[%run_scoped3A_298, %run_scoped3A_299, %dma_wait3A_347] : memref<2x8x128xi32, #tpu.memory_space<vmem>> -> memref<1x1x128xi32, #tpu.memory_space<vmem>>
        %dma_wait3A_349 = tpu.memref_squeeze %dma_wait3A_348 : memref<1x1x128xi32, #tpu.memory_space<vmem>> -> memref<128xi32, #tpu.memory_space<vmem>>
        %dma_wait3A_350 = arith.constant 0 : i32
        %dma_wait3A_351 = arith.constant 0 : i32
        %dma_wait3A_352 = tpu.memref_slice %arg6[%dma_wait3A_350, %dma_wait3A_351] : memref<10240x128xf32, #tpu.memory_space<vmem_shared>> -> memref<10240x128xf32, #tpu.memory_space<vmem_shared>>
        tpu.wait_indirect_dma semaphore(%run_scoped3A_340 : memref<!tpu.dma_semaphore, #tpu.memory_space<semaphore_mem>>) src(%arg10 : memref<128x128xf32, #tpu.memory_space<vmem>>) dst(%dma_wait3A_352 : memref<10240x128xf32, #tpu.memory_space<vmem_shared>>)
        tpu.yield
      }) : () -> ()
      %dma_start3A_300 = arith.constant 0 : i32
      %dma_start3A_301 = arith.constant 7 : i32
      %dma_start3A_302 = arith.constant 0 : i32
      %dma_start3A_303 = tpu.memref_slice %arg8[%dma_start3A_300, %dma_start3A_301, %dma_start3A_302] : memref<2x8x128xi32, #tpu.memory_space<vmem>> -> memref<1x1x128xi32, #tpu.memory_space<vmem>>
      %dma_start3A_304 = tpu.memref_squeeze %dma_start3A_303 : memref<1x1x128xi32, #tpu.memory_space<vmem>> -> memref<128xi32, #tpu.memory_space<vmem>>
      %dma_start3A_305 = arith.constant 0 : i32
      %dma_start3A_306 = arith.constant 0 : i32
      %dma_start3A_307 = tpu.memref_slice %arg2[%dma_start3A_305, %dma_start3A_306] : memref<10240x128xf32, #tpu.memory_space<hbm>> -> memref<10240x128xf32, #tpu.memory_space<hbm>>
      tpu.enqueue_indirect_dma source(%dma_start3A_307 : memref<10240x128xf32, #tpu.memory_space<hbm>>) target(%arg10 : memref<128x128xf32, #tpu.memory_space<vmem>>) offsets(%dma_start3A_304 : memref<128xi32, #tpu.memory_space<vmem>>) semaphore(%arg12 : memref<!tpu.dma_semaphore, #tpu.memory_space<semaphore_mem>>)
      %convert_element_type3A_308 = arith.extui %lt3A_44 : i1 to i32
      %cond3A_309 = arith.constant 0 : i32
      %cond3A_310 = arith.cmpi ne, %convert_element_type3A_308, %cond3A_309 : i32
      scf.if %cond3A_310 {
        %dma_wait3A_340 = arith.constant 0 : i32
        %dma_wait3A_341 = arith.constant 0 : i32
        %dma_wait3A_342 = arith.constant 0 : i32
        %dma_wait3A_343 = arith.constant 0 : i32
        %dma_wait3A_344 = tpu.memref_slice %arg3[%add3A, %dma_wait3A_340, %dma_wait3A_341, %dma_wait3A_342, %dma_wait3A_343] : memref<32x20x2x8x128xi32, #tpu.memory_space<hbm>> -> memref<1x1x2x8x128xi32, #tpu.memory_space<hbm>>
        %dma_wait3A_345 = tpu.memref_squeeze %dma_wait3A_344 : memref<1x1x2x8x128xi32, #tpu.memory_space<hbm>> -> memref<2x8x128xi32, #tpu.memory_space<hbm>>
        %dma_wait3A_346 = arith.constant 0 : i32
        %dma_wait3A_347 = arith.constant 0 : i32
        %dma_wait3A_348 = arith.constant 0 : i32
        %dma_wait3A_349 = tpu.memref_slice %arg3[%add3A, %dma_wait3A_340, %dma_wait3A_346, %dma_wait3A_347, %dma_wait3A_348] : memref<32x20x2x8x128xi32, #tpu.memory_space<hbm>> -> memref<1x1x2x8x128xi32, #tpu.memory_space<hbm>>
        %dma_wait3A_350 = tpu.memref_squeeze %dma_wait3A_349 : memref<1x1x2x8x128xi32, #tpu.memory_space<hbm>> -> memref<2x8x128xi32, #tpu.memory_space<hbm>>
        tpu.wait_dma2 semaphore(%arg13 : memref<!tpu.dma_semaphore, #tpu.memory_space<semaphore_mem>>) src(%dma_wait3A_350 : memref<2x8x128xi32, #tpu.memory_space<hbm>>) dst(%arg7 : memref<2x8x128xi32, #tpu.memory_space<vmem>>)
      } else {
      }
      %dma_wait3A_311 = arith.constant 0 : i32
      %dma_wait3A_312 = arith.constant 0 : i32
      %dma_wait3A_313 = arith.constant 0 : i32
      %dma_wait3A_314 = tpu.memref_slice %arg8[%dma_wait3A_311, %dma_wait3A_312, %dma_wait3A_313] : memref<2x8x128xi32, #tpu.memory_space<vmem>> -> memref<1x1x128xi32, #tpu.memory_space<vmem>>
      %dma_wait3A_315 = tpu.memref_squeeze %dma_wait3A_314 : memref<1x1x128xi32, #tpu.memory_space<vmem>> -> memref<128xi32, #tpu.memory_space<vmem>>
      %dma_wait3A_316 = arith.constant 0 : i32
      %dma_wait3A_317 = arith.constant 0 : i32
      %dma_wait3A_318 = tpu.memref_slice %arg2[%dma_wait3A_316, %dma_wait3A_317] : memref<10240x128xf32, #tpu.memory_space<hbm>> -> memref<10240x128xf32, #tpu.memory_space<hbm>>
      tpu.wait_indirect_dma semaphore(%arg11 : memref<!tpu.dma_semaphore, #tpu.memory_space<semaphore_mem>>) src(%dma_wait3A_318 : memref<10240x128xf32, #tpu.memory_space<hbm>>) dst(%arg9 : memref<128x128xf32, #tpu.memory_space<vmem>>)
      %run_scoped3A_319 = arith.constant 1 : i32
      %run_scoped3A_320 = arith.constant 6 : i32
      "tpu.region"() ({
        %run_scoped3A_340 = tpu.sem_alloc : memref<!tpu.dma_semaphore, #tpu.memory_space<semaphore_mem>>
        %dma_start3A_341 = arith.constant 0 : i32
        %dma_start3A_342 = tpu.memref_slice %arg8[%run_scoped3A_319, %run_scoped3A_320, %dma_start3A_341] : memref<2x8x128xi32, #tpu.memory_space<vmem>> -> memref<1x1x128xi32, #tpu.memory_space<vmem>>
        %dma_start3A_343 = tpu.memref_squeeze %dma_start3A_342 : memref<1x1x128xi32, #tpu.memory_space<vmem>> -> memref<128xi32, #tpu.memory_space<vmem>>
        %dma_start3A_344 = arith.constant 0 : i32
        %dma_start3A_345 = arith.constant 0 : i32
        %dma_start3A_346 = tpu.memref_slice %arg6[%dma_start3A_344, %dma_start3A_345] : memref<10240x128xf32, #tpu.memory_space<vmem_shared>> -> memref<10240x128xf32, #tpu.memory_space<vmem_shared>>
        tpu.enqueue_indirect_dma source(%arg9 : memref<128x128xf32, #tpu.memory_space<vmem>>) target(%dma_start3A_346 : memref<10240x128xf32, #tpu.memory_space<vmem_shared>>) offsets(%dma_start3A_343 : memref<128xi32, #tpu.memory_space<vmem>>) semaphore(%run_scoped3A_340 : memref<!tpu.dma_semaphore, #tpu.memory_space<semaphore_mem>>) {add = true}
        %dma_wait3A_347 = arith.constant 0 : i32
        %dma_wait3A_348 = tpu.memref_slice %arg8[%run_scoped3A_319, %run_scoped3A_320, %dma_wait3A_347] : memref<2x8x128xi32, #tpu.memory_space<vmem>> -> memref<1x1x128xi32, #tpu.memory_space<vmem>>
        %dma_wait3A_349 = tpu.memref_squeeze %dma_wait3A_348 : memref<1x1x128xi32, #tpu.memory_space<vmem>> -> memref<128xi32, #tpu.memory_space<vmem>>
        %dma_wait3A_350 = arith.constant 0 : i32
        %dma_wait3A_351 = arith.constant 0 : i32
        %dma_wait3A_352 = tpu.memref_slice %arg6[%dma_wait3A_350, %dma_wait3A_351] : memref<10240x128xf32, #tpu.memory_space<vmem_shared>> -> memref<10240x128xf32, #tpu.memory_space<vmem_shared>>
        tpu.wait_indirect_dma semaphore(%run_scoped3A_340 : memref<!tpu.dma_semaphore, #tpu.memory_space<semaphore_mem>>) src(%arg9 : memref<128x128xf32, #tpu.memory_space<vmem>>) dst(%dma_wait3A_352 : memref<10240x128xf32, #tpu.memory_space<vmem_shared>>)
        tpu.yield
      }) : () -> ()
      %convert_element_type3A_321 = arith.extui %lt3A_44 : i1 to i32
      %cond3A_322 = arith.constant 0 : i32
      %cond3A_323 = arith.cmpi ne, %convert_element_type3A_321, %cond3A_322 : i32
      scf.if %cond3A_323 {
        %dma_start3A_340 = arith.constant 0 : i32
        %dma_start3A_341 = arith.constant 0 : i32
        %dma_start3A_342 = arith.constant 0 : i32
        %dma_start3A_343 = tpu.memref_slice %arg7[%dma_start3A_340, %dma_start3A_341, %dma_start3A_342] : memref<2x8x128xi32, #tpu.memory_space<vmem>> -> memref<1x1x128xi32, #tpu.memory_space<vmem>>
        %dma_start3A_344 = tpu.memref_squeeze %dma_start3A_343 : memref<1x1x128xi32, #tpu.memory_space<vmem>> -> memref<128xi32, #tpu.memory_space<vmem>>
        %dma_start3A_345 = arith.constant 0 : i32
        %dma_start3A_346 = arith.constant 0 : i32
        %dma_start3A_347 = tpu.memref_slice %arg2[%dma_start3A_345, %dma_start3A_346] : memref<10240x128xf32, #tpu.memory_space<hbm>> -> memref<10240x128xf32, #tpu.memory_space<hbm>>
        tpu.enqueue_indirect_dma source(%dma_start3A_347 : memref<10240x128xf32, #tpu.memory_space<hbm>>) target(%arg9 : memref<128x128xf32, #tpu.memory_space<vmem>>) offsets(%dma_start3A_344 : memref<128xi32, #tpu.memory_space<vmem>>) semaphore(%arg11 : memref<!tpu.dma_semaphore, #tpu.memory_space<semaphore_mem>>)
      } else {
      }
      %dma_wait3A_324 = arith.constant 0 : i32
      %dma_wait3A_325 = arith.constant 0 : i32
      %dma_wait3A_326 = arith.constant 0 : i32
      %dma_wait3A_327 = tpu.memref_slice %arg8[%dma_wait3A_324, %dma_wait3A_325, %dma_wait3A_326] : memref<2x8x128xi32, #tpu.memory_space<vmem>> -> memref<1x1x128xi32, #tpu.memory_space<vmem>>
      %dma_wait3A_328 = tpu.memref_squeeze %dma_wait3A_327 : memref<1x1x128xi32, #tpu.memory_space<vmem>> -> memref<128xi32, #tpu.memory_space<vmem>>
      %dma_wait3A_329 = arith.constant 0 : i32
      %dma_wait3A_330 = arith.constant 0 : i32
      %dma_wait3A_331 = tpu.memref_slice %arg2[%dma_wait3A_329, %dma_wait3A_330] : memref<10240x128xf32, #tpu.memory_space<hbm>> -> memref<10240x128xf32, #tpu.memory_space<hbm>>
      tpu.wait_indirect_dma semaphore(%arg12 : memref<!tpu.dma_semaphore, #tpu.memory_space<semaphore_mem>>) src(%dma_wait3A_331 : memref<10240x128xf32, #tpu.memory_space<hbm>>) dst(%arg10 : memref<128x128xf32, #tpu.memory_space<vmem>>)
      %run_scoped3A_332 = arith.constant 1 : i32
      %run_scoped3A_333 = arith.constant 7 : i32
      "tpu.region"() ({
        %run_scoped3A_340 = tpu.sem_alloc : memref<!tpu.dma_semaphore, #tpu.memory_space<semaphore_mem>>
        %dma_start3A_341 = arith.constant 0 : i32
        %dma_start3A_342 = tpu.memref_slice %arg8[%run_scoped3A_332, %run_scoped3A_333, %dma_start3A_341] : memref<2x8x128xi32, #tpu.memory_space<vmem>> -> memref<1x1x128xi32, #tpu.memory_space<vmem>>
        %dma_start3A_343 = tpu.memref_squeeze %dma_start3A_342 : memref<1x1x128xi32, #tpu.memory_space<vmem>> -> memref<128xi32, #tpu.memory_space<vmem>>
        %dma_start3A_344 = arith.constant 0 : i32
        %dma_start3A_345 = arith.constant 0 : i32
        %dma_start3A_346 = tpu.memref_slice %arg6[%dma_start3A_344, %dma_start3A_345] : memref<10240x128xf32, #tpu.memory_space<vmem_shared>> -> memref<10240x128xf32, #tpu.memory_space<vmem_shared>>
        tpu.enqueue_indirect_dma source(%arg10 : memref<128x128xf32, #tpu.memory_space<vmem>>) target(%dma_start3A_346 : memref<10240x128xf32, #tpu.memory_space<vmem_shared>>) offsets(%dma_start3A_343 : memref<128xi32, #tpu.memory_space<vmem>>) semaphore(%run_scoped3A_340 : memref<!tpu.dma_semaphore, #tpu.memory_space<semaphore_mem>>) {add = true}
        %dma_wait3A_347 = arith.constant 0 : i32
        %dma_wait3A_348 = tpu.memref_slice %arg8[%run_scoped3A_332, %run_scoped3A_333, %dma_wait3A_347] : memref<2x8x128xi32, #tpu.memory_space<vmem>> -> memref<1x1x128xi32, #tpu.memory_space<vmem>>
        %dma_wait3A_349 = tpu.memref_squeeze %dma_wait3A_348 : memref<1x1x128xi32, #tpu.memory_space<vmem>> -> memref<128xi32, #tpu.memory_space<vmem>>
        %dma_wait3A_350 = arith.constant 0 : i32
        %dma_wait3A_351 = arith.constant 0 : i32
        %dma_wait3A_352 = tpu.memref_slice %arg6[%dma_wait3A_350, %dma_wait3A_351] : memref<10240x128xf32, #tpu.memory_space<vmem_shared>> -> memref<10240x128xf32, #tpu.memory_space<vmem_shared>>
        tpu.wait_indirect_dma semaphore(%run_scoped3A_340 : memref<!tpu.dma_semaphore, #tpu.memory_space<semaphore_mem>>) src(%arg10 : memref<128x128xf32, #tpu.memory_space<vmem>>) dst(%dma_wait3A_352 : memref<10240x128xf32, #tpu.memory_space<vmem_shared>>)
        tpu.yield
      }) : () -> ()
      %convert_element_type3A_334 = arith.extui %lt3A_44 : i1 to i32
      %cond3A_335 = arith.constant 0 : i32
      %cond3A_336 = arith.cmpi ne, %convert_element_type3A_334, %cond3A_335 : i32
      scf.if %cond3A_336 {
        %dma_start3A_340 = arith.constant 0 : i32
        %dma_start3A_341 = arith.constant 1 : i32
        %dma_start3A_342 = arith.constant 0 : i32
        %dma_start3A_343 = tpu.memref_slice %arg7[%dma_start3A_340, %dma_start3A_341, %dma_start3A_342] : memref<2x8x128xi32, #tpu.memory_space<vmem>> -> memref<1x1x128xi32, #tpu.memory_space<vmem>>
        %dma_start3A_344 = tpu.memref_squeeze %dma_start3A_343 : memref<1x1x128xi32, #tpu.memory_space<vmem>> -> memref<128xi32, #tpu.memory_space<vmem>>
        %dma_start3A_345 = arith.constant 0 : i32
        %dma_start3A_346 = arith.constant 0 : i32
        %dma_start3A_347 = tpu.memref_slice %arg2[%dma_start3A_345, %dma_start3A_346] : memref<10240x128xf32, #tpu.memory_space<hbm>> -> memref<10240x128xf32, #tpu.memory_space<hbm>>
        tpu.enqueue_indirect_dma source(%dma_start3A_347 : memref<10240x128xf32, #tpu.memory_space<hbm>>) target(%arg10 : memref<128x128xf32, #tpu.memory_space<vmem>>) offsets(%dma_start3A_344 : memref<128xi32, #tpu.memory_space<vmem>>) semaphore(%arg12 : memref<!tpu.dma_semaphore, #tpu.memory_space<semaphore_mem>>)
      } else {
      }
      %convert_element_type3A_337 = arith.extui %lt3A_44 : i1 to i32
      %cond3A_338 = arith.constant 0 : i32
      %cond3A_339 = arith.cmpi ne, %convert_element_type3A_337, %cond3A_338 : i32
      scf.if %cond3A_339 {
        %add3A_340 = arith.constant 3 : i32
        %add3A_341 = arith.addi %mul3A_41, %add3A_340 : i32
        %dma_start3A_342 = arith.constant 0 : i32
        %dma_start3A_343 = arith.constant 0 : i32
        %dma_start3A_344 = arith.constant 0 : i32
        %dma_start3A_345 = tpu.memref_slice %arg3[%add3A, %add3A_341, %dma_start3A_342, %dma_start3A_343, %dma_start3A_344] : memref<32x20x2x8x128xi32, #tpu.memory_space<hbm>> -> memref<1x1x2x8x128xi32, #tpu.memory_space<hbm>>
        %dma_start3A_346 = tpu.memref_squeeze %dma_start3A_345 : memref<1x1x2x8x128xi32, #tpu.memory_space<hbm>> -> memref<2x8x128xi32, #tpu.memory_space<hbm>>
        %dma_start3A_347 = arith.constant 0 : i32
        %dma_start3A_348 = arith.constant 0 : i32
        %dma_start3A_349 = arith.constant 0 : i32
        %dma_start3A_350 = tpu.memref_slice %arg3[%add3A, %add3A_341, %dma_start3A_347, %dma_start3A_348, %dma_start3A_349] : memref<32x20x2x8x128xi32, #tpu.memory_space<hbm>> -> memref<1x1x2x8x128xi32, #tpu.memory_space<hbm>>
        %dma_start3A_351 = tpu.memref_squeeze %dma_start3A_350 : memref<1x1x2x8x128xi32, #tpu.memory_space<hbm>> -> memref<2x8x128xi32, #tpu.memory_space<hbm>>
        tpu.enqueue_dma source(%dma_start3A_351 : memref<2x8x128xi32, #tpu.memory_space<hbm>>) target(%arg8 : memref<2x8x128xi32, #tpu.memory_space<vmem>>) target_semaphore(%arg14 : memref<!tpu.dma_semaphore, #tpu.memory_space<semaphore_mem>>)
      } else {
      }
    }
    %scan3A_33 = arith.constant 10 : i32
    %barrier3A_34 = arith.constant 0 : index
    tpu.barrier barrier_id(%barrier3A_34)
    %mul3A_35 = arith.constant 640 : i32
    %mul3A_36 = arith.muli %arg1, %mul3A_35 : i32
    %mul3A_37 = arith.constant 640 : i32
    %mul3A_38 = arith.muli %arg1, %mul3A_37 : i32
    "tpu.region"() ({
      %run_scoped3A_39 = tpu.sem_alloc : memref<!tpu.dma_semaphore, #tpu.memory_space<semaphore_mem>>
      %dma_start3A_40 = arith.constant 0 : i32
      %dma_start3A_41 = tpu.memref_slice %arg5[%arg0, %mul3A_38, %dma_start3A_40] : memref<2x10240x128xf32, #tpu.memory_space<hbm>> -> memref<1x640x128xf32, #tpu.memory_space<hbm>>
      %dma_start3A_42 = tpu.memref_squeeze %dma_start3A_41 : memref<1x640x128xf32, #tpu.memory_space<hbm>> -> memref<640x128xf32, #tpu.memory_space<hbm>>
      %dma_start3A_43 = arith.constant 0 : i32
      %dma_start3A_44 = tpu.memref_slice %arg6[%mul3A_36, %dma_start3A_43] : memref<10240x128xf32, #tpu.memory_space<vmem_shared>> -> memref<640x128xf32, #tpu.memory_space<vmem_shared>>
      tpu.enqueue_dma source(%dma_start3A_44 : memref<640x128xf32, #tpu.memory_space<vmem_shared>>) target(%dma_start3A_42 : memref<640x128xf32, #tpu.memory_space<hbm>>) target_semaphore(%run_scoped3A_39 : memref<!tpu.dma_semaphore, #tpu.memory_space<semaphore_mem>>)
      %dma_wait3A = arith.constant 0 : i32
      %dma_wait3A_45 = tpu.memref_slice %arg5[%arg0, %mul3A_38, %dma_wait3A] : memref<2x10240x128xf32, #tpu.memory_space<hbm>> -> memref<1x640x128xf32, #tpu.memory_space<hbm>>
      %dma_wait3A_46 = tpu.memref_squeeze %dma_wait3A_45 : memref<1x640x128xf32, #tpu.memory_space<hbm>> -> memref<640x128xf32, #tpu.memory_space<hbm>>
      %dma_wait3A_47 = arith.constant 0 : i32
      %dma_wait3A_48 = tpu.memref_slice %arg6[%mul3A_36, %dma_wait3A_47] : memref<10240x128xf32, #tpu.memory_space<vmem_shared>> -> memref<640x128xf32, #tpu.memory_space<vmem_shared>>
      tpu.wait_dma2 semaphore(%run_scoped3A_39 : memref<!tpu.dma_semaphore, #tpu.memory_space<semaphore_mem>>) src(%dma_wait3A_48 : memref<640x128xf32, #tpu.memory_space<vmem_shared>>) dst(%dma_wait3A_46 : memref<640x128xf32, #tpu.memory_space<hbm>>)
      tpu.yield
    }) : () -> ()
    return
  }
}

#map = affine_map<(d0, d1) -> (0, 0)>
#map1 = affine_map<(d0, d1) -> (0, 0, 0, 0, 0)>
#map2 = affine_map<(d0, d1) -> (0, 0, 0)>
module attributes {stable_mosaic.version = 14 : i64} {
  func.func @_sc_agg(%arg0: i32, %arg1: i32, %arg2: memref<10240x128xf32, #tpu.memory_space<hbm>>, %arg3: memref<32x20x2x8x128xi32, #tpu.memory_space<hbm>>, %arg4: memref<640x128xf32, #tpu.memory_space<hbm>>, %arg5: memref<2x10240x128xf32, #tpu.memory_space<hbm>>, %arg6: memref<10240x128xf32, #tpu.memory_space<vmem_shared>>, %arg7: memref<2x8x128xi32, #tpu.memory_space<vmem>>, %arg8: memref<2x8x128xi32, #tpu.memory_space<vmem>>, %arg9: memref<128x128xf32, #tpu.memory_space<vmem>>, %arg10: memref<128x128xf32, #tpu.memory_space<vmem>>, %arg11: memref<!tpu.dma_semaphore, #tpu.memory_space<semaphore_mem>>, %arg12: memref<!tpu.dma_semaphore, #tpu.memory_space<semaphore_mem>>, %arg13: memref<!tpu.dma_semaphore, #tpu.memory_space<semaphore_mem>>, %arg14: memref<!tpu.dma_semaphore, #tpu.memory_space<semaphore_mem>>) attributes {dimension_semantics = [#tpu.dimension_semantics<core_parallel>, #tpu.dimension_semantics<subcore_parallel>], iteration_bounds = array<i64: 2, 16>, scalar_prefetch = 0 : i64, scratch_operands = 9 : i64, tpu.core_type = #tpu.core_type<sc_vector_subcore>, window_params = [{transform_indices = #map}, {transform_indices = #map1}, {transform_indices = #map}, {transform_indices = #map2}]} {
    %mul3A = arith.constant 16 : i32
    %mul3A_0 = arith.muli %arg0, %mul3A : i32
    %add3A = arith.addi %mul3A_0, %arg1 : i32
    %mul3A_1 = arith.constant 640 : i32
    %mul3A_2 = arith.muli %arg1, %mul3A_1 : i32
    "tpu.region"() ({
      %run_scoped3A_39 = tpu.sem_alloc : memref<!tpu.dma_semaphore, #tpu.memory_space<semaphore_mem>>
      %dma_start3A_40 = arith.constant 0 : i32
      %dma_start3A_41 = tpu.memref_slice %arg6[%mul3A_2, %dma_start3A_40] : memref<10240x128xf32, #tpu.memory_space<vmem_shared>> -> memref<640x128xf32, #tpu.memory_space<vmem_shared>>
      tpu.enqueue_dma source(%arg4 : memref<640x128xf32, #tpu.memory_space<hbm>>) target(%dma_start3A_41 : memref<640x128xf32, #tpu.memory_space<vmem_shared>>) target_semaphore(%run_scoped3A_39 : memref<!tpu.dma_semaphore, #tpu.memory_space<semaphore_mem>>)
      %dma_wait3A = arith.constant 0 : i32
      %dma_wait3A_42 = tpu.memref_slice %arg6[%mul3A_2, %dma_wait3A] : memref<10240x128xf32, #tpu.memory_space<vmem_shared>> -> memref<640x128xf32, #tpu.memory_space<vmem_shared>>
      tpu.wait_dma2 semaphore(%run_scoped3A_39 : memref<!tpu.dma_semaphore, #tpu.memory_space<semaphore_mem>>) src(%arg4 : memref<640x128xf32, #tpu.memory_space<hbm>>) dst(%dma_wait3A_42 : memref<640x128xf32, #tpu.memory_space<vmem_shared>>)
      tpu.yield
    }) : () -> ()
    %barrier3A = arith.constant 0 : index
    tpu.barrier barrier_id(%barrier3A)
    %run_scoped3A = arith.constant 0 : i32
    "tpu.region"() ({
      %run_scoped3A_39 = tpu.sem_alloc : memref<!tpu.dma_semaphore, #tpu.memory_space<semaphore_mem>>
      %dma_start3A_40 = arith.constant 0 : i32
      %dma_start3A_41 = arith.constant 0 : i32
      %dma_start3A_42 = arith.constant 0 : i32
      %dma_start3A_43 = tpu.memref_slice %arg3[%add3A, %run_scoped3A, %dma_start3A_40, %dma_start3A_41, %dma_start3A_42] : memref<32x20x2x8x128xi32, #tpu.memory_space<hbm>> -> memref<1x1x2x8x128xi32, #tpu.memory_space<hbm>>
      %dma_start3A_44 = tpu.memref_squeeze %dma_start3A_43 : memref<1x1x2x8x128xi32, #tpu.memory_space<hbm>> -> memref<2x8x128xi32, #tpu.memory_space<hbm>>
      %dma_start3A_45 = arith.constant 0 : i32
      %dma_start3A_46 = arith.constant 0 : i32
      %dma_start3A_47 = arith.constant 0 : i32
      %dma_start3A_48 = tpu.memref_slice %arg3[%add3A, %run_scoped3A, %dma_start3A_45, %dma_start3A_46, %dma_start3A_47] : memref<32x20x2x8x128xi32, #tpu.memory_space<hbm>> -> memref<1x1x2x8x128xi32, #tpu.memory_space<hbm>>
      %dma_start3A_49 = tpu.memref_squeeze %dma_start3A_48 : memref<1x1x2x8x128xi32, #tpu.memory_space<hbm>> -> memref<2x8x128xi32, #tpu.memory_space<hbm>>
      tpu.enqueue_dma source(%dma_start3A_49 : memref<2x8x128xi32, #tpu.memory_space<hbm>>) target(%arg7 : memref<2x8x128xi32, #tpu.memory_space<vmem>>) target_semaphore(%run_scoped3A_39 : memref<!tpu.dma_semaphore, #tpu.memory_space<semaphore_mem>>)
      %dma_wait3A = arith.constant 0 : i32
      %dma_wait3A_50 = arith.constant 0 : i32
      %dma_wait3A_51 = arith.constant 0 : i32
      %dma_wait3A_52 = tpu.memref_slice %arg3[%add3A, %run_scoped3A, %dma_wait3A, %dma_wait3A_50, %dma_wait3A_51] : memref<32x20x2x8x128xi32, #tpu.memory_space<hbm>> -> memref<1x1x2x8x128xi32, #tpu.memory_space<hbm>>
      %dma_wait3A_53 = tpu.memref_squeeze %dma_wait3A_52 : memref<1x1x2x8x128xi32, #tpu.memory_space<hbm>> -> memref<2x8x128xi32, #tpu.memory_space<hbm>>
      %dma_wait3A_54 = arith.constant 0 : i32
      %dma_wait3A_55 = arith.constant 0 : i32
      %dma_wait3A_56 = arith.constant 0 : i32
      %dma_wait3A_57 = tpu.memref_slice %arg3[%add3A, %run_scoped3A, %dma_wait3A_54, %dma_wait3A_55, %dma_wait3A_56] : memref<32x20x2x8x128xi32, #tpu.memory_space<hbm>> -> memref<1x1x2x8x128xi32, #tpu.memory_space<hbm>>
      %dma_wait3A_58 = tpu.memref_squeeze %dma_wait3A_57 : memref<1x1x2x8x128xi32, #tpu.memory_space<hbm>> -> memref<2x8x128xi32, #tpu.memory_space<hbm>>
      tpu.wait_dma2 semaphore(%run_scoped3A_39 : memref<!tpu.dma_semaphore, #tpu.memory_space<semaphore_mem>>) src(%dma_wait3A_58 : memref<2x8x128xi32, #tpu.memory_space<hbm>>) dst(%arg7 : memref<2x8x128xi32, #tpu.memory_space<vmem>>)
      tpu.yield
    }) : () -> ()
    %dma_start3A = arith.constant 1 : i32
    %dma_start3A_3 = arith.constant 0 : i32
    %dma_start3A_4 = arith.constant 0 : i32
    %dma_start3A_5 = arith.constant 0 : i32
    %dma_start3A_6 = tpu.memref_slice %arg3[%add3A, %dma_start3A, %dma_start3A_3, %dma_start3A_4, %dma_start3A_5] : memref<32x20x2x8x128xi32, #tpu.memory_space<hbm>> -> memref<1x1x2x8x128xi32, #tpu.memory_space<hbm>>
    %dma_start3A_7 = tpu.memref_squeeze %dma_start3A_6 : memref<1x1x2x8x128xi32, #tpu.memory_space<hbm>> -> memref<2x8x128xi32, #tpu.memory_space<hbm>>
    %dma_start3A_8 = arith.constant 0 : i32
    %dma_start3A_9 = arith.constant 0 : i32
    %dma_start3A_10 = arith.constant 0 : i32
    %dma_start3A_11 = tpu.memref_slice %arg3[%add3A, %dma_start3A, %dma_start3A_8, %dma_start3A_9, %dma_start3A_10] : memref<32x20x2x8x128xi32, #tpu.memory_space<hbm>> -> memref<1x1x2x8x128xi32, #tpu.memory_space<hbm>>
    %dma_start3A_12 = tpu.memref_squeeze %dma_start3A_11 : memref<1x1x2x8x128xi32, #tpu.memory_space<hbm>> -> memref<2x8x128xi32, #tpu.memory_space<hbm>>
    tpu.enqueue_dma source(%dma_start3A_12 : memref<2x8x128xi32, #tpu.memory_space<hbm>>) target(%arg8 : memref<2x8x128xi32, #tpu.memory_space<vmem>>) target_semaphore(%arg14 : memref<!tpu.dma_semaphore, #tpu.memory_space<semaphore_mem>>)
    %dma_start3A_13 = arith.constant 0 : i32
    %dma_start3A_14 = arith.constant 0 : i32
    %dma_start3A_15 = arith.constant 0 : i32
    %dma_start3A_16 = tpu.memref_slice %arg7[%dma_start3A_13, %dma_start3A_14, %dma_start3A_15] : memref<2x8x128xi32, #tpu.memory_space<vmem>> -> memref<1x1x128xi32, #tpu.memory_space<vmem>>
    %dma_start3A_17 = tpu.memref_squeeze %dma_start3A_16 : memref<1x1x128xi32, #tpu.memory_space<vmem>> -> memref<128xi32, #tpu.memory_space<vmem>>
    %dma_start3A_18 = arith.constant 0 : i32
    %dma_start3A_19 = arith.constant 0 : i32
    %dma_start3A_20 = tpu.memref_slice %arg2[%dma_start3A_18, %dma_start3A_19] : memref<10240x128xf32, #tpu.memory_space<hbm>> -> memref<10240x128xf32, #tpu.memory_space<hbm>>
    tpu.enqueue_indirect_dma source(%dma_start3A_20 : memref<10240x128xf32, #tpu.memory_space<hbm>>) target(%arg9 : memref<128x128xf32, #tpu.memory_space<vmem>>) offsets(%dma_start3A_17 : memref<128xi32, #tpu.memory_space<vmem>>) semaphore(%arg11 : memref<!tpu.dma_semaphore, #tpu.memory_space<semaphore_mem>>)
    %dma_start3A_21 = arith.constant 0 : i32
    %dma_start3A_22 = arith.constant 1 : i32
    %dma_start3A_23 = arith.constant 0 : i32
    %dma_start3A_24 = tpu.memref_slice %arg7[%dma_start3A_21, %dma_start3A_22, %dma_start3A_23] : memref<2x8x128xi32, #tpu.memory_space<vmem>> -> memref<1x1x128xi32, #tpu.memory_space<vmem>>
    %dma_start3A_25 = tpu.memref_squeeze %dma_start3A_24 : memref<1x1x128xi32, #tpu.memory_space<vmem>> -> memref<128xi32, #tpu.memory_space<vmem>>
    %dma_start3A_26 = arith.constant 0 : i32
    %dma_start3A_27 = arith.constant 0 : i32
    %dma_start3A_28 = tpu.memref_slice %arg2[%dma_start3A_26, %dma_start3A_27] : memref<10240x128xf32, #tpu.memory_space<hbm>> -> memref<10240x128xf32, #tpu.memory_space<hbm>>
    tpu.enqueue_indirect_dma source(%dma_start3A_28 : memref<10240x128xf32, #tpu.memory_space<hbm>>) target(%arg10 : memref<128x128xf32, #tpu.memory_space<vmem>>) offsets(%dma_start3A_25 : memref<128xi32, #tpu.memory_space<vmem>>) semaphore(%arg12 : memref<!tpu.dma_semaphore, #tpu.memory_space<semaphore_mem>>)
    %scan3A = arith.constant 0 : i32
    %scan3A_29 = arith.constant 0 : i32
    %scan3A_30 = arith.constant 10 : i32
    %scan3A_31 = arith.addi %scan3A_29, %scan3A_30 : i32
    %scan3A_32 = arith.constant 1 : i32
    scf.for %scan3A_39 = %scan3A_29 to %scan3A_31 step %scan3A_32  : i32 {
      %mul3A_40 = arith.constant 2 : i32
      %mul3A_41 = arith.muli %mul3A_40, %scan3A_39 : i32
      %add3A_42 = arith.constant 2 : i32
      %add3A_43 = arith.addi %mul3A_41, %add3A_42 : i32
      %lt3A = arith.constant 20 : i32
      %lt3A_44 = arith.cmpi slt, %add3A_43, %lt3A : i32
      %dma_wait3A = arith.constant 0 : i32
      %dma_wait3A_45 = arith.constant 0 : i32
      %dma_wait3A_46 = arith.constant 0 : i32
      %dma_wait3A_47 = tpu.memref_slice %arg7[%dma_wait3A, %dma_wait3A_45, %dma_wait3A_46] : memref<2x8x128xi32, #tpu.memory_space<vmem>> -> memref<1x1x128xi32, #tpu.memory_space<vmem>>
      %dma_wait3A_48 = tpu.memref_squeeze %dma_wait3A_47 : memref<1x1x128xi32, #tpu.memory_space<vmem>> -> memref<128xi32, #tpu.memory_space<vmem>>
      %dma_wait3A_49 = arith.constant 0 : i32
      %dma_wait3A_50 = arith.constant 0 : i32
      %dma_wait3A_51 = tpu.memref_slice %arg2[%dma_wait3A_49, %dma_wait3A_50] : memref<10240x128xf32, #tpu.memory_space<hbm>> -> memref<10240x128xf32, #tpu.memory_space<hbm>>
      tpu.wait_indirect_dma semaphore(%arg11 : memref<!tpu.dma_semaphore, #tpu.memory_space<semaphore_mem>>) src(%dma_wait3A_51 : memref<10240x128xf32, #tpu.memory_space<hbm>>) dst(%arg9 : memref<128x128xf32, #tpu.memory_space<vmem>>)
      %run_scoped3A_52 = arith.constant 1 : i32
      %run_scoped3A_53 = arith.constant 0 : i32
      "tpu.region"() ({
        %run_scoped3A_340 = tpu.sem_alloc : memref<!tpu.dma_semaphore, #tpu.memory_space<semaphore_mem>>
        %dma_start3A_341 = arith.constant 0 : i32
        %dma_start3A_342 = tpu.memref_slice %arg7[%run_scoped3A_52, %run_scoped3A_53, %dma_start3A_341] : memref<2x8x128xi32, #tpu.memory_space<vmem>> -> memref<1x1x128xi32, #tpu.memory_space<vmem>>
        %dma_start3A_343 = tpu.memref_squeeze %dma_start3A_342 : memref<1x1x128xi32, #tpu.memory_space<vmem>> -> memref<128xi32, #tpu.memory_space<vmem>>
        %dma_start3A_344 = arith.constant 0 : i32
        %dma_start3A_345 = arith.constant 0 : i32
        %dma_start3A_346 = tpu.memref_slice %arg6[%dma_start3A_344, %dma_start3A_345] : memref<10240x128xf32, #tpu.memory_space<vmem_shared>> -> memref<10240x128xf32, #tpu.memory_space<vmem_shared>>
        tpu.enqueue_indirect_dma source(%arg9 : memref<128x128xf32, #tpu.memory_space<vmem>>) target(%dma_start3A_346 : memref<10240x128xf32, #tpu.memory_space<vmem_shared>>) offsets(%dma_start3A_343 : memref<128xi32, #tpu.memory_space<vmem>>) semaphore(%run_scoped3A_340 : memref<!tpu.dma_semaphore, #tpu.memory_space<semaphore_mem>>) {add = true}
        %dma_wait3A_347 = arith.constant 0 : i32
        %dma_wait3A_348 = tpu.memref_slice %arg7[%run_scoped3A_52, %run_scoped3A_53, %dma_wait3A_347] : memref<2x8x128xi32, #tpu.memory_space<vmem>> -> memref<1x1x128xi32, #tpu.memory_space<vmem>>
        %dma_wait3A_349 = tpu.memref_squeeze %dma_wait3A_348 : memref<1x1x128xi32, #tpu.memory_space<vmem>> -> memref<128xi32, #tpu.memory_space<vmem>>
        %dma_wait3A_350 = arith.constant 0 : i32
        %dma_wait3A_351 = arith.constant 0 : i32
        %dma_wait3A_352 = tpu.memref_slice %arg6[%dma_wait3A_350, %dma_wait3A_351] : memref<10240x128xf32, #tpu.memory_space<vmem_shared>> -> memref<10240x128xf32, #tpu.memory_space<vmem_shared>>
        tpu.wait_indirect_dma semaphore(%run_scoped3A_340 : memref<!tpu.dma_semaphore, #tpu.memory_space<semaphore_mem>>) src(%arg9 : memref<128x128xf32, #tpu.memory_space<vmem>>) dst(%dma_wait3A_352 : memref<10240x128xf32, #tpu.memory_space<vmem_shared>>)
        tpu.yield
      }) : () -> ()
      %dma_start3A_54 = arith.constant 0 : i32
      %dma_start3A_55 = arith.constant 2 : i32
      %dma_start3A_56 = arith.constant 0 : i32
      %dma_start3A_57 = tpu.memref_slice %arg7[%dma_start3A_54, %dma_start3A_55, %dma_start3A_56] : memref<2x8x128xi32, #tpu.memory_space<vmem>> -> memref<1x1x128xi32, #tpu.memory_space<vmem>>
      %dma_start3A_58 = tpu.memref_squeeze %dma_start3A_57 : memref<1x1x128xi32, #tpu.memory_space<vmem>> -> memref<128xi32, #tpu.memory_space<vmem>>
      %dma_start3A_59 = arith.constant 0 : i32
      %dma_start3A_60 = arith.constant 0 : i32
      %dma_start3A_61 = tpu.memref_slice %arg2[%dma_start3A_59, %dma_start3A_60] : memref<10240x128xf32, #tpu.memory_space<hbm>> -> memref<10240x128xf32, #tpu.memory_space<hbm>>
      tpu.enqueue_indirect_dma source(%dma_start3A_61 : memref<10240x128xf32, #tpu.memory_space<hbm>>) target(%arg9 : memref<128x128xf32, #tpu.memory_space<vmem>>) offsets(%dma_start3A_58 : memref<128xi32, #tpu.memory_space<vmem>>) semaphore(%arg11 : memref<!tpu.dma_semaphore, #tpu.memory_space<semaphore_mem>>)
      %dma_wait3A_62 = arith.constant 0 : i32
      %dma_wait3A_63 = arith.constant 0 : i32
      %dma_wait3A_64 = arith.constant 0 : i32
      %dma_wait3A_65 = tpu.memref_slice %arg7[%dma_wait3A_62, %dma_wait3A_63, %dma_wait3A_64] : memref<2x8x128xi32, #tpu.memory_space<vmem>> -> memref<1x1x128xi32, #tpu.memory_space<vmem>>
      %dma_wait3A_66 = tpu.memref_squeeze %dma_wait3A_65 : memref<1x1x128xi32, #tpu.memory_space<vmem>> -> memref<128xi32, #tpu.memory_space<vmem>>
      %dma_wait3A_67 = arith.constant 0 : i32
      %dma_wait3A_68 = arith.constant 0 : i32
      %dma_wait3A_69 = tpu.memref_slice %arg2[%dma_wait3A_67, %dma_wait3A_68] : memref<10240x128xf32, #tpu.memory_space<hbm>> -> memref<10240x128xf32, #tpu.memory_space<hbm>>
      tpu.wait_indirect_dma semaphore(%arg12 : memref<!tpu.dma_semaphore, #tpu.memory_space<semaphore_mem>>) src(%dma_wait3A_69 : memref<10240x128xf32, #tpu.memory_space<hbm>>) dst(%arg10 : memref<128x128xf32, #tpu.memory_space<vmem>>)
      %run_scoped3A_70 = arith.constant 1 : i32
      %run_scoped3A_71 = arith.constant 1 : i32
      "tpu.region"() ({
        %run_scoped3A_340 = tpu.sem_alloc : memref<!tpu.dma_semaphore, #tpu.memory_space<semaphore_mem>>
        %dma_start3A_341 = arith.constant 0 : i32
        %dma_start3A_342 = tpu.memref_slice %arg7[%run_scoped3A_70, %run_scoped3A_71, %dma_start3A_341] : memref<2x8x128xi32, #tpu.memory_space<vmem>> -> memref<1x1x128xi32, #tpu.memory_space<vmem>>
        %dma_start3A_343 = tpu.memref_squeeze %dma_start3A_342 : memref<1x1x128xi32, #tpu.memory_space<vmem>> -> memref<128xi32, #tpu.memory_space<vmem>>
        %dma_start3A_344 = arith.constant 0 : i32
        %dma_start3A_345 = arith.constant 0 : i32
        %dma_start3A_346 = tpu.memref_slice %arg6[%dma_start3A_344, %dma_start3A_345] : memref<10240x128xf32, #tpu.memory_space<vmem_shared>> -> memref<10240x128xf32, #tpu.memory_space<vmem_shared>>
        tpu.enqueue_indirect_dma source(%arg10 : memref<128x128xf32, #tpu.memory_space<vmem>>) target(%dma_start3A_346 : memref<10240x128xf32, #tpu.memory_space<vmem_shared>>) offsets(%dma_start3A_343 : memref<128xi32, #tpu.memory_space<vmem>>) semaphore(%run_scoped3A_340 : memref<!tpu.dma_semaphore, #tpu.memory_space<semaphore_mem>>) {add = true}
        %dma_wait3A_347 = arith.constant 0 : i32
        %dma_wait3A_348 = tpu.memref_slice %arg7[%run_scoped3A_70, %run_scoped3A_71, %dma_wait3A_347] : memref<2x8x128xi32, #tpu.memory_space<vmem>> -> memref<1x1x128xi32, #tpu.memory_space<vmem>>
        %dma_wait3A_349 = tpu.memref_squeeze %dma_wait3A_348 : memref<1x1x128xi32, #tpu.memory_space<vmem>> -> memref<128xi32, #tpu.memory_space<vmem>>
        %dma_wait3A_350 = arith.constant 0 : i32
        %dma_wait3A_351 = arith.constant 0 : i32
        %dma_wait3A_352 = tpu.memref_slice %arg6[%dma_wait3A_350, %dma_wait3A_351] : memref<10240x128xf32, #tpu.memory_space<vmem_shared>> -> memref<10240x128xf32, #tpu.memory_space<vmem_shared>>
        tpu.wait_indirect_dma semaphore(%run_scoped3A_340 : memref<!tpu.dma_semaphore, #tpu.memory_space<semaphore_mem>>) src(%arg10 : memref<128x128xf32, #tpu.memory_space<vmem>>) dst(%dma_wait3A_352 : memref<10240x128xf32, #tpu.memory_space<vmem_shared>>)
        tpu.yield
      }) : () -> ()
      %dma_start3A_72 = arith.constant 0 : i32
      %dma_start3A_73 = arith.constant 3 : i32
      %dma_start3A_74 = arith.constant 0 : i32
      %dma_start3A_75 = tpu.memref_slice %arg7[%dma_start3A_72, %dma_start3A_73, %dma_start3A_74] : memref<2x8x128xi32, #tpu.memory_space<vmem>> -> memref<1x1x128xi32, #tpu.memory_space<vmem>>
      %dma_start3A_76 = tpu.memref_squeeze %dma_start3A_75 : memref<1x1x128xi32, #tpu.memory_space<vmem>> -> memref<128xi32, #tpu.memory_space<vmem>>
      %dma_start3A_77 = arith.constant 0 : i32
      %dma_start3A_78 = arith.constant 0 : i32
      %dma_start3A_79 = tpu.memref_slice %arg2[%dma_start3A_77, %dma_start3A_78] : memref<10240x128xf32, #tpu.memory_space<hbm>> -> memref<10240x128xf32, #tpu.memory_space<hbm>>
      tpu.enqueue_indirect_dma source(%dma_start3A_79 : memref<10240x128xf32, #tpu.memory_space<hbm>>) target(%arg10 : memref<128x128xf32, #tpu.memory_space<vmem>>) offsets(%dma_start3A_76 : memref<128xi32, #tpu.memory_space<vmem>>) semaphore(%arg12 : memref<!tpu.dma_semaphore, #tpu.memory_space<semaphore_mem>>)
      %dma_wait3A_80 = arith.constant 0 : i32
      %dma_wait3A_81 = arith.constant 0 : i32
      %dma_wait3A_82 = arith.constant 0 : i32
      %dma_wait3A_83 = tpu.memref_slice %arg7[%dma_wait3A_80, %dma_wait3A_81, %dma_wait3A_82] : memref<2x8x128xi32, #tpu.memory_space<vmem>> -> memref<1x1x128xi32, #tpu.memory_space<vmem>>
      %dma_wait3A_84 = tpu.memref_squeeze %dma_wait3A_83 : memref<1x1x128xi32, #tpu.memory_space<vmem>> -> memref<128xi32, #tpu.memory_space<vmem>>
      %dma_wait3A_85 = arith.constant 0 : i32
      %dma_wait3A_86 = arith.constant 0 : i32
      %dma_wait3A_87 = tpu.memref_slice %arg2[%dma_wait3A_85, %dma_wait3A_86] : memref<10240x128xf32, #tpu.memory_space<hbm>> -> memref<10240x128xf32, #tpu.memory_space<hbm>>
      tpu.wait_indirect_dma semaphore(%arg11 : memref<!tpu.dma_semaphore, #tpu.memory_space<semaphore_mem>>) src(%dma_wait3A_87 : memref<10240x128xf32, #tpu.memory_space<hbm>>) dst(%arg9 : memref<128x128xf32, #tpu.memory_space<vmem>>)
      %run_scoped3A_88 = arith.constant 1 : i32
      %run_scoped3A_89 = arith.constant 2 : i32
      "tpu.region"() ({
        %run_scoped3A_340 = tpu.sem_alloc : memref<!tpu.dma_semaphore, #tpu.memory_space<semaphore_mem>>
        %dma_start3A_341 = arith.constant 0 : i32
        %dma_start3A_342 = tpu.memref_slice %arg7[%run_scoped3A_88, %run_scoped3A_89, %dma_start3A_341] : memref<2x8x128xi32, #tpu.memory_space<vmem>> -> memref<1x1x128xi32, #tpu.memory_space<vmem>>
        %dma_start3A_343 = tpu.memref_squeeze %dma_start3A_342 : memref<1x1x128xi32, #tpu.memory_space<vmem>> -> memref<128xi32, #tpu.memory_space<vmem>>
        %dma_start3A_344 = arith.constant 0 : i32
        %dma_start3A_345 = arith.constant 0 : i32
        %dma_start3A_346 = tpu.memref_slice %arg6[%dma_start3A_344, %dma_start3A_345] : memref<10240x128xf32, #tpu.memory_space<vmem_shared>> -> memref<10240x128xf32, #tpu.memory_space<vmem_shared>>
        tpu.enqueue_indirect_dma source(%arg9 : memref<128x128xf32, #tpu.memory_space<vmem>>) target(%dma_start3A_346 : memref<10240x128xf32, #tpu.memory_space<vmem_shared>>) offsets(%dma_start3A_343 : memref<128xi32, #tpu.memory_space<vmem>>) semaphore(%run_scoped3A_340 : memref<!tpu.dma_semaphore, #tpu.memory_space<semaphore_mem>>) {add = true}
        %dma_wait3A_347 = arith.constant 0 : i32
        %dma_wait3A_348 = tpu.memref_slice %arg7[%run_scoped3A_88, %run_scoped3A_89, %dma_wait3A_347] : memref<2x8x128xi32, #tpu.memory_space<vmem>> -> memref<1x1x128xi32, #tpu.memory_space<vmem>>
        %dma_wait3A_349 = tpu.memref_squeeze %dma_wait3A_348 : memref<1x1x128xi32, #tpu.memory_space<vmem>> -> memref<128xi32, #tpu.memory_space<vmem>>
        %dma_wait3A_350 = arith.constant 0 : i32
        %dma_wait3A_351 = arith.constant 0 : i32
        %dma_wait3A_352 = tpu.memref_slice %arg6[%dma_wait3A_350, %dma_wait3A_351] : memref<10240x128xf32, #tpu.memory_space<vmem_shared>> -> memref<10240x128xf32, #tpu.memory_space<vmem_shared>>
        tpu.wait_indirect_dma semaphore(%run_scoped3A_340 : memref<!tpu.dma_semaphore, #tpu.memory_space<semaphore_mem>>) src(%arg9 : memref<128x128xf32, #tpu.memory_space<vmem>>) dst(%dma_wait3A_352 : memref<10240x128xf32, #tpu.memory_space<vmem_shared>>)
        tpu.yield
      }) : () -> ()
      %dma_start3A_90 = arith.constant 0 : i32
      %dma_start3A_91 = arith.constant 4 : i32
      %dma_start3A_92 = arith.constant 0 : i32
      %dma_start3A_93 = tpu.memref_slice %arg7[%dma_start3A_90, %dma_start3A_91, %dma_start3A_92] : memref<2x8x128xi32, #tpu.memory_space<vmem>> -> memref<1x1x128xi32, #tpu.memory_space<vmem>>
      %dma_start3A_94 = tpu.memref_squeeze %dma_start3A_93 : memref<1x1x128xi32, #tpu.memory_space<vmem>> -> memref<128xi32, #tpu.memory_space<vmem>>
      %dma_start3A_95 = arith.constant 0 : i32
      %dma_start3A_96 = arith.constant 0 : i32
      %dma_start3A_97 = tpu.memref_slice %arg2[%dma_start3A_95, %dma_start3A_96] : memref<10240x128xf32, #tpu.memory_space<hbm>> -> memref<10240x128xf32, #tpu.memory_space<hbm>>
      tpu.enqueue_indirect_dma source(%dma_start3A_97 : memref<10240x128xf32, #tpu.memory_space<hbm>>) target(%arg9 : memref<128x128xf32, #tpu.memory_space<vmem>>) offsets(%dma_start3A_94 : memref<128xi32, #tpu.memory_space<vmem>>) semaphore(%arg11 : memref<!tpu.dma_semaphore, #tpu.memory_space<semaphore_mem>>)
      %dma_wait3A_98 = arith.constant 0 : i32
      %dma_wait3A_99 = arith.constant 0 : i32
      %dma_wait3A_100 = arith.constant 0 : i32
      %dma_wait3A_101 = tpu.memref_slice %arg7[%dma_wait3A_98, %dma_wait3A_99, %dma_wait3A_100] : memref<2x8x128xi32, #tpu.memory_space<vmem>> -> memref<1x1x128xi32, #tpu.memory_space<vmem>>
      %dma_wait3A_102 = tpu.memref_squeeze %dma_wait3A_101 : memref<1x1x128xi32, #tpu.memory_space<vmem>> -> memref<128xi32, #tpu.memory_space<vmem>>
      %dma_wait3A_103 = arith.constant 0 : i32
      %dma_wait3A_104 = arith.constant 0 : i32
      %dma_wait3A_105 = tpu.memref_slice %arg2[%dma_wait3A_103, %dma_wait3A_104] : memref<10240x128xf32, #tpu.memory_space<hbm>> -> memref<10240x128xf32, #tpu.memory_space<hbm>>
      tpu.wait_indirect_dma semaphore(%arg12 : memref<!tpu.dma_semaphore, #tpu.memory_space<semaphore_mem>>) src(%dma_wait3A_105 : memref<10240x128xf32, #tpu.memory_space<hbm>>) dst(%arg10 : memref<128x128xf32, #tpu.memory_space<vmem>>)
      %run_scoped3A_106 = arith.constant 1 : i32
      %run_scoped3A_107 = arith.constant 3 : i32
      "tpu.region"() ({
        %run_scoped3A_340 = tpu.sem_alloc : memref<!tpu.dma_semaphore, #tpu.memory_space<semaphore_mem>>
        %dma_start3A_341 = arith.constant 0 : i32
        %dma_start3A_342 = tpu.memref_slice %arg7[%run_scoped3A_106, %run_scoped3A_107, %dma_start3A_341] : memref<2x8x128xi32, #tpu.memory_space<vmem>> -> memref<1x1x128xi32, #tpu.memory_space<vmem>>
        %dma_start3A_343 = tpu.memref_squeeze %dma_start3A_342 : memref<1x1x128xi32, #tpu.memory_space<vmem>> -> memref<128xi32, #tpu.memory_space<vmem>>
        %dma_start3A_344 = arith.constant 0 : i32
        %dma_start3A_345 = arith.constant 0 : i32
        %dma_start3A_346 = tpu.memref_slice %arg6[%dma_start3A_344, %dma_start3A_345] : memref<10240x128xf32, #tpu.memory_space<vmem_shared>> -> memref<10240x128xf32, #tpu.memory_space<vmem_shared>>
        tpu.enqueue_indirect_dma source(%arg10 : memref<128x128xf32, #tpu.memory_space<vmem>>) target(%dma_start3A_346 : memref<10240x128xf32, #tpu.memory_space<vmem_shared>>) offsets(%dma_start3A_343 : memref<128xi32, #tpu.memory_space<vmem>>) semaphore(%run_scoped3A_340 : memref<!tpu.dma_semaphore, #tpu.memory_space<semaphore_mem>>) {add = true}
        %dma_wait3A_347 = arith.constant 0 : i32
        %dma_wait3A_348 = tpu.memref_slice %arg7[%run_scoped3A_106, %run_scoped3A_107, %dma_wait3A_347] : memref<2x8x128xi32, #tpu.memory_space<vmem>> -> memref<1x1x128xi32, #tpu.memory_space<vmem>>
        %dma_wait3A_349 = tpu.memref_squeeze %dma_wait3A_348 : memref<1x1x128xi32, #tpu.memory_space<vmem>> -> memref<128xi32, #tpu.memory_space<vmem>>
        %dma_wait3A_350 = arith.constant 0 : i32
        %dma_wait3A_351 = arith.constant 0 : i32
        %dma_wait3A_352 = tpu.memref_slice %arg6[%dma_wait3A_350, %dma_wait3A_351] : memref<10240x128xf32, #tpu.memory_space<vmem_shared>> -> memref<10240x128xf32, #tpu.memory_space<vmem_shared>>
        tpu.wait_indirect_dma semaphore(%run_scoped3A_340 : memref<!tpu.dma_semaphore, #tpu.memory_space<semaphore_mem>>) src(%arg10 : memref<128x128xf32, #tpu.memory_space<vmem>>) dst(%dma_wait3A_352 : memref<10240x128xf32, #tpu.memory_space<vmem_shared>>)
        tpu.yield
      }) : () -> ()
      %dma_start3A_108 = arith.constant 0 : i32
      %dma_start3A_109 = arith.constant 5 : i32
      %dma_start3A_110 = arith.constant 0 : i32
      %dma_start3A_111 = tpu.memref_slice %arg7[%dma_start3A_108, %dma_start3A_109, %dma_start3A_110] : memref<2x8x128xi32, #tpu.memory_space<vmem>> -> memref<1x1x128xi32, #tpu.memory_space<vmem>>
      %dma_start3A_112 = tpu.memref_squeeze %dma_start3A_111 : memref<1x1x128xi32, #tpu.memory_space<vmem>> -> memref<128xi32, #tpu.memory_space<vmem>>
      %dma_start3A_113 = arith.constant 0 : i32
      %dma_start3A_114 = arith.constant 0 : i32
      %dma_start3A_115 = tpu.memref_slice %arg2[%dma_start3A_113, %dma_start3A_114] : memref<10240x128xf32, #tpu.memory_space<hbm>> -> memref<10240x128xf32, #tpu.memory_space<hbm>>
      tpu.enqueue_indirect_dma source(%dma_start3A_115 : memref<10240x128xf32, #tpu.memory_space<hbm>>) target(%arg10 : memref<128x128xf32, #tpu.memory_space<vmem>>) offsets(%dma_start3A_112 : memref<128xi32, #tpu.memory_space<vmem>>) semaphore(%arg12 : memref<!tpu.dma_semaphore, #tpu.memory_space<semaphore_mem>>)
      %dma_wait3A_116 = arith.constant 0 : i32
      %dma_wait3A_117 = arith.constant 0 : i32
      %dma_wait3A_118 = arith.constant 0 : i32
      %dma_wait3A_119 = tpu.memref_slice %arg7[%dma_wait3A_116, %dma_wait3A_117, %dma_wait3A_118] : memref<2x8x128xi32, #tpu.memory_space<vmem>> -> memref<1x1x128xi32, #tpu.memory_space<vmem>>
      %dma_wait3A_120 = tpu.memref_squeeze %dma_wait3A_119 : memref<1x1x128xi32, #tpu.memory_space<vmem>> -> memref<128xi32, #tpu.memory_space<vmem>>
      %dma_wait3A_121 = arith.constant 0 : i32
      %dma_wait3A_122 = arith.constant 0 : i32
      %dma_wait3A_123 = tpu.memref_slice %arg2[%dma_wait3A_121, %dma_wait3A_122] : memref<10240x128xf32, #tpu.memory_space<hbm>> -> memref<10240x128xf32, #tpu.memory_space<hbm>>
      tpu.wait_indirect_dma semaphore(%arg11 : memref<!tpu.dma_semaphore, #tpu.memory_space<semaphore_mem>>) src(%dma_wait3A_123 : memref<10240x128xf32, #tpu.memory_space<hbm>>) dst(%arg9 : memref<128x128xf32, #tpu.memory_space<vmem>>)
      %run_scoped3A_124 = arith.constant 1 : i32
      %run_scoped3A_125 = arith.constant 4 : i32
      "tpu.region"() ({
        %run_scoped3A_340 = tpu.sem_alloc : memref<!tpu.dma_semaphore, #tpu.memory_space<semaphore_mem>>
        %dma_start3A_341 = arith.constant 0 : i32
        %dma_start3A_342 = tpu.memref_slice %arg7[%run_scoped3A_124, %run_scoped3A_125, %dma_start3A_341] : memref<2x8x128xi32, #tpu.memory_space<vmem>> -> memref<1x1x128xi32, #tpu.memory_space<vmem>>
        %dma_start3A_343 = tpu.memref_squeeze %dma_start3A_342 : memref<1x1x128xi32, #tpu.memory_space<vmem>> -> memref<128xi32, #tpu.memory_space<vmem>>
        %dma_start3A_344 = arith.constant 0 : i32
        %dma_start3A_345 = arith.constant 0 : i32
        %dma_start3A_346 = tpu.memref_slice %arg6[%dma_start3A_344, %dma_start3A_345] : memref<10240x128xf32, #tpu.memory_space<vmem_shared>> -> memref<10240x128xf32, #tpu.memory_space<vmem_shared>>
        tpu.enqueue_indirect_dma source(%arg9 : memref<128x128xf32, #tpu.memory_space<vmem>>) target(%dma_start3A_346 : memref<10240x128xf32, #tpu.memory_space<vmem_shared>>) offsets(%dma_start3A_343 : memref<128xi32, #tpu.memory_space<vmem>>) semaphore(%run_scoped3A_340 : memref<!tpu.dma_semaphore, #tpu.memory_space<semaphore_mem>>) {add = true}
        %dma_wait3A_347 = arith.constant 0 : i32
        %dma_wait3A_348 = tpu.memref_slice %arg7[%run_scoped3A_124, %run_scoped3A_125, %dma_wait3A_347] : memref<2x8x128xi32, #tpu.memory_space<vmem>> -> memref<1x1x128xi32, #tpu.memory_space<vmem>>
        %dma_wait3A_349 = tpu.memref_squeeze %dma_wait3A_348 : memref<1x1x128xi32, #tpu.memory_space<vmem>> -> memref<128xi32, #tpu.memory_space<vmem>>
        %dma_wait3A_350 = arith.constant 0 : i32
        %dma_wait3A_351 = arith.constant 0 : i32
        %dma_wait3A_352 = tpu.memref_slice %arg6[%dma_wait3A_350, %dma_wait3A_351] : memref<10240x128xf32, #tpu.memory_space<vmem_shared>> -> memref<10240x128xf32, #tpu.memory_space<vmem_shared>>
        tpu.wait_indirect_dma semaphore(%run_scoped3A_340 : memref<!tpu.dma_semaphore, #tpu.memory_space<semaphore_mem>>) src(%arg9 : memref<128x128xf32, #tpu.memory_space<vmem>>) dst(%dma_wait3A_352 : memref<10240x128xf32, #tpu.memory_space<vmem_shared>>)
        tpu.yield
      }) : () -> ()
      %dma_start3A_126 = arith.constant 0 : i32
      %dma_start3A_127 = arith.constant 6 : i32
      %dma_start3A_128 = arith.constant 0 : i32
      %dma_start3A_129 = tpu.memref_slice %arg7[%dma_start3A_126, %dma_start3A_127, %dma_start3A_128] : memref<2x8x128xi32, #tpu.memory_space<vmem>> -> memref<1x1x128xi32, #tpu.memory_space<vmem>>
      %dma_start3A_130 = tpu.memref_squeeze %dma_start3A_129 : memref<1x1x128xi32, #tpu.memory_space<vmem>> -> memref<128xi32, #tpu.memory_space<vmem>>
      %dma_start3A_131 = arith.constant 0 : i32
      %dma_start3A_132 = arith.constant 0 : i32
      %dma_start3A_133 = tpu.memref_slice %arg2[%dma_start3A_131, %dma_start3A_132] : memref<10240x128xf32, #tpu.memory_space<hbm>> -> memref<10240x128xf32, #tpu.memory_space<hbm>>
      tpu.enqueue_indirect_dma source(%dma_start3A_133 : memref<10240x128xf32, #tpu.memory_space<hbm>>) target(%arg9 : memref<128x128xf32, #tpu.memory_space<vmem>>) offsets(%dma_start3A_130 : memref<128xi32, #tpu.memory_space<vmem>>) semaphore(%arg11 : memref<!tpu.dma_semaphore, #tpu.memory_space<semaphore_mem>>)
      %dma_wait3A_134 = arith.constant 0 : i32
      %dma_wait3A_135 = arith.constant 0 : i32
      %dma_wait3A_136 = arith.constant 0 : i32
      %dma_wait3A_137 = tpu.memref_slice %arg7[%dma_wait3A_134, %dma_wait3A_135, %dma_wait3A_136] : memref<2x8x128xi32, #tpu.memory_space<vmem>> -> memref<1x1x128xi32, #tpu.memory_space<vmem>>
      %dma_wait3A_138 = tpu.memref_squeeze %dma_wait3A_137 : memref<1x1x128xi32, #tpu.memory_space<vmem>> -> memref<128xi32, #tpu.memory_space<vmem>>
      %dma_wait3A_139 = arith.constant 0 : i32
      %dma_wait3A_140 = arith.constant 0 : i32
      %dma_wait3A_141 = tpu.memref_slice %arg2[%dma_wait3A_139, %dma_wait3A_140] : memref<10240x128xf32, #tpu.memory_space<hbm>> -> memref<10240x128xf32, #tpu.memory_space<hbm>>
      tpu.wait_indirect_dma semaphore(%arg12 : memref<!tpu.dma_semaphore, #tpu.memory_space<semaphore_mem>>) src(%dma_wait3A_141 : memref<10240x128xf32, #tpu.memory_space<hbm>>) dst(%arg10 : memref<128x128xf32, #tpu.memory_space<vmem>>)
      %run_scoped3A_142 = arith.constant 1 : i32
      %run_scoped3A_143 = arith.constant 5 : i32
      "tpu.region"() ({
        %run_scoped3A_340 = tpu.sem_alloc : memref<!tpu.dma_semaphore, #tpu.memory_space<semaphore_mem>>
        %dma_start3A_341 = arith.constant 0 : i32
        %dma_start3A_342 = tpu.memref_slice %arg7[%run_scoped3A_142, %run_scoped3A_143, %dma_start3A_341] : memref<2x8x128xi32, #tpu.memory_space<vmem>> -> memref<1x1x128xi32, #tpu.memory_space<vmem>>
        %dma_start3A_343 = tpu.memref_squeeze %dma_start3A_342 : memref<1x1x128xi32, #tpu.memory_space<vmem>> -> memref<128xi32, #tpu.memory_space<vmem>>
        %dma_start3A_344 = arith.constant 0 : i32
        %dma_start3A_345 = arith.constant 0 : i32
        %dma_start3A_346 = tpu.memref_slice %arg6[%dma_start3A_344, %dma_start3A_345] : memref<10240x128xf32, #tpu.memory_space<vmem_shared>> -> memref<10240x128xf32, #tpu.memory_space<vmem_shared>>
        tpu.enqueue_indirect_dma source(%arg10 : memref<128x128xf32, #tpu.memory_space<vmem>>) target(%dma_start3A_346 : memref<10240x128xf32, #tpu.memory_space<vmem_shared>>) offsets(%dma_start3A_343 : memref<128xi32, #tpu.memory_space<vmem>>) semaphore(%run_scoped3A_340 : memref<!tpu.dma_semaphore, #tpu.memory_space<semaphore_mem>>) {add = true}
        %dma_wait3A_347 = arith.constant 0 : i32
        %dma_wait3A_348 = tpu.memref_slice %arg7[%run_scoped3A_142, %run_scoped3A_143, %dma_wait3A_347] : memref<2x8x128xi32, #tpu.memory_space<vmem>> -> memref<1x1x128xi32, #tpu.memory_space<vmem>>
        %dma_wait3A_349 = tpu.memref_squeeze %dma_wait3A_348 : memref<1x1x128xi32, #tpu.memory_space<vmem>> -> memref<128xi32, #tpu.memory_space<vmem>>
        %dma_wait3A_350 = arith.constant 0 : i32
        %dma_wait3A_351 = arith.constant 0 : i32
        %dma_wait3A_352 = tpu.memref_slice %arg6[%dma_wait3A_350, %dma_wait3A_351] : memref<10240x128xf32, #tpu.memory_space<vmem_shared>> -> memref<10240x128xf32, #tpu.memory_space<vmem_shared>>
        tpu.wait_indirect_dma semaphore(%run_scoped3A_340 : memref<!tpu.dma_semaphore, #tpu.memory_space<semaphore_mem>>) src(%arg10 : memref<128x128xf32, #tpu.memory_space<vmem>>) dst(%dma_wait3A_352 : memref<10240x128xf32, #tpu.memory_space<vmem_shared>>)
        tpu.yield
      }) : () -> ()
      %dma_start3A_144 = arith.constant 0 : i32
      %dma_start3A_145 = arith.constant 7 : i32
      %dma_start3A_146 = arith.constant 0 : i32
      %dma_start3A_147 = tpu.memref_slice %arg7[%dma_start3A_144, %dma_start3A_145, %dma_start3A_146] : memref<2x8x128xi32, #tpu.memory_space<vmem>> -> memref<1x1x128xi32, #tpu.memory_space<vmem>>
      %dma_start3A_148 = tpu.memref_squeeze %dma_start3A_147 : memref<1x1x128xi32, #tpu.memory_space<vmem>> -> memref<128xi32, #tpu.memory_space<vmem>>
      %dma_start3A_149 = arith.constant 0 : i32
      %dma_start3A_150 = arith.constant 0 : i32
      %dma_start3A_151 = tpu.memref_slice %arg2[%dma_start3A_149, %dma_start3A_150] : memref<10240x128xf32, #tpu.memory_space<hbm>> -> memref<10240x128xf32, #tpu.memory_space<hbm>>
      tpu.enqueue_indirect_dma source(%dma_start3A_151 : memref<10240x128xf32, #tpu.memory_space<hbm>>) target(%arg10 : memref<128x128xf32, #tpu.memory_space<vmem>>) offsets(%dma_start3A_148 : memref<128xi32, #tpu.memory_space<vmem>>) semaphore(%arg12 : memref<!tpu.dma_semaphore, #tpu.memory_space<semaphore_mem>>)
      %dma_wait3A_152 = arith.constant 0 : i32
      %dma_wait3A_153 = arith.constant 0 : i32
      %dma_wait3A_154 = arith.constant 0 : i32
      %dma_wait3A_155 = arith.constant 0 : i32
      %dma_wait3A_156 = tpu.memref_slice %arg3[%add3A, %dma_wait3A_152, %dma_wait3A_153, %dma_wait3A_154, %dma_wait3A_155] : memref<32x20x2x8x128xi32, #tpu.memory_space<hbm>> -> memref<1x1x2x8x128xi32, #tpu.memory_space<hbm>>
      %dma_wait3A_157 = tpu.memref_squeeze %dma_wait3A_156 : memref<1x1x2x8x128xi32, #tpu.memory_space<hbm>> -> memref<2x8x128xi32, #tpu.memory_space<hbm>>
      %dma_wait3A_158 = arith.constant 0 : i32
      %dma_wait3A_159 = arith.constant 0 : i32
      %dma_wait3A_160 = arith.constant 0 : i32
      %dma_wait3A_161 = tpu.memref_slice %arg3[%add3A, %dma_wait3A_152, %dma_wait3A_158, %dma_wait3A_159, %dma_wait3A_160] : memref<32x20x2x8x128xi32, #tpu.memory_space<hbm>> -> memref<1x1x2x8x128xi32, #tpu.memory_space<hbm>>
      %dma_wait3A_162 = tpu.memref_squeeze %dma_wait3A_161 : memref<1x1x2x8x128xi32, #tpu.memory_space<hbm>> -> memref<2x8x128xi32, #tpu.memory_space<hbm>>
      tpu.wait_dma2 semaphore(%arg14 : memref<!tpu.dma_semaphore, #tpu.memory_space<semaphore_mem>>) src(%dma_wait3A_162 : memref<2x8x128xi32, #tpu.memory_space<hbm>>) dst(%arg8 : memref<2x8x128xi32, #tpu.memory_space<vmem>>)
      %dma_wait3A_163 = arith.constant 0 : i32
      %dma_wait3A_164 = arith.constant 0 : i32
      %dma_wait3A_165 = arith.constant 0 : i32
      %dma_wait3A_166 = tpu.memref_slice %arg7[%dma_wait3A_163, %dma_wait3A_164, %dma_wait3A_165] : memref<2x8x128xi32, #tpu.memory_space<vmem>> -> memref<1x1x128xi32, #tpu.memory_space<vmem>>
      %dma_wait3A_167 = tpu.memref_squeeze %dma_wait3A_166 : memref<1x1x128xi32, #tpu.memory_space<vmem>> -> memref<128xi32, #tpu.memory_space<vmem>>
      %dma_wait3A_168 = arith.constant 0 : i32
      %dma_wait3A_169 = arith.constant 0 : i32
      %dma_wait3A_170 = tpu.memref_slice %arg2[%dma_wait3A_168, %dma_wait3A_169] : memref<10240x128xf32, #tpu.memory_space<hbm>> -> memref<10240x128xf32, #tpu.memory_space<hbm>>
      tpu.wait_indirect_dma semaphore(%arg11 : memref<!tpu.dma_semaphore, #tpu.memory_space<semaphore_mem>>) src(%dma_wait3A_170 : memref<10240x128xf32, #tpu.memory_space<hbm>>) dst(%arg9 : memref<128x128xf32, #tpu.memory_space<vmem>>)
      %run_scoped3A_171 = arith.constant 1 : i32
      %run_scoped3A_172 = arith.constant 6 : i32
      "tpu.region"() ({
        %run_scoped3A_340 = tpu.sem_alloc : memref<!tpu.dma_semaphore, #tpu.memory_space<semaphore_mem>>
        %dma_start3A_341 = arith.constant 0 : i32
        %dma_start3A_342 = tpu.memref_slice %arg7[%run_scoped3A_171, %run_scoped3A_172, %dma_start3A_341] : memref<2x8x128xi32, #tpu.memory_space<vmem>> -> memref<1x1x128xi32, #tpu.memory_space<vmem>>
        %dma_start3A_343 = tpu.memref_squeeze %dma_start3A_342 : memref<1x1x128xi32, #tpu.memory_space<vmem>> -> memref<128xi32, #tpu.memory_space<vmem>>
        %dma_start3A_344 = arith.constant 0 : i32
        %dma_start3A_345 = arith.constant 0 : i32
        %dma_start3A_346 = tpu.memref_slice %arg6[%dma_start3A_344, %dma_start3A_345] : memref<10240x128xf32, #tpu.memory_space<vmem_shared>> -> memref<10240x128xf32, #tpu.memory_space<vmem_shared>>
        tpu.enqueue_indirect_dma source(%arg9 : memref<128x128xf32, #tpu.memory_space<vmem>>) target(%dma_start3A_346 : memref<10240x128xf32, #tpu.memory_space<vmem_shared>>) offsets(%dma_start3A_343 : memref<128xi32, #tpu.memory_space<vmem>>) semaphore(%run_scoped3A_340 : memref<!tpu.dma_semaphore, #tpu.memory_space<semaphore_mem>>) {add = true}
        %dma_wait3A_347 = arith.constant 0 : i32
        %dma_wait3A_348 = tpu.memref_slice %arg7[%run_scoped3A_171, %run_scoped3A_172, %dma_wait3A_347] : memref<2x8x128xi32, #tpu.memory_space<vmem>> -> memref<1x1x128xi32, #tpu.memory_space<vmem>>
        %dma_wait3A_349 = tpu.memref_squeeze %dma_wait3A_348 : memref<1x1x128xi32, #tpu.memory_space<vmem>> -> memref<128xi32, #tpu.memory_space<vmem>>
        %dma_wait3A_350 = arith.constant 0 : i32
        %dma_wait3A_351 = arith.constant 0 : i32
        %dma_wait3A_352 = tpu.memref_slice %arg6[%dma_wait3A_350, %dma_wait3A_351] : memref<10240x128xf32, #tpu.memory_space<vmem_shared>> -> memref<10240x128xf32, #tpu.memory_space<vmem_shared>>
        tpu.wait_indirect_dma semaphore(%run_scoped3A_340 : memref<!tpu.dma_semaphore, #tpu.memory_space<semaphore_mem>>) src(%arg9 : memref<128x128xf32, #tpu.memory_space<vmem>>) dst(%dma_wait3A_352 : memref<10240x128xf32, #tpu.memory_space<vmem_shared>>)
        tpu.yield
      }) : () -> ()
      %dma_start3A_173 = arith.constant 0 : i32
      %dma_start3A_174 = arith.constant 0 : i32
      %dma_start3A_175 = arith.constant 0 : i32
      %dma_start3A_176 = tpu.memref_slice %arg8[%dma_start3A_173, %dma_start3A_174, %dma_start3A_175] : memref<2x8x128xi32, #tpu.memory_space<vmem>> -> memref<1x1x128xi32, #tpu.memory_space<vmem>>
      %dma_start3A_177 = tpu.memref_squeeze %dma_start3A_176 : memref<1x1x128xi32, #tpu.memory_space<vmem>> -> memref<128xi32, #tpu.memory_space<vmem>>
      %dma_start3A_178 = arith.constant 0 : i32
      %dma_start3A_179 = arith.constant 0 : i32
      %dma_start3A_180 = tpu.memref_slice %arg2[%dma_start3A_178, %dma_start3A_179] : memref<10240x128xf32, #tpu.memory_space<hbm>> -> memref<10240x128xf32, #tpu.memory_space<hbm>>
      tpu.enqueue_indirect_dma source(%dma_start3A_180 : memref<10240x128xf32, #tpu.memory_space<hbm>>) target(%arg9 : memref<128x128xf32, #tpu.memory_space<vmem>>) offsets(%dma_start3A_177 : memref<128xi32, #tpu.memory_space<vmem>>) semaphore(%arg11 : memref<!tpu.dma_semaphore, #tpu.memory_space<semaphore_mem>>)
      %dma_wait3A_181 = arith.constant 0 : i32
      %dma_wait3A_182 = arith.constant 0 : i32
      %dma_wait3A_183 = arith.constant 0 : i32
      %dma_wait3A_184 = tpu.memref_slice %arg7[%dma_wait3A_181, %dma_wait3A_182, %dma_wait3A_183] : memref<2x8x128xi32, #tpu.memory_space<vmem>> -> memref<1x1x128xi32, #tpu.memory_space<vmem>>
      %dma_wait3A_185 = tpu.memref_squeeze %dma_wait3A_184 : memref<1x1x128xi32, #tpu.memory_space<vmem>> -> memref<128xi32, #tpu.memory_space<vmem>>
      %dma_wait3A_186 = arith.constant 0 : i32
      %dma_wait3A_187 = arith.constant 0 : i32
      %dma_wait3A_188 = tpu.memref_slice %arg2[%dma_wait3A_186, %dma_wait3A_187] : memref<10240x128xf32, #tpu.memory_space<hbm>> -> memref<10240x128xf32, #tpu.memory_space<hbm>>
      tpu.wait_indirect_dma semaphore(%arg12 : memref<!tpu.dma_semaphore, #tpu.memory_space<semaphore_mem>>) src(%dma_wait3A_188 : memref<10240x128xf32, #tpu.memory_space<hbm>>) dst(%arg10 : memref<128x128xf32, #tpu.memory_space<vmem>>)
      %run_scoped3A_189 = arith.constant 1 : i32
      %run_scoped3A_190 = arith.constant 7 : i32
      "tpu.region"() ({
        %run_scoped3A_340 = tpu.sem_alloc : memref<!tpu.dma_semaphore, #tpu.memory_space<semaphore_mem>>
        %dma_start3A_341 = arith.constant 0 : i32
        %dma_start3A_342 = tpu.memref_slice %arg7[%run_scoped3A_189, %run_scoped3A_190, %dma_start3A_341] : memref<2x8x128xi32, #tpu.memory_space<vmem>> -> memref<1x1x128xi32, #tpu.memory_space<vmem>>
        %dma_start3A_343 = tpu.memref_squeeze %dma_start3A_342 : memref<1x1x128xi32, #tpu.memory_space<vmem>> -> memref<128xi32, #tpu.memory_space<vmem>>
        %dma_start3A_344 = arith.constant 0 : i32
        %dma_start3A_345 = arith.constant 0 : i32
        %dma_start3A_346 = tpu.memref_slice %arg6[%dma_start3A_344, %dma_start3A_345] : memref<10240x128xf32, #tpu.memory_space<vmem_shared>> -> memref<10240x128xf32, #tpu.memory_space<vmem_shared>>
        tpu.enqueue_indirect_dma source(%arg10 : memref<128x128xf32, #tpu.memory_space<vmem>>) target(%dma_start3A_346 : memref<10240x128xf32, #tpu.memory_space<vmem_shared>>) offsets(%dma_start3A_343 : memref<128xi32, #tpu.memory_space<vmem>>) semaphore(%run_scoped3A_340 : memref<!tpu.dma_semaphore, #tpu.memory_space<semaphore_mem>>) {add = true}
        %dma_wait3A_347 = arith.constant 0 : i32
        %dma_wait3A_348 = tpu.memref_slice %arg7[%run_scoped3A_189, %run_scoped3A_190, %dma_wait3A_347] : memref<2x8x128xi32, #tpu.memory_space<vmem>> -> memref<1x1x128xi32, #tpu.memory_space<vmem>>
        %dma_wait3A_349 = tpu.memref_squeeze %dma_wait3A_348 : memref<1x1x128xi32, #tpu.memory_space<vmem>> -> memref<128xi32, #tpu.memory_space<vmem>>
        %dma_wait3A_350 = arith.constant 0 : i32
        %dma_wait3A_351 = arith.constant 0 : i32
        %dma_wait3A_352 = tpu.memref_slice %arg6[%dma_wait3A_350, %dma_wait3A_351] : memref<10240x128xf32, #tpu.memory_space<vmem_shared>> -> memref<10240x128xf32, #tpu.memory_space<vmem_shared>>
        tpu.wait_indirect_dma semaphore(%run_scoped3A_340 : memref<!tpu.dma_semaphore, #tpu.memory_space<semaphore_mem>>) src(%arg10 : memref<128x128xf32, #tpu.memory_space<vmem>>) dst(%dma_wait3A_352 : memref<10240x128xf32, #tpu.memory_space<vmem_shared>>)
        tpu.yield
      }) : () -> ()
      %dma_start3A_191 = arith.constant 0 : i32
      %dma_start3A_192 = arith.constant 1 : i32
      %dma_start3A_193 = arith.constant 0 : i32
      %dma_start3A_194 = tpu.memref_slice %arg8[%dma_start3A_191, %dma_start3A_192, %dma_start3A_193] : memref<2x8x128xi32, #tpu.memory_space<vmem>> -> memref<1x1x128xi32, #tpu.memory_space<vmem>>
      %dma_start3A_195 = tpu.memref_squeeze %dma_start3A_194 : memref<1x1x128xi32, #tpu.memory_space<vmem>> -> memref<128xi32, #tpu.memory_space<vmem>>
      %dma_start3A_196 = arith.constant 0 : i32
      %dma_start3A_197 = arith.constant 0 : i32
      %dma_start3A_198 = tpu.memref_slice %arg2[%dma_start3A_196, %dma_start3A_197] : memref<10240x128xf32, #tpu.memory_space<hbm>> -> memref<10240x128xf32, #tpu.memory_space<hbm>>
      tpu.enqueue_indirect_dma source(%dma_start3A_198 : memref<10240x128xf32, #tpu.memory_space<hbm>>) target(%arg10 : memref<128x128xf32, #tpu.memory_space<vmem>>) offsets(%dma_start3A_195 : memref<128xi32, #tpu.memory_space<vmem>>) semaphore(%arg12 : memref<!tpu.dma_semaphore, #tpu.memory_space<semaphore_mem>>)
      %convert_element_type3A = arith.extui %lt3A_44 : i1 to i32
      %cond3A = arith.constant 0 : i32
      %cond3A_199 = arith.cmpi ne, %convert_element_type3A, %cond3A : i32
      scf.if %cond3A_199 {
        %add3A_340 = arith.constant 2 : i32
        %add3A_341 = arith.addi %mul3A_41, %add3A_340 : i32
        %dma_start3A_342 = arith.constant 0 : i32
        %dma_start3A_343 = arith.constant 0 : i32
        %dma_start3A_344 = arith.constant 0 : i32
        %dma_start3A_345 = tpu.memref_slice %arg3[%add3A, %add3A_341, %dma_start3A_342, %dma_start3A_343, %dma_start3A_344] : memref<32x20x2x8x128xi32, #tpu.memory_space<hbm>> -> memref<1x1x2x8x128xi32, #tpu.memory_space<hbm>>
        %dma_start3A_346 = tpu.memref_squeeze %dma_start3A_345 : memref<1x1x2x8x128xi32, #tpu.memory_space<hbm>> -> memref<2x8x128xi32, #tpu.memory_space<hbm>>
        %dma_start3A_347 = arith.constant 0 : i32
        %dma_start3A_348 = arith.constant 0 : i32
        %dma_start3A_349 = arith.constant 0 : i32
        %dma_start3A_350 = tpu.memref_slice %arg3[%add3A, %add3A_341, %dma_start3A_347, %dma_start3A_348, %dma_start3A_349] : memref<32x20x2x8x128xi32, #tpu.memory_space<hbm>> -> memref<1x1x2x8x128xi32, #tpu.memory_space<hbm>>
        %dma_start3A_351 = tpu.memref_squeeze %dma_start3A_350 : memref<1x1x2x8x128xi32, #tpu.memory_space<hbm>> -> memref<2x8x128xi32, #tpu.memory_space<hbm>>
        tpu.enqueue_dma source(%dma_start3A_351 : memref<2x8x128xi32, #tpu.memory_space<hbm>>) target(%arg7 : memref<2x8x128xi32, #tpu.memory_space<vmem>>) target_semaphore(%arg13 : memref<!tpu.dma_semaphore, #tpu.memory_space<semaphore_mem>>)
      } else {
      }
      %dma_wait3A_200 = arith.constant 0 : i32
      %dma_wait3A_201 = arith.constant 0 : i32
      %dma_wait3A_202 = arith.constant 0 : i32
      %dma_wait3A_203 = tpu.memref_slice %arg8[%dma_wait3A_200, %dma_wait3A_201, %dma_wait3A_202] : memref<2x8x128xi32, #tpu.memory_space<vmem>> -> memref<1x1x128xi32, #tpu.memory_space<vmem>>
      %dma_wait3A_204 = tpu.memref_squeeze %dma_wait3A_203 : memref<1x1x128xi32, #tpu.memory_space<vmem>> -> memref<128xi32, #tpu.memory_space<vmem>>
      %dma_wait3A_205 = arith.constant 0 : i32
      %dma_wait3A_206 = arith.constant 0 : i32
      %dma_wait3A_207 = tpu.memref_slice %arg2[%dma_wait3A_205, %dma_wait3A_206] : memref<10240x128xf32, #tpu.memory_space<hbm>> -> memref<10240x128xf32, #tpu.memory_space<hbm>>
      tpu.wait_indirect_dma semaphore(%arg11 : memref<!tpu.dma_semaphore, #tpu.memory_space<semaphore_mem>>) src(%dma_wait3A_207 : memref<10240x128xf32, #tpu.memory_space<hbm>>) dst(%arg9 : memref<128x128xf32, #tpu.memory_space<vmem>>)
      %run_scoped3A_208 = arith.constant 1 : i32
      %run_scoped3A_209 = arith.constant 0 : i32
      "tpu.region"() ({
        %run_scoped3A_340 = tpu.sem_alloc : memref<!tpu.dma_semaphore, #tpu.memory_space<semaphore_mem>>
        %dma_start3A_341 = arith.constant 0 : i32
        %dma_start3A_342 = tpu.memref_slice %arg8[%run_scoped3A_208, %run_scoped3A_209, %dma_start3A_341] : memref<2x8x128xi32, #tpu.memory_space<vmem>> -> memref<1x1x128xi32, #tpu.memory_space<vmem>>
        %dma_start3A_343 = tpu.memref_squeeze %dma_start3A_342 : memref<1x1x128xi32, #tpu.memory_space<vmem>> -> memref<128xi32, #tpu.memory_space<vmem>>
        %dma_start3A_344 = arith.constant 0 : i32
        %dma_start3A_345 = arith.constant 0 : i32
        %dma_start3A_346 = tpu.memref_slice %arg6[%dma_start3A_344, %dma_start3A_345] : memref<10240x128xf32, #tpu.memory_space<vmem_shared>> -> memref<10240x128xf32, #tpu.memory_space<vmem_shared>>
        tpu.enqueue_indirect_dma source(%arg9 : memref<128x128xf32, #tpu.memory_space<vmem>>) target(%dma_start3A_346 : memref<10240x128xf32, #tpu.memory_space<vmem_shared>>) offsets(%dma_start3A_343 : memref<128xi32, #tpu.memory_space<vmem>>) semaphore(%run_scoped3A_340 : memref<!tpu.dma_semaphore, #tpu.memory_space<semaphore_mem>>) {add = true}
        %dma_wait3A_347 = arith.constant 0 : i32
        %dma_wait3A_348 = tpu.memref_slice %arg8[%run_scoped3A_208, %run_scoped3A_209, %dma_wait3A_347] : memref<2x8x128xi32, #tpu.memory_space<vmem>> -> memref<1x1x128xi32, #tpu.memory_space<vmem>>
        %dma_wait3A_349 = tpu.memref_squeeze %dma_wait3A_348 : memref<1x1x128xi32, #tpu.memory_space<vmem>> -> memref<128xi32, #tpu.memory_space<vmem>>
        %dma_wait3A_350 = arith.constant 0 : i32
        %dma_wait3A_351 = arith.constant 0 : i32
        %dma_wait3A_352 = tpu.memref_slice %arg6[%dma_wait3A_350, %dma_wait3A_351] : memref<10240x128xf32, #tpu.memory_space<vmem_shared>> -> memref<10240x128xf32, #tpu.memory_space<vmem_shared>>
        tpu.wait_indirect_dma semaphore(%run_scoped3A_340 : memref<!tpu.dma_semaphore, #tpu.memory_space<semaphore_mem>>) src(%arg9 : memref<128x128xf32, #tpu.memory_space<vmem>>) dst(%dma_wait3A_352 : memref<10240x128xf32, #tpu.memory_space<vmem_shared>>)
        tpu.yield
      }) : () -> ()
      %dma_start3A_210 = arith.constant 0 : i32
      %dma_start3A_211 = arith.constant 2 : i32
      %dma_start3A_212 = arith.constant 0 : i32
      %dma_start3A_213 = tpu.memref_slice %arg8[%dma_start3A_210, %dma_start3A_211, %dma_start3A_212] : memref<2x8x128xi32, #tpu.memory_space<vmem>> -> memref<1x1x128xi32, #tpu.memory_space<vmem>>
      %dma_start3A_214 = tpu.memref_squeeze %dma_start3A_213 : memref<1x1x128xi32, #tpu.memory_space<vmem>> -> memref<128xi32, #tpu.memory_space<vmem>>
      %dma_start3A_215 = arith.constant 0 : i32
      %dma_start3A_216 = arith.constant 0 : i32
      %dma_start3A_217 = tpu.memref_slice %arg2[%dma_start3A_215, %dma_start3A_216] : memref<10240x128xf32, #tpu.memory_space<hbm>> -> memref<10240x128xf32, #tpu.memory_space<hbm>>
      tpu.enqueue_indirect_dma source(%dma_start3A_217 : memref<10240x128xf32, #tpu.memory_space<hbm>>) target(%arg9 : memref<128x128xf32, #tpu.memory_space<vmem>>) offsets(%dma_start3A_214 : memref<128xi32, #tpu.memory_space<vmem>>) semaphore(%arg11 : memref<!tpu.dma_semaphore, #tpu.memory_space<semaphore_mem>>)
      %dma_wait3A_218 = arith.constant 0 : i32
      %dma_wait3A_219 = arith.constant 0 : i32
      %dma_wait3A_220 = arith.constant 0 : i32
      %dma_wait3A_221 = tpu.memref_slice %arg8[%dma_wait3A_218, %dma_wait3A_219, %dma_wait3A_220] : memref<2x8x128xi32, #tpu.memory_space<vmem>> -> memref<1x1x128xi32, #tpu.memory_space<vmem>>
      %dma_wait3A_222 = tpu.memref_squeeze %dma_wait3A_221 : memref<1x1x128xi32, #tpu.memory_space<vmem>> -> memref<128xi32, #tpu.memory_space<vmem>>
      %dma_wait3A_223 = arith.constant 0 : i32
      %dma_wait3A_224 = arith.constant 0 : i32
      %dma_wait3A_225 = tpu.memref_slice %arg2[%dma_wait3A_223, %dma_wait3A_224] : memref<10240x128xf32, #tpu.memory_space<hbm>> -> memref<10240x128xf32, #tpu.memory_space<hbm>>
      tpu.wait_indirect_dma semaphore(%arg12 : memref<!tpu.dma_semaphore, #tpu.memory_space<semaphore_mem>>) src(%dma_wait3A_225 : memref<10240x128xf32, #tpu.memory_space<hbm>>) dst(%arg10 : memref<128x128xf32, #tpu.memory_space<vmem>>)
      %run_scoped3A_226 = arith.constant 1 : i32
      %run_scoped3A_227 = arith.constant 1 : i32
      "tpu.region"() ({
        %run_scoped3A_340 = tpu.sem_alloc : memref<!tpu.dma_semaphore, #tpu.memory_space<semaphore_mem>>
        %dma_start3A_341 = arith.constant 0 : i32
        %dma_start3A_342 = tpu.memref_slice %arg8[%run_scoped3A_226, %run_scoped3A_227, %dma_start3A_341] : memref<2x8x128xi32, #tpu.memory_space<vmem>> -> memref<1x1x128xi32, #tpu.memory_space<vmem>>
        %dma_start3A_343 = tpu.memref_squeeze %dma_start3A_342 : memref<1x1x128xi32, #tpu.memory_space<vmem>> -> memref<128xi32, #tpu.memory_space<vmem>>
        %dma_start3A_344 = arith.constant 0 : i32
        %dma_start3A_345 = arith.constant 0 : i32
        %dma_start3A_346 = tpu.memref_slice %arg6[%dma_start3A_344, %dma_start3A_345] : memref<10240x128xf32, #tpu.memory_space<vmem_shared>> -> memref<10240x128xf32, #tpu.memory_space<vmem_shared>>
        tpu.enqueue_indirect_dma source(%arg10 : memref<128x128xf32, #tpu.memory_space<vmem>>) target(%dma_start3A_346 : memref<10240x128xf32, #tpu.memory_space<vmem_shared>>) offsets(%dma_start3A_343 : memref<128xi32, #tpu.memory_space<vmem>>) semaphore(%run_scoped3A_340 : memref<!tpu.dma_semaphore, #tpu.memory_space<semaphore_mem>>) {add = true}
        %dma_wait3A_347 = arith.constant 0 : i32
        %dma_wait3A_348 = tpu.memref_slice %arg8[%run_scoped3A_226, %run_scoped3A_227, %dma_wait3A_347] : memref<2x8x128xi32, #tpu.memory_space<vmem>> -> memref<1x1x128xi32, #tpu.memory_space<vmem>>
        %dma_wait3A_349 = tpu.memref_squeeze %dma_wait3A_348 : memref<1x1x128xi32, #tpu.memory_space<vmem>> -> memref<128xi32, #tpu.memory_space<vmem>>
        %dma_wait3A_350 = arith.constant 0 : i32
        %dma_wait3A_351 = arith.constant 0 : i32
        %dma_wait3A_352 = tpu.memref_slice %arg6[%dma_wait3A_350, %dma_wait3A_351] : memref<10240x128xf32, #tpu.memory_space<vmem_shared>> -> memref<10240x128xf32, #tpu.memory_space<vmem_shared>>
        tpu.wait_indirect_dma semaphore(%run_scoped3A_340 : memref<!tpu.dma_semaphore, #tpu.memory_space<semaphore_mem>>) src(%arg10 : memref<128x128xf32, #tpu.memory_space<vmem>>) dst(%dma_wait3A_352 : memref<10240x128xf32, #tpu.memory_space<vmem_shared>>)
        tpu.yield
      }) : () -> ()
      %dma_start3A_228 = arith.constant 0 : i32
      %dma_start3A_229 = arith.constant 3 : i32
      %dma_start3A_230 = arith.constant 0 : i32
      %dma_start3A_231 = tpu.memref_slice %arg8[%dma_start3A_228, %dma_start3A_229, %dma_start3A_230] : memref<2x8x128xi32, #tpu.memory_space<vmem>> -> memref<1x1x128xi32, #tpu.memory_space<vmem>>
      %dma_start3A_232 = tpu.memref_squeeze %dma_start3A_231 : memref<1x1x128xi32, #tpu.memory_space<vmem>> -> memref<128xi32, #tpu.memory_space<vmem>>
      %dma_start3A_233 = arith.constant 0 : i32
      %dma_start3A_234 = arith.constant 0 : i32
      %dma_start3A_235 = tpu.memref_slice %arg2[%dma_start3A_233, %dma_start3A_234] : memref<10240x128xf32, #tpu.memory_space<hbm>> -> memref<10240x128xf32, #tpu.memory_space<hbm>>
      tpu.enqueue_indirect_dma source(%dma_start3A_235 : memref<10240x128xf32, #tpu.memory_space<hbm>>) target(%arg10 : memref<128x128xf32, #tpu.memory_space<vmem>>) offsets(%dma_start3A_232 : memref<128xi32, #tpu.memory_space<vmem>>) semaphore(%arg12 : memref<!tpu.dma_semaphore, #tpu.memory_space<semaphore_mem>>)
      %dma_wait3A_236 = arith.constant 0 : i32
      %dma_wait3A_237 = arith.constant 0 : i32
      %dma_wait3A_238 = arith.constant 0 : i32
      %dma_wait3A_239 = tpu.memref_slice %arg8[%dma_wait3A_236, %dma_wait3A_237, %dma_wait3A_238] : memref<2x8x128xi32, #tpu.memory_space<vmem>> -> memref<1x1x128xi32, #tpu.memory_space<vmem>>
      %dma_wait3A_240 = tpu.memref_squeeze %dma_wait3A_239 : memref<1x1x128xi32, #tpu.memory_space<vmem>> -> memref<128xi32, #tpu.memory_space<vmem>>
      %dma_wait3A_241 = arith.constant 0 : i32
      %dma_wait3A_242 = arith.constant 0 : i32
      %dma_wait3A_243 = tpu.memref_slice %arg2[%dma_wait3A_241, %dma_wait3A_242] : memref<10240x128xf32, #tpu.memory_space<hbm>> -> memref<10240x128xf32, #tpu.memory_space<hbm>>
      tpu.wait_indirect_dma semaphore(%arg11 : memref<!tpu.dma_semaphore, #tpu.memory_space<semaphore_mem>>) src(%dma_wait3A_243 : memref<10240x128xf32, #tpu.memory_space<hbm>>) dst(%arg9 : memref<128x128xf32, #tpu.memory_space<vmem>>)
      %run_scoped3A_244 = arith.constant 1 : i32
      %run_scoped3A_245 = arith.constant 2 : i32
      "tpu.region"() ({
        %run_scoped3A_340 = tpu.sem_alloc : memref<!tpu.dma_semaphore, #tpu.memory_space<semaphore_mem>>
        %dma_start3A_341 = arith.constant 0 : i32
        %dma_start3A_342 = tpu.memref_slice %arg8[%run_scoped3A_244, %run_scoped3A_245, %dma_start3A_341] : memref<2x8x128xi32, #tpu.memory_space<vmem>> -> memref<1x1x128xi32, #tpu.memory_space<vmem>>
        %dma_start3A_343 = tpu.memref_squeeze %dma_start3A_342 : memref<1x1x128xi32, #tpu.memory_space<vmem>> -> memref<128xi32, #tpu.memory_space<vmem>>
        %dma_start3A_344 = arith.constant 0 : i32
        %dma_start3A_345 = arith.constant 0 : i32
        %dma_start3A_346 = tpu.memref_slice %arg6[%dma_start3A_344, %dma_start3A_345] : memref<10240x128xf32, #tpu.memory_space<vmem_shared>> -> memref<10240x128xf32, #tpu.memory_space<vmem_shared>>
        tpu.enqueue_indirect_dma source(%arg9 : memref<128x128xf32, #tpu.memory_space<vmem>>) target(%dma_start3A_346 : memref<10240x128xf32, #tpu.memory_space<vmem_shared>>) offsets(%dma_start3A_343 : memref<128xi32, #tpu.memory_space<vmem>>) semaphore(%run_scoped3A_340 : memref<!tpu.dma_semaphore, #tpu.memory_space<semaphore_mem>>) {add = true}
        %dma_wait3A_347 = arith.constant 0 : i32
        %dma_wait3A_348 = tpu.memref_slice %arg8[%run_scoped3A_244, %run_scoped3A_245, %dma_wait3A_347] : memref<2x8x128xi32, #tpu.memory_space<vmem>> -> memref<1x1x128xi32, #tpu.memory_space<vmem>>
        %dma_wait3A_349 = tpu.memref_squeeze %dma_wait3A_348 : memref<1x1x128xi32, #tpu.memory_space<vmem>> -> memref<128xi32, #tpu.memory_space<vmem>>
        %dma_wait3A_350 = arith.constant 0 : i32
        %dma_wait3A_351 = arith.constant 0 : i32
        %dma_wait3A_352 = tpu.memref_slice %arg6[%dma_wait3A_350, %dma_wait3A_351] : memref<10240x128xf32, #tpu.memory_space<vmem_shared>> -> memref<10240x128xf32, #tpu.memory_space<vmem_shared>>
        tpu.wait_indirect_dma semaphore(%run_scoped3A_340 : memref<!tpu.dma_semaphore, #tpu.memory_space<semaphore_mem>>) src(%arg9 : memref<128x128xf32, #tpu.memory_space<vmem>>) dst(%dma_wait3A_352 : memref<10240x128xf32, #tpu.memory_space<vmem_shared>>)
        tpu.yield
      }) : () -> ()
      %dma_start3A_246 = arith.constant 0 : i32
      %dma_start3A_247 = arith.constant 4 : i32
      %dma_start3A_248 = arith.constant 0 : i32
      %dma_start3A_249 = tpu.memref_slice %arg8[%dma_start3A_246, %dma_start3A_247, %dma_start3A_248] : memref<2x8x128xi32, #tpu.memory_space<vmem>> -> memref<1x1x128xi32, #tpu.memory_space<vmem>>
      %dma_start3A_250 = tpu.memref_squeeze %dma_start3A_249 : memref<1x1x128xi32, #tpu.memory_space<vmem>> -> memref<128xi32, #tpu.memory_space<vmem>>
      %dma_start3A_251 = arith.constant 0 : i32
      %dma_start3A_252 = arith.constant 0 : i32
      %dma_start3A_253 = tpu.memref_slice %arg2[%dma_start3A_251, %dma_start3A_252] : memref<10240x128xf32, #tpu.memory_space<hbm>> -> memref<10240x128xf32, #tpu.memory_space<hbm>>
      tpu.enqueue_indirect_dma source(%dma_start3A_253 : memref<10240x128xf32, #tpu.memory_space<hbm>>) target(%arg9 : memref<128x128xf32, #tpu.memory_space<vmem>>) offsets(%dma_start3A_250 : memref<128xi32, #tpu.memory_space<vmem>>) semaphore(%arg11 : memref<!tpu.dma_semaphore, #tpu.memory_space<semaphore_mem>>)
      %dma_wait3A_254 = arith.constant 0 : i32
      %dma_wait3A_255 = arith.constant 0 : i32
      %dma_wait3A_256 = arith.constant 0 : i32
      %dma_wait3A_257 = tpu.memref_slice %arg8[%dma_wait3A_254, %dma_wait3A_255, %dma_wait3A_256] : memref<2x8x128xi32, #tpu.memory_space<vmem>> -> memref<1x1x128xi32, #tpu.memory_space<vmem>>
      %dma_wait3A_258 = tpu.memref_squeeze %dma_wait3A_257 : memref<1x1x128xi32, #tpu.memory_space<vmem>> -> memref<128xi32, #tpu.memory_space<vmem>>
      %dma_wait3A_259 = arith.constant 0 : i32
      %dma_wait3A_260 = arith.constant 0 : i32
      %dma_wait3A_261 = tpu.memref_slice %arg2[%dma_wait3A_259, %dma_wait3A_260] : memref<10240x128xf32, #tpu.memory_space<hbm>> -> memref<10240x128xf32, #tpu.memory_space<hbm>>
      tpu.wait_indirect_dma semaphore(%arg12 : memref<!tpu.dma_semaphore, #tpu.memory_space<semaphore_mem>>) src(%dma_wait3A_261 : memref<10240x128xf32, #tpu.memory_space<hbm>>) dst(%arg10 : memref<128x128xf32, #tpu.memory_space<vmem>>)
      %run_scoped3A_262 = arith.constant 1 : i32
      %run_scoped3A_263 = arith.constant 3 : i32
      "tpu.region"() ({
        %run_scoped3A_340 = tpu.sem_alloc : memref<!tpu.dma_semaphore, #tpu.memory_space<semaphore_mem>>
        %dma_start3A_341 = arith.constant 0 : i32
        %dma_start3A_342 = tpu.memref_slice %arg8[%run_scoped3A_262, %run_scoped3A_263, %dma_start3A_341] : memref<2x8x128xi32, #tpu.memory_space<vmem>> -> memref<1x1x128xi32, #tpu.memory_space<vmem>>
        %dma_start3A_343 = tpu.memref_squeeze %dma_start3A_342 : memref<1x1x128xi32, #tpu.memory_space<vmem>> -> memref<128xi32, #tpu.memory_space<vmem>>
        %dma_start3A_344 = arith.constant 0 : i32
        %dma_start3A_345 = arith.constant 0 : i32
        %dma_start3A_346 = tpu.memref_slice %arg6[%dma_start3A_344, %dma_start3A_345] : memref<10240x128xf32, #tpu.memory_space<vmem_shared>> -> memref<10240x128xf32, #tpu.memory_space<vmem_shared>>
        tpu.enqueue_indirect_dma source(%arg10 : memref<128x128xf32, #tpu.memory_space<vmem>>) target(%dma_start3A_346 : memref<10240x128xf32, #tpu.memory_space<vmem_shared>>) offsets(%dma_start3A_343 : memref<128xi32, #tpu.memory_space<vmem>>) semaphore(%run_scoped3A_340 : memref<!tpu.dma_semaphore, #tpu.memory_space<semaphore_mem>>) {add = true}
        %dma_wait3A_347 = arith.constant 0 : i32
        %dma_wait3A_348 = tpu.memref_slice %arg8[%run_scoped3A_262, %run_scoped3A_263, %dma_wait3A_347] : memref<2x8x128xi32, #tpu.memory_space<vmem>> -> memref<1x1x128xi32, #tpu.memory_space<vmem>>
        %dma_wait3A_349 = tpu.memref_squeeze %dma_wait3A_348 : memref<1x1x128xi32, #tpu.memory_space<vmem>> -> memref<128xi32, #tpu.memory_space<vmem>>
        %dma_wait3A_350 = arith.constant 0 : i32
        %dma_wait3A_351 = arith.constant 0 : i32
        %dma_wait3A_352 = tpu.memref_slice %arg6[%dma_wait3A_350, %dma_wait3A_351] : memref<10240x128xf32, #tpu.memory_space<vmem_shared>> -> memref<10240x128xf32, #tpu.memory_space<vmem_shared>>
        tpu.wait_indirect_dma semaphore(%run_scoped3A_340 : memref<!tpu.dma_semaphore, #tpu.memory_space<semaphore_mem>>) src(%arg10 : memref<128x128xf32, #tpu.memory_space<vmem>>) dst(%dma_wait3A_352 : memref<10240x128xf32, #tpu.memory_space<vmem_shared>>)
        tpu.yield
      }) : () -> ()
      %dma_start3A_264 = arith.constant 0 : i32
      %dma_start3A_265 = arith.constant 5 : i32
      %dma_start3A_266 = arith.constant 0 : i32
      %dma_start3A_267 = tpu.memref_slice %arg8[%dma_start3A_264, %dma_start3A_265, %dma_start3A_266] : memref<2x8x128xi32, #tpu.memory_space<vmem>> -> memref<1x1x128xi32, #tpu.memory_space<vmem>>
      %dma_start3A_268 = tpu.memref_squeeze %dma_start3A_267 : memref<1x1x128xi32, #tpu.memory_space<vmem>> -> memref<128xi32, #tpu.memory_space<vmem>>
      %dma_start3A_269 = arith.constant 0 : i32
      %dma_start3A_270 = arith.constant 0 : i32
      %dma_start3A_271 = tpu.memref_slice %arg2[%dma_start3A_269, %dma_start3A_270] : memref<10240x128xf32, #tpu.memory_space<hbm>> -> memref<10240x128xf32, #tpu.memory_space<hbm>>
      tpu.enqueue_indirect_dma source(%dma_start3A_271 : memref<10240x128xf32, #tpu.memory_space<hbm>>) target(%arg10 : memref<128x128xf32, #tpu.memory_space<vmem>>) offsets(%dma_start3A_268 : memref<128xi32, #tpu.memory_space<vmem>>) semaphore(%arg12 : memref<!tpu.dma_semaphore, #tpu.memory_space<semaphore_mem>>)
      %dma_wait3A_272 = arith.constant 0 : i32
      %dma_wait3A_273 = arith.constant 0 : i32
      %dma_wait3A_274 = arith.constant 0 : i32
      %dma_wait3A_275 = tpu.memref_slice %arg8[%dma_wait3A_272, %dma_wait3A_273, %dma_wait3A_274] : memref<2x8x128xi32, #tpu.memory_space<vmem>> -> memref<1x1x128xi32, #tpu.memory_space<vmem>>
      %dma_wait3A_276 = tpu.memref_squeeze %dma_wait3A_275 : memref<1x1x128xi32, #tpu.memory_space<vmem>> -> memref<128xi32, #tpu.memory_space<vmem>>
      %dma_wait3A_277 = arith.constant 0 : i32
      %dma_wait3A_278 = arith.constant 0 : i32
      %dma_wait3A_279 = tpu.memref_slice %arg2[%dma_wait3A_277, %dma_wait3A_278] : memref<10240x128xf32, #tpu.memory_space<hbm>> -> memref<10240x128xf32, #tpu.memory_space<hbm>>
      tpu.wait_indirect_dma semaphore(%arg11 : memref<!tpu.dma_semaphore, #tpu.memory_space<semaphore_mem>>) src(%dma_wait3A_279 : memref<10240x128xf32, #tpu.memory_space<hbm>>) dst(%arg9 : memref<128x128xf32, #tpu.memory_space<vmem>>)
      %run_scoped3A_280 = arith.constant 1 : i32
      %run_scoped3A_281 = arith.constant 4 : i32
      "tpu.region"() ({
        %run_scoped3A_340 = tpu.sem_alloc : memref<!tpu.dma_semaphore, #tpu.memory_space<semaphore_mem>>
        %dma_start3A_341 = arith.constant 0 : i32
        %dma_start3A_342 = tpu.memref_slice %arg8[%run_scoped3A_280, %run_scoped3A_281, %dma_start3A_341] : memref<2x8x128xi32, #tpu.memory_space<vmem>> -> memref<1x1x128xi32, #tpu.memory_space<vmem>>
        %dma_start3A_343 = tpu.memref_squeeze %dma_start3A_342 : memref<1x1x128xi32, #tpu.memory_space<vmem>> -> memref<128xi32, #tpu.memory_space<vmem>>
        %dma_start3A_344 = arith.constant 0 : i32
        %dma_start3A_345 = arith.constant 0 : i32
        %dma_start3A_346 = tpu.memref_slice %arg6[%dma_start3A_344, %dma_start3A_345] : memref<10240x128xf32, #tpu.memory_space<vmem_shared>> -> memref<10240x128xf32, #tpu.memory_space<vmem_shared>>
        tpu.enqueue_indirect_dma source(%arg9 : memref<128x128xf32, #tpu.memory_space<vmem>>) target(%dma_start3A_346 : memref<10240x128xf32, #tpu.memory_space<vmem_shared>>) offsets(%dma_start3A_343 : memref<128xi32, #tpu.memory_space<vmem>>) semaphore(%run_scoped3A_340 : memref<!tpu.dma_semaphore, #tpu.memory_space<semaphore_mem>>) {add = true}
        %dma_wait3A_347 = arith.constant 0 : i32
        %dma_wait3A_348 = tpu.memref_slice %arg8[%run_scoped3A_280, %run_scoped3A_281, %dma_wait3A_347] : memref<2x8x128xi32, #tpu.memory_space<vmem>> -> memref<1x1x128xi32, #tpu.memory_space<vmem>>
        %dma_wait3A_349 = tpu.memref_squeeze %dma_wait3A_348 : memref<1x1x128xi32, #tpu.memory_space<vmem>> -> memref<128xi32, #tpu.memory_space<vmem>>
        %dma_wait3A_350 = arith.constant 0 : i32
        %dma_wait3A_351 = arith.constant 0 : i32
        %dma_wait3A_352 = tpu.memref_slice %arg6[%dma_wait3A_350, %dma_wait3A_351] : memref<10240x128xf32, #tpu.memory_space<vmem_shared>> -> memref<10240x128xf32, #tpu.memory_space<vmem_shared>>
        tpu.wait_indirect_dma semaphore(%run_scoped3A_340 : memref<!tpu.dma_semaphore, #tpu.memory_space<semaphore_mem>>) src(%arg9 : memref<128x128xf32, #tpu.memory_space<vmem>>) dst(%dma_wait3A_352 : memref<10240x128xf32, #tpu.memory_space<vmem_shared>>)
        tpu.yield
      }) : () -> ()
      %dma_start3A_282 = arith.constant 0 : i32
      %dma_start3A_283 = arith.constant 6 : i32
      %dma_start3A_284 = arith.constant 0 : i32
      %dma_start3A_285 = tpu.memref_slice %arg8[%dma_start3A_282, %dma_start3A_283, %dma_start3A_284] : memref<2x8x128xi32, #tpu.memory_space<vmem>> -> memref<1x1x128xi32, #tpu.memory_space<vmem>>
      %dma_start3A_286 = tpu.memref_squeeze %dma_start3A_285 : memref<1x1x128xi32, #tpu.memory_space<vmem>> -> memref<128xi32, #tpu.memory_space<vmem>>
      %dma_start3A_287 = arith.constant 0 : i32
      %dma_start3A_288 = arith.constant 0 : i32
      %dma_start3A_289 = tpu.memref_slice %arg2[%dma_start3A_287, %dma_start3A_288] : memref<10240x128xf32, #tpu.memory_space<hbm>> -> memref<10240x128xf32, #tpu.memory_space<hbm>>
      tpu.enqueue_indirect_dma source(%dma_start3A_289 : memref<10240x128xf32, #tpu.memory_space<hbm>>) target(%arg9 : memref<128x128xf32, #tpu.memory_space<vmem>>) offsets(%dma_start3A_286 : memref<128xi32, #tpu.memory_space<vmem>>) semaphore(%arg11 : memref<!tpu.dma_semaphore, #tpu.memory_space<semaphore_mem>>)
      %dma_wait3A_290 = arith.constant 0 : i32
      %dma_wait3A_291 = arith.constant 0 : i32
      %dma_wait3A_292 = arith.constant 0 : i32
      %dma_wait3A_293 = tpu.memref_slice %arg8[%dma_wait3A_290, %dma_wait3A_291, %dma_wait3A_292] : memref<2x8x128xi32, #tpu.memory_space<vmem>> -> memref<1x1x128xi32, #tpu.memory_space<vmem>>
      %dma_wait3A_294 = tpu.memref_squeeze %dma_wait3A_293 : memref<1x1x128xi32, #tpu.memory_space<vmem>> -> memref<128xi32, #tpu.memory_space<vmem>>
      %dma_wait3A_295 = arith.constant 0 : i32
      %dma_wait3A_296 = arith.constant 0 : i32
      %dma_wait3A_297 = tpu.memref_slice %arg2[%dma_wait3A_295, %dma_wait3A_296] : memref<10240x128xf32, #tpu.memory_space<hbm>> -> memref<10240x128xf32, #tpu.memory_space<hbm>>
      tpu.wait_indirect_dma semaphore(%arg12 : memref<!tpu.dma_semaphore, #tpu.memory_space<semaphore_mem>>) src(%dma_wait3A_297 : memref<10240x128xf32, #tpu.memory_space<hbm>>) dst(%arg10 : memref<128x128xf32, #tpu.memory_space<vmem>>)
      %run_scoped3A_298 = arith.constant 1 : i32
      %run_scoped3A_299 = arith.constant 5 : i32
      "tpu.region"() ({
        %run_scoped3A_340 = tpu.sem_alloc : memref<!tpu.dma_semaphore, #tpu.memory_space<semaphore_mem>>
        %dma_start3A_341 = arith.constant 0 : i32
        %dma_start3A_342 = tpu.memref_slice %arg8[%run_scoped3A_298, %run_scoped3A_299, %dma_start3A_341] : memref<2x8x128xi32, #tpu.memory_space<vmem>> -> memref<1x1x128xi32, #tpu.memory_space<vmem>>
        %dma_start3A_343 = tpu.memref_squeeze %dma_start3A_342 : memref<1x1x128xi32, #tpu.memory_space<vmem>> -> memref<128xi32, #tpu.memory_space<vmem>>
        %dma_start3A_344 = arith.constant 0 : i32
        %dma_start3A_345 = arith.constant 0 : i32
        %dma_start3A_346 = tpu.memref_slice %arg6[%dma_start3A_344, %dma_start3A_345] : memref<10240x128xf32, #tpu.memory_space<vmem_shared>> -> memref<10240x128xf32, #tpu.memory_space<vmem_shared>>
        tpu.enqueue_indirect_dma source(%arg10 : memref<128x128xf32, #tpu.memory_space<vmem>>) target(%dma_start3A_346 : memref<10240x128xf32, #tpu.memory_space<vmem_shared>>) offsets(%dma_start3A_343 : memref<128xi32, #tpu.memory_space<vmem>>) semaphore(%run_scoped3A_340 : memref<!tpu.dma_semaphore, #tpu.memory_space<semaphore_mem>>) {add = true}
        %dma_wait3A_347 = arith.constant 0 : i32
        %dma_wait3A_348 = tpu.memref_slice %arg8[%run_scoped3A_298, %run_scoped3A_299, %dma_wait3A_347] : memref<2x8x128xi32, #tpu.memory_space<vmem>> -> memref<1x1x128xi32, #tpu.memory_space<vmem>>
        %dma_wait3A_349 = tpu.memref_squeeze %dma_wait3A_348 : memref<1x1x128xi32, #tpu.memory_space<vmem>> -> memref<128xi32, #tpu.memory_space<vmem>>
        %dma_wait3A_350 = arith.constant 0 : i32
        %dma_wait3A_351 = arith.constant 0 : i32
        %dma_wait3A_352 = tpu.memref_slice %arg6[%dma_wait3A_350, %dma_wait3A_351] : memref<10240x128xf32, #tpu.memory_space<vmem_shared>> -> memref<10240x128xf32, #tpu.memory_space<vmem_shared>>
        tpu.wait_indirect_dma semaphore(%run_scoped3A_340 : memref<!tpu.dma_semaphore, #tpu.memory_space<semaphore_mem>>) src(%arg10 : memref<128x128xf32, #tpu.memory_space<vmem>>) dst(%dma_wait3A_352 : memref<10240x128xf32, #tpu.memory_space<vmem_shared>>)
        tpu.yield
      }) : () -> ()
      %dma_start3A_300 = arith.constant 0 : i32
      %dma_start3A_301 = arith.constant 7 : i32
      %dma_start3A_302 = arith.constant 0 : i32
      %dma_start3A_303 = tpu.memref_slice %arg8[%dma_start3A_300, %dma_start3A_301, %dma_start3A_302] : memref<2x8x128xi32, #tpu.memory_space<vmem>> -> memref<1x1x128xi32, #tpu.memory_space<vmem>>
      %dma_start3A_304 = tpu.memref_squeeze %dma_start3A_303 : memref<1x1x128xi32, #tpu.memory_space<vmem>> -> memref<128xi32, #tpu.memory_space<vmem>>
      %dma_start3A_305 = arith.constant 0 : i32
      %dma_start3A_306 = arith.constant 0 : i32
      %dma_start3A_307 = tpu.memref_slice %arg2[%dma_start3A_305, %dma_start3A_306] : memref<10240x128xf32, #tpu.memory_space<hbm>> -> memref<10240x128xf32, #tpu.memory_space<hbm>>
      tpu.enqueue_indirect_dma source(%dma_start3A_307 : memref<10240x128xf32, #tpu.memory_space<hbm>>) target(%arg10 : memref<128x128xf32, #tpu.memory_space<vmem>>) offsets(%dma_start3A_304 : memref<128xi32, #tpu.memory_space<vmem>>) semaphore(%arg12 : memref<!tpu.dma_semaphore, #tpu.memory_space<semaphore_mem>>)
      %convert_element_type3A_308 = arith.extui %lt3A_44 : i1 to i32
      %cond3A_309 = arith.constant 0 : i32
      %cond3A_310 = arith.cmpi ne, %convert_element_type3A_308, %cond3A_309 : i32
      scf.if %cond3A_310 {
        %dma_wait3A_340 = arith.constant 0 : i32
        %dma_wait3A_341 = arith.constant 0 : i32
        %dma_wait3A_342 = arith.constant 0 : i32
        %dma_wait3A_343 = arith.constant 0 : i32
        %dma_wait3A_344 = tpu.memref_slice %arg3[%add3A, %dma_wait3A_340, %dma_wait3A_341, %dma_wait3A_342, %dma_wait3A_343] : memref<32x20x2x8x128xi32, #tpu.memory_space<hbm>> -> memref<1x1x2x8x128xi32, #tpu.memory_space<hbm>>
        %dma_wait3A_345 = tpu.memref_squeeze %dma_wait3A_344 : memref<1x1x2x8x128xi32, #tpu.memory_space<hbm>> -> memref<2x8x128xi32, #tpu.memory_space<hbm>>
        %dma_wait3A_346 = arith.constant 0 : i32
        %dma_wait3A_347 = arith.constant 0 : i32
        %dma_wait3A_348 = arith.constant 0 : i32
        %dma_wait3A_349 = tpu.memref_slice %arg3[%add3A, %dma_wait3A_340, %dma_wait3A_346, %dma_wait3A_347, %dma_wait3A_348] : memref<32x20x2x8x128xi32, #tpu.memory_space<hbm>> -> memref<1x1x2x8x128xi32, #tpu.memory_space<hbm>>
        %dma_wait3A_350 = tpu.memref_squeeze %dma_wait3A_349 : memref<1x1x2x8x128xi32, #tpu.memory_space<hbm>> -> memref<2x8x128xi32, #tpu.memory_space<hbm>>
        tpu.wait_dma2 semaphore(%arg13 : memref<!tpu.dma_semaphore, #tpu.memory_space<semaphore_mem>>) src(%dma_wait3A_350 : memref<2x8x128xi32, #tpu.memory_space<hbm>>) dst(%arg7 : memref<2x8x128xi32, #tpu.memory_space<vmem>>)
      } else {
      }
      %dma_wait3A_311 = arith.constant 0 : i32
      %dma_wait3A_312 = arith.constant 0 : i32
      %dma_wait3A_313 = arith.constant 0 : i32
      %dma_wait3A_314 = tpu.memref_slice %arg8[%dma_wait3A_311, %dma_wait3A_312, %dma_wait3A_313] : memref<2x8x128xi32, #tpu.memory_space<vmem>> -> memref<1x1x128xi32, #tpu.memory_space<vmem>>
      %dma_wait3A_315 = tpu.memref_squeeze %dma_wait3A_314 : memref<1x1x128xi32, #tpu.memory_space<vmem>> -> memref<128xi32, #tpu.memory_space<vmem>>
      %dma_wait3A_316 = arith.constant 0 : i32
      %dma_wait3A_317 = arith.constant 0 : i32
      %dma_wait3A_318 = tpu.memref_slice %arg2[%dma_wait3A_316, %dma_wait3A_317] : memref<10240x128xf32, #tpu.memory_space<hbm>> -> memref<10240x128xf32, #tpu.memory_space<hbm>>
      tpu.wait_indirect_dma semaphore(%arg11 : memref<!tpu.dma_semaphore, #tpu.memory_space<semaphore_mem>>) src(%dma_wait3A_318 : memref<10240x128xf32, #tpu.memory_space<hbm>>) dst(%arg9 : memref<128x128xf32, #tpu.memory_space<vmem>>)
      %run_scoped3A_319 = arith.constant 1 : i32
      %run_scoped3A_320 = arith.constant 6 : i32
      "tpu.region"() ({
        %run_scoped3A_340 = tpu.sem_alloc : memref<!tpu.dma_semaphore, #tpu.memory_space<semaphore_mem>>
        %dma_start3A_341 = arith.constant 0 : i32
        %dma_start3A_342 = tpu.memref_slice %arg8[%run_scoped3A_319, %run_scoped3A_320, %dma_start3A_341] : memref<2x8x128xi32, #tpu.memory_space<vmem>> -> memref<1x1x128xi32, #tpu.memory_space<vmem>>
        %dma_start3A_343 = tpu.memref_squeeze %dma_start3A_342 : memref<1x1x128xi32, #tpu.memory_space<vmem>> -> memref<128xi32, #tpu.memory_space<vmem>>
        %dma_start3A_344 = arith.constant 0 : i32
        %dma_start3A_345 = arith.constant 0 : i32
        %dma_start3A_346 = tpu.memref_slice %arg6[%dma_start3A_344, %dma_start3A_345] : memref<10240x128xf32, #tpu.memory_space<vmem_shared>> -> memref<10240x128xf32, #tpu.memory_space<vmem_shared>>
        tpu.enqueue_indirect_dma source(%arg9 : memref<128x128xf32, #tpu.memory_space<vmem>>) target(%dma_start3A_346 : memref<10240x128xf32, #tpu.memory_space<vmem_shared>>) offsets(%dma_start3A_343 : memref<128xi32, #tpu.memory_space<vmem>>) semaphore(%run_scoped3A_340 : memref<!tpu.dma_semaphore, #tpu.memory_space<semaphore_mem>>) {add = true}
        %dma_wait3A_347 = arith.constant 0 : i32
        %dma_wait3A_348 = tpu.memref_slice %arg8[%run_scoped3A_319, %run_scoped3A_320, %dma_wait3A_347] : memref<2x8x128xi32, #tpu.memory_space<vmem>> -> memref<1x1x128xi32, #tpu.memory_space<vmem>>
        %dma_wait3A_349 = tpu.memref_squeeze %dma_wait3A_348 : memref<1x1x128xi32, #tpu.memory_space<vmem>> -> memref<128xi32, #tpu.memory_space<vmem>>
        %dma_wait3A_350 = arith.constant 0 : i32
        %dma_wait3A_351 = arith.constant 0 : i32
        %dma_wait3A_352 = tpu.memref_slice %arg6[%dma_wait3A_350, %dma_wait3A_351] : memref<10240x128xf32, #tpu.memory_space<vmem_shared>> -> memref<10240x128xf32, #tpu.memory_space<vmem_shared>>
        tpu.wait_indirect_dma semaphore(%run_scoped3A_340 : memref<!tpu.dma_semaphore, #tpu.memory_space<semaphore_mem>>) src(%arg9 : memref<128x128xf32, #tpu.memory_space<vmem>>) dst(%dma_wait3A_352 : memref<10240x128xf32, #tpu.memory_space<vmem_shared>>)
        tpu.yield
      }) : () -> ()
      %convert_element_type3A_321 = arith.extui %lt3A_44 : i1 to i32
      %cond3A_322 = arith.constant 0 : i32
      %cond3A_323 = arith.cmpi ne, %convert_element_type3A_321, %cond3A_322 : i32
      scf.if %cond3A_323 {
        %dma_start3A_340 = arith.constant 0 : i32
        %dma_start3A_341 = arith.constant 0 : i32
        %dma_start3A_342 = arith.constant 0 : i32
        %dma_start3A_343 = tpu.memref_slice %arg7[%dma_start3A_340, %dma_start3A_341, %dma_start3A_342] : memref<2x8x128xi32, #tpu.memory_space<vmem>> -> memref<1x1x128xi32, #tpu.memory_space<vmem>>
        %dma_start3A_344 = tpu.memref_squeeze %dma_start3A_343 : memref<1x1x128xi32, #tpu.memory_space<vmem>> -> memref<128xi32, #tpu.memory_space<vmem>>
        %dma_start3A_345 = arith.constant 0 : i32
        %dma_start3A_346 = arith.constant 0 : i32
        %dma_start3A_347 = tpu.memref_slice %arg2[%dma_start3A_345, %dma_start3A_346] : memref<10240x128xf32, #tpu.memory_space<hbm>> -> memref<10240x128xf32, #tpu.memory_space<hbm>>
        tpu.enqueue_indirect_dma source(%dma_start3A_347 : memref<10240x128xf32, #tpu.memory_space<hbm>>) target(%arg9 : memref<128x128xf32, #tpu.memory_space<vmem>>) offsets(%dma_start3A_344 : memref<128xi32, #tpu.memory_space<vmem>>) semaphore(%arg11 : memref<!tpu.dma_semaphore, #tpu.memory_space<semaphore_mem>>)
      } else {
      }
      %dma_wait3A_324 = arith.constant 0 : i32
      %dma_wait3A_325 = arith.constant 0 : i32
      %dma_wait3A_326 = arith.constant 0 : i32
      %dma_wait3A_327 = tpu.memref_slice %arg8[%dma_wait3A_324, %dma_wait3A_325, %dma_wait3A_326] : memref<2x8x128xi32, #tpu.memory_space<vmem>> -> memref<1x1x128xi32, #tpu.memory_space<vmem>>
      %dma_wait3A_328 = tpu.memref_squeeze %dma_wait3A_327 : memref<1x1x128xi32, #tpu.memory_space<vmem>> -> memref<128xi32, #tpu.memory_space<vmem>>
      %dma_wait3A_329 = arith.constant 0 : i32
      %dma_wait3A_330 = arith.constant 0 : i32
      %dma_wait3A_331 = tpu.memref_slice %arg2[%dma_wait3A_329, %dma_wait3A_330] : memref<10240x128xf32, #tpu.memory_space<hbm>> -> memref<10240x128xf32, #tpu.memory_space<hbm>>
      tpu.wait_indirect_dma semaphore(%arg12 : memref<!tpu.dma_semaphore, #tpu.memory_space<semaphore_mem>>) src(%dma_wait3A_331 : memref<10240x128xf32, #tpu.memory_space<hbm>>) dst(%arg10 : memref<128x128xf32, #tpu.memory_space<vmem>>)
      %run_scoped3A_332 = arith.constant 1 : i32
      %run_scoped3A_333 = arith.constant 7 : i32
      "tpu.region"() ({
        %run_scoped3A_340 = tpu.sem_alloc : memref<!tpu.dma_semaphore, #tpu.memory_space<semaphore_mem>>
        %dma_start3A_341 = arith.constant 0 : i32
        %dma_start3A_342 = tpu.memref_slice %arg8[%run_scoped3A_332, %run_scoped3A_333, %dma_start3A_341] : memref<2x8x128xi32, #tpu.memory_space<vmem>> -> memref<1x1x128xi32, #tpu.memory_space<vmem>>
        %dma_start3A_343 = tpu.memref_squeeze %dma_start3A_342 : memref<1x1x128xi32, #tpu.memory_space<vmem>> -> memref<128xi32, #tpu.memory_space<vmem>>
        %dma_start3A_344 = arith.constant 0 : i32
        %dma_start3A_345 = arith.constant 0 : i32
        %dma_start3A_346 = tpu.memref_slice %arg6[%dma_start3A_344, %dma_start3A_345] : memref<10240x128xf32, #tpu.memory_space<vmem_shared>> -> memref<10240x128xf32, #tpu.memory_space<vmem_shared>>
        tpu.enqueue_indirect_dma source(%arg10 : memref<128x128xf32, #tpu.memory_space<vmem>>) target(%dma_start3A_346 : memref<10240x128xf32, #tpu.memory_space<vmem_shared>>) offsets(%dma_start3A_343 : memref<128xi32, #tpu.memory_space<vmem>>) semaphore(%run_scoped3A_340 : memref<!tpu.dma_semaphore, #tpu.memory_space<semaphore_mem>>) {add = true}
        %dma_wait3A_347 = arith.constant 0 : i32
        %dma_wait3A_348 = tpu.memref_slice %arg8[%run_scoped3A_332, %run_scoped3A_333, %dma_wait3A_347] : memref<2x8x128xi32, #tpu.memory_space<vmem>> -> memref<1x1x128xi32, #tpu.memory_space<vmem>>
        %dma_wait3A_349 = tpu.memref_squeeze %dma_wait3A_348 : memref<1x1x128xi32, #tpu.memory_space<vmem>> -> memref<128xi32, #tpu.memory_space<vmem>>
        %dma_wait3A_350 = arith.constant 0 : i32
        %dma_wait3A_351 = arith.constant 0 : i32
        %dma_wait3A_352 = tpu.memref_slice %arg6[%dma_wait3A_350, %dma_wait3A_351] : memref<10240x128xf32, #tpu.memory_space<vmem_shared>> -> memref<10240x128xf32, #tpu.memory_space<vmem_shared>>
        tpu.wait_indirect_dma semaphore(%run_scoped3A_340 : memref<!tpu.dma_semaphore, #tpu.memory_space<semaphore_mem>>) src(%arg10 : memref<128x128xf32, #tpu.memory_space<vmem>>) dst(%dma_wait3A_352 : memref<10240x128xf32, #tpu.memory_space<vmem_shared>>)
        tpu.yield
      }) : () -> ()
      %convert_element_type3A_334 = arith.extui %lt3A_44 : i1 to i32
      %cond3A_335 = arith.constant 0 : i32
      %cond3A_336 = arith.cmpi ne, %convert_element_type3A_334, %cond3A_335 : i32
      scf.if %cond3A_336 {
        %dma_start3A_340 = arith.constant 0 : i32
        %dma_start3A_341 = arith.constant 1 : i32
        %dma_start3A_342 = arith.constant 0 : i32
        %dma_start3A_343 = tpu.memref_slice %arg7[%dma_start3A_340, %dma_start3A_341, %dma_start3A_342] : memref<2x8x128xi32, #tpu.memory_space<vmem>> -> memref<1x1x128xi32, #tpu.memory_space<vmem>>
        %dma_start3A_344 = tpu.memref_squeeze %dma_start3A_343 : memref<1x1x128xi32, #tpu.memory_space<vmem>> -> memref<128xi32, #tpu.memory_space<vmem>>
        %dma_start3A_345 = arith.constant 0 : i32
        %dma_start3A_346 = arith.constant 0 : i32
        %dma_start3A_347 = tpu.memref_slice %arg2[%dma_start3A_345, %dma_start3A_346] : memref<10240x128xf32, #tpu.memory_space<hbm>> -> memref<10240x128xf32, #tpu.memory_space<hbm>>
        tpu.enqueue_indirect_dma source(%dma_start3A_347 : memref<10240x128xf32, #tpu.memory_space<hbm>>) target(%arg10 : memref<128x128xf32, #tpu.memory_space<vmem>>) offsets(%dma_start3A_344 : memref<128xi32, #tpu.memory_space<vmem>>) semaphore(%arg12 : memref<!tpu.dma_semaphore, #tpu.memory_space<semaphore_mem>>)
      } else {
      }
      %convert_element_type3A_337 = arith.extui %lt3A_44 : i1 to i32
      %cond3A_338 = arith.constant 0 : i32
      %cond3A_339 = arith.cmpi ne, %convert_element_type3A_337, %cond3A_338 : i32
      scf.if %cond3A_339 {
        %add3A_340 = arith.constant 3 : i32
        %add3A_341 = arith.addi %mul3A_41, %add3A_340 : i32
        %dma_start3A_342 = arith.constant 0 : i32
        %dma_start3A_343 = arith.constant 0 : i32
        %dma_start3A_344 = arith.constant 0 : i32
        %dma_start3A_345 = tpu.memref_slice %arg3[%add3A, %add3A_341, %dma_start3A_342, %dma_start3A_343, %dma_start3A_344] : memref<32x20x2x8x128xi32, #tpu.memory_space<hbm>> -> memref<1x1x2x8x128xi32, #tpu.memory_space<hbm>>
        %dma_start3A_346 = tpu.memref_squeeze %dma_start3A_345 : memref<1x1x2x8x128xi32, #tpu.memory_space<hbm>> -> memref<2x8x128xi32, #tpu.memory_space<hbm>>
        %dma_start3A_347 = arith.constant 0 : i32
        %dma_start3A_348 = arith.constant 0 : i32
        %dma_start3A_349 = arith.constant 0 : i32
        %dma_start3A_350 = tpu.memref_slice %arg3[%add3A, %add3A_341, %dma_start3A_347, %dma_start3A_348, %dma_start3A_349] : memref<32x20x2x8x128xi32, #tpu.memory_space<hbm>> -> memref<1x1x2x8x128xi32, #tpu.memory_space<hbm>>
        %dma_start3A_351 = tpu.memref_squeeze %dma_start3A_350 : memref<1x1x2x8x128xi32, #tpu.memory_space<hbm>> -> memref<2x8x128xi32, #tpu.memory_space<hbm>>
        tpu.enqueue_dma source(%dma_start3A_351 : memref<2x8x128xi32, #tpu.memory_space<hbm>>) target(%arg8 : memref<2x8x128xi32, #tpu.memory_space<vmem>>) target_semaphore(%arg14 : memref<!tpu.dma_semaphore, #tpu.memory_space<semaphore_mem>>)
      } else {
      }
    }
    %scan3A_33 = arith.constant 10 : i32
    %barrier3A_34 = arith.constant 0 : index
    tpu.barrier barrier_id(%barrier3A_34)
    %mul3A_35 = arith.constant 640 : i32
    %mul3A_36 = arith.muli %arg1, %mul3A_35 : i32
    %mul3A_37 = arith.constant 640 : i32
    %mul3A_38 = arith.muli %arg1, %mul3A_37 : i32
    "tpu.region"() ({
      %run_scoped3A_39 = tpu.sem_alloc : memref<!tpu.dma_semaphore, #tpu.memory_space<semaphore_mem>>
      %dma_start3A_40 = arith.constant 0 : i32
      %dma_start3A_41 = tpu.memref_slice %arg5[%arg0, %mul3A_38, %dma_start3A_40] : memref<2x10240x128xf32, #tpu.memory_space<hbm>> -> memref<1x640x128xf32, #tpu.memory_space<hbm>>
      %dma_start3A_42 = tpu.memref_squeeze %dma_start3A_41 : memref<1x640x128xf32, #tpu.memory_space<hbm>> -> memref<640x128xf32, #tpu.memory_space<hbm>>
      %dma_start3A_43 = arith.constant 0 : i32
      %dma_start3A_44 = tpu.memref_slice %arg6[%mul3A_36, %dma_start3A_43] : memref<10240x128xf32, #tpu.memory_space<vmem_shared>> -> memref<640x128xf32, #tpu.memory_space<vmem_shared>>
      tpu.enqueue_dma source(%dma_start3A_44 : memref<640x128xf32, #tpu.memory_space<vmem_shared>>) target(%dma_start3A_42 : memref<640x128xf32, #tpu.memory_space<hbm>>) target_semaphore(%run_scoped3A_39 : memref<!tpu.dma_semaphore, #tpu.memory_space<semaphore_mem>>)
      %dma_wait3A = arith.constant 0 : i32
      %dma_wait3A_45 = tpu.memref_slice %arg5[%arg0, %mul3A_38, %dma_wait3A] : memref<2x10240x128xf32, #tpu.memory_space<hbm>> -> memref<1x640x128xf32, #tpu.memory_space<hbm>>
      %dma_wait3A_46 = tpu.memref_squeeze %dma_wait3A_45 : memref<1x640x128xf32, #tpu.memory_space<hbm>> -> memref<640x128xf32, #tpu.memory_space<hbm>>
      %dma_wait3A_47 = arith.constant 0 : i32
      %dma_wait3A_48 = tpu.memref_slice %arg6[%mul3A_36, %dma_wait3A_47] : memref<10240x128xf32, #tpu.memory_space<vmem_shared>> -> memref<640x128xf32, #tpu.memory_space<vmem_shared>>
      tpu.wait_dma2 semaphore(%run_scoped3A_39 : memref<!tpu.dma_semaphore, #tpu.memory_space<semaphore_mem>>) src(%dma_wait3A_48 : memref<640x128xf32, #tpu.memory_space<vmem_shared>>) dst(%dma_wait3A_46 : memref<640x128xf32, #tpu.memory_space<hbm>>)
      tpu.yield
    }) : () -> ()
    return
  }
}

module attributes {stable_mosaic.version = 14 : i64} {
  func.func @_tc0_body(%arg0: i32, %arg1: memref<1024x8xf32, #tpu.memory_space<vmem>>, %arg2: memref<256x256xf32, #tpu.memory_space<vmem>>, %arg3: memref<256x128xf32, #tpu.memory_space<vmem>>, %arg4: memref<1x128xf32, #tpu.memory_space<vmem>>, %arg5: memref<128x128xf32, #tpu.memory_space<vmem>>, %arg6: memref<8x128xf32, #tpu.memory_space<vmem>>, %arg7: memref<1x128xf32, #tpu.memory_space<vmem>>, %arg8: memref<128x128xf32, #tpu.memory_space<vmem>>, %arg9: memref<8x128xf32, #tpu.memory_space<vmem>>, %arg10: memref<1x128xf32, #tpu.memory_space<vmem>>, %arg11: memref<1024x128xf32, #tpu.memory_space<vmem>>, %arg12: memref<1024x128xf32, #tpu.memory_space<vmem>>) attributes {dimension_semantics = [#tpu.dimension_semantics<arbitrary>], iteration_bounds = array<i64: 10>, scalar_prefetch = 0 : i64, scratch_operands = 0 : i64, tpu.core_type = #tpu.core_type<tc>, window_params = [{transform_indices = @transform_0, window_bounds = array<i64: 1024, 8>}, {pipeline_mode = #tpu.pipeline_mode<synchronous>, transform_indices = @transform_1, window_bounds = array<i64: 256, 256>}, {pipeline_mode = #tpu.pipeline_mode<synchronous>, transform_indices = @transform_2, window_bounds = array<i64: 256, 128>}, {pipeline_mode = #tpu.pipeline_mode<synchronous>, transform_indices = @transform_3, window_bounds = array<i64: 1, 128>}, {pipeline_mode = #tpu.pipeline_mode<synchronous>, transform_indices = @transform_4, window_bounds = array<i64: 128, 128>}, {pipeline_mode = #tpu.pipeline_mode<synchronous>, transform_indices = @transform_5, window_bounds = array<i64: 8, 128>}, {pipeline_mode = #tpu.pipeline_mode<synchronous>, transform_indices = @transform_6, window_bounds = array<i64: 1, 128>}, {pipeline_mode = #tpu.pipeline_mode<synchronous>, transform_indices = @transform_7, window_bounds = array<i64: 128, 128>}, {pipeline_mode = #tpu.pipeline_mode<synchronous>, transform_indices = @transform_8, window_bounds = array<i64: 8, 128>}, {pipeline_mode = #tpu.pipeline_mode<synchronous>, transform_indices = @transform_9, window_bounds = array<i64: 1, 128>}, {transform_indices = @transform_10, window_bounds = array<i64: 1024, 128>}, {transform_indices = @transform_11, window_bounds = array<i64: 1024, 128>}]} {
    %get3A = arith.constant 0 : index
    %get3A_0 = arith.constant 0 : index
    %get3A_1 = vector.load %arg1[%get3A, %get3A_0] : memref<1024x8xf32, #tpu.memory_space<vmem>>, vector<1024x8xf32>
    %slice3A = vector.extract_strided_slice %get3A_1 {offsets = [0, 0], sizes = [1024, 1], strides = [1, 1]} : vector<1024x8xf32> to vector<1024x1xf32>
    %add3A = arith.constant 1.000000e+00 : f32
    %add3A_2 = vector.broadcast %add3A : f32 to vector<1024x1xf32>
    %add3A_3 = arith.addf %slice3A, %add3A_2 : vector<1024x1xf32>
    %mul3A = arith.constant 6.500000e+00 : f32
    %mul3A_4 = vector.broadcast %mul3A : f32 to vector<1024x1xf32>
    %mul3A_5 = arith.mulf %add3A_3, %mul3A_4 : vector<1024x1xf32>
    %jit3A = arith.constant 0.000000e+00 : f32
    %jit3A_6 = arith.constant 1.300000e+01 : f32
    %max3A = vector.broadcast %jit3A : f32 to vector<1024x1xf32>
    %max3A_7 = arith.maximumf %max3A, %mul3A_5 : vector<1024x1xf32>
    %min3A = vector.broadcast %jit3A_6 : f32 to vector<1024x1xf32>
    %min3A_8 = arith.minimumf %min3A, %max3A_7 : vector<1024x1xf32>
    %slice3A_9 = vector.extract_strided_slice %get3A_1 {offsets = [0, 1], sizes = [1024, 1], strides = [1, 1]} : vector<1024x8xf32> to vector<1024x1xf32>
    %add3A_10 = arith.constant 1.000000e+00 : f32
    %add3A_11 = vector.broadcast %add3A_10 : f32 to vector<1024x1xf32>
    %add3A_12 = arith.addf %slice3A_9, %add3A_11 : vector<1024x1xf32>
    %mul3A_13 = arith.constant 6.500000e+00 : f32
    %mul3A_14 = vector.broadcast %mul3A_13 : f32 to vector<1024x1xf32>
    %mul3A_15 = arith.mulf %add3A_12, %mul3A_14 : vector<1024x1xf32>
    %jit3A_16 = arith.constant 0.000000e+00 : f32
    %jit3A_17 = arith.constant 1.300000e+01 : f32
    %max3A_18 = vector.broadcast %jit3A_16 : f32 to vector<1024x1xf32>
    %max3A_19 = arith.maximumf %max3A_18, %mul3A_15 : vector<1024x1xf32>
    %min3A_20 = vector.broadcast %jit3A_17 : f32 to vector<1024x1xf32>
    %min3A_21 = arith.minimumf %min3A_20, %max3A_19 : vector<1024x1xf32>
    %floor3A = math.floor %min3A_8 : vector<1024x1xf32>
    %floor3A_22 = math.floor %min3A_21 : vector<1024x1xf32>
    %add3A_23 = arith.constant 1.000000e+00 : f32
    %add3A_24 = vector.broadcast %add3A_23 : f32 to vector<1024x1xf32>
    %add3A_25 = arith.addf %floor3A, %add3A_24 : vector<1024x1xf32>
    %min3A_26 = arith.constant 1.300000e+01 : f32
    %min3A_27 = vector.broadcast %min3A_26 : f32 to vector<1024x1xf32>
    %min3A_28 = arith.minimumf %add3A_25, %min3A_27 : vector<1024x1xf32>
    %add3A_29 = arith.constant 1.000000e+00 : f32
    %add3A_30 = vector.broadcast %add3A_29 : f32 to vector<1024x1xf32>
    %add3A_31 = arith.addf %floor3A_22, %add3A_30 : vector<1024x1xf32>
    %min3A_32 = arith.constant 1.300000e+01 : f32
    %min3A_33 = vector.broadcast %min3A_32 : f32 to vector<1024x1xf32>
    %min3A_34 = arith.minimumf %add3A_31, %min3A_33 : vector<1024x1xf32>
    %sub3A = arith.subf %min3A_8, %floor3A : vector<1024x1xf32>
    %sub3A_35 = arith.subf %min3A_21, %floor3A_22 : vector<1024x1xf32>
    %iota3A = tpu.iota {dimensions = array<i32: 1>} : vector<1024x256xi32>
    %mul3A_36 = arith.constant 1.400000e+01 : f32
    %mul3A_37 = vector.broadcast %mul3A_36 : f32 to vector<1024x1xf32>
    %mul3A_38 = arith.mulf %floor3A_22, %mul3A_37 : vector<1024x1xf32>
    %add3A_39 = arith.addf %mul3A_38, %floor3A : vector<1024x1xf32>
    %convert_element_type3A = arith.fptosi %add3A_39 : vector<1024x1xf32> to vector<1024x1xi32>
    %mul3A_40 = arith.constant 1.400000e+01 : f32
    %mul3A_41 = vector.broadcast %mul3A_40 : f32 to vector<1024x1xf32>
    %mul3A_42 = arith.mulf %floor3A_22, %mul3A_41 : vector<1024x1xf32>
    %add3A_43 = arith.addf %mul3A_42, %min3A_28 : vector<1024x1xf32>
    %convert_element_type3A_44 = arith.fptosi %add3A_43 : vector<1024x1xf32> to vector<1024x1xi32>
    %mul3A_45 = arith.constant 1.400000e+01 : f32
    %mul3A_46 = vector.broadcast %mul3A_45 : f32 to vector<1024x1xf32>
    %mul3A_47 = arith.mulf %min3A_34, %mul3A_46 : vector<1024x1xf32>
    %add3A_48 = arith.addf %mul3A_47, %floor3A : vector<1024x1xf32>
    %convert_element_type3A_49 = arith.fptosi %add3A_48 : vector<1024x1xf32> to vector<1024x1xi32>
    %mul3A_50 = arith.constant 1.400000e+01 : f32
    %mul3A_51 = vector.broadcast %mul3A_50 : f32 to vector<1024x1xf32>
    %mul3A_52 = arith.mulf %min3A_34, %mul3A_51 : vector<1024x1xf32>
    %add3A_53 = arith.addf %mul3A_52, %min3A_28 : vector<1024x1xf32>
    %convert_element_type3A_54 = arith.fptosi %add3A_53 : vector<1024x1xf32> to vector<1024x1xi32>
    %eq3A = vector.broadcast %convert_element_type3A : vector<1024x1xi32> to vector<1024x256xi32>
    %eq3A_55 = arith.cmpi eq, %iota3A, %eq3A : vector<1024x256xi32>
    %convert_element_type3A_56 = arith.extui %eq3A_55 : vector<1024x256xi1> to vector<1024x256xi32>
    %convert_element_type3A_57 = arith.sitofp %convert_element_type3A_56 : vector<1024x256xi32> to vector<1024x256xf32>
    %sub3A_58 = arith.constant 1.000000e+00 : f32
    %sub3A_59 = vector.broadcast %sub3A_58 : f32 to vector<1024x1xf32>
    %sub3A_60 = arith.subf %sub3A_59, %sub3A : vector<1024x1xf32>
    %sub3A_61 = arith.constant 1.000000e+00 : f32
    %sub3A_62 = vector.broadcast %sub3A_61 : f32 to vector<1024x1xf32>
    %sub3A_63 = arith.subf %sub3A_62, %sub3A_35 : vector<1024x1xf32>
    %mul3A_64 = arith.mulf %sub3A_60, %sub3A_63 : vector<1024x1xf32>
    %mul3A_65 = vector.broadcast %mul3A_64 : vector<1024x1xf32> to vector<1024x256xf32>
    %mul3A_66 = arith.mulf %convert_element_type3A_57, %mul3A_65 : vector<1024x256xf32>
    %eq3A_67 = vector.broadcast %convert_element_type3A_44 : vector<1024x1xi32> to vector<1024x256xi32>
    %eq3A_68 = arith.cmpi eq, %iota3A, %eq3A_67 : vector<1024x256xi32>
    %convert_element_type3A_69 = arith.extui %eq3A_68 : vector<1024x256xi1> to vector<1024x256xi32>
    %convert_element_type3A_70 = arith.sitofp %convert_element_type3A_69 : vector<1024x256xi32> to vector<1024x256xf32>
    %sub3A_71 = arith.constant 1.000000e+00 : f32
    %sub3A_72 = vector.broadcast %sub3A_71 : f32 to vector<1024x1xf32>
    %sub3A_73 = arith.subf %sub3A_72, %sub3A_35 : vector<1024x1xf32>
    %mul3A_74 = arith.mulf %sub3A, %sub3A_73 : vector<1024x1xf32>
    %mul3A_75 = vector.broadcast %mul3A_74 : vector<1024x1xf32> to vector<1024x256xf32>
    %mul3A_76 = arith.mulf %convert_element_type3A_70, %mul3A_75 : vector<1024x256xf32>
    %add3A_77 = arith.addf %mul3A_66, %mul3A_76 : vector<1024x256xf32>
    %eq3A_78 = vector.broadcast %convert_element_type3A_49 : vector<1024x1xi32> to vector<1024x256xi32>
    %eq3A_79 = arith.cmpi eq, %iota3A, %eq3A_78 : vector<1024x256xi32>
    %convert_element_type3A_80 = arith.extui %eq3A_79 : vector<1024x256xi1> to vector<1024x256xi32>
    %convert_element_type3A_81 = arith.sitofp %convert_element_type3A_80 : vector<1024x256xi32> to vector<1024x256xf32>
    %sub3A_82 = arith.constant 1.000000e+00 : f32
    %sub3A_83 = vector.broadcast %sub3A_82 : f32 to vector<1024x1xf32>
    %sub3A_84 = arith.subf %sub3A_83, %sub3A : vector<1024x1xf32>
    %mul3A_85 = arith.mulf %sub3A_84, %sub3A_35 : vector<1024x1xf32>
    %mul3A_86 = vector.broadcast %mul3A_85 : vector<1024x1xf32> to vector<1024x256xf32>
    %mul3A_87 = arith.mulf %convert_element_type3A_81, %mul3A_86 : vector<1024x256xf32>
    %add3A_88 = arith.addf %add3A_77, %mul3A_87 : vector<1024x256xf32>
    %eq3A_89 = vector.broadcast %convert_element_type3A_54 : vector<1024x1xi32> to vector<1024x256xi32>
    %eq3A_90 = arith.cmpi eq, %iota3A, %eq3A_89 : vector<1024x256xi32>
    %convert_element_type3A_91 = arith.extui %eq3A_90 : vector<1024x256xi1> to vector<1024x256xi32>
    %convert_element_type3A_92 = arith.sitofp %convert_element_type3A_91 : vector<1024x256xi32> to vector<1024x256xf32>
    %mul3A_93 = arith.mulf %sub3A, %sub3A_35 : vector<1024x1xf32>
    %mul3A_94 = vector.broadcast %mul3A_93 : vector<1024x1xf32> to vector<1024x256xf32>
    %mul3A_95 = arith.mulf %convert_element_type3A_92, %mul3A_94 : vector<1024x256xf32>
    %add3A_96 = arith.addf %add3A_88, %mul3A_95 : vector<1024x256xf32>
    %get3A_97 = arith.constant 0 : index
    %get3A_98 = arith.constant 0 : index
    %get3A_99 = vector.load %arg2[%get3A_97, %get3A_98] : memref<256x256xf32, #tpu.memory_space<vmem>>, vector<256x256xf32>
    %convert_element_type3A_100 = arith.truncf %add3A_96 : vector<1024x256xf32> to vector<1024x256xbf16>
    %convert_element_type3A_101 = arith.extf %convert_element_type3A_100 : vector<1024x256xbf16> to vector<1024x256xf32>
    %sub3A_102 = arith.subf %add3A_96, %convert_element_type3A_101 : vector<1024x256xf32>
    %convert_element_type3A_103 = arith.truncf %sub3A_102 : vector<1024x256xf32> to vector<1024x256xbf16>
    %convert_element_type3A_104 = arith.truncf %get3A_99 : vector<256x256xf32> to vector<256x256xbf16>
    %convert_element_type3A_105 = arith.extf %convert_element_type3A_104 : vector<256x256xbf16> to vector<256x256xf32>
    %sub3A_106 = arith.subf %get3A_99, %convert_element_type3A_105 : vector<256x256xf32>
    %convert_element_type3A_107 = arith.truncf %sub3A_106 : vector<256x256xf32> to vector<256x256xbf16>
    %dot_general3A = arith.constant dense<0.000000e+00> : vector<1024x256xf32>
    %dot_general3A_108 = tpu.matmul %convert_element_type3A_100, %convert_element_type3A_107, %dot_general3A {dimension_numbers = #tpu.dot_dimension_numbers<[1], [0], [0], [1], [0, 0, 1, 1], [], []>, transpose_lhs_hint = false} : vector<1024x256xbf16>, vector<256x256xbf16>, vector<1024x256xf32> -> vector<1024x256xf32>
    %dot_general3A_109 = arith.constant dense<0.000000e+00> : vector<1024x256xf32>
    %dot_general3A_110 = tpu.matmul %convert_element_type3A_103, %convert_element_type3A_104, %dot_general3A_109 {dimension_numbers = #tpu.dot_dimension_numbers<[1], [0], [0], [1], [0, 0, 1, 1], [], []>, transpose_lhs_hint = false} : vector<1024x256xbf16>, vector<256x256xbf16>, vector<1024x256xf32> -> vector<1024x256xf32>
    %add3A_111 = arith.addf %dot_general3A_108, %dot_general3A_110 : vector<1024x256xf32>
    %dot_general3A_112 = arith.constant dense<0.000000e+00> : vector<1024x256xf32>
    %dot_general3A_113 = tpu.matmul %convert_element_type3A_100, %convert_element_type3A_104, %dot_general3A_112 {dimension_numbers = #tpu.dot_dimension_numbers<[1], [0], [0], [1], [0, 0, 1, 1], [], []>, transpose_lhs_hint = false} : vector<1024x256xbf16>, vector<256x256xbf16>, vector<1024x256xf32> -> vector<1024x256xf32>
    %add3A_114 = arith.addf %add3A_111, %dot_general3A_113 : vector<1024x256xf32>
    %get3A_115 = arith.constant 0 : index
    %get3A_116 = arith.constant 0 : index
    %get3A_117 = vector.load %arg3[%get3A_115, %get3A_116] : memref<256x128xf32, #tpu.memory_space<vmem>>, vector<256x128xf32>
    %dot_general3A_118 = arith.constant dense<0.000000e+00> : vector<1024x128xf32>
    %dot_general3A_119 = tpu.matmul %add3A_114, %get3A_117, %dot_general3A_118 {dimension_numbers = #tpu.dot_dimension_numbers<[1], [0], [0], [1], [0, 0, 1, 1], [], []>, transpose_lhs_hint = false} : vector<1024x256xf32>, vector<256x128xf32>, vector<1024x128xf32> -> vector<1024x128xf32>
    %get3A_120 = arith.constant 0 : index
    %get3A_121 = arith.constant 0 : index
    %get3A_122 = vector.load %arg4[%get3A_120, %get3A_121] : memref<1x128xf32, #tpu.memory_space<vmem>>, vector<1x128xf32>
    %add3A_123 = vector.broadcast %get3A_122 : vector<1x128xf32> to vector<1024x128xf32>
    %add3A_124 = arith.addf %dot_general3A_119, %add3A_123 : vector<1024x128xf32>
    %max3A_125 = arith.constant 0.000000e+00 : f32
    %max3A_126 = vector.broadcast %max3A_125 : f32 to vector<1024x128xf32>
    %max3A_127 = arith.maximumf %add3A_124, %max3A_126 : vector<1024x128xf32>
    %get3A_128 = arith.constant 0 : index
    %get3A_129 = arith.constant 0 : index
    %get3A_130 = vector.load %arg5[%get3A_128, %get3A_129] : memref<128x128xf32, #tpu.memory_space<vmem>>, vector<128x128xf32>
    %dot_general3A_131 = arith.constant dense<0.000000e+00> : vector<1024x128xf32>
    %dot_general3A_132 = tpu.matmul %max3A_127, %get3A_130, %dot_general3A_131 {dimension_numbers = #tpu.dot_dimension_numbers<[1], [0], [0], [1], [0, 0, 1, 1], [], []>, transpose_lhs_hint = false} : vector<1024x128xf32>, vector<128x128xf32>, vector<1024x128xf32> -> vector<1024x128xf32>
    %get3A_133 = arith.constant 0 : index
    %get3A_134 = arith.constant 0 : index
    %get3A_135 = vector.load %arg6[%get3A_133, %get3A_134] : memref<8x128xf32, #tpu.memory_space<vmem>>, vector<8x128xf32>
    %dot_general3A_136 = arith.constant dense<0.000000e+00> : vector<1024x128xf32>
    %dot_general3A_137 = tpu.matmul %get3A_1, %get3A_135, %dot_general3A_136 {dimension_numbers = #tpu.dot_dimension_numbers<[1], [0], [0], [1], [0, 0, 1, 1], [], []>, transpose_lhs_hint = false} : vector<1024x8xf32>, vector<8x128xf32>, vector<1024x128xf32> -> vector<1024x128xf32>
    %add3A_138 = arith.addf %dot_general3A_132, %dot_general3A_137 : vector<1024x128xf32>
    %get3A_139 = arith.constant 0 : index
    %get3A_140 = arith.constant 0 : index
    %get3A_141 = vector.load %arg7[%get3A_139, %get3A_140] : memref<1x128xf32, #tpu.memory_space<vmem>>, vector<1x128xf32>
    %add3A_142 = vector.broadcast %get3A_141 : vector<1x128xf32> to vector<1024x128xf32>
    %add3A_143 = arith.addf %add3A_138, %add3A_142 : vector<1024x128xf32>
    %swap3A = arith.constant 0 : index
    %swap3A_144 = arith.constant 0 : index
    %swap3A_145 = vector.load %arg11[%swap3A, %swap3A_144] : memref<1024x128xf32, #tpu.memory_space<vmem>>, vector<1024x128xf32>
    tpu.vector_store %arg11[%swap3A, %swap3A_144], %add3A_143 {strides = array<i32>} : memref<1024x128xf32, #tpu.memory_space<vmem>>, vector<1024x128xf32>,
    %get3A_146 = arith.constant 0 : index
    %get3A_147 = arith.constant 0 : index
    %get3A_148 = vector.load %arg8[%get3A_146, %get3A_147] : memref<128x128xf32, #tpu.memory_space<vmem>>, vector<128x128xf32>
    %dot_general3A_149 = arith.constant dense<0.000000e+00> : vector<1024x128xf32>
    %dot_general3A_150 = tpu.matmul %max3A_127, %get3A_148, %dot_general3A_149 {dimension_numbers = #tpu.dot_dimension_numbers<[1], [0], [0], [1], [0, 0, 1, 1], [], []>, transpose_lhs_hint = false} : vector<1024x128xf32>, vector<128x128xf32>, vector<1024x128xf32> -> vector<1024x128xf32>
    %get3A_151 = arith.constant 0 : index
    %get3A_152 = arith.constant 0 : index
    %get3A_153 = vector.load %arg9[%get3A_151, %get3A_152] : memref<8x128xf32, #tpu.memory_space<vmem>>, vector<8x128xf32>
    %dot_general3A_154 = arith.constant dense<0.000000e+00> : vector<1024x128xf32>
    %dot_general3A_155 = tpu.matmul %get3A_1, %get3A_153, %dot_general3A_154 {dimension_numbers = #tpu.dot_dimension_numbers<[1], [0], [0], [1], [0, 0, 1, 1], [], []>, transpose_lhs_hint = false} : vector<1024x8xf32>, vector<8x128xf32>, vector<1024x128xf32> -> vector<1024x128xf32>
    %add3A_156 = arith.addf %dot_general3A_150, %dot_general3A_155 : vector<1024x128xf32>
    %get3A_157 = arith.constant 0 : index
    %get3A_158 = arith.constant 0 : index
    %get3A_159 = vector.load %arg10[%get3A_157, %get3A_158] : memref<1x128xf32, #tpu.memory_space<vmem>>, vector<1x128xf32>
    %add3A_160 = vector.broadcast %get3A_159 : vector<1x128xf32> to vector<1024x128xf32>
    %add3A_161 = arith.addf %add3A_156, %add3A_160 : vector<1024x128xf32>
    %swap3A_162 = arith.constant 0 : index
    %swap3A_163 = arith.constant 0 : index
    %swap3A_164 = vector.load %arg12[%swap3A_162, %swap3A_163] : memref<1024x128xf32, #tpu.memory_space<vmem>>, vector<1024x128xf32>
    tpu.vector_store %arg12[%swap3A_162, %swap3A_163], %add3A_161 {strides = array<i32>} : memref<1024x128xf32, #tpu.memory_space<vmem>>, vector<1024x128xf32>,
    return
  }
  func.func @transform_0(%arg0: i32) -> (i32, i32) {
    %c0_i32 = arith.constant 0 : i32
    %c0_i32_0 = arith.constant 0 : i32
    return %arg0, %c0_i32 : i32, i32
  }
  func.func @transform_1(%arg0: i32) -> (i32, i32) {
    %c0_i32 = arith.constant 0 : i32
    %c0_i32_0 = arith.constant 0 : i32
    %c0_i32_1 = arith.constant 0 : i32
    return %c0_i32, %c0_i32_0 : i32, i32
  }
  func.func @transform_2(%arg0: i32) -> (i32, i32) {
    %c0_i32 = arith.constant 0 : i32
    %c0_i32_0 = arith.constant 0 : i32
    %c0_i32_1 = arith.constant 0 : i32
    return %c0_i32, %c0_i32_0 : i32, i32
  }
  func.func @transform_3(%arg0: i32) -> (i32, i32) {
    %c0_i32 = arith.constant 0 : i32
    %c0_i32_0 = arith.constant 0 : i32
    %c0_i32_1 = arith.constant 0 : i32
    return %c0_i32, %c0_i32_0 : i32, i32
  }
  func.func @transform_4(%arg0: i32) -> (i32, i32) {
    %c0_i32 = arith.constant 0 : i32
    %c0_i32_0 = arith.constant 0 : i32
    %c0_i32_1 = arith.constant 0 : i32
    return %c0_i32, %c0_i32_0 : i32, i32
  }
  func.func @transform_5(%arg0: i32) -> (i32, i32) {
    %c0_i32 = arith.constant 0 : i32
    %c0_i32_0 = arith.constant 0 : i32
    %c0_i32_1 = arith.constant 0 : i32
    return %c0_i32, %c0_i32_0 : i32, i32
  }
  func.func @transform_6(%arg0: i32) -> (i32, i32) {
    %c0_i32 = arith.constant 0 : i32
    %c0_i32_0 = arith.constant 0 : i32
    %c0_i32_1 = arith.constant 0 : i32
    return %c0_i32, %c0_i32_0 : i32, i32
  }
  func.func @transform_7(%arg0: i32) -> (i32, i32) {
    %c0_i32 = arith.constant 0 : i32
    %c0_i32_0 = arith.constant 0 : i32
    %c0_i32_1 = arith.constant 0 : i32
    return %c0_i32, %c0_i32_0 : i32, i32
  }
  func.func @transform_8(%arg0: i32) -> (i32, i32) {
    %c0_i32 = arith.constant 0 : i32
    %c0_i32_0 = arith.constant 0 : i32
    %c0_i32_1 = arith.constant 0 : i32
    return %c0_i32, %c0_i32_0 : i32, i32
  }
  func.func @transform_9(%arg0: i32) -> (i32, i32) {
    %c0_i32 = arith.constant 0 : i32
    %c0_i32_0 = arith.constant 0 : i32
    %c0_i32_1 = arith.constant 0 : i32
    return %c0_i32, %c0_i32_0 : i32, i32
  }
  func.func @transform_10(%arg0: i32) -> (i32, i32) {
    %c0_i32 = arith.constant 0 : i32
    %c0_i32_0 = arith.constant 0 : i32
    return %arg0, %c0_i32 : i32, i32
  }
  func.func @transform_11(%arg0: i32) -> (i32, i32) {
    %c0_i32 = arith.constant 0 : i32
    %c0_i32_0 = arith.constant 0 : i32
    return %arg0, %c0_i32 : i32, i32
  }
}

module attributes {stable_mosaic.version = 14 : i64} {
  func.func @_mid_body(%arg0: i32, %arg1: memref<1024x128xf32, #tpu.memory_space<vmem>>, %arg2: memref<1x1024x128xf32, #tpu.memory_space<vmem>>, %arg3: memref<1x1024x128xf32, #tpu.memory_space<vmem>>, %arg4: memref<1024x8xf32, #tpu.memory_space<vmem>>, %arg5: memref<128x128xf32, #tpu.memory_space<vmem>>, %arg6: memref<8x128xf32, #tpu.memory_space<vmem>>, %arg7: memref<1x128xf32, #tpu.memory_space<vmem>>, %arg8: memref<128x128xf32, #tpu.memory_space<vmem>>, %arg9: memref<8x128xf32, #tpu.memory_space<vmem>>, %arg10: memref<1x128xf32, #tpu.memory_space<vmem>>, %arg11: memref<1024x128xf32, #tpu.memory_space<vmem>>, %arg12: memref<1024x128xf32, #tpu.memory_space<vmem>>) attributes {dimension_semantics = [#tpu.dimension_semantics<arbitrary>], iteration_bounds = array<i64: 10>, scalar_prefetch = 0 : i64, scratch_operands = 0 : i64, tpu.core_type = #tpu.core_type<tc>, window_params = [{transform_indices = @transform_0, window_bounds = array<i64: 1024, 128>}, {transform_indices = @transform_1, window_bounds = array<i64: 1, 1024, 128>}, {transform_indices = @transform_2, window_bounds = array<i64: 1, 1024, 128>}, {transform_indices = @transform_3, window_bounds = array<i64: 1024, 8>}, {pipeline_mode = #tpu.pipeline_mode<synchronous>, transform_indices = @transform_4, window_bounds = array<i64: 128, 128>}, {pipeline_mode = #tpu.pipeline_mode<synchronous>, transform_indices = @transform_5, window_bounds = array<i64: 8, 128>}, {pipeline_mode = #tpu.pipeline_mode<synchronous>, transform_indices = @transform_6, window_bounds = array<i64: 1, 128>}, {pipeline_mode = #tpu.pipeline_mode<synchronous>, transform_indices = @transform_7, window_bounds = array<i64: 128, 128>}, {pipeline_mode = #tpu.pipeline_mode<synchronous>, transform_indices = @transform_8, window_bounds = array<i64: 8, 128>}, {pipeline_mode = #tpu.pipeline_mode<synchronous>, transform_indices = @transform_9, window_bounds = array<i64: 1, 128>}, {transform_indices = @transform_10, window_bounds = array<i64: 1024, 128>}, {transform_indices = @transform_11, window_bounds = array<i64: 1024, 128>}]} {
    %get3A = arith.constant 0 : index
    %get3A_0 = arith.constant 0 : index
    %get3A_1 = vector.load %arg1[%get3A, %get3A_0] : memref<1024x128xf32, #tpu.memory_space<vmem>>, vector<1024x128xf32>
    %get3A_2 = arith.constant 0 : index
    %get3A_3 = arith.constant 0 : index
    %get3A_4 = arith.constant 0 : index
    %get3A_5 = vector.load %arg2[%get3A_2, %get3A_3, %get3A_4] : memref<1x1024x128xf32, #tpu.memory_space<vmem>>, vector<1x1024x128xf32>
    %get3A_6 = vector.shape_cast %get3A_5 : vector<1x1024x128xf32> to vector<1024x128xf32>
    %add3A = arith.addf %get3A_1, %get3A_6 : vector<1024x128xf32>
    %get3A_7 = arith.constant 0 : index
    %get3A_8 = arith.constant 0 : index
    %get3A_9 = arith.constant 0 : index
    %get3A_10 = vector.load %arg3[%get3A_7, %get3A_8, %get3A_9] : memref<1x1024x128xf32, #tpu.memory_space<vmem>>, vector<1x1024x128xf32>
    %get3A_11 = vector.shape_cast %get3A_10 : vector<1x1024x128xf32> to vector<1024x128xf32>
    %add3A_12 = arith.addf %add3A, %get3A_11 : vector<1024x128xf32>
    %max3A = arith.constant 0.000000e+00 : f32
    %max3A_13 = vector.broadcast %max3A : f32 to vector<1024x128xf32>
    %max3A_14 = arith.maximumf %add3A_12, %max3A_13 : vector<1024x128xf32>
    %get3A_15 = arith.constant 0 : index
    %get3A_16 = arith.constant 0 : index
    %get3A_17 = vector.load %arg4[%get3A_15, %get3A_16] : memref<1024x8xf32, #tpu.memory_space<vmem>>, vector<1024x8xf32>
    %get3A_18 = arith.constant 0 : index
    %get3A_19 = arith.constant 0 : index
    %get3A_20 = vector.load %arg5[%get3A_18, %get3A_19] : memref<128x128xf32, #tpu.memory_space<vmem>>, vector<128x128xf32>
    %dot_general3A = arith.constant dense<0.000000e+00> : vector<1024x128xf32>
    %dot_general3A_21 = tpu.matmul %max3A_14, %get3A_20, %dot_general3A {dimension_numbers = #tpu.dot_dimension_numbers<[1], [0], [0], [1], [0, 0, 1, 1], [], []>, transpose_lhs_hint = false} : vector<1024x128xf32>, vector<128x128xf32>, vector<1024x128xf32> -> vector<1024x128xf32>
    %get3A_22 = arith.constant 0 : index
    %get3A_23 = arith.constant 0 : index
    %get3A_24 = vector.load %arg6[%get3A_22, %get3A_23] : memref<8x128xf32, #tpu.memory_space<vmem>>, vector<8x128xf32>
    %dot_general3A_25 = arith.constant dense<0.000000e+00> : vector<1024x128xf32>
    %dot_general3A_26 = tpu.matmul %get3A_17, %get3A_24, %dot_general3A_25 {dimension_numbers = #tpu.dot_dimension_numbers<[1], [0], [0], [1], [0, 0, 1, 1], [], []>, transpose_lhs_hint = false} : vector<1024x8xf32>, vector<8x128xf32>, vector<1024x128xf32> -> vector<1024x128xf32>
    %add3A_27 = arith.addf %dot_general3A_21, %dot_general3A_26 : vector<1024x128xf32>
    %get3A_28 = arith.constant 0 : index
    %get3A_29 = arith.constant 0 : index
    %get3A_30 = vector.load %arg7[%get3A_28, %get3A_29] : memref<1x128xf32, #tpu.memory_space<vmem>>, vector<1x128xf32>
    %add3A_31 = vector.broadcast %get3A_30 : vector<1x128xf32> to vector<1024x128xf32>
    %add3A_32 = arith.addf %add3A_27, %add3A_31 : vector<1024x128xf32>
    %swap3A = arith.constant 0 : index
    %swap3A_33 = arith.constant 0 : index
    %swap3A_34 = vector.load %arg11[%swap3A, %swap3A_33] : memref<1024x128xf32, #tpu.memory_space<vmem>>, vector<1024x128xf32>
    tpu.vector_store %arg11[%swap3A, %swap3A_33], %add3A_32 {strides = array<i32>} : memref<1024x128xf32, #tpu.memory_space<vmem>>, vector<1024x128xf32>,
    %get3A_35 = arith.constant 0 : index
    %get3A_36 = arith.constant 0 : index
    %get3A_37 = vector.load %arg8[%get3A_35, %get3A_36] : memref<128x128xf32, #tpu.memory_space<vmem>>, vector<128x128xf32>
    %dot_general3A_38 = arith.constant dense<0.000000e+00> : vector<1024x128xf32>
    %dot_general3A_39 = tpu.matmul %max3A_14, %get3A_37, %dot_general3A_38 {dimension_numbers = #tpu.dot_dimension_numbers<[1], [0], [0], [1], [0, 0, 1, 1], [], []>, transpose_lhs_hint = false} : vector<1024x128xf32>, vector<128x128xf32>, vector<1024x128xf32> -> vector<1024x128xf32>
    %get3A_40 = arith.constant 0 : index
    %get3A_41 = arith.constant 0 : index
    %get3A_42 = vector.load %arg9[%get3A_40, %get3A_41] : memref<8x128xf32, #tpu.memory_space<vmem>>, vector<8x128xf32>
    %dot_general3A_43 = arith.constant dense<0.000000e+00> : vector<1024x128xf32>
    %dot_general3A_44 = tpu.matmul %get3A_17, %get3A_42, %dot_general3A_43 {dimension_numbers = #tpu.dot_dimension_numbers<[1], [0], [0], [1], [0, 0, 1, 1], [], []>, transpose_lhs_hint = false} : vector<1024x8xf32>, vector<8x128xf32>, vector<1024x128xf32> -> vector<1024x128xf32>
    %add3A_45 = arith.addf %dot_general3A_39, %dot_general3A_44 : vector<1024x128xf32>
    %get3A_46 = arith.constant 0 : index
    %get3A_47 = arith.constant 0 : index
    %get3A_48 = vector.load %arg10[%get3A_46, %get3A_47] : memref<1x128xf32, #tpu.memory_space<vmem>>, vector<1x128xf32>
    %add3A_49 = vector.broadcast %get3A_48 : vector<1x128xf32> to vector<1024x128xf32>
    %add3A_50 = arith.addf %add3A_45, %add3A_49 : vector<1024x128xf32>
    %swap3A_51 = arith.constant 0 : index
    %swap3A_52 = arith.constant 0 : index
    %swap3A_53 = vector.load %arg12[%swap3A_51, %swap3A_52] : memref<1024x128xf32, #tpu.memory_space<vmem>>, vector<1024x128xf32>
    tpu.vector_store %arg12[%swap3A_51, %swap3A_52], %add3A_50 {strides = array<i32>} : memref<1024x128xf32, #tpu.memory_space<vmem>>, vector<1024x128xf32>,
    return
  }
  func.func @transform_0(%arg0: i32) -> (i32, i32) {
    %c0_i32 = arith.constant 0 : i32
    %c0_i32_0 = arith.constant 0 : i32
    return %arg0, %c0_i32 : i32, i32
  }
  func.func @transform_1(%arg0: i32) -> (i32, i32, i32) {
    %c0_i32 = arith.constant 0 : i32
    %c0_i32_0 = arith.constant 0 : i32
    %c0_i32_1 = arith.constant 0 : i32
    return %c0_i32, %arg0, %c0_i32_0 : i32, i32, i32
  }
  func.func @transform_2(%arg0: i32) -> (i32, i32, i32) {
    %c1_i32 = arith.constant 1 : i32
    %c0_i32 = arith.constant 0 : i32
    %c0_i32_0 = arith.constant 0 : i32
    return %c1_i32, %arg0, %c0_i32 : i32, i32, i32
  }
  func.func @transform_3(%arg0: i32) -> (i32, i32) {
    %c0_i32 = arith.constant 0 : i32
    %c0_i32_0 = arith.constant 0 : i32
    return %arg0, %c0_i32 : i32, i32
  }
  func.func @transform_4(%arg0: i32) -> (i32, i32) {
    %c0_i32 = arith.constant 0 : i32
    %c0_i32_0 = arith.constant 0 : i32
    %c0_i32_1 = arith.constant 0 : i32
    return %c0_i32, %c0_i32_0 : i32, i32
  }
  func.func @transform_5(%arg0: i32) -> (i32, i32) {
    %c0_i32 = arith.constant 0 : i32
    %c0_i32_0 = arith.constant 0 : i32
    %c0_i32_1 = arith.constant 0 : i32
    return %c0_i32, %c0_i32_0 : i32, i32
  }
  func.func @transform_6(%arg0: i32) -> (i32, i32) {
    %c0_i32 = arith.constant 0 : i32
    %c0_i32_0 = arith.constant 0 : i32
    %c0_i32_1 = arith.constant 0 : i32
    return %c0_i32, %c0_i32_0 : i32, i32
  }
  func.func @transform_7(%arg0: i32) -> (i32, i32) {
    %c0_i32 = arith.constant 0 : i32
    %c0_i32_0 = arith.constant 0 : i32
    %c0_i32_1 = arith.constant 0 : i32
    return %c0_i32, %c0_i32_0 : i32, i32
  }
  func.func @transform_8(%arg0: i32) -> (i32, i32) {
    %c0_i32 = arith.constant 0 : i32
    %c0_i32_0 = arith.constant 0 : i32
    %c0_i32_1 = arith.constant 0 : i32
    return %c0_i32, %c0_i32_0 : i32, i32
  }
  func.func @transform_9(%arg0: i32) -> (i32, i32) {
    %c0_i32 = arith.constant 0 : i32
    %c0_i32_0 = arith.constant 0 : i32
    %c0_i32_1 = arith.constant 0 : i32
    return %c0_i32, %c0_i32_0 : i32, i32
  }
  func.func @transform_10(%arg0: i32) -> (i32, i32) {
    %c0_i32 = arith.constant 0 : i32
    %c0_i32_0 = arith.constant 0 : i32
    return %arg0, %c0_i32 : i32, i32
  }
  func.func @transform_11(%arg0: i32) -> (i32, i32) {
    %c0_i32 = arith.constant 0 : i32
    %c0_i32_0 = arith.constant 0 : i32
    return %arg0, %c0_i32 : i32, i32
  }
}

module attributes {stable_mosaic.version = 14 : i64} {
  func.func @_fin_body(%arg0: i32, %arg1: memref<1024x128xf32, #tpu.memory_space<vmem>>, %arg2: memref<1x1024x128xf32, #tpu.memory_space<vmem>>, %arg3: memref<1x1024x128xf32, #tpu.memory_space<vmem>>, %arg4: memref<1024x8xf32, #tpu.memory_space<vmem>>, %arg5: memref<128x128xf32, #tpu.memory_space<vmem>>, %arg6: memref<8x128xf32, #tpu.memory_space<vmem>>, %arg7: memref<1x128xf32, #tpu.memory_space<vmem>>, %arg8: memref<1024x8xf32, #tpu.memory_space<vmem>>) attributes {dimension_semantics = [#tpu.dimension_semantics<arbitrary>], iteration_bounds = array<i64: 10>, scalar_prefetch = 0 : i64, scratch_operands = 0 : i64, tpu.core_type = #tpu.core_type<tc>, window_params = [{transform_indices = @transform_0, window_bounds = array<i64: 1024, 128>}, {transform_indices = @transform_1, window_bounds = array<i64: 1, 1024, 128>}, {transform_indices = @transform_2, window_bounds = array<i64: 1, 1024, 128>}, {transform_indices = @transform_3, window_bounds = array<i64: 1024, 8>}, {pipeline_mode = #tpu.pipeline_mode<synchronous>, transform_indices = @transform_4, window_bounds = array<i64: 128, 128>}, {pipeline_mode = #tpu.pipeline_mode<synchronous>, transform_indices = @transform_5, window_bounds = array<i64: 8, 128>}, {pipeline_mode = #tpu.pipeline_mode<synchronous>, transform_indices = @transform_6, window_bounds = array<i64: 1, 128>}, {transform_indices = @transform_7, window_bounds = array<i64: 1024, 8>}]} {
    %get3A = arith.constant 0 : index
    %get3A_0 = arith.constant 0 : index
    %get3A_1 = vector.load %arg1[%get3A, %get3A_0] : memref<1024x128xf32, #tpu.memory_space<vmem>>, vector<1024x128xf32>
    %get3A_2 = arith.constant 0 : index
    %get3A_3 = arith.constant 0 : index
    %get3A_4 = arith.constant 0 : index
    %get3A_5 = vector.load %arg2[%get3A_2, %get3A_3, %get3A_4] : memref<1x1024x128xf32, #tpu.memory_space<vmem>>, vector<1x1024x128xf32>
    %get3A_6 = vector.shape_cast %get3A_5 : vector<1x1024x128xf32> to vector<1024x128xf32>
    %add3A = arith.addf %get3A_1, %get3A_6 : vector<1024x128xf32>
    %get3A_7 = arith.constant 0 : index
    %get3A_8 = arith.constant 0 : index
    %get3A_9 = arith.constant 0 : index
    %get3A_10 = vector.load %arg3[%get3A_7, %get3A_8, %get3A_9] : memref<1x1024x128xf32, #tpu.memory_space<vmem>>, vector<1x1024x128xf32>
    %get3A_11 = vector.shape_cast %get3A_10 : vector<1x1024x128xf32> to vector<1024x128xf32>
    %add3A_12 = arith.addf %add3A, %get3A_11 : vector<1024x128xf32>
    %max3A = arith.constant 0.000000e+00 : f32
    %max3A_13 = vector.broadcast %max3A : f32 to vector<1024x128xf32>
    %max3A_14 = arith.maximumf %add3A_12, %max3A_13 : vector<1024x128xf32>
    %get3A_15 = arith.constant 0 : index
    %get3A_16 = arith.constant 0 : index
    %get3A_17 = vector.load %arg4[%get3A_15, %get3A_16] : memref<1024x8xf32, #tpu.memory_space<vmem>>, vector<1024x8xf32>
    %get3A_18 = arith.constant 0 : index
    %get3A_19 = arith.constant 0 : index
    %get3A_20 = vector.load %arg5[%get3A_18, %get3A_19] : memref<128x128xf32, #tpu.memory_space<vmem>>, vector<128x128xf32>
    %dot_general3A = arith.constant dense<0.000000e+00> : vector<1024x128xf32>
    %dot_general3A_21 = tpu.matmul %max3A_14, %get3A_20, %dot_general3A {dimension_numbers = #tpu.dot_dimension_numbers<[1], [0], [0], [1], [0, 0, 1, 1], [], []>, transpose_lhs_hint = false} : vector<1024x128xf32>, vector<128x128xf32>, vector<1024x128xf32> -> vector<1024x128xf32>
    %get3A_22 = arith.constant 0 : index
    %get3A_23 = arith.constant 0 : index
    %get3A_24 = vector.load %arg6[%get3A_22, %get3A_23] : memref<8x128xf32, #tpu.memory_space<vmem>>, vector<8x128xf32>
    %dot_general3A_25 = arith.constant dense<0.000000e+00> : vector<1024x128xf32>
    %dot_general3A_26 = tpu.matmul %get3A_17, %get3A_24, %dot_general3A_25 {dimension_numbers = #tpu.dot_dimension_numbers<[1], [0], [0], [1], [0, 0, 1, 1], [], []>, transpose_lhs_hint = false} : vector<1024x8xf32>, vector<8x128xf32>, vector<1024x128xf32> -> vector<1024x128xf32>
    %add3A_27 = arith.addf %dot_general3A_21, %dot_general3A_26 : vector<1024x128xf32>
    %get3A_28 = arith.constant 0 : index
    %get3A_29 = arith.constant 0 : index
    %get3A_30 = vector.load %arg7[%get3A_28, %get3A_29] : memref<1x128xf32, #tpu.memory_space<vmem>>, vector<1x128xf32>
    %add3A_31 = vector.broadcast %get3A_30 : vector<1x128xf32> to vector<1024x128xf32>
    %add3A_32 = arith.addf %add3A_27, %add3A_31 : vector<1024x128xf32>
    %slice3A = vector.extract_strided_slice %add3A_32 {offsets = [0, 0], sizes = [1024, 8], strides = [1, 1]} : vector<1024x128xf32> to vector<1024x8xf32>
    %tanh3A = math.tanh %slice3A : vector<1024x8xf32>
    %add3A_33 = arith.addf %get3A_17, %tanh3A : vector<1024x8xf32>
    %swap3A = arith.constant 0 : index
    %swap3A_34 = arith.constant 0 : index
    %swap3A_35 = vector.load %arg8[%swap3A, %swap3A_34] : memref<1024x8xf32, #tpu.memory_space<vmem>>, vector<1024x8xf32>
    tpu.vector_store %arg8[%swap3A, %swap3A_34], %add3A_33 {strides = array<i32>} : memref<1024x8xf32, #tpu.memory_space<vmem>>, vector<1024x8xf32>,
    return
  }
  func.func @transform_0(%arg0: i32) -> (i32, i32) {
    %c0_i32 = arith.constant 0 : i32
    %c0_i32_0 = arith.constant 0 : i32
    return %arg0, %c0_i32 : i32, i32
  }
  func.func @transform_1(%arg0: i32) -> (i32, i32, i32) {
    %c0_i32 = arith.constant 0 : i32
    %c0_i32_0 = arith.constant 0 : i32
    %c0_i32_1 = arith.constant 0 : i32
    return %c0_i32, %arg0, %c0_i32_0 : i32, i32, i32
  }
  func.func @transform_2(%arg0: i32) -> (i32, i32, i32) {
    %c1_i32 = arith.constant 1 : i32
    %c0_i32 = arith.constant 0 : i32
    %c0_i32_0 = arith.constant 0 : i32
    return %c1_i32, %arg0, %c0_i32 : i32, i32, i32
  }
  func.func @transform_3(%arg0: i32) -> (i32, i32) {
    %c0_i32 = arith.constant 0 : i32
    %c0_i32_0 = arith.constant 0 : i32
    return %arg0, %c0_i32 : i32, i32
  }
  func.func @transform_4(%arg0: i32) -> (i32, i32) {
    %c0_i32 = arith.constant 0 : i32
    %c0_i32_0 = arith.constant 0 : i32
    %c0_i32_1 = arith.constant 0 : i32
    return %c0_i32, %c0_i32_0 : i32, i32
  }
  func.func @transform_5(%arg0: i32) -> (i32, i32) {
    %c0_i32 = arith.constant 0 : i32
    %c0_i32_0 = arith.constant 0 : i32
    %c0_i32_1 = arith.constant 0 : i32
    return %c0_i32, %c0_i32_0 : i32, i32
  }
  func.func @transform_6(%arg0: i32) -> (i32, i32) {
    %c0_i32 = arith.constant 0 : i32
    %c0_i32_0 = arith.constant 0 : i32
    %c0_i32_1 = arith.constant 0 : i32
    return %c0_i32, %c0_i32_0 : i32, i32
  }
  func.func @transform_7(%arg0: i32) -> (i32, i32) {
    %c0_i32 = arith.constant 0 : i32
    %c0_i32_0 = arith.constant 0 : i32
    return %arg0, %c0_i32 : i32, i32
  }
}

</mosaic_0001>

<sc_bundles>
// kernel: kernel.12.cloned.1.call-start
scs
__scs_entry_jumppad:
0x0: {  	(pc) =	sbr.rel $0x88, $3  }
0x1: {  	(tag) =	ssettag $0x0;
	lr =	simm.s32 $0x1  }
0x2: {  	[smem:$0x3F8E] =	sst lr;
	_ =	strace $0xD0000000  }
0x3: {  	_ = 	snop  }
0x4: {  	_ = 	snop  }
0x5: {  	_ = 	snop  }
0x6: {  	_ = 	snop  }
0x7: {  	_ = 	snop  }
__scs_overlays_trampoline_lowered:
0x8: {  	[smem:$0x3F9D] =	sst s0  }
0x9: {  	[smem:$0x3F9E] =	sst s1  }
0xa: {  	[smem:$0x3F9F] =	sst s2  }
0xb: {  	[smem:$0x3FA0] =	sst s3  }
0xc: {  	[smem:$0x3FA1] =	sst s4  }
0xd: {  	[smem:$0x3FA2] =	sst s5  }
0xe: {  	[smem:$0x3FA3] =	sst s6  }
0xf: {  	[smem:$0x3FA4] =	sst s7  }
0x10: {  	[smem:$0x3FA5] =	sst s8  }
0x11: {  	[smem:$0x3FA6] =	sst s9;
	s0 =	simm.s32 @!p0 $0x0  }
0x12: {  	s1 =	sld [smem:$0x3F8C];
	s0 =	simm.s32 @p0 $0x1  }
0x13: {  	[smem:$0x3FA7] =	sst s0;
	s0 =	simm.s32 @!p1 $0x0  }
0x14: {  	s2 =	sld [smem:$0x3F8B];
	s0 =	simm.s32 @p1 $0x1  }
0x15: {  	[smem:$0x3FA8] =	sst s0;
	s0 =	simm.s32 @!p2 $0x0  }
0x16: {  	s3 =	sld [smem:$0x3FDB];
	s0 =	simm.s32 @p2 $0x1  }
0x17: {  	s4 =	simm.s32 $0x1BF5;
	[smem:$0x3FAA] =	sst s0  }
0x18: {  	s0 =	sld [smem:$0x3F8D];
	_ =	swait.ge [sflag:s4], $0x0  }
0x19: {  	s7 =	sld [smem:$0x3F8E]  }
0x1a: {  	s8 =	sadd.s32 $0xFFFFE003, lr  }
0x1b: {  	s9 =	sadd.s32 $0xFFFFFEF7, lr;
	s5 =	simm.s32 $0xFFFFFFFF;
	p2 =	slt.u32 s8, $0xFFFFF086  }
0x1c: {  	p1 =	slt.u32 s9, $0xF7A;
	s5 =	simm.s32 @!p2 $0x0  }
0x1d: {  	s5 =	simm.s32 @p1 $0x1;
	p0 =	seq.s32 s7, s2  }
0x1e: {  	s7 =	smul.u32 @!p0 $0xF7A, s2;
	p2 =	seq.s32 @!p0 s5, $0x0  }
0x1f: {  	s9 =	smul.u32 $0xF7A, s1;
	s8 =	simm.s32 @!p0 $0x1BF5;
	p2 =	por !p2, p0  }
0x20: {  	[sflag:s8] =	ssyncset.s32 @!p0 $0xFFFFF086;
	s6 =	sadd.s32 @!p0 s3, s7;
	s7 =	simm.s32 @!p0 $0x108  }
0x21: {  	s3 =	sadd.s32 s3, s9;
	s6 =	sadd.s32 @!p0 $0x88, s6;
	s7 =	simm.s32 @p2 $0x1082  }
0x22: {  	[simem:s7], [sflag:s8] =	dma.local @!p0 [hbm:s6], $0xF7A  }
0x23: {  	s9 =	sor.u32 $0xD0000000, s2;
	s6 =	simm.s32 $0x108;
	_ =	swait.ge @!p0 [sflag:s8], $0x0  }
0x24: {  	s3 =	sadd.s32 $0x88, s3;
	s6 =	simm.s32 @!p1 $0x1082;
	[sflag:s4] =	ssyncset.s32 $0xFFFFF086  }
0x25: {  	[simem:s6], [sflag:s4] =	dma.local [hbm:s3], $0xF7A  }
0x26: {  	[smem:$0x3F8E] =	sst s1;
	(tag) =	ssettag s2;
	_ =	strace s9  }
0x27: {  	s1 =	sld [smem:$0x3F9E]  }
0x28: {  	s2 =	sld [smem:$0x3F9F]  }
0x29: {  	s4 =	sld [smem:$0x3FA1]  }
0x2a: {  	p0 =	seq.s32 s5, $0x0;
	s5 =	sld [smem:$0x3FA2]  }
0x2b: {  	s6 =	sld [smem:$0x3FA3]  }
0x2c: {  	s7 =	sld [smem:$0x3FA4]  }
0x2d: {  	s3 =	simm.s32 $0x108;
	s8 =	sld [smem:$0x3FA5]  }
0x2e: {  	s3 =	simm.s32 @!p0 $0x1082;
	s9 =	sld [smem:$0x3FA6]  }
0x2f: {  	lr =	sadd.s32 s0, s3;
	s0 =	sld [smem:$0x3F9D]  }
0x30: {  	s3 =	sld [smem:$0x3FA0]  }
0x31: {  	[smem:$0x3FA9] =	sst s10  }
0x32: {  	s10 =	sld [smem:$0x3FA7];
	_ =	sdelay $0x3  }
0x33: {  	p0 =	seq.s32 s10, $0x1;
	s10 =	sld [smem:$0x3FA9];
	_ =	sdelay $0x3  }
0x34: {  	[smem:$0x3FA9] =	sst s10  }
0x35: {  	s10 =	sld [smem:$0x3FA8];
	_ =	sdelay $0x3  }
0x36: {  	p1 =	seq.s32 s10, $0x1;
	s10 =	sld [smem:$0x3FA9];
	_ =	sdelay $0x3  }
0x37: {  	[smem:$0x3FA9] =	sst s10  }
0x38: {  	s10 =	sld [smem:$0x3FAA]  }
0x39: {  	_ = 	snop;
	(pc) =	sbr.ind lr, $3  }
0x3a: {  	_ = 	snop  }
0x3b: {  	_ = 	snop  }
0x3c: {  	p2 =	seq.s32 s10, $0x1;
	s10 =	sld [smem:$0x3FA9]  }
0x3d: {  	_ =	shalt  }
0x3e: {  	_ =	shalt  }
0x3f: {  	_ =	shalt  }
0x40: {  	_ =	shalt  }
0x41: {  	_ =	shalt  }
0x42: {  	_ =	shalt  }
0x43: {  	_ =	shalt  }
0x44: {  	_ =	shalt  }
0x45: {  	_ =	shalt  }
0x46: {  	_ =	shalt  }
0x47: {  	_ =	shalt  }
0x48: {  	_ =	shalt  }
0x49: {  	_ =	shalt  }
0x4a: {  	_ =	shalt  }
0x4b: {  	_ =	shalt  }
0x4c: {  	_ =	shalt  }
0x4d: {  	_ =	shalt  }
0x4e: {  	_ =	shalt  }
0x4f: {  	_ =	shalt  }
0x50: {  	_ =	shalt  }
0x51: {  	_ =	shalt  }
0x52: {  	_ =	shalt  }
0x53: {  	_ =	shalt  }
0x54: {  	_ =	shalt  }
0x55: {  	_ =	shalt  }
0x56: {  	_ =	shalt  }
0x57: {  	_ =	shalt  }
0x58: {  	_ =	shalt  }
0x59: {  	_ =	shalt  }
0x5a: {  	_ =	shalt  }
0x5b: {  	_ =	shalt  }
0x5c: {  	_ =	shalt  }
0x5d: {  	_ =	shalt  }
0x5e: {  	_ =	shalt  }
0x5f: {  	_ =	shalt  }
0x60: {  	_ =	shalt  }
0x61: {  	_ =	shalt  }
0x62: {  	_ =	shalt  }
0x63: {  	_ =	shalt  }
0x64: {  	_ =	shalt  }
0x65: {  	_ =	shalt  }
0x66: {  	_ =	shalt  }
0x67: {  	_ =	shalt  }
0x68: {  	_ =	shalt  }
0x69: {  	_ =	shalt  }
0x6a: {  	_ =	shalt  }
0x6b: {  	_ =	shalt  }
0x6c: {  	_ =	shalt  }
0x6d: {  	_ =	shalt  }
0x6e: {  	_ =	shalt  }
0x6f: {  	_ =	shalt  }
0x70: {  	_ =	shalt  }
0x71: {  	_ =	shalt  }
0x72: {  	_ =	shalt  }
0x73: {  	_ =	shalt  }
0x74: {  	_ =	shalt  }
0x75: {  	_ =	shalt  }
0x76: {  	_ =	shalt  }
0x77: {  	_ =	shalt  }
0x78: {  	_ =	shalt  }
0x79: {  	_ =	shalt  }
0x7a: {  	_ =	shalt  }
0x7b: {  	_ =	shalt  }
0x7c: {  	_ =	shalt  }
0x7d: {  	_ =	shalt  }
0x7e: {  	_ =	shalt  }
0x7f: {  	_ =	shalt  }
0x80: {  	_ =	shalt  }
0x81: {  	_ =	shalt  }
0x82: {  	_ =	shalt  }
0x83: {  	_ =	shalt  }
0x84: {  	_ =	shalt  }
0x85: {  	_ =	shalt  }
0x86: {  	_ =	shalt  }
0x87: {  	_ =	shalt  }
.Lfunc_end0:
.L_simem_size_0:
called_computation.1_lowered:
.L_overlay_start_0:
0x88: {  	s2 =	sld [smem:$0x3FD9]  }
0x89: {  	s3 =	sld [smem:$0x3FFE];
	_ =	sdelay $0x1  }
0x8a: {  	s1 =	srdreg.scid  }
0x8b: {  	s0 =	sand.u32 $0x1, s1  }
0x8c: {  	s16 =	sshll.u32 s0, $0xA;
	s2 =	sadd.s32 s3, s2  }
0x8d: {  	s2 =	sadd.s32 s2, s16  }
0x8e: {  	[smem:$0x3FB5] =	sst s2  }
0x8f: {  	_ = 	snop  }
0x90: {  	(tm) =	ssettm $0x1  }
0x91: {  	s17 =	sld [smem:$0x3FFB];
	_ =	sdelay $0x3  }
0x92: {  	_ =	strace s17  }
0x93: {  	s2 =	sld [smem:$0x3FFC];
	_ =	sdelay $0x3  }
0x94: {  	_ =	strace s2  }
0x95: {  	s2 =	sld [smem:$0x3FFD];
	_ =	sdelay $0x3  }
0x96: {  	_ =	strace s2  }
0x97: {  	_ =	strace $0x8FFFFFFF  }
0x98: {  	s18 =	sld [smem:$0x3FDB];
	_ =	sdelay $0x1  }
0x99: {  	s19 =	simm.s32 $_scs_section_size  }
0x9a: {  	s4 =	simm.s32 $_size__tile_overlayer_lowered;
	s5 =	simm.s32 $_tile_overlayer_lowered  }
0x9b: {  	s22 =	simm.s32 $0x1BFF;
	s21 =	sshll.u32 s5, $0x1;
	s2 =	sadd.s32 s19, s18  }
0x9c: {  	s6 =	simm.s32 $0x0;
	s20 =	sshll.u32 s4, $0x1;
	s4 =	sadd.s32 s21, s2  }
0x9d: {  	[timem:s6], [sflag:s22] =	dma.local [hbm:s4], s20  }
0x9e: {  	_ =	swait.ge [sflag:s22], s20  }
0x9f: {  	s3 =	ssub.s32 $0x0, s20;
	[sflag:s22] =	ssyncset.done $0x0  }
0xa0: {  	[sflag:s22] =	ssyncadd.s32 s3;
	_ =	sdelay $0x1  }
0xa1: {  	s23 =	simm.s32 $0x1B8B  }
0xa2: {  	_ =	swait.ge [sflag:s23], $0x1  }
0xa3: {  	[sflag:s23] =	ssyncset.done $0x0  }
0xa4: {  	s25 =	simm.s32 $0x1B8E;
	s24 =	sld [smem:$0x3FFE];
	[sflag:s23] =	ssyncadd.s32 $0xFFFFFFFF  }
0xa5: {  	s26 =	simm.s32 $execute0_lowered;
	[smem:$0x3FD2] =	sst s25  }
0xa6: {  	s4 =	sshll.u32 s26, $0x1;
	_ =	strace $0x80000049;
	[dreg:$0x1] =	wrdreg $0xFFFFFFFF  }
0xa7: {  	s28 =	simm.s32 $_size_execute0_lowered;
	s2 =	sadd.s32 s2, s4;
	[dreg:$0x0] =	wrdreg $0x0  }
0xa8: {  	s4 =	sshll.u32 s28, $0x1;
	[dreg:$0x2] =	wrdreg s2  }
0xa9: {  	[dreg:$0x3] =	wrdreg s4  }
0xaa: {  	[dreg:$0x4] =	wrdreg $0xC0  }
0xab: {  	_ =	task [dreg:s6], $0x5FFFF  }
0xac: {  	[dreg:$0x1] =	wrdreg $0xFFFFFFFF  }
0xad: {  	[dreg:$0x0] =	wrdreg $0x60  }
0xae: {  	[dreg:$0x2] =	wrdreg s24  }
0xaf: {  	[dreg:$0x3] =	wrdreg $0x0  }
0xb0: {  	[dreg:$0x4] =	wrdreg $0x9  }
0xb1: {  	_ =	task.clear_ibuf [dreg:s6], $0x5FFFF;
	_ =	strace $0x90000049  }
0xb2: {  	s29 =	simm.s32 $0x9;
	_ =	strace $0x8000004B  }
0xb3: {  	_ =	swait.ge [sflag:s29], $0x1  }
0xb4: {  	[sflag:s29] =	ssyncadd.s32 $0xFFFFFFFF  }
0xb5: {  	_ =	strace $0x9000004B  }
0xb6: {  	_ =	sfence  }
0xb7: {  	s30 =	sld [smem:$0x0];
	_ =	sdelay $0x2  }
0xb8: {  	s31 =	sshll.u32 s1, $0xD;
	s1 =	sshrl.u32 s1, $0x2  }
0xb9: {  	s3 =	sand.u32 $0x4000, s31;
	s1 =	sadd.s32 s1, s30  }
0xba: {  	s0 =	sor.u32 s3, s0;
	s1 =	sshll.u32 s1, $0x11  }
0xbb: {  	s0 =	sor.u32 s1, s0  }
0xbc: {  	s0 =	sadd.s32 $0x8F2B, s0  }
0xbd: {  	[sflag:s0] =	ssyncadd.remote.s32 $0x1  }
0xbe: {  	_ =	sfence.sel $0xFFFF  }
0xbf: {  	[dreg:$0x0] =	wrdreg $0xFFFFFFFF;
	(pc) =	sbr.abs _section_cstart, $3  }
0xc0: {  	[dreg:$0x1] =	wrdreg $0xFFFFFFFF  }
0xc1: {  	_ =	task.clear_ibuf [dreg:s6], $0x2FFFF;
	_ =	strace $0x9FFFFFFF  }
0xc2: {  	(tm) =	ssettm $0x7FFFFFFF  }
0xc3: {  	_ =	shalt  }
tec
execute0_lowered:
.L_overlay_start_1:
0x0: {  	(tag) =	ssettag $0x1  }
0x1: {  	s0 =	rddreg [dreg:$0x0]  }
0x2: {  	s1 =	rddreg [dreg:$0x1];
	s2 =	srdreg.scid;
	s4 =	simm.s32 $0x0  }
0x3: {  	s10 =	stileid.u32;
	s14 =	simm.s32 $0x5;
	s16 =	simm.s32 $0x14800  }
0x4: {  	s17 =	simm.s32 $0x80;
	s18 =	simm.s32 $0x15000;
	s13 =	simm.s32 $0x14900  }
0x5: {  	s19 =	simm.s32 $0x14980;
	s28 =	simm.s32 $0x14E00;
	s29 =	simm.s32 $0x14B00  }
0x6: {  	s30 =	simm.s32 $0x14E80;
	s31 =	simm.s32 $0x14B80;
	s15 =	simm.s32 $0x0  }
0x7: {  	s2 =	sand.u32 $0x1, s2;
	[smem:$0x7FF] =	sst s4;
	s5 =	smul.u32 $0x14000, s10  }
0x8: {  	s4 =	sadd.s32 $0x2CC00, s0;
	s6 =	sadd.s32 $0x4C00, s0;
	s8 =	smul.u32 $0x50000, s10  }
0x9: {  	s7 =	sadd.s32 $0x54C00, s0;
	s24 =	smul.u32 $0xA000, s10;
	s25 =	sshll.u32 s10, $0x6  }
0xa: {  	s3 =	smul.u32 $0x140000, s2;
	_ =	strace $0x8000004A;
	[dreg:$0x3] =	wrdreg s7  }
0xb: {  	s20 =	sshll.u32 s2, $0x4;
	s21 =	ssub.s32 $0x2, s2;
	s2 =	smul.u32 $0xA0000, s2  }
0xc: {  	s9 =	sshrl.u32 s21, $0x1;
	s23 =	sshrl.u32 s8, $0x2;
	s3 =	sadd.s32 s5, s3  }
0xd: {  	s5 =	sor.u32 s10, s20;
	s22 =	ssub.s32 s21, s9;
	s7 =	sadd.s32 s23, s1  }
0xe: {  	s10 =	sor.u32 $0x1C05, s25;
	s2 =	sadd.s32 s24, s2;
	s20 =	simm.s32 $0x19000  }
0xf: {  	s21 =	simm.s32 $0x1;
	s24 =	simm.s32 $0x2;
	s9 =	simm.s32 $0x4  }
0x10: {  	s23 =	simm.s32 $0x14A00;
	s25 =	simm.s32 $0x14D80;
	s3 =	sshrl.u32 s3, $0x3  }
0x11: {  	s5 =	smul.u32 $0xA000, s5;
	s26 =	sor.u32 $0x1800, s2;
	s2 =	sor.u32 $0x1000, s2  }
0x12: {  	[dreg:$0x5] =	wrdreg s10;
	s0 =	sadd.s32 s3, s0;
	s3 =	smax.u32 s22, $0x1  }
0x13: {  	s2 =	sshrl.u32 s2, $0x3;
	s22 =	simm.s32 $0x14D00;
	s5 =	sshrl.u32 s5, $0x3  }
0x14: {  	s0 =	sadd.s32 $0x57400, s0;
	[dreg:$0x8] =	wrdreg s3;
	s12 =	sadd.s32 s2, s6  }
.Ltmp0:
0x15: {  	s3 =	simm.s32 $0x14C80;
	s5 =	sadd.s32 s6, s5;
	(pc) =	sbr.rel .LBB2_1-.Ltmp0, $4  }
0x16: {  	[dreg:$0x7] =	wrdreg s0;
	s0 =	sshrl.u32 s26, $0x3;
	s26 =	simm.s32 $0x14A80  }
0x17: {  	[dreg:$0x4] =	wrdreg s5;
	s5 =	sadd.s32 $0x100, s5;
	s11 =	sadd.s32 s0, s6  }
0x18: {  	s0 =	simm.s32 $0x14F80;
	[dreg:$0x6] =	wrdreg s5;
	s5 =	sshrl.u32 s7, $0x3  }
0x19: {  	s6 =	simm.s32 $0x0;
	s7 =	simm.s32 $0x14C00;
	[dreg:$0x9] =	wrdreg s5  }
.LBB2_4:
0x1a: {  	[bflag:$0x0] =	sbarrier.arrive $0xFFFF  }
0x1b: {  	s10 =	rddreg [dreg:$0x5]  }
0x1c: {  	s2 =	rddreg [dreg:$0x7]  }
0x1d: {  	s5 =	rddreg [dreg:$0x9]  }
0x1e: {  	[hbm:s2], [sflag:s10] =	dma.local [spmem:s5], $0x2800  }
0x1f: {  	_ =	swait.ge [sflag:s14], $0x2800  }
0x20: {  	s6 =	rddreg [dreg:$0xa]  }
0x21: {  	s8 =	rddreg [dreg:$0x8];
	s6 =	sadd.s32 $0x1, s6  }
0x22: {  	p0 =	sne.s32 s6, s8  }
.Ltmp1:
0x23: {  	_ = 	snop;
	(pc) =	sbr.rel @!p0 .LBB2_5-.Ltmp1, $3  }
0x24: {  	_ =	sdelay $0x1  }
0x25: {  	[sflag:s14] =	ssyncset.done $0x0  }
0x26: {  	[sflag:s14] =	ssyncadd.s32 $0xFFFFD800  }
.LBB2_1:
0x27: {  	[dreg:$0xa] =	wrdreg s6  }
0x28: {  	s2 =	rddreg [dreg:$0x3]  }
0x29: {  	[spmem:s5], [sflag:s10] =	dma.local [hbm:s2], $0x2800  }
0x2a: {  	_ =	swait.ge [sflag:s14], $0x2800  }
0x2b: {  	[sflag:s14] =	ssyncset.done $0x0  }
0x2c: {  	[sflag:s14] =	ssyncadd.s32 $0xFFFFD800  }
0x2d: {  	[bflag:$0x0] =	sbarrier.arrive $0xFFFF  }
0x2e: {  	s6 =	simm.s32 $0x0;
	s10 =	simm.s32 $0x14000;
	s8 =	rddreg [dreg:$0x4]  }
0x2f: {  	[tilespmem:s10], [sflag:$0x5] =	stream.linear.gather [hbm4b:s8+s6], $0x800, $0x38;
	[tilespmem:$0x1D000] =	vst v63  }
0x30: {  	_ =	swait.ge [sflag:s14], $0x800  }
0x31: {  	[sflag:s14] =	ssyncset.done $0x0  }
0x32: {  	s8 =	rddreg [dreg:$0x6];
	[sflag:s14] =	ssyncadd.s32 $0xFFFFF800  }
0x33: {  	[tilespmem:s16], [sflag:$0x4] =	stream.linear.gather [hbm4b:s8+s6], $0x800, $0x38;
	[tilespmem:$0x1D000] =	vst v63  }
0x34: {  	_ = 	snop  }
0x35: {  	[tilespmem:s18], [sflag:$0x1] =	stream.indirect.gather [hbm4b:s4+s17], $0x80, s10, s17, $0xb8;
	[tilespmem:$0x1D000] =	vst v63  }
0x36: {  	s2 =	simm.s32 $0x0;
	s10 =	simm.s32 $0x14080  }
0x37: {  	[tilespmem:s20], [sflag:$0x2] =	stream.indirect.gather [hbm4b:s4+s17], $0x80, s10, s17, $0xb8;
	[tilespmem:$0x1D000] =	vst v63  }
.LBB2_2:
0x38: {  	_ =	swait.ge [sflag:s21], $0x4000  }
0x39: {  	[sflag:s21] =	ssyncset.done $0x0  }
0x3a: {  	s5 =	simm.s32 $0x14400;
	[sflag:s21] =	ssyncadd.s32 $0xFFFFC000  }
0x3b: {  	[spmem:s1] =	stream.indirect.scatter.add.f32 [tilespmem:s18], [sflag:$0x5], $0x80, s5, s17, $0xb8;
	[tilespmem:$0x1D000] =	vst v63  }
0x3c: {  	_ =	swait.ge [sflag:s14], $0x4000  }
0x3d: {  	[sflag:s14] =	ssyncset.done $0x0  }
0x3e: {  	s8 =	simm.s32 $0x14100;
	[sflag:s14] =	ssyncadd.s32 $0xFFFFC000  }
0x3f: {  	[tilespmem:s18], [sflag:$0x1] =	stream.indirect.gather [hbm4b:s4+s17], $0x80, s8, s17, $0xb8;
	[tilespmem:$0x1D000] =	vst v63  }
0x40: {  	_ =	swait.ge [sflag:s24], $0x4000  }
0x41: {  	[sflag:s24] =	ssyncset.done $0x0  }
0x42: {  	s10 =	simm.s32 $0x14480;
	[sflag:s24] =	ssyncadd.s32 $0xFFFFC000  }
0x43: {  	[spmem:s1] =	stream.indirect.scatter.add.f32 [tilespmem:s20], [sflag:$0x5], $0x80, s10, s17, $0xb8;
	[tilespmem:$0x1D000] =	vst v63  }
0x44: {  	_ =	swait.ge [sflag:s14], $0x4000  }
0x45: {  	[sflag:s14] =	ssyncset.done $0x0  }
0x46: {  	s6 =	simm.s32 $0x14180;
	[sflag:s14] =	ssyncadd.s32 $0xFFFFC000  }
0x47: {  	[tilespmem:s20], [sflag:$0x2] =	stream.indirect.gather [hbm4b:s4+s17], $0x80, s6, s17, $0xb8;
	[tilespmem:$0x1D000] =	vst v63  }
0x48: {  	_ =	swait.ge [sflag:s21], $0x4000  }
0x49: {  	[sflag:s21] =	ssyncset.done $0x0  }
0x4a: {  	s8 =	simm.s32 $0x14500;
	[sflag:s21] =	ssyncadd.s32 $0xFFFFC000  }
0x4b: {  	[spmem:s1] =	stream.indirect.scatter.add.f32 [tilespmem:s18], [sflag:$0x5], $0x80, s8, s17, $0xb8;
	[tilespmem:$0x1D000] =	vst v63  }
0x4c: {  	_ =	swait.ge [sflag:s14], $0x4000  }
0x4d: {  	[sflag:s14] =	ssyncset.done $0x0  }
0x4e: {  	s10 =	simm.s32 $0x14200;
	[sflag:s14] =	ssyncadd.s32 $0xFFFFC000  }
0x4f: {  	[tilespmem:s18], [sflag:$0x1] =	stream.indirect.gather [hbm4b:s4+s17], $0x80, s10, s17, $0xb8;
	[tilespmem:$0x1D000] =	vst v63  }
0x50: {  	_ =	swait.ge [sflag:s24], $0x4000  }
0x51: {  	[sflag:s24] =	ssyncset.done $0x0  }
0x52: {  	s6 =	simm.s32 $0x14580;
	[sflag:s24] =	ssyncadd.s32 $0xFFFFC000  }
0x53: {  	[spmem:s1] =	stream.indirect.scatter.add.f32 [tilespmem:s20], [sflag:$0x5], $0x80, s6, s17, $0xb8;
	[tilespmem:$0x1D000] =	vst v63  }
0x54: {  	_ =	swait.ge [sflag:s14], $0x4000  }
0x55: {  	[sflag:s14] =	ssyncset.done $0x0  }
0x56: {  	s8 =	simm.s32 $0x14280;
	[sflag:s14] =	ssyncadd.s32 $0xFFFFC000  }
0x57: {  	[tilespmem:s20], [sflag:$0x2] =	stream.indirect.gather [hbm4b:s4+s17], $0x80, s8, s17, $0xb8;
	[tilespmem:$0x1D000] =	vst v63  }
0x58: {  	_ =	swait.ge [sflag:s21], $0x4000  }
0x59: {  	[sflag:s21] =	ssyncset.done $0x0  }
0x5a: {  	s10 =	simm.s32 $0x14600;
	[sflag:s21] =	ssyncadd.s32 $0xFFFFC000  }
0x5b: {  	[spmem:s1] =	stream.indirect.scatter.add.f32 [tilespmem:s18], [sflag:$0x5], $0x80, s10, s17, $0xb8;
	[tilespmem:$0x1D000] =	vst v63  }
0x5c: {  	_ =	swait.ge [sflag:s14], $0x4000  }
0x5d: {  	[sflag:s14] =	ssyncset.done $0x0  }
0x5e: {  	s6 =	simm.s32 $0x14300;
	[sflag:s14] =	ssyncadd.s32 $0xFFFFC000  }
0x5f: {  	[tilespmem:s18], [sflag:$0x1] =	stream.indirect.gather [hbm4b:s4+s17], $0x80, s6, s17, $0xb8;
	[tilespmem:$0x1D000] =	vst v63  }
0x60: {  	_ =	swait.ge [sflag:s24], $0x4000  }
0x61: {  	[sflag:s24] =	ssyncset.done $0x0  }
0x62: {  	s8 =	simm.s32 $0x14680;
	[sflag:s24] =	ssyncadd.s32 $0xFFFFC000  }
0x63: {  	[spmem:s1] =	stream.indirect.scatter.add.f32 [tilespmem:s20], [sflag:$0x5], $0x80, s8, s17, $0xb8;
	[tilespmem:$0x1D000] =	vst v63  }
0x64: {  	_ =	swait.ge [sflag:s14], $0x4000  }
0x65: {  	[sflag:s14] =	ssyncset.done $0x0  }
0x66: {  	s10 =	simm.s32 $0x14380;
	[sflag:s14] =	ssyncadd.s32 $0xFFFFC000  }
0x67: {  	[tilespmem:s20], [sflag:$0x2] =	stream.indirect.gather [hbm4b:s4+s17], $0x80, s10, s17, $0xb8;
	[tilespmem:$0x1D000] =	vst v63  }
0x68: {  	_ =	swait.ge [sflag:s9], $0x800  }
0x69: {  	[sflag:s9] =	ssyncset.done $0x0  }
0x6a: {  	[sflag:s9] =	ssyncadd.s32 $0xFFFFF800  }
0x6b: {  	_ =	swait.ge [sflag:s21], $0x4000  }
0x6c: {  	[sflag:s21] =	ssyncset.done $0x0  }
0x6d: {  	s6 =	simm.s32 $0x14700;
	[sflag:s21] =	ssyncadd.s32 $0xFFFFC000  }
0x6e: {  	[spmem:s1] =	stream.indirect.scatter.add.f32 [tilespmem:s18], [sflag:$0x5], $0x80, s6, s17, $0xb8;
	[tilespmem:$0x1D000] =	vst v63  }
0x6f: {  	_ =	swait.ge [sflag:s14], $0x4000  }
0x70: {  	[sflag:s14] =	ssyncset.done $0x0  }
0x71: {  	[sflag:s14] =	ssyncadd.s32 $0xFFFFC000  }
0x72: {  	[tilespmem:s18], [sflag:$0x1] =	stream.indirect.gather [hbm4b:s4+s17], $0x80, s16, s17, $0xb8;
	[tilespmem:$0x1D000] =	vst v63  }
0x73: {  	_ =	swait.ge [sflag:s24], $0x4000  }
0x74: {  	[sflag:s24] =	ssyncset.done $0x0  }
0x75: {  	s8 =	simm.s32 $0x14780;
	[sflag:s24] =	ssyncadd.s32 $0xFFFFC000  }
0x76: {  	[spmem:s1] =	stream.indirect.scatter.add.f32 [tilespmem:s20], [sflag:$0x5], $0x80, s8, s17, $0xb8;
	[tilespmem:$0x1D000] =	vst v63  }
0x77: {  	_ =	swait.ge [sflag:s14], $0x4000  }
0x78: {  	[sflag:s14] =	ssyncset.done $0x0  }
0x79: {  	p0 =	seq.s32 s2, $0x1200;
	s10 =	simm.s32 $0x14880;
	[sflag:s14] =	ssyncadd.s32 $0xFFFFC000  }
0x7a: {  	[tilespmem:s20], [sflag:$0x2] =	stream.indirect.gather [hbm4b:s4+s17], $0x80, s10, s17, $0xb8;
	[tilespmem:$0x1D000] =	vst v63  }
0x7b: {  	s5 =	simm.s32 @!p0 $0x14000;
	s8 =	sadd.s32 @!p0 s2, s12;
	s10 =	simm.s32 @!p0 $0x0  }
0x7c: {  	[tilespmem:s5], [sflag:$0x3] =	stream.linear.gather @!p0 [hbm4b:s8+s10], $0x800, $0x38;
	[tilespmem:$0x1D000] =	vst v63  }
0x7d: {  	_ =	swait.ge [sflag:s21], $0x4000  }
0x7e: {  	[sflag:s21] =	ssyncset.done $0x0  }
0x7f: {  	[sflag:s21] =	ssyncadd.s32 $0xFFFFC000  }
0x80: {  	[spmem:s1] =	stream.indirect.scatter.add.f32 [tilespmem:s18], [sflag:$0x5], $0x80, s7, s17, $0xb8;
	[tilespmem:$0x1D000] =	vst v63  }
0x81: {  	_ =	swait.ge [sflag:s14], $0x4000  }
0x82: {  	[sflag:s14] =	ssyncset.done $0x0  }
0x83: {  	[sflag:s14] =	ssyncadd.s32 $0xFFFFC000  }
0x84: {  	[tilespmem:s18], [sflag:$0x1] =	stream.indirect.gather [hbm4b:s4+s17], $0x80, s13, s17, $0xb8;
	[tilespmem:$0x1D000] =	vst v63  }
0x85: {  	_ =	swait.ge [sflag:s24], $0x4000  }
0x86: {  	[sflag:s24] =	ssyncset.done $0x0  }
0x87: {  	[sflag:s24] =	ssyncadd.s32 $0xFFFFC000  }
0x88: {  	[spmem:s1] =	stream.indirect.scatter.add.f32 [tilespmem:s20], [sflag:$0x5], $0x80, s3, s17, $0xb8;
	[tilespmem:$0x1D000] =	vst v63  }
0x89: {  	_ =	swait.ge [sflag:s14], $0x4000  }
0x8a: {  	[sflag:s14] =	ssyncset.done $0x0  }
0x8b: {  	[sflag:s14] =	ssyncadd.s32 $0xFFFFC000  }
0x8c: {  	[tilespmem:s20], [sflag:$0x2] =	stream.indirect.gather [hbm4b:s4+s17], $0x80, s19, s17, $0xb8;
	[tilespmem:$0x1D000] =	vst v63  }
0x8d: {  	_ =	swait.ge [sflag:s21], $0x4000  }
0x8e: {  	[sflag:s21] =	ssyncset.done $0x0  }
0x8f: {  	[sflag:s21] =	ssyncadd.s32 $0xFFFFC000  }
0x90: {  	[spmem:s1] =	stream.indirect.scatter.add.f32 [tilespmem:s18], [sflag:$0x5], $0x80, s22, s17, $0xb8;
	[tilespmem:$0x1D000] =	vst v63  }
0x91: {  	_ =	swait.ge [sflag:s14], $0x4000  }
0x92: {  	[sflag:s14] =	ssyncset.done $0x0  }
0x93: {  	[sflag:s14] =	ssyncadd.s32 $0xFFFFC000  }
0x94: {  	[tilespmem:s18], [sflag:$0x1] =	stream.indirect.gather [hbm4b:s4+s17], $0x80, s23, s17, $0xb8;
	[tilespmem:$0x1D000] =	vst v63  }
0x95: {  	_ =	swait.ge [sflag:s24], $0x4000  }
0x96: {  	[sflag:s24] =	ssyncset.done $0x0  }
0x97: {  	[sflag:s24] =	ssyncadd.s32 $0xFFFFC000  }
0x98: {  	[spmem:s1] =	stream.indirect.scatter.add.f32 [tilespmem:s20], [sflag:$0x5], $0x80, s25, s17, $0xb8;
	[tilespmem:$0x1D000] =	vst v63  }
0x99: {  	_ =	swait.ge [sflag:s14], $0x4000  }
0x9a: {  	[sflag:s14] =	ssyncset.done $0x0  }
0x9b: {  	[sflag:s14] =	ssyncadd.s32 $0xFFFFC000  }
0x9c: {  	[tilespmem:s20], [sflag:$0x2] =	stream.indirect.gather [hbm4b:s4+s17], $0x80, s26, s17, $0xb8;
	[tilespmem:$0x1D000] =	vst v63  }
0x9d: {  	_ =	swait.ge [sflag:s21], $0x4000  }
0x9e: {  	[sflag:s21] =	ssyncset.done $0x0  }
0x9f: {  	[sflag:s21] =	ssyncadd.s32 $0xFFFFC000  }
0xa0: {  	[spmem:s1] =	stream.indirect.scatter.add.f32 [tilespmem:s18], [sflag:$0x5], $0x80, s28, s17, $0xb8;
	[tilespmem:$0x1D000] =	vst v63  }
0xa1: {  	_ =	swait.ge [sflag:s14], $0x4000  }
0xa2: {  	[sflag:s14] =	ssyncset.done $0x0  }
0xa3: {  	[sflag:s14] =	ssyncadd.s32 $0xFFFFC000  }
0xa4: {  	[tilespmem:s18], [sflag:$0x1] =	stream.indirect.gather [hbm4b:s4+s17], $0x80, s29, s17, $0xb8;
	[tilespmem:$0x1D000] =	vst v63  }
0xa5: {  	_ =	swait.ge [sflag:s24], $0x4000  }
0xa6: {  	[sflag:s24] =	ssyncset.done $0x0  }
0xa7: {  	[sflag:s24] =	ssyncadd.s32 $0xFFFFC000  }
0xa8: {  	[spmem:s1] =	stream.indirect.scatter.add.f32 [tilespmem:s20], [sflag:$0x5], $0x80, s30, s17, $0xb8;
	[tilespmem:$0x1D000] =	vst v63  }
0xa9: {  	_ =	swait.ge [sflag:s14], $0x4000  }
0xaa: {  	[sflag:s14] =	ssyncset.done $0x0  }
0xab: {  	s8 =	simm.s32 @p0 $0x1;
	[sflag:s14] =	ssyncadd.s32 $0xFFFFC000  }
0xac: {  	[tilespmem:s20], [sflag:$0x2] =	stream.indirect.gather [hbm4b:s4+s17], $0x80, s31, s17, $0xb8;
	[tilespmem:$0x1D000] =	vst v63  }
0xad: {  	_ =	swait.ge @p0 [sflag:s8], $0x4000  }
0xae: {  	s6 =	simm.s32 @p0 $0x15000;
	[sflag:s8] =	ssyncset.done @p0 $0x0  }
0xaf: {  	s10 =	simm.s32 @p0 $0x14F00;
	[sflag:s8] =	ssyncadd.s32 @p0 $0xFFFFC000;
	s8 =	simm.s32 @p0 $0x80  }
0xb0: {  	[spmem:s1] =	stream.indirect.scatter.add.f32 @p0 [tilespmem:s6], [sflag:$0x5], $0x80, s10, s8, $0xb8;
	[tilespmem:$0x1D000] =	vst v63  }
0xb1: {  	s6 =	simm.s32 @p0 $0x5  }
0xb2: {  	_ =	swait.ge @p0 [sflag:s6], $0x4000  }
0xb3: {  	[sflag:s6] =	ssyncset.done @p0 $0x0  }
0xb4: {  	[sflag:s6] =	ssyncadd.s32 @p0 $0xFFFFC000;
	s6 =	simm.s32 @!p0 $0x3  }
0xb5: {  	_ =	swait.ge @!p0 [sflag:s6], $0x800  }
0xb6: {  	[sflag:s6] =	ssyncset.done @!p0 $0x0  }
0xb7: {  	[sflag:s6] =	ssyncadd.s32 @!p0 $0xFFFFF800;
	s6 =	simm.s32 @!p0 $0x1  }
0xb8: {  	_ =	swait.ge @!p0 [sflag:s6], $0x4000  }
0xb9: {  	s8 =	simm.s32 @!p0 $0x14F00;
	[sflag:s6] =	ssyncset.done @!p0 $0x0  }
0xba: {  	s10 =	simm.s32 @!p0 $0x15000;
	[sflag:s6] =	ssyncadd.s32 @!p0 $0xFFFFC000;
	s6 =	simm.s32 @!p0 $0x80  }
0xbb: {  	[spmem:s1] =	stream.indirect.scatter.add.f32 @!p0 [tilespmem:s10], [sflag:$0x5], $0x80, s8, s6, $0xb8;
	[tilespmem:$0x1D000] =	vst v63  }
0xbc: {  	s8 =	simm.s32 @!p0 $0x5  }
0xbd: {  	_ =	swait.ge @!p0 [sflag:s8], $0x4000  }
0xbe: {  	[sflag:s8] =	ssyncset.done @!p0 $0x0  }
0xbf: {  	[sflag:s8] =	ssyncadd.s32 @!p0 $0xFFFFC000  }
0xc0: {  	[tilespmem:s10], [sflag:$0x1] =	stream.indirect.gather @!p0 [hbm4b:s4+s6], $0x80, s5, s6, $0xb8;
	[tilespmem:$0x1D000] =	vst v63  }
0xc1: {  	_ =	swait.ge [sflag:s24], $0x4000  }
0xc2: {  	[sflag:s24] =	ssyncset.done $0x0  }
.Ltmp2:
0xc3: {  	[sflag:s24] =	ssyncadd.s32 $0xFFFFC000;
	(pc) =	sbr.rel @p0 .LBB2_4-.Ltmp2, $4  }
0xc4: {  	[spmem:s1] =	stream.indirect.scatter.add.f32 [tilespmem:s20], [sflag:$0x5], $0x80, s0, s17, $0xb8;
	[tilespmem:$0x1D000] =	vst v63  }
0xc5: {  	_ =	swait.ge [sflag:s14], $0x4000  }
0xc6: {  	[sflag:s14] =	ssyncset.done $0x0  }
0xc7: {  	[sflag:s14] =	ssyncadd.s32 $0xFFFFC000  }
.Ltmp3:
0xc8: {  	(pc) =	sbr.rel .LBB2_2-.Ltmp3, $4  }
0xc9: {  	s5 =	simm.s32 $0x14080  }
0xca: {  	[tilespmem:s20], [sflag:$0x2] =	stream.indirect.gather [hbm4b:s4+s17], $0x80, s5, s17, $0xb8;
	[tilespmem:$0x1D000] =	vst v63  }
0xcb: {  	s10 =	sadd.s32 s2, s11;
	s2 =	sadd.s32 $0x200, s2  }
0xcc: {  	[tilespmem:s16], [sflag:$0x4] =	stream.linear.gather [hbm4b:s10+s15], $0x800, $0x38;
	[tilespmem:$0x1D000] =	vst v63  }
.LBB2_5:
0xcd: {  	_ =	sfence.sel $0x180000  }
0xce: {  	[bflag:$0x0] =	sbarrier.arrive $0xFFFF  }
0xcf: {  	_ =	strace $0x9000004A  }
0xd0: {  	s0 =	stileid.u32;
	[bflag:$0x2] =	sbarrier.arrive $0xFFFF  }
0xd1: {  	p0 =	sne.s32 s0, $0x0;
	s0 =	rddreg [dreg:$0x2]  }
0xd2: {  	s0 =	sadd.s32 @!p0 $0x100000, s0  }
0xd3: {  	[sflag:s0] =	ssyncadd.tile.s32 @!p0 $0x1;
	_ =	shalt  }
.Lfunc_end2:
_tile_overlayer_lowered:
.L_overlay_start_2:
0xd4: {  	(tag) =	ssettag $0x2  }
0xd5: {  	s0 =	rddreg [dreg:$0x0];
	s2 =	stileid.u32  }
0xd6: {  	s1 =	rddreg [dreg:$0x1];
	p0 =	sne.s32 s2, $0x0  }
0xd7: {  	s3 =	rddreg [dreg:$0x2];
	[bflag:$0x3] =	sbarrier.arrive $0xFFFF;
	s2 =	simm.s32 @!p0 $0x1C05  }
0xd8: {  	[timem:s3], [sflag:s2] =	dma.local @!p0 [hbm:s0], s1  }
0xd9: {  	s0 =	simm.s32 @!p0 $0x5  }
0xda: {  	_ =	swait.ge @!p0 [sflag:s0], s1  }
0xdb: {  	s1 =	ssub.s32 @!p0 $0x0, s1;
	[sflag:s0] =	ssyncset.done @!p0 $0x0  }
0xdc: {  	[sflag:s0] =	ssyncadd.s32 @!p0 s1  }
0xdd: {  	[bflag:$0x3] =	sbarrier.arrive $0xFFFF  }
0xde: {  	_ =	shalt  }

// kernel: kernel.15.cloned.1.call-start
scs
__scs_entry_jumppad:
0x0: {  	(pc) =	sbr.rel $0x88, $3  }
0x1: {  	(tag) =	ssettag $0x0;
	lr =	simm.s32 $0x1  }
0x2: {  	[smem:$0x3F8E] =	sst lr;
	_ =	strace $0xD0000000  }
0x3: {  	_ = 	snop  }
0x4: {  	_ = 	snop  }
0x5: {  	_ = 	snop  }
0x6: {  	_ = 	snop  }
0x7: {  	_ = 	snop  }
__scs_overlays_trampoline_lowered:
0x8: {  	[smem:$0x3F9D] =	sst s0  }
0x9: {  	[smem:$0x3F9E] =	sst s1  }
0xa: {  	[smem:$0x3F9F] =	sst s2  }
0xb: {  	[smem:$0x3FA0] =	sst s3  }
0xc: {  	[smem:$0x3FA1] =	sst s4  }
0xd: {  	[smem:$0x3FA2] =	sst s5  }
0xe: {  	[smem:$0x3FA3] =	sst s6  }
0xf: {  	[smem:$0x3FA4] =	sst s7  }
0x10: {  	[smem:$0x3FA5] =	sst s8  }
0x11: {  	[smem:$0x3FA6] =	sst s9;
	s0 =	simm.s32 @!p0 $0x0  }
0x12: {  	s1 =	sld [smem:$0x3F8C];
	s0 =	simm.s32 @p0 $0x1  }
0x13: {  	[smem:$0x3FA7] =	sst s0;
	s0 =	simm.s32 @!p1 $0x0  }
0x14: {  	s2 =	sld [smem:$0x3F8B];
	s0 =	simm.s32 @p1 $0x1  }
0x15: {  	[smem:$0x3FA8] =	sst s0;
	s0 =	simm.s32 @!p2 $0x0  }
0x16: {  	s3 =	sld [smem:$0x3FDB];
	s0 =	simm.s32 @p2 $0x1  }
0x17: {  	s4 =	simm.s32 $0x1BF5;
	[smem:$0x3FAA] =	sst s0  }
0x18: {  	s0 =	sld [smem:$0x3F8D];
	_ =	swait.ge [sflag:s4], $0x0  }
0x19: {  	s7 =	sld [smem:$0x3F8E]  }
0x1a: {  	s8 =	sadd.s32 $0xFFFFE003, lr  }
0x1b: {  	s9 =	sadd.s32 $0xFFFFFEF7, lr;
	s5 =	simm.s32 $0xFFFFFFFF;
	p2 =	slt.u32 s8, $0xFFFFF086  }
0x1c: {  	p1 =	slt.u32 s9, $0xF7A;
	s5 =	simm.s32 @!p2 $0x0  }
0x1d: {  	s5 =	simm.s32 @p1 $0x1;
	p0 =	seq.s32 s7, s2  }
0x1e: {  	s7 =	smul.u32 @!p0 $0xF7A, s2;
	p2 =	seq.s32 @!p0 s5, $0x0  }
0x1f: {  	s9 =	smul.u32 $0xF7A, s1;
	s8 =	simm.s32 @!p0 $0x1BF5;
	p2 =	por !p2, p0  }
0x20: {  	[sflag:s8] =	ssyncset.s32 @!p0 $0xFFFFF086;
	s6 =	sadd.s32 @!p0 s3, s7;
	s7 =	simm.s32 @!p0 $0x108  }
0x21: {  	s3 =	sadd.s32 s3, s9;
	s6 =	sadd.s32 @!p0 $0x88, s6;
	s7 =	simm.s32 @p2 $0x1082  }
0x22: {  	[simem:s7], [sflag:s8] =	dma.local @!p0 [hbm:s6], $0xF7A  }
0x23: {  	s9 =	sor.u32 $0xD0000000, s2;
	s6 =	simm.s32 $0x108;
	_ =	swait.ge @!p0 [sflag:s8], $0x0  }
0x24: {  	s3 =	sadd.s32 $0x88, s3;
	s6 =	simm.s32 @!p1 $0x1082;
	[sflag:s4] =	ssyncset.s32 $0xFFFFF086  }
0x25: {  	[simem:s6], [sflag:s4] =	dma.local [hbm:s3], $0xF7A  }
0x26: {  	[smem:$0x3F8E] =	sst s1;
	(tag) =	ssettag s2;
	_ =	strace s9  }
0x27: {  	s1 =	sld [smem:$0x3F9E]  }
0x28: {  	s2 =	sld [smem:$0x3F9F]  }
0x29: {  	s4 =	sld [smem:$0x3FA1]  }
0x2a: {  	p0 =	seq.s32 s5, $0x0;
	s5 =	sld [smem:$0x3FA2]  }
0x2b: {  	s6 =	sld [smem:$0x3FA3]  }
0x2c: {  	s7 =	sld [smem:$0x3FA4]  }
0x2d: {  	s3 =	simm.s32 $0x108;
	s8 =	sld [smem:$0x3FA5]  }
0x2e: {  	s3 =	simm.s32 @!p0 $0x1082;
	s9 =	sld [smem:$0x3FA6]  }
0x2f: {  	lr =	sadd.s32 s0, s3;
	s0 =	sld [smem:$0x3F9D]  }
0x30: {  	s3 =	sld [smem:$0x3FA0]  }
0x31: {  	[smem:$0x3FA9] =	sst s10  }
0x32: {  	s10 =	sld [smem:$0x3FA7];
	_ =	sdelay $0x3  }
0x33: {  	p0 =	seq.s32 s10, $0x1;
	s10 =	sld [smem:$0x3FA9];
	_ =	sdelay $0x3  }
0x34: {  	[smem:$0x3FA9] =	sst s10  }
0x35: {  	s10 =	sld [smem:$0x3FA8];
	_ =	sdelay $0x3  }
0x36: {  	p1 =	seq.s32 s10, $0x1;
	s10 =	sld [smem:$0x3FA9];
	_ =	sdelay $0x3  }
0x37: {  	[smem:$0x3FA9] =	sst s10  }
0x38: {  	s10 =	sld [smem:$0x3FAA]  }
0x39: {  	_ = 	snop;
	(pc) =	sbr.ind lr, $3  }
0x3a: {  	_ = 	snop  }
0x3b: {  	_ = 	snop  }
0x3c: {  	p2 =	seq.s32 s10, $0x1;
	s10 =	sld [smem:$0x3FA9]  }
0x3d: {  	_ =	shalt  }
0x3e: {  	_ =	shalt  }
0x3f: {  	_ =	shalt  }
0x40: {  	_ =	shalt  }
0x41: {  	_ =	shalt  }
0x42: {  	_ =	shalt  }
0x43: {  	_ =	shalt  }
0x44: {  	_ =	shalt  }
0x45: {  	_ =	shalt  }
0x46: {  	_ =	shalt  }
0x47: {  	_ =	shalt  }
0x48: {  	_ =	shalt  }
0x49: {  	_ =	shalt  }
0x4a: {  	_ =	shalt  }
0x4b: {  	_ =	shalt  }
0x4c: {  	_ =	shalt  }
0x4d: {  	_ =	shalt  }
0x4e: {  	_ =	shalt  }
0x4f: {  	_ =	shalt  }
0x50: {  	_ =	shalt  }
0x51: {  	_ =	shalt  }
0x52: {  	_ =	shalt  }
0x53: {  	_ =	shalt  }
0x54: {  	_ =	shalt  }
0x55: {  	_ =	shalt  }
0x56: {  	_ =	shalt  }
0x57: {  	_ =	shalt  }
0x58: {  	_ =	shalt  }
0x59: {  	_ =	shalt  }
0x5a: {  	_ =	shalt  }
0x5b: {  	_ =	shalt  }
0x5c: {  	_ =	shalt  }
0x5d: {  	_ =	shalt  }
0x5e: {  	_ =	shalt  }
0x5f: {  	_ =	shalt  }
0x60: {  	_ =	shalt  }
0x61: {  	_ =	shalt  }
0x62: {  	_ =	shalt  }
0x63: {  	_ =	shalt  }
0x64: {  	_ =	shalt  }
0x65: {  	_ =	shalt  }
0x66: {  	_ =	shalt  }
0x67: {  	_ =	shalt  }
0x68: {  	_ =	shalt  }
0x69: {  	_ =	shalt  }
0x6a: {  	_ =	shalt  }
0x6b: {  	_ =	shalt  }
0x6c: {  	_ =	shalt  }
0x6d: {  	_ =	shalt  }
0x6e: {  	_ =	shalt  }
0x6f: {  	_ =	shalt  }
0x70: {  	_ =	shalt  }
0x71: {  	_ =	shalt  }
0x72: {  	_ =	shalt  }
0x73: {  	_ =	shalt  }
0x74: {  	_ =	shalt  }
0x75: {  	_ =	shalt  }
0x76: {  	_ =	shalt  }
0x77: {  	_ =	shalt  }
0x78: {  	_ =	shalt  }
0x79: {  	_ =	shalt  }
0x7a: {  	_ =	shalt  }
0x7b: {  	_ =	shalt  }
0x7c: {  	_ =	shalt  }
0x7d: {  	_ =	shalt  }
0x7e: {  	_ =	shalt  }
0x7f: {  	_ =	shalt  }
0x80: {  	_ =	shalt  }
0x81: {  	_ =	shalt  }
0x82: {  	_ =	shalt  }
0x83: {  	_ =	shalt  }
0x84: {  	_ =	shalt  }
0x85: {  	_ =	shalt  }
0x86: {  	_ =	shalt  }
0x87: {  	_ =	shalt  }
.Lfunc_end0:
.L_simem_size_0:
called_computation.2_lowered:
.L_overlay_start_0:
0x88: {  	s2 =	sld [smem:$0x3FD9]  }
0x89: {  	s3 =	sld [smem:$0x3FFE];
	_ =	sdelay $0x1  }
0x8a: {  	s1 =	srdreg.scid  }
0x8b: {  	s0 =	sand.u32 $0x1, s1  }
0x8c: {  	s16 =	sshll.u32 s0, $0xA;
	s2 =	sadd.s32 s3, s2  }
0x8d: {  	s2 =	sadd.s32 s2, s16  }
0x8e: {  	[smem:$0x3FB5] =	sst s2  }
0x8f: {  	_ = 	snop  }
0x90: {  	(tm) =	ssettm $0x1  }
0x91: {  	s17 =	sld [smem:$0x3FFB];
	_ =	sdelay $0x3  }
0x92: {  	_ =	strace s17  }
0x93: {  	s2 =	sld [smem:$0x3FFC];
	_ =	sdelay $0x3  }
0x94: {  	_ =	strace s2  }
0x95: {  	s2 =	sld [smem:$0x3FFD];
	_ =	sdelay $0x3  }
0x96: {  	_ =	strace s2  }
0x97: {  	_ =	strace $0x8FFFFFFF  }
0x98: {  	s18 =	sld [smem:$0x3FDB];
	_ =	sdelay $0x1  }
0x99: {  	s19 =	simm.s32 $_scs_section_size  }
0x9a: {  	s4 =	simm.s32 $_size__tile_overlayer_lowered;
	s5 =	simm.s32 $_tile_overlayer_lowered  }
0x9b: {  	s22 =	simm.s32 $0x1BFF;
	s21 =	sshll.u32 s5, $0x1;
	s2 =	sadd.s32 s19, s18  }
0x9c: {  	s6 =	simm.s32 $0x0;
	s20 =	sshll.u32 s4, $0x1;
	s4 =	sadd.s32 s21, s2  }
0x9d: {  	[timem:s6], [sflag:s22] =	dma.local [hbm:s4], s20  }
0x9e: {  	_ =	swait.ge [sflag:s22], s20  }
0x9f: {  	s3 =	ssub.s32 $0x0, s20;
	[sflag:s22] =	ssyncset.done $0x0  }
0xa0: {  	[sflag:s22] =	ssyncadd.s32 s3;
	_ =	sdelay $0x1  }
0xa1: {  	s23 =	simm.s32 $0x1B8B  }
0xa2: {  	_ =	swait.ge [sflag:s23], $0x1  }
0xa3: {  	[sflag:s23] =	ssyncset.done $0x0  }
0xa4: {  	s25 =	simm.s32 $0x1B8E;
	s24 =	sld [smem:$0x3FFE];
	[sflag:s23] =	ssyncadd.s32 $0xFFFFFFFF  }
0xa5: {  	s26 =	simm.s32 $execute0_lowered;
	[smem:$0x3FD2] =	sst s25  }
0xa6: {  	s4 =	sshll.u32 s26, $0x1;
	_ =	strace $0x8000004C;
	[dreg:$0x1] =	wrdreg $0xFFFFFFFF  }
0xa7: {  	s28 =	simm.s32 $_size_execute0_lowered;
	s2 =	sadd.s32 s2, s4;
	[dreg:$0x0] =	wrdreg $0x0  }
0xa8: {  	s4 =	sshll.u32 s28, $0x1;
	[dreg:$0x2] =	wrdreg s2  }
0xa9: {  	[dreg:$0x3] =	wrdreg s4  }
0xaa: {  	[dreg:$0x4] =	wrdreg $0xC0  }
0xab: {  	_ =	task [dreg:s6], $0x5FFFF  }
0xac: {  	[dreg:$0x1] =	wrdreg $0xFFFFFFFF  }
0xad: {  	[dreg:$0x0] =	wrdreg $0x60  }
0xae: {  	[dreg:$0x2] =	wrdreg s24  }
0xaf: {  	[dreg:$0x3] =	wrdreg $0x0  }
0xb0: {  	[dreg:$0x4] =	wrdreg $0x9  }
0xb1: {  	_ =	task.clear_ibuf [dreg:s6], $0x5FFFF;
	_ =	strace $0x9000004C  }
0xb2: {  	s29 =	simm.s32 $0x9;
	_ =	strace $0x8000004E  }
0xb3: {  	_ =	swait.ge [sflag:s29], $0x1  }
0xb4: {  	[sflag:s29] =	ssyncadd.s32 $0xFFFFFFFF  }
0xb5: {  	_ =	strace $0x9000004E  }
0xb6: {  	_ =	sfence  }
0xb7: {  	s30 =	sld [smem:$0x0];
	_ =	sdelay $0x2  }
0xb8: {  	s31 =	sshll.u32 s1, $0xD;
	s1 =	sshrl.u32 s1, $0x2  }
0xb9: {  	s3 =	sand.u32 $0x4000, s31;
	s1 =	sadd.s32 s1, s30  }
0xba: {  	s0 =	sor.u32 s3, s0;
	s1 =	sshll.u32 s1, $0x11  }
0xbb: {  	s0 =	sor.u32 s1, s0  }
0xbc: {  	s0 =	sadd.s32 $0x8F2B, s0  }
0xbd: {  	[sflag:s0] =	ssyncadd.remote.s32 $0x1  }
0xbe: {  	_ =	sfence.sel $0xFFFF  }
0xbf: {  	[dreg:$0x0] =	wrdreg $0xFFFFFFFF;
	(pc) =	sbr.abs _section_cstart, $3  }
0xc0: {  	[dreg:$0x1] =	wrdreg $0xFFFFFFFF  }
0xc1: {  	_ =	task.clear_ibuf [dreg:s6], $0x2FFFF;
	_ =	strace $0x9FFFFFFF  }
0xc2: {  	(tm) =	ssettm $0x7FFFFFFF  }
0xc3: {  	_ =	shalt  }
tec
execute0_lowered:
.L_overlay_start_1:
0x0: {  	(tag) =	ssettag $0x1  }
0x1: {  	s0 =	rddreg [dreg:$0x0]  }
0x2: {  	s1 =	rddreg [dreg:$0x1];
	s2 =	srdreg.scid;
	s4 =	simm.s32 $0x0  }
0x3: {  	s10 =	stileid.u32;
	s14 =	simm.s32 $0x5;
	s16 =	simm.s32 $0x14800  }
0x4: {  	s17 =	simm.s32 $0x80;
	s18 =	simm.s32 $0x15000;
	s13 =	simm.s32 $0x14900  }
0x5: {  	s19 =	simm.s32 $0x14980;
	s28 =	simm.s32 $0x14E00;
	s29 =	simm.s32 $0x14B00  }
0x6: {  	s30 =	simm.s32 $0x14E80;
	s31 =	simm.s32 $0x14B80;
	s15 =	simm.s32 $0x0  }
0x7: {  	s2 =	sand.u32 $0x1, s2;
	[smem:$0x7FF] =	sst s4;
	s5 =	smul.u32 $0x14000, s10  }
0x8: {  	s4 =	sadd.s32 $0x2CC00, s0;
	s6 =	sadd.s32 $0x4C00, s0;
	s8 =	smul.u32 $0x50000, s10  }
0x9: {  	s7 =	sadd.s32 $0x54C00, s0;
	s24 =	smul.u32 $0xA000, s10;
	s25 =	sshll.u32 s10, $0x6  }
0xa: {  	s3 =	smul.u32 $0x140000, s2;
	_ =	strace $0x8000004D;
	[dreg:$0x3] =	wrdreg s7  }
0xb: {  	s20 =	sshll.u32 s2, $0x4;
	s21 =	ssub.s32 $0x2, s2;
	s2 =	smul.u32 $0xA0000, s2  }
0xc: {  	s9 =	sshrl.u32 s21, $0x1;
	s23 =	sshrl.u32 s8, $0x2;
	s3 =	sadd.s32 s5, s3  }
0xd: {  	s5 =	sor.u32 s10, s20;
	s22 =	ssub.s32 s21, s9;
	s7 =	sadd.s32 s23, s1  }
0xe: {  	s10 =	sor.u32 $0x1C05, s25;
	s2 =	sadd.s32 s24, s2;
	s20 =	simm.s32 $0x19000  }
0xf: {  	s21 =	simm.s32 $0x1;
	s24 =	simm.s32 $0x2;
	s9 =	simm.s32 $0x4  }
0x10: {  	s23 =	simm.s32 $0x14A00;
	s25 =	simm.s32 $0x14D80;
	s3 =	sshrl.u32 s3, $0x3  }
0x11: {  	s5 =	smul.u32 $0xA000, s5;
	s26 =	sor.u32 $0x1800, s2;
	s2 =	sor.u32 $0x1000, s2  }
0x12: {  	[dreg:$0x5] =	wrdreg s10;
	s0 =	sadd.s32 s3, s0;
	s3 =	smax.u32 s22, $0x1  }
0x13: {  	s2 =	sshrl.u32 s2, $0x3;
	s22 =	simm.s32 $0x14D00;
	s5 =	sshrl.u32 s5, $0x3  }
0x14: {  	s0 =	sadd.s32 $0x57400, s0;
	[dreg:$0x8] =	wrdreg s3;
	s12 =	sadd.s32 s2, s6  }
.Ltmp0:
0x15: {  	s3 =	simm.s32 $0x14C80;
	s5 =	sadd.s32 s6, s5;
	(pc) =	sbr.rel .LBB2_1-.Ltmp0, $4  }
0x16: {  	[dreg:$0x7] =	wrdreg s0;
	s0 =	sshrl.u32 s26, $0x3;
	s26 =	simm.s32 $0x14A80  }
0x17: {  	[dreg:$0x4] =	wrdreg s5;
	s5 =	sadd.s32 $0x100, s5;
	s11 =	sadd.s32 s0, s6  }
0x18: {  	s0 =	simm.s32 $0x14F80;
	[dreg:$0x6] =	wrdreg s5;
	s5 =	sshrl.u32 s7, $0x3  }
0x19: {  	s6 =	simm.s32 $0x0;
	s7 =	simm.s32 $0x14C00;
	[dreg:$0x9] =	wrdreg s5  }
.LBB2_4:
0x1a: {  	[bflag:$0x0] =	sbarrier.arrive $0xFFFF  }
0x1b: {  	s10 =	rddreg [dreg:$0x5]  }
0x1c: {  	s2 =	rddreg [dreg:$0x7]  }
0x1d: {  	s5 =	rddreg [dreg:$0x9]  }
0x1e: {  	[hbm:s2], [sflag:s10] =	dma.local [spmem:s5], $0x2800  }
0x1f: {  	_ =	swait.ge [sflag:s14], $0x2800  }
0x20: {  	s6 =	rddreg [dreg:$0xa]  }
0x21: {  	s8 =	rddreg [dreg:$0x8];
	s6 =	sadd.s32 $0x1, s6  }
0x22: {  	p0 =	sne.s32 s6, s8  }
.Ltmp1:
0x23: {  	_ = 	snop;
	(pc) =	sbr.rel @!p0 .LBB2_5-.Ltmp1, $3  }
0x24: {  	_ =	sdelay $0x1  }
0x25: {  	[sflag:s14] =	ssyncset.done $0x0  }
0x26: {  	[sflag:s14] =	ssyncadd.s32 $0xFFFFD800  }
.LBB2_1:
0x27: {  	[dreg:$0xa] =	wrdreg s6  }
0x28: {  	s2 =	rddreg [dreg:$0x3]  }
0x29: {  	[spmem:s5], [sflag:s10] =	dma.local [hbm:s2], $0x2800  }
0x2a: {  	_ =	swait.ge [sflag:s14], $0x2800  }
0x2b: {  	[sflag:s14] =	ssyncset.done $0x0  }
0x2c: {  	[sflag:s14] =	ssyncadd.s32 $0xFFFFD800  }
0x2d: {  	[bflag:$0x0] =	sbarrier.arrive $0xFFFF  }
0x2e: {  	s6 =	simm.s32 $0x0;
	s10 =	simm.s32 $0x14000;
	s8 =	rddreg [dreg:$0x4]  }
0x2f: {  	[tilespmem:s10], [sflag:$0x5] =	stream.linear.gather [hbm4b:s8+s6], $0x800, $0x38;
	[tilespmem:$0x1D000] =	vst v63  }
0x30: {  	_ =	swait.ge [sflag:s14], $0x800  }
0x31: {  	[sflag:s14] =	ssyncset.done $0x0  }
0x32: {  	s8 =	rddreg [dreg:$0x6];
	[sflag:s14] =	ssyncadd.s32 $0xFFFFF800  }
0x33: {  	[tilespmem:s16], [sflag:$0x4] =	stream.linear.gather [hbm4b:s8+s6], $0x800, $0x38;
	[tilespmem:$0x1D000] =	vst v63  }
0x34: {  	_ = 	snop  }
0x35: {  	[tilespmem:s18], [sflag:$0x1] =	stream.indirect.gather [hbm4b:s4+s17], $0x80, s10, s17, $0xb8;
	[tilespmem:$0x1D000] =	vst v63  }
0x36: {  	s2 =	simm.s32 $0x0;
	s10 =	simm.s32 $0x14080  }
0x37: {  	[tilespmem:s20], [sflag:$0x2] =	stream.indirect.gather [hbm4b:s4+s17], $0x80, s10, s17, $0xb8;
	[tilespmem:$0x1D000] =	vst v63  }
.LBB2_2:
0x38: {  	_ =	swait.ge [sflag:s21], $0x4000  }
0x39: {  	[sflag:s21] =	ssyncset.done $0x0  }
0x3a: {  	s5 =	simm.s32 $0x14400;
	[sflag:s21] =	ssyncadd.s32 $0xFFFFC000  }
0x3b: {  	[spmem:s1] =	stream.indirect.scatter.add.f32 [tilespmem:s18], [sflag:$0x5], $0x80, s5, s17, $0xb8;
	[tilespmem:$0x1D000] =	vst v63  }
0x3c: {  	_ =	swait.ge [sflag:s14], $0x4000  }
0x3d: {  	[sflag:s14] =	ssyncset.done $0x0  }
0x3e: {  	s8 =	simm.s32 $0x14100;
	[sflag:s14] =	ssyncadd.s32 $0xFFFFC000  }
0x3f: {  	[tilespmem:s18], [sflag:$0x1] =	stream.indirect.gather [hbm4b:s4+s17], $0x80, s8, s17, $0xb8;
	[tilespmem:$0x1D000] =	vst v63  }
0x40: {  	_ =	swait.ge [sflag:s24], $0x4000  }
0x41: {  	[sflag:s24] =	ssyncset.done $0x0  }
0x42: {  	s10 =	simm.s32 $0x14480;
	[sflag:s24] =	ssyncadd.s32 $0xFFFFC000  }
0x43: {  	[spmem:s1] =	stream.indirect.scatter.add.f32 [tilespmem:s20], [sflag:$0x5], $0x80, s10, s17, $0xb8;
	[tilespmem:$0x1D000] =	vst v63  }
0x44: {  	_ =	swait.ge [sflag:s14], $0x4000  }
0x45: {  	[sflag:s14] =	ssyncset.done $0x0  }
0x46: {  	s6 =	simm.s32 $0x14180;
	[sflag:s14] =	ssyncadd.s32 $0xFFFFC000  }
0x47: {  	[tilespmem:s20], [sflag:$0x2] =	stream.indirect.gather [hbm4b:s4+s17], $0x80, s6, s17, $0xb8;
	[tilespmem:$0x1D000] =	vst v63  }
0x48: {  	_ =	swait.ge [sflag:s21], $0x4000  }
0x49: {  	[sflag:s21] =	ssyncset.done $0x0  }
0x4a: {  	s8 =	simm.s32 $0x14500;
	[sflag:s21] =	ssyncadd.s32 $0xFFFFC000  }
0x4b: {  	[spmem:s1] =	stream.indirect.scatter.add.f32 [tilespmem:s18], [sflag:$0x5], $0x80, s8, s17, $0xb8;
	[tilespmem:$0x1D000] =	vst v63  }
0x4c: {  	_ =	swait.ge [sflag:s14], $0x4000  }
0x4d: {  	[sflag:s14] =	ssyncset.done $0x0  }
0x4e: {  	s10 =	simm.s32 $0x14200;
	[sflag:s14] =	ssyncadd.s32 $0xFFFFC000  }
0x4f: {  	[tilespmem:s18], [sflag:$0x1] =	stream.indirect.gather [hbm4b:s4+s17], $0x80, s10, s17, $0xb8;
	[tilespmem:$0x1D000] =	vst v63  }
0x50: {  	_ =	swait.ge [sflag:s24], $0x4000  }
0x51: {  	[sflag:s24] =	ssyncset.done $0x0  }
0x52: {  	s6 =	simm.s32 $0x14580;
	[sflag:s24] =	ssyncadd.s32 $0xFFFFC000  }
0x53: {  	[spmem:s1] =	stream.indirect.scatter.add.f32 [tilespmem:s20], [sflag:$0x5], $0x80, s6, s17, $0xb8;
	[tilespmem:$0x1D000] =	vst v63  }
0x54: {  	_ =	swait.ge [sflag:s14], $0x4000  }
0x55: {  	[sflag:s14] =	ssyncset.done $0x0  }
0x56: {  	s8 =	simm.s32 $0x14280;
	[sflag:s14] =	ssyncadd.s32 $0xFFFFC000  }
0x57: {  	[tilespmem:s20], [sflag:$0x2] =	stream.indirect.gather [hbm4b:s4+s17], $0x80, s8, s17, $0xb8;
	[tilespmem:$0x1D000] =	vst v63  }
0x58: {  	_ =	swait.ge [sflag:s21], $0x4000  }
0x59: {  	[sflag:s21] =	ssyncset.done $0x0  }
0x5a: {  	s10 =	simm.s32 $0x14600;
	[sflag:s21] =	ssyncadd.s32 $0xFFFFC000  }
0x5b: {  	[spmem:s1] =	stream.indirect.scatter.add.f32 [tilespmem:s18], [sflag:$0x5], $0x80, s10, s17, $0xb8;
	[tilespmem:$0x1D000] =	vst v63  }
0x5c: {  	_ =	swait.ge [sflag:s14], $0x4000  }
0x5d: {  	[sflag:s14] =	ssyncset.done $0x0  }
0x5e: {  	s6 =	simm.s32 $0x14300;
	[sflag:s14] =	ssyncadd.s32 $0xFFFFC000  }
0x5f: {  	[tilespmem:s18], [sflag:$0x1] =	stream.indirect.gather [hbm4b:s4+s17], $0x80, s6, s17, $0xb8;
	[tilespmem:$0x1D000] =	vst v63  }
0x60: {  	_ =	swait.ge [sflag:s24], $0x4000  }
0x61: {  	[sflag:s24] =	ssyncset.done $0x0  }
0x62: {  	s8 =	simm.s32 $0x14680;
	[sflag:s24] =	ssyncadd.s32 $0xFFFFC000  }
0x63: {  	[spmem:s1] =	stream.indirect.scatter.add.f32 [tilespmem:s20], [sflag:$0x5], $0x80, s8, s17, $0xb8;
	[tilespmem:$0x1D000] =	vst v63  }
0x64: {  	_ =	swait.ge [sflag:s14], $0x4000  }
0x65: {  	[sflag:s14] =	ssyncset.done $0x0  }
0x66: {  	s10 =	simm.s32 $0x14380;
	[sflag:s14] =	ssyncadd.s32 $0xFFFFC000  }
0x67: {  	[tilespmem:s20], [sflag:$0x2] =	stream.indirect.gather [hbm4b:s4+s17], $0x80, s10, s17, $0xb8;
	[tilespmem:$0x1D000] =	vst v63  }
0x68: {  	_ =	swait.ge [sflag:s9], $0x800  }
0x69: {  	[sflag:s9] =	ssyncset.done $0x0  }
0x6a: {  	[sflag:s9] =	ssyncadd.s32 $0xFFFFF800  }
0x6b: {  	_ =	swait.ge [sflag:s21], $0x4000  }
0x6c: {  	[sflag:s21] =	ssyncset.done $0x0  }
0x6d: {  	s6 =	simm.s32 $0x14700;
	[sflag:s21] =	ssyncadd.s32 $0xFFFFC000  }
0x6e: {  	[spmem:s1] =	stream.indirect.scatter.add.f32 [tilespmem:s18], [sflag:$0x5], $0x80, s6, s17, $0xb8;
	[tilespmem:$0x1D000] =	vst v63  }
0x6f: {  	_ =	swait.ge [sflag:s14], $0x4000  }
0x70: {  	[sflag:s14] =	ssyncset.done $0x0  }
0x71: {  	[sflag:s14] =	ssyncadd.s32 $0xFFFFC000  }
0x72: {  	[tilespmem:s18], [sflag:$0x1] =	stream.indirect.gather [hbm4b:s4+s17], $0x80, s16, s17, $0xb8;
	[tilespmem:$0x1D000] =	vst v63  }
0x73: {  	_ =	swait.ge [sflag:s24], $0x4000  }
0x74: {  	[sflag:s24] =	ssyncset.done $0x0  }
0x75: {  	s8 =	simm.s32 $0x14780;
	[sflag:s24] =	ssyncadd.s32 $0xFFFFC000  }
0x76: {  	[spmem:s1] =	stream.indirect.scatter.add.f32 [tilespmem:s20], [sflag:$0x5], $0x80, s8, s17, $0xb8;
	[tilespmem:$0x1D000] =	vst v63  }
0x77: {  	_ =	swait.ge [sflag:s14], $0x4000  }
0x78: {  	[sflag:s14] =	ssyncset.done $0x0  }
0x79: {  	p0 =	seq.s32 s2, $0x1200;
	s10 =	simm.s32 $0x14880;
	[sflag:s14] =	ssyncadd.s32 $0xFFFFC000  }
0x7a: {  	[tilespmem:s20], [sflag:$0x2] =	stream.indirect.gather [hbm4b:s4+s17], $0x80, s10, s17, $0xb8;
	[tilespmem:$0x1D000] =	vst v63  }
0x7b: {  	s5 =	simm.s32 @!p0 $0x14000;
	s8 =	sadd.s32 @!p0 s2, s12;
	s10 =	simm.s32 @!p0 $0x0  }
0x7c: {  	[tilespmem:s5], [sflag:$0x3] =	stream.linear.gather @!p0 [hbm4b:s8+s10], $0x800, $0x38;
	[tilespmem:$0x1D000] =	vst v63  }
0x7d: {  	_ =	swait.ge [sflag:s21], $0x4000  }
0x7e: {  	[sflag:s21] =	ssyncset.done $0x0  }
0x7f: {  	[sflag:s21] =	ssyncadd.s32 $0xFFFFC000  }
0x80: {  	[spmem:s1] =	stream.indirect.scatter.add.f32 [tilespmem:s18], [sflag:$0x5], $0x80, s7, s17, $0xb8;
	[tilespmem:$0x1D000] =	vst v63  }
0x81: {  	_ =	swait.ge [sflag:s14], $0x4000  }
0x82: {  	[sflag:s14] =	ssyncset.done $0x0  }
0x83: {  	[sflag:s14] =	ssyncadd.s32 $0xFFFFC000  }
0x84: {  	[tilespmem:s18], [sflag:$0x1] =	stream.indirect.gather [hbm4b:s4+s17], $0x80, s13, s17, $0xb8;
	[tilespmem:$0x1D000] =	vst v63  }
0x85: {  	_ =	swait.ge [sflag:s24], $0x4000  }
0x86: {  	[sflag:s24] =	ssyncset.done $0x0  }
0x87: {  	[sflag:s24] =	ssyncadd.s32 $0xFFFFC000  }
0x88: {  	[spmem:s1] =	stream.indirect.scatter.add.f32 [tilespmem:s20], [sflag:$0x5], $0x80, s3, s17, $0xb8;
	[tilespmem:$0x1D000] =	vst v63  }
0x89: {  	_ =	swait.ge [sflag:s14], $0x4000  }
0x8a: {  	[sflag:s14] =	ssyncset.done $0x0  }
0x8b: {  	[sflag:s14] =	ssyncadd.s32 $0xFFFFC000  }
0x8c: {  	[tilespmem:s20], [sflag:$0x2] =	stream.indirect.gather [hbm4b:s4+s17], $0x80, s19, s17, $0xb8;
	[tilespmem:$0x1D000] =	vst v63  }
0x8d: {  	_ =	swait.ge [sflag:s21], $0x4000  }
0x8e: {  	[sflag:s21] =	ssyncset.done $0x0  }
0x8f: {  	[sflag:s21] =	ssyncadd.s32 $0xFFFFC000  }
0x90: {  	[spmem:s1] =	stream.indirect.scatter.add.f32 [tilespmem:s18], [sflag:$0x5], $0x80, s22, s17, $0xb8;
	[tilespmem:$0x1D000] =	vst v63  }
0x91: {  	_ =	swait.ge [sflag:s14], $0x4000  }
0x92: {  	[sflag:s14] =	ssyncset.done $0x0  }
0x93: {  	[sflag:s14] =	ssyncadd.s32 $0xFFFFC000  }
0x94: {  	[tilespmem:s18], [sflag:$0x1] =	stream.indirect.gather [hbm4b:s4+s17], $0x80, s23, s17, $0xb8;
	[tilespmem:$0x1D000] =	vst v63  }
0x95: {  	_ =	swait.ge [sflag:s24], $0x4000  }
0x96: {  	[sflag:s24] =	ssyncset.done $0x0  }
0x97: {  	[sflag:s24] =	ssyncadd.s32 $0xFFFFC000  }
0x98: {  	[spmem:s1] =	stream.indirect.scatter.add.f32 [tilespmem:s20], [sflag:$0x5], $0x80, s25, s17, $0xb8;
	[tilespmem:$0x1D000] =	vst v63  }
0x99: {  	_ =	swait.ge [sflag:s14], $0x4000  }
0x9a: {  	[sflag:s14] =	ssyncset.done $0x0  }
0x9b: {  	[sflag:s14] =	ssyncadd.s32 $0xFFFFC000  }
0x9c: {  	[tilespmem:s20], [sflag:$0x2] =	stream.indirect.gather [hbm4b:s4+s17], $0x80, s26, s17, $0xb8;
	[tilespmem:$0x1D000] =	vst v63  }
0x9d: {  	_ =	swait.ge [sflag:s21], $0x4000  }
0x9e: {  	[sflag:s21] =	ssyncset.done $0x0  }
0x9f: {  	[sflag:s21] =	ssyncadd.s32 $0xFFFFC000  }
0xa0: {  	[spmem:s1] =	stream.indirect.scatter.add.f32 [tilespmem:s18], [sflag:$0x5], $0x80, s28, s17, $0xb8;
	[tilespmem:$0x1D000] =	vst v63  }
0xa1: {  	_ =	swait.ge [sflag:s14], $0x4000  }
0xa2: {  	[sflag:s14] =	ssyncset.done $0x0  }
0xa3: {  	[sflag:s14] =	ssyncadd.s32 $0xFFFFC000  }
0xa4: {  	[tilespmem:s18], [sflag:$0x1] =	stream.indirect.gather [hbm4b:s4+s17], $0x80, s29, s17, $0xb8;
	[tilespmem:$0x1D000] =	vst v63  }
0xa5: {  	_ =	swait.ge [sflag:s24], $0x4000  }
0xa6: {  	[sflag:s24] =	ssyncset.done $0x0  }
0xa7: {  	[sflag:s24] =	ssyncadd.s32 $0xFFFFC000  }
0xa8: {  	[spmem:s1] =	stream.indirect.scatter.add.f32 [tilespmem:s20], [sflag:$0x5], $0x80, s30, s17, $0xb8;
	[tilespmem:$0x1D000] =	vst v63  }
0xa9: {  	_ =	swait.ge [sflag:s14], $0x4000  }
0xaa: {  	[sflag:s14] =	ssyncset.done $0x0  }
0xab: {  	s8 =	simm.s32 @p0 $0x1;
	[sflag:s14] =	ssyncadd.s32 $0xFFFFC000  }
0xac: {  	[tilespmem:s20], [sflag:$0x2] =	stream.indirect.gather [hbm4b:s4+s17], $0x80, s31, s17, $0xb8;
	[tilespmem:$0x1D000] =	vst v63  }
0xad: {  	_ =	swait.ge @p0 [sflag:s8], $0x4000  }
0xae: {  	s6 =	simm.s32 @p0 $0x15000;
	[sflag:s8] =	ssyncset.done @p0 $0x0  }
0xaf: {  	s10 =	simm.s32 @p0 $0x14F00;
	[sflag:s8] =	ssyncadd.s32 @p0 $0xFFFFC000;
	s8 =	simm.s32 @p0 $0x80  }
0xb0: {  	[spmem:s1] =	stream.indirect.scatter.add.f32 @p0 [tilespmem:s6], [sflag:$0x5], $0x80, s10, s8, $0xb8;
	[tilespmem:$0x1D000] =	vst v63  }
0xb1: {  	s6 =	simm.s32 @p0 $0x5  }
0xb2: {  	_ =	swait.ge @p0 [sflag:s6], $0x4000  }
0xb3: {  	[sflag:s6] =	ssyncset.done @p0 $0x0  }
0xb4: {  	[sflag:s6] =	ssyncadd.s32 @p0 $0xFFFFC000;
	s6 =	simm.s32 @!p0 $0x3  }
0xb5: {  	_ =	swait.ge @!p0 [sflag:s6], $0x800  }
0xb6: {  	[sflag:s6] =	ssyncset.done @!p0 $0x0  }
0xb7: {  	[sflag:s6] =	ssyncadd.s32 @!p0 $0xFFFFF800;
	s6 =	simm.s32 @!p0 $0x1  }
0xb8: {  	_ =	swait.ge @!p0 [sflag:s6], $0x4000  }
0xb9: {  	s8 =	simm.s32 @!p0 $0x14F00;
	[sflag:s6] =	ssyncset.done @!p0 $0x0  }
0xba: {  	s10 =	simm.s32 @!p0 $0x15000;
	[sflag:s6] =	ssyncadd.s32 @!p0 $0xFFFFC000;
	s6 =	simm.s32 @!p0 $0x80  }
0xbb: {  	[spmem:s1] =	stream.indirect.scatter.add.f32 @!p0 [tilespmem:s10], [sflag:$0x5], $0x80, s8, s6, $0xb8;
	[tilespmem:$0x1D000] =	vst v63  }
0xbc: {  	s8 =	simm.s32 @!p0 $0x5  }
0xbd: {  	_ =	swait.ge @!p0 [sflag:s8], $0x4000  }
0xbe: {  	[sflag:s8] =	ssyncset.done @!p0 $0x0  }
0xbf: {  	[sflag:s8] =	ssyncadd.s32 @!p0 $0xFFFFC000  }
0xc0: {  	[tilespmem:s10], [sflag:$0x1] =	stream.indirect.gather @!p0 [hbm4b:s4+s6], $0x80, s5, s6, $0xb8;
	[tilespmem:$0x1D000] =	vst v63  }
0xc1: {  	_ =	swait.ge [sflag:s24], $0x4000  }
0xc2: {  	[sflag:s24] =	ssyncset.done $0x0  }
.Ltmp2:
0xc3: {  	[sflag:s24] =	ssyncadd.s32 $0xFFFFC000;
	(pc) =	sbr.rel @p0 .LBB2_4-.Ltmp2, $4  }
0xc4: {  	[spmem:s1] =	stream.indirect.scatter.add.f32 [tilespmem:s20], [sflag:$0x5], $0x80, s0, s17, $0xb8;
	[tilespmem:$0x1D000] =	vst v63  }
0xc5: {  	_ =	swait.ge [sflag:s14], $0x4000  }
0xc6: {  	[sflag:s14] =	ssyncset.done $0x0  }
0xc7: {  	[sflag:s14] =	ssyncadd.s32 $0xFFFFC000  }
.Ltmp3:
0xc8: {  	(pc) =	sbr.rel .LBB2_2-.Ltmp3, $4  }
0xc9: {  	s5 =	simm.s32 $0x14080  }
0xca: {  	[tilespmem:s20], [sflag:$0x2] =	stream.indirect.gather [hbm4b:s4+s17], $0x80, s5, s17, $0xb8;
	[tilespmem:$0x1D000] =	vst v63  }
0xcb: {  	s10 =	sadd.s32 s2, s11;
	s2 =	sadd.s32 $0x200, s2  }
0xcc: {  	[tilespmem:s16], [sflag:$0x4] =	stream.linear.gather [hbm4b:s10+s15], $0x800, $0x38;
	[tilespmem:$0x1D000] =	vst v63  }
.LBB2_5:
0xcd: {  	_ =	sfence.sel $0x180000  }
0xce: {  	[bflag:$0x0] =	sbarrier.arrive $0xFFFF  }
0xcf: {  	_ =	strace $0x9000004D  }
0xd0: {  	s0 =	stileid.u32;
	[bflag:$0x2] =	sbarrier.arrive $0xFFFF  }
0xd1: {  	p0 =	sne.s32 s0, $0x0;
	s0 =	rddreg [dreg:$0x2]  }
0xd2: {  	s0 =	sadd.s32 @!p0 $0x100000, s0  }
0xd3: {  	[sflag:s0] =	ssyncadd.tile.s32 @!p0 $0x1;
	_ =	shalt  }
.Lfunc_end2:
_tile_overlayer_lowered:
.L_overlay_start_2:
0xd4: {  	(tag) =	ssettag $0x2  }
0xd5: {  	s0 =	rddreg [dreg:$0x0];
	s2 =	stileid.u32  }
0xd6: {  	s1 =	rddreg [dreg:$0x1];
	p0 =	sne.s32 s2, $0x0  }
0xd7: {  	s3 =	rddreg [dreg:$0x2];
	[bflag:$0x3] =	sbarrier.arrive $0xFFFF;
	s2 =	simm.s32 @!p0 $0x1C05  }
0xd8: {  	[timem:s3], [sflag:s2] =	dma.local @!p0 [hbm:s0], s1  }
0xd9: {  	s0 =	simm.s32 @!p0 $0x5  }
0xda: {  	_ =	swait.ge @!p0 [sflag:s0], s1  }
0xdb: {  	s1 =	ssub.s32 @!p0 $0x0, s1;
	[sflag:s0] =	ssyncset.done @!p0 $0x0  }
0xdc: {  	[sflag:s0] =	ssyncadd.s32 @!p0 s1  }
0xdd: {  	[bflag:$0x3] =	sbarrier.arrive $0xFFFF  }
0xde: {  	_ =	shalt  }

// kernel: kernel.9.cloned.1.call-start
scs
__scs_entry_jumppad:
0x0: {  	(pc) =	sbr.rel $0x88, $3  }
0x1: {  	(tag) =	ssettag $0x0;
	lr =	simm.s32 $0x1  }
0x2: {  	[smem:$0x3F8E] =	sst lr;
	_ =	strace $0xD0000000  }
0x3: {  	_ = 	snop  }
0x4: {  	_ = 	snop  }
0x5: {  	_ = 	snop  }
0x6: {  	_ = 	snop  }
0x7: {  	_ = 	snop  }
__scs_overlays_trampoline_lowered:
0x8: {  	[smem:$0x3F9D] =	sst s0  }
0x9: {  	[smem:$0x3F9E] =	sst s1  }
0xa: {  	[smem:$0x3F9F] =	sst s2  }
0xb: {  	[smem:$0x3FA0] =	sst s3  }
0xc: {  	[smem:$0x3FA1] =	sst s4  }
0xd: {  	[smem:$0x3FA2] =	sst s5  }
0xe: {  	[smem:$0x3FA3] =	sst s6  }
0xf: {  	[smem:$0x3FA4] =	sst s7  }
0x10: {  	[smem:$0x3FA5] =	sst s8  }
0x11: {  	[smem:$0x3FA6] =	sst s9;
	s0 =	simm.s32 @!p0 $0x0  }
0x12: {  	s1 =	sld [smem:$0x3F8C];
	s0 =	simm.s32 @p0 $0x1  }
0x13: {  	[smem:$0x3FA7] =	sst s0;
	s0 =	simm.s32 @!p1 $0x0  }
0x14: {  	s2 =	sld [smem:$0x3F8B];
	s0 =	simm.s32 @p1 $0x1  }
0x15: {  	[smem:$0x3FA8] =	sst s0;
	s0 =	simm.s32 @!p2 $0x0  }
0x16: {  	s3 =	sld [smem:$0x3FDB];
	s0 =	simm.s32 @p2 $0x1  }
0x17: {  	s4 =	simm.s32 $0x1BF5;
	[smem:$0x3FAA] =	sst s0  }
0x18: {  	s0 =	sld [smem:$0x3F8D];
	_ =	swait.ge [sflag:s4], $0x0  }
0x19: {  	s7 =	sld [smem:$0x3F8E]  }
0x1a: {  	s8 =	sadd.s32 $0xFFFFE003, lr  }
0x1b: {  	s9 =	sadd.s32 $0xFFFFFEF7, lr;
	s5 =	simm.s32 $0xFFFFFFFF;
	p2 =	slt.u32 s8, $0xFFFFF086  }
0x1c: {  	p1 =	slt.u32 s9, $0xF7A;
	s5 =	simm.s32 @!p2 $0x0  }
0x1d: {  	s5 =	simm.s32 @p1 $0x1;
	p0 =	seq.s32 s7, s2  }
0x1e: {  	s7 =	smul.u32 @!p0 $0xF7A, s2;
	p2 =	seq.s32 @!p0 s5, $0x0  }
0x1f: {  	s9 =	smul.u32 $0xF7A, s1;
	s8 =	simm.s32 @!p0 $0x1BF5;
	p2 =	por !p2, p0  }
0x20: {  	[sflag:s8] =	ssyncset.s32 @!p0 $0xFFFFF086;
	s6 =	sadd.s32 @!p0 s3, s7;
	s7 =	simm.s32 @!p0 $0x108  }
0x21: {  	s3 =	sadd.s32 s3, s9;
	s6 =	sadd.s32 @!p0 $0x88, s6;
	s7 =	simm.s32 @p2 $0x1082  }
0x22: {  	[simem:s7], [sflag:s8] =	dma.local @!p0 [hbm:s6], $0xF7A  }
0x23: {  	s9 =	sor.u32 $0xD0000000, s2;
	s6 =	simm.s32 $0x108;
	_ =	swait.ge @!p0 [sflag:s8], $0x0  }
0x24: {  	s3 =	sadd.s32 $0x88, s3;
	s6 =	simm.s32 @!p1 $0x1082;
	[sflag:s4] =	ssyncset.s32 $0xFFFFF086  }
0x25: {  	[simem:s6], [sflag:s4] =	dma.local [hbm:s3], $0xF7A  }
0x26: {  	[smem:$0x3F8E] =	sst s1;
	(tag) =	ssettag s2;
	_ =	strace s9  }
0x27: {  	s1 =	sld [smem:$0x3F9E]  }
0x28: {  	s2 =	sld [smem:$0x3F9F]  }
0x29: {  	s4 =	sld [smem:$0x3FA1]  }
0x2a: {  	p0 =	seq.s32 s5, $0x0;
	s5 =	sld [smem:$0x3FA2]  }
0x2b: {  	s6 =	sld [smem:$0x3FA3]  }
0x2c: {  	s7 =	sld [smem:$0x3FA4]  }
0x2d: {  	s3 =	simm.s32 $0x108;
	s8 =	sld [smem:$0x3FA5]  }
0x2e: {  	s3 =	simm.s32 @!p0 $0x1082;
	s9 =	sld [smem:$0x3FA6]  }
0x2f: {  	lr =	sadd.s32 s0, s3;
	s0 =	sld [smem:$0x3F9D]  }
0x30: {  	s3 =	sld [smem:$0x3FA0]  }
0x31: {  	[smem:$0x3FA9] =	sst s10  }
0x32: {  	s10 =	sld [smem:$0x3FA7];
	_ =	sdelay $0x3  }
0x33: {  	p0 =	seq.s32 s10, $0x1;
	s10 =	sld [smem:$0x3FA9];
	_ =	sdelay $0x3  }
0x34: {  	[smem:$0x3FA9] =	sst s10  }
0x35: {  	s10 =	sld [smem:$0x3FA8];
	_ =	sdelay $0x3  }
0x36: {  	p1 =	seq.s32 s10, $0x1;
	s10 =	sld [smem:$0x3FA9];
	_ =	sdelay $0x3  }
0x37: {  	[smem:$0x3FA9] =	sst s10  }
0x38: {  	s10 =	sld [smem:$0x3FAA]  }
0x39: {  	_ = 	snop;
	(pc) =	sbr.ind lr, $3  }
0x3a: {  	_ = 	snop  }
0x3b: {  	_ = 	snop  }
0x3c: {  	p2 =	seq.s32 s10, $0x1;
	s10 =	sld [smem:$0x3FA9]  }
0x3d: {  	_ =	shalt  }
0x3e: {  	_ =	shalt  }
0x3f: {  	_ =	shalt  }
0x40: {  	_ =	shalt  }
0x41: {  	_ =	shalt  }
0x42: {  	_ =	shalt  }
0x43: {  	_ =	shalt  }
0x44: {  	_ =	shalt  }
0x45: {  	_ =	shalt  }
0x46: {  	_ =	shalt  }
0x47: {  	_ =	shalt  }
0x48: {  	_ =	shalt  }
0x49: {  	_ =	shalt  }
0x4a: {  	_ =	shalt  }
0x4b: {  	_ =	shalt  }
0x4c: {  	_ =	shalt  }
0x4d: {  	_ =	shalt  }
0x4e: {  	_ =	shalt  }
0x4f: {  	_ =	shalt  }
0x50: {  	_ =	shalt  }
0x51: {  	_ =	shalt  }
0x52: {  	_ =	shalt  }
0x53: {  	_ =	shalt  }
0x54: {  	_ =	shalt  }
0x55: {  	_ =	shalt  }
0x56: {  	_ =	shalt  }
0x57: {  	_ =	shalt  }
0x58: {  	_ =	shalt  }
0x59: {  	_ =	shalt  }
0x5a: {  	_ =	shalt  }
0x5b: {  	_ =	shalt  }
0x5c: {  	_ =	shalt  }
0x5d: {  	_ =	shalt  }
0x5e: {  	_ =	shalt  }
0x5f: {  	_ =	shalt  }
0x60: {  	_ =	shalt  }
0x61: {  	_ =	shalt  }
0x62: {  	_ =	shalt  }
0x63: {  	_ =	shalt  }
0x64: {  	_ =	shalt  }
0x65: {  	_ =	shalt  }
0x66: {  	_ =	shalt  }
0x67: {  	_ =	shalt  }
0x68: {  	_ =	shalt  }
0x69: {  	_ =	shalt  }
0x6a: {  	_ =	shalt  }
0x6b: {  	_ =	shalt  }
0x6c: {  	_ =	shalt  }
0x6d: {  	_ =	shalt  }
0x6e: {  	_ =	shalt  }
0x6f: {  	_ =	shalt  }
0x70: {  	_ =	shalt  }
0x71: {  	_ =	shalt  }
0x72: {  	_ =	shalt  }
0x73: {  	_ =	shalt  }
0x74: {  	_ =	shalt  }
0x75: {  	_ =	shalt  }
0x76: {  	_ =	shalt  }
0x77: {  	_ =	shalt  }
0x78: {  	_ =	shalt  }
0x79: {  	_ =	shalt  }
0x7a: {  	_ =	shalt  }
0x7b: {  	_ =	shalt  }
0x7c: {  	_ =	shalt  }
0x7d: {  	_ =	shalt  }
0x7e: {  	_ =	shalt  }
0x7f: {  	_ =	shalt  }
0x80: {  	_ =	shalt  }
0x81: {  	_ =	shalt  }
0x82: {  	_ =	shalt  }
0x83: {  	_ =	shalt  }
0x84: {  	_ =	shalt  }
0x85: {  	_ =	shalt  }
0x86: {  	_ =	shalt  }
0x87: {  	_ =	shalt  }
.Lfunc_end0:
.L_simem_size_0:
called_computation_lowered:
.L_overlay_start_0:
0x88: {  	s2 =	sld [smem:$0x3FD9]  }
0x89: {  	s3 =	sld [smem:$0x3FFE];
	_ =	sdelay $0x1  }
0x8a: {  	s1 =	srdreg.scid  }
0x8b: {  	s0 =	sand.u32 $0x1, s1  }
0x8c: {  	s16 =	sshll.u32 s0, $0xA;
	s2 =	sadd.s32 s3, s2  }
0x8d: {  	s2 =	sadd.s32 s2, s16  }
0x8e: {  	[smem:$0x3FB5] =	sst s2  }
0x8f: {  	_ = 	snop  }
0x90: {  	(tm) =	ssettm $0x1  }
0x91: {  	s17 =	sld [smem:$0x3FFB];
	_ =	sdelay $0x3  }
0x92: {  	_ =	strace s17  }
0x93: {  	s2 =	sld [smem:$0x3FFC];
	_ =	sdelay $0x3  }
0x94: {  	_ =	strace s2  }
0x95: {  	s2 =	sld [smem:$0x3FFD];
	_ =	sdelay $0x3  }
0x96: {  	_ =	strace s2  }
0x97: {  	_ =	strace $0x8FFFFFFF  }
0x98: {  	s18 =	sld [smem:$0x3FDB];
	_ =	sdelay $0x1  }
0x99: {  	s19 =	simm.s32 $_scs_section_size  }
0x9a: {  	s4 =	simm.s32 $_size__tile_overlayer_lowered;
	s5 =	simm.s32 $_tile_overlayer_lowered  }
0x9b: {  	s22 =	simm.s32 $0x1BFF;
	s21 =	sshll.u32 s5, $0x1;
	s2 =	sadd.s32 s19, s18  }
0x9c: {  	s6 =	simm.s32 $0x0;
	s20 =	sshll.u32 s4, $0x1;
	s4 =	sadd.s32 s21, s2  }
0x9d: {  	[timem:s6], [sflag:s22] =	dma.local [hbm:s4], s20  }
0x9e: {  	_ =	swait.ge [sflag:s22], s20  }
0x9f: {  	s3 =	ssub.s32 $0x0, s20;
	[sflag:s22] =	ssyncset.done $0x0  }
0xa0: {  	[sflag:s22] =	ssyncadd.s32 s3;
	_ =	sdelay $0x1  }
0xa1: {  	s23 =	simm.s32 $0x1B8B  }
0xa2: {  	_ =	swait.ge [sflag:s23], $0x1  }
0xa3: {  	[sflag:s23] =	ssyncset.done $0x0  }
0xa4: {  	s25 =	simm.s32 $0x1B8E;
	s24 =	sld [smem:$0x3FFE];
	[sflag:s23] =	ssyncadd.s32 $0xFFFFFFFF  }
0xa5: {  	s26 =	simm.s32 $execute0_lowered;
	[smem:$0x3FD2] =	sst s25  }
0xa6: {  	s4 =	sshll.u32 s26, $0x1;
	_ =	strace $0x80000046;
	[dreg:$0x1] =	wrdreg $0xFFFFFFFF  }
0xa7: {  	s28 =	simm.s32 $_size_execute0_lowered;
	s2 =	sadd.s32 s2, s4;
	[dreg:$0x0] =	wrdreg $0x0  }
0xa8: {  	s4 =	sshll.u32 s28, $0x1;
	[dreg:$0x2] =	wrdreg s2  }
0xa9: {  	[dreg:$0x3] =	wrdreg s4  }
0xaa: {  	[dreg:$0x4] =	wrdreg $0xC0  }
0xab: {  	_ =	task [dreg:s6], $0x5FFFF  }
0xac: {  	[dreg:$0x1] =	wrdreg $0xFFFFFFFF  }
0xad: {  	[dreg:$0x0] =	wrdreg $0x60  }
0xae: {  	[dreg:$0x2] =	wrdreg s24  }
0xaf: {  	[dreg:$0x3] =	wrdreg $0x0  }
0xb0: {  	[dreg:$0x4] =	wrdreg $0x9  }
0xb1: {  	_ =	task.clear_ibuf [dreg:s6], $0x5FFFF;
	_ =	strace $0x90000046  }
0xb2: {  	s29 =	simm.s32 $0x9;
	_ =	strace $0x80000048  }
0xb3: {  	_ =	swait.ge [sflag:s29], $0x1  }
0xb4: {  	[sflag:s29] =	ssyncadd.s32 $0xFFFFFFFF  }
0xb5: {  	_ =	strace $0x90000048  }
0xb6: {  	_ =	sfence  }
0xb7: {  	s30 =	sld [smem:$0x0];
	_ =	sdelay $0x2  }
0xb8: {  	s31 =	sshll.u32 s1, $0xD;
	s1 =	sshrl.u32 s1, $0x2  }
0xb9: {  	s3 =	sand.u32 $0x4000, s31;
	s1 =	sadd.s32 s1, s30  }
0xba: {  	s0 =	sor.u32 s3, s0;
	s1 =	sshll.u32 s1, $0x11  }
0xbb: {  	s0 =	sor.u32 s1, s0  }
0xbc: {  	s0 =	sadd.s32 $0x8F2B, s0  }
0xbd: {  	[sflag:s0] =	ssyncadd.remote.s32 $0x1  }
0xbe: {  	_ =	sfence.sel $0xFFFF  }
0xbf: {  	[dreg:$0x0] =	wrdreg $0xFFFFFFFF;
	(pc) =	sbr.abs _section_cstart, $3  }
0xc0: {  	[dreg:$0x1] =	wrdreg $0xFFFFFFFF  }
0xc1: {  	_ =	task.clear_ibuf [dreg:s6], $0x2FFFF;
	_ =	strace $0x9FFFFFFF  }
0xc2: {  	(tm) =	ssettm $0x7FFFFFFF  }
0xc3: {  	_ =	shalt  }
tec
execute0_lowered:
.L_overlay_start_1:
0x0: {  	(tag) =	ssettag $0x1  }
0x1: {  	s0 =	rddreg [dreg:$0x0]  }
0x2: {  	s1 =	rddreg [dreg:$0x1];
	s2 =	srdreg.scid;
	s4 =	simm.s32 $0x0  }
0x3: {  	s10 =	stileid.u32;
	s14 =	simm.s32 $0x5;
	s16 =	simm.s32 $0x14800  }
0x4: {  	s17 =	simm.s32 $0x80;
	s18 =	simm.s32 $0x15000;
	s13 =	simm.s32 $0x14900  }
0x5: {  	s19 =	simm.s32 $0x14980;
	s28 =	simm.s32 $0x14E00;
	s29 =	simm.s32 $0x14B00  }
0x6: {  	s30 =	simm.s32 $0x14E80;
	s31 =	simm.s32 $0x14B80;
	s15 =	simm.s32 $0x0  }
0x7: {  	s2 =	sand.u32 $0x1, s2;
	[smem:$0x7FF] =	sst s4;
	s5 =	smul.u32 $0x14000, s10  }
0x8: {  	s4 =	sadd.s32 $0x2CC00, s0;
	s6 =	sadd.s32 $0x4C00, s0;
	s8 =	smul.u32 $0x50000, s10  }
0x9: {  	s7 =	sadd.s32 $0x54C00, s0;
	s24 =	smul.u32 $0xA000, s10;
	s25 =	sshll.u32 s10, $0x6  }
0xa: {  	s3 =	smul.u32 $0x140000, s2;
	_ =	strace $0x80000047;
	[dreg:$0x3] =	wrdreg s7  }
0xb: {  	s20 =	sshll.u32 s2, $0x4;
	s21 =	ssub.s32 $0x2, s2;
	s2 =	smul.u32 $0xA0000, s2  }
0xc: {  	s9 =	sshrl.u32 s21, $0x1;
	s23 =	sshrl.u32 s8, $0x2;
	s3 =	sadd.s32 s5, s3  }
0xd: {  	s5 =	sor.u32 s10, s20;
	s22 =	ssub.s32 s21, s9;
	s7 =	sadd.s32 s23, s1  }
0xe: {  	s10 =	sor.u32 $0x1C05, s25;
	s2 =	sadd.s32 s24, s2;
	s20 =	simm.s32 $0x19000  }
0xf: {  	s21 =	simm.s32 $0x1;
	s24 =	simm.s32 $0x2;
	s9 =	simm.s32 $0x4  }
0x10: {  	s23 =	simm.s32 $0x14A00;
	s25 =	simm.s32 $0x14D80;
	s3 =	sshrl.u32 s3, $0x3  }
0x11: {  	s5 =	smul.u32 $0xA000, s5;
	s26 =	sor.u32 $0x1800, s2;
	s2 =	sor.u32 $0x1000, s2  }
0x12: {  	[dreg:$0x5] =	wrdreg s10;
	s0 =	sadd.s32 s3, s0;
	s3 =	smax.u32 s22, $0x1  }
0x13: {  	s2 =	sshrl.u32 s2, $0x3;
	s22 =	simm.s32 $0x14D00;
	s5 =	sshrl.u32 s5, $0x3  }
0x14: {  	s0 =	sadd.s32 $0x57400, s0;
	[dreg:$0x8] =	wrdreg s3;
	s12 =	sadd.s32 s2, s6  }
.Ltmp0:
0x15: {  	s3 =	simm.s32 $0x14C80;
	s5 =	sadd.s32 s6, s5;
	(pc) =	sbr.rel .LBB2_1-.Ltmp0, $4  }
0x16: {  	[dreg:$0x7] =	wrdreg s0;
	s0 =	sshrl.u32 s26, $0x3;
	s26 =	simm.s32 $0x14A80  }
0x17: {  	[dreg:$0x4] =	wrdreg s5;
	s5 =	sadd.s32 $0x100, s5;
	s11 =	sadd.s32 s0, s6  }
0x18: {  	s0 =	simm.s32 $0x14F80;
	[dreg:$0x6] =	wrdreg s5;
	s5 =	sshrl.u32 s7, $0x3  }
0x19: {  	s6 =	simm.s32 $0x0;
	s7 =	simm.s32 $0x14C00;
	[dreg:$0x9] =	wrdreg s5  }
.LBB2_4:
0x1a: {  	[bflag:$0x0] =	sbarrier.arrive $0xFFFF  }
0x1b: {  	s10 =	rddreg [dreg:$0x5]  }
0x1c: {  	s2 =	rddreg [dreg:$0x7]  }
0x1d: {  	s5 =	rddreg [dreg:$0x9]  }
0x1e: {  	[hbm:s2], [sflag:s10] =	dma.local [spmem:s5], $0x2800  }
0x1f: {  	_ =	swait.ge [sflag:s14], $0x2800  }
0x20: {  	s6 =	rddreg [dreg:$0xa]  }
0x21: {  	s8 =	rddreg [dreg:$0x8];
	s6 =	sadd.s32 $0x1, s6  }
0x22: {  	p0 =	sne.s32 s6, s8  }
.Ltmp1:
0x23: {  	_ = 	snop;
	(pc) =	sbr.rel @!p0 .LBB2_5-.Ltmp1, $3  }
0x24: {  	_ =	sdelay $0x1  }
0x25: {  	[sflag:s14] =	ssyncset.done $0x0  }
0x26: {  	[sflag:s14] =	ssyncadd.s32 $0xFFFFD800  }
.LBB2_1:
0x27: {  	[dreg:$0xa] =	wrdreg s6  }
0x28: {  	s2 =	rddreg [dreg:$0x3]  }
0x29: {  	[spmem:s5], [sflag:s10] =	dma.local [hbm:s2], $0x2800  }
0x2a: {  	_ =	swait.ge [sflag:s14], $0x2800  }
0x2b: {  	[sflag:s14] =	ssyncset.done $0x0  }
0x2c: {  	[sflag:s14] =	ssyncadd.s32 $0xFFFFD800  }
0x2d: {  	[bflag:$0x0] =	sbarrier.arrive $0xFFFF  }
0x2e: {  	s6 =	simm.s32 $0x0;
	s10 =	simm.s32 $0x14000;
	s8 =	rddreg [dreg:$0x4]  }
0x2f: {  	[tilespmem:s10], [sflag:$0x5] =	stream.linear.gather [hbm4b:s8+s6], $0x800, $0x38;
	[tilespmem:$0x1D000] =	vst v63  }
0x30: {  	_ =	swait.ge [sflag:s14], $0x800  }
0x31: {  	[sflag:s14] =	ssyncset.done $0x0  }
0x32: {  	s8 =	rddreg [dreg:$0x6];
	[sflag:s14] =	ssyncadd.s32 $0xFFFFF800  }
0x33: {  	[tilespmem:s16], [sflag:$0x4] =	stream.linear.gather [hbm4b:s8+s6], $0x800, $0x38;
	[tilespmem:$0x1D000] =	vst v63  }
0x34: {  	_ = 	snop  }
0x35: {  	[tilespmem:s18], [sflag:$0x1] =	stream.indirect.gather [hbm4b:s4+s17], $0x80, s10, s17, $0xb8;
	[tilespmem:$0x1D000] =	vst v63  }
0x36: {  	s2 =	simm.s32 $0x0;
	s10 =	simm.s32 $0x14080  }
0x37: {  	[tilespmem:s20], [sflag:$0x2] =	stream.indirect.gather [hbm4b:s4+s17], $0x80, s10, s17, $0xb8;
	[tilespmem:$0x1D000] =	vst v63  }
.LBB2_2:
0x38: {  	_ =	swait.ge [sflag:s21], $0x4000  }
0x39: {  	[sflag:s21] =	ssyncset.done $0x0  }
0x3a: {  	s5 =	simm.s32 $0x14400;
	[sflag:s21] =	ssyncadd.s32 $0xFFFFC000  }
0x3b: {  	[spmem:s1] =	stream.indirect.scatter.add.f32 [tilespmem:s18], [sflag:$0x5], $0x80, s5, s17, $0xb8;
	[tilespmem:$0x1D000] =	vst v63  }
0x3c: {  	_ =	swait.ge [sflag:s14], $0x4000  }
0x3d: {  	[sflag:s14] =	ssyncset.done $0x0  }
0x3e: {  	s8 =	simm.s32 $0x14100;
	[sflag:s14] =	ssyncadd.s32 $0xFFFFC000  }
0x3f: {  	[tilespmem:s18], [sflag:$0x1] =	stream.indirect.gather [hbm4b:s4+s17], $0x80, s8, s17, $0xb8;
	[tilespmem:$0x1D000] =	vst v63  }
0x40: {  	_ =	swait.ge [sflag:s24], $0x4000  }
0x41: {  	[sflag:s24] =	ssyncset.done $0x0  }
0x42: {  	s10 =	simm.s32 $0x14480;
	[sflag:s24] =	ssyncadd.s32 $0xFFFFC000  }
0x43: {  	[spmem:s1] =	stream.indirect.scatter.add.f32 [tilespmem:s20], [sflag:$0x5], $0x80, s10, s17, $0xb8;
	[tilespmem:$0x1D000] =	vst v63  }
0x44: {  	_ =	swait.ge [sflag:s14], $0x4000  }
0x45: {  	[sflag:s14] =	ssyncset.done $0x0  }
0x46: {  	s6 =	simm.s32 $0x14180;
	[sflag:s14] =	ssyncadd.s32 $0xFFFFC000  }
0x47: {  	[tilespmem:s20], [sflag:$0x2] =	stream.indirect.gather [hbm4b:s4+s17], $0x80, s6, s17, $0xb8;
	[tilespmem:$0x1D000] =	vst v63  }
0x48: {  	_ =	swait.ge [sflag:s21], $0x4000  }
0x49: {  	[sflag:s21] =	ssyncset.done $0x0  }
0x4a: {  	s8 =	simm.s32 $0x14500;
	[sflag:s21] =	ssyncadd.s32 $0xFFFFC000  }
0x4b: {  	[spmem:s1] =	stream.indirect.scatter.add.f32 [tilespmem:s18], [sflag:$0x5], $0x80, s8, s17, $0xb8;
	[tilespmem:$0x1D000] =	vst v63  }
0x4c: {  	_ =	swait.ge [sflag:s14], $0x4000  }
0x4d: {  	[sflag:s14] =	ssyncset.done $0x0  }
0x4e: {  	s10 =	simm.s32 $0x14200;
	[sflag:s14] =	ssyncadd.s32 $0xFFFFC000  }
0x4f: {  	[tilespmem:s18], [sflag:$0x1] =	stream.indirect.gather [hbm4b:s4+s17], $0x80, s10, s17, $0xb8;
	[tilespmem:$0x1D000] =	vst v63  }
0x50: {  	_ =	swait.ge [sflag:s24], $0x4000  }
0x51: {  	[sflag:s24] =	ssyncset.done $0x0  }
0x52: {  	s6 =	simm.s32 $0x14580;
	[sflag:s24] =	ssyncadd.s32 $0xFFFFC000  }
0x53: {  	[spmem:s1] =	stream.indirect.scatter.add.f32 [tilespmem:s20], [sflag:$0x5], $0x80, s6, s17, $0xb8;
	[tilespmem:$0x1D000] =	vst v63  }
0x54: {  	_ =	swait.ge [sflag:s14], $0x4000  }
0x55: {  	[sflag:s14] =	ssyncset.done $0x0  }
0x56: {  	s8 =	simm.s32 $0x14280;
	[sflag:s14] =	ssyncadd.s32 $0xFFFFC000  }
0x57: {  	[tilespmem:s20], [sflag:$0x2] =	stream.indirect.gather [hbm4b:s4+s17], $0x80, s8, s17, $0xb8;
	[tilespmem:$0x1D000] =	vst v63  }
0x58: {  	_ =	swait.ge [sflag:s21], $0x4000  }
0x59: {  	[sflag:s21] =	ssyncset.done $0x0  }
0x5a: {  	s10 =	simm.s32 $0x14600;
	[sflag:s21] =	ssyncadd.s32 $0xFFFFC000  }
0x5b: {  	[spmem:s1] =	stream.indirect.scatter.add.f32 [tilespmem:s18], [sflag:$0x5], $0x80, s10, s17, $0xb8;
	[tilespmem:$0x1D000] =	vst v63  }
0x5c: {  	_ =	swait.ge [sflag:s14], $0x4000  }
0x5d: {  	[sflag:s14] =	ssyncset.done $0x0  }
0x5e: {  	s6 =	simm.s32 $0x14300;
	[sflag:s14] =	ssyncadd.s32 $0xFFFFC000  }
0x5f: {  	[tilespmem:s18], [sflag:$0x1] =	stream.indirect.gather [hbm4b:s4+s17], $0x80, s6, s17, $0xb8;
	[tilespmem:$0x1D000] =	vst v63  }
0x60: {  	_ =	swait.ge [sflag:s24], $0x4000  }
0x61: {  	[sflag:s24] =	ssyncset.done $0x0  }
0x62: {  	s8 =	simm.s32 $0x14680;
	[sflag:s24] =	ssyncadd.s32 $0xFFFFC000  }
0x63: {  	[spmem:s1] =	stream.indirect.scatter.add.f32 [tilespmem:s20], [sflag:$0x5], $0x80, s8, s17, $0xb8;
	[tilespmem:$0x1D000] =	vst v63  }
0x64: {  	_ =	swait.ge [sflag:s14], $0x4000  }
0x65: {  	[sflag:s14] =	ssyncset.done $0x0  }
0x66: {  	s10 =	simm.s32 $0x14380;
	[sflag:s14] =	ssyncadd.s32 $0xFFFFC000  }
0x67: {  	[tilespmem:s20], [sflag:$0x2] =	stream.indirect.gather [hbm4b:s4+s17], $0x80, s10, s17, $0xb8;
	[tilespmem:$0x1D000] =	vst v63  }
0x68: {  	_ =	swait.ge [sflag:s9], $0x800  }
0x69: {  	[sflag:s9] =	ssyncset.done $0x0  }
0x6a: {  	[sflag:s9] =	ssyncadd.s32 $0xFFFFF800  }
0x6b: {  	_ =	swait.ge [sflag:s21], $0x4000  }
0x6c: {  	[sflag:s21] =	ssyncset.done $0x0  }
0x6d: {  	s6 =	simm.s32 $0x14700;
	[sflag:s21] =	ssyncadd.s32 $0xFFFFC000  }
0x6e: {  	[spmem:s1] =	stream.indirect.scatter.add.f32 [tilespmem:s18], [sflag:$0x5], $0x80, s6, s17, $0xb8;
	[tilespmem:$0x1D000] =	vst v63  }
0x6f: {  	_ =	swait.ge [sflag:s14], $0x4000  }
0x70: {  	[sflag:s14] =	ssyncset.done $0x0  }
0x71: {  	[sflag:s14] =	ssyncadd.s32 $0xFFFFC000  }
0x72: {  	[tilespmem:s18], [sflag:$0x1] =	stream.indirect.gather [hbm4b:s4+s17], $0x80, s16, s17, $0xb8;
	[tilespmem:$0x1D000] =	vst v63  }
0x73: {  	_ =	swait.ge [sflag:s24], $0x4000  }
0x74: {  	[sflag:s24] =	ssyncset.done $0x0  }
0x75: {  	s8 =	simm.s32 $0x14780;
	[sflag:s24] =	ssyncadd.s32 $0xFFFFC000  }
0x76: {  	[spmem:s1] =	stream.indirect.scatter.add.f32 [tilespmem:s20], [sflag:$0x5], $0x80, s8, s17, $0xb8;
	[tilespmem:$0x1D000] =	vst v63  }
0x77: {  	_ =	swait.ge [sflag:s14], $0x4000  }
0x78: {  	[sflag:s14] =	ssyncset.done $0x0  }
0x79: {  	p0 =	seq.s32 s2, $0x1200;
	s10 =	simm.s32 $0x14880;
	[sflag:s14] =	ssyncadd.s32 $0xFFFFC000  }
0x7a: {  	[tilespmem:s20], [sflag:$0x2] =	stream.indirect.gather [hbm4b:s4+s17], $0x80, s10, s17, $0xb8;
	[tilespmem:$0x1D000] =	vst v63  }
0x7b: {  	s5 =	simm.s32 @!p0 $0x14000;
	s8 =	sadd.s32 @!p0 s2, s12;
	s10 =	simm.s32 @!p0 $0x0  }
0x7c: {  	[tilespmem:s5], [sflag:$0x3] =	stream.linear.gather @!p0 [hbm4b:s8+s10], $0x800, $0x38;
	[tilespmem:$0x1D000] =	vst v63  }
0x7d: {  	_ =	swait.ge [sflag:s21], $0x4000  }
0x7e: {  	[sflag:s21] =	ssyncset.done $0x0  }
0x7f: {  	[sflag:s21] =	ssyncadd.s32 $0xFFFFC000  }
0x80: {  	[spmem:s1] =	stream.indirect.scatter.add.f32 [tilespmem:s18], [sflag:$0x5], $0x80, s7, s17, $0xb8;
	[tilespmem:$0x1D000] =	vst v63  }
0x81: {  	_ =	swait.ge [sflag:s14], $0x4000  }
0x82: {  	[sflag:s14] =	ssyncset.done $0x0  }
0x83: {  	[sflag:s14] =	ssyncadd.s32 $0xFFFFC000  }
0x84: {  	[tilespmem:s18], [sflag:$0x1] =	stream.indirect.gather [hbm4b:s4+s17], $0x80, s13, s17, $0xb8;
	[tilespmem:$0x1D000] =	vst v63  }
0x85: {  	_ =	swait.ge [sflag:s24], $0x4000  }
0x86: {  	[sflag:s24] =	ssyncset.done $0x0  }
0x87: {  	[sflag:s24] =	ssyncadd.s32 $0xFFFFC000  }
0x88: {  	[spmem:s1] =	stream.indirect.scatter.add.f32 [tilespmem:s20], [sflag:$0x5], $0x80, s3, s17, $0xb8;
	[tilespmem:$0x1D000] =	vst v63  }
0x89: {  	_ =	swait.ge [sflag:s14], $0x4000  }
0x8a: {  	[sflag:s14] =	ssyncset.done $0x0  }
0x8b: {  	[sflag:s14] =	ssyncadd.s32 $0xFFFFC000  }
0x8c: {  	[tilespmem:s20], [sflag:$0x2] =	stream.indirect.gather [hbm4b:s4+s17], $0x80, s19, s17, $0xb8;
	[tilespmem:$0x1D000] =	vst v63  }
0x8d: {  	_ =	swait.ge [sflag:s21], $0x4000  }
0x8e: {  	[sflag:s21] =	ssyncset.done $0x0  }
0x8f: {  	[sflag:s21] =	ssyncadd.s32 $0xFFFFC000  }
0x90: {  	[spmem:s1] =	stream.indirect.scatter.add.f32 [tilespmem:s18], [sflag:$0x5], $0x80, s22, s17, $0xb8;
	[tilespmem:$0x1D000] =	vst v63  }
0x91: {  	_ =	swait.ge [sflag:s14], $0x4000  }
0x92: {  	[sflag:s14] =	ssyncset.done $0x0  }
0x93: {  	[sflag:s14] =	ssyncadd.s32 $0xFFFFC000  }
0x94: {  	[tilespmem:s18], [sflag:$0x1] =	stream.indirect.gather [hbm4b:s4+s17], $0x80, s23, s17, $0xb8;
	[tilespmem:$0x1D000] =	vst v63  }
0x95: {  	_ =	swait.ge [sflag:s24], $0x4000  }
0x96: {  	[sflag:s24] =	ssyncset.done $0x0  }
0x97: {  	[sflag:s24] =	ssyncadd.s32 $0xFFFFC000  }
0x98: {  	[spmem:s1] =	stream.indirect.scatter.add.f32 [tilespmem:s20], [sflag:$0x5], $0x80, s25, s17, $0xb8;
	[tilespmem:$0x1D000] =	vst v63  }
0x99: {  	_ =	swait.ge [sflag:s14], $0x4000  }
0x9a: {  	[sflag:s14] =	ssyncset.done $0x0  }
0x9b: {  	[sflag:s14] =	ssyncadd.s32 $0xFFFFC000  }
0x9c: {  	[tilespmem:s20], [sflag:$0x2] =	stream.indirect.gather [hbm4b:s4+s17], $0x80, s26, s17, $0xb8;
	[tilespmem:$0x1D000] =	vst v63  }
0x9d: {  	_ =	swait.ge [sflag:s21], $0x4000  }
0x9e: {  	[sflag:s21] =	ssyncset.done $0x0  }
0x9f: {  	[sflag:s21] =	ssyncadd.s32 $0xFFFFC000  }
0xa0: {  	[spmem:s1] =	stream.indirect.scatter.add.f32 [tilespmem:s18], [sflag:$0x5], $0x80, s28, s17, $0xb8;
	[tilespmem:$0x1D000] =	vst v63  }
0xa1: {  	_ =	swait.ge [sflag:s14], $0x4000  }
0xa2: {  	[sflag:s14] =	ssyncset.done $0x0  }
0xa3: {  	[sflag:s14] =	ssyncadd.s32 $0xFFFFC000  }
0xa4: {  	[tilespmem:s18], [sflag:$0x1] =	stream.indirect.gather [hbm4b:s4+s17], $0x80, s29, s17, $0xb8;
	[tilespmem:$0x1D000] =	vst v63  }
0xa5: {  	_ =	swait.ge [sflag:s24], $0x4000  }
0xa6: {  	[sflag:s24] =	ssyncset.done $0x0  }
0xa7: {  	[sflag:s24] =	ssyncadd.s32 $0xFFFFC000  }
0xa8: {  	[spmem:s1] =	stream.indirect.scatter.add.f32 [tilespmem:s20], [sflag:$0x5], $0x80, s30, s17, $0xb8;
	[tilespmem:$0x1D000] =	vst v63  }
0xa9: {  	_ =	swait.ge [sflag:s14], $0x4000  }
0xaa: {  	[sflag:s14] =	ssyncset.done $0x0  }
0xab: {  	s8 =	simm.s32 @p0 $0x1;
	[sflag:s14] =	ssyncadd.s32 $0xFFFFC000  }
0xac: {  	[tilespmem:s20], [sflag:$0x2] =	stream.indirect.gather [hbm4b:s4+s17], $0x80, s31, s17, $0xb8;
	[tilespmem:$0x1D000] =	vst v63  }
0xad: {  	_ =	swait.ge @p0 [sflag:s8], $0x4000  }
0xae: {  	s6 =	simm.s32 @p0 $0x15000;
	[sflag:s8] =	ssyncset.done @p0 $0x0  }
0xaf: {  	s10 =	simm.s32 @p0 $0x14F00;
	[sflag:s8] =	ssyncadd.s32 @p0 $0xFFFFC000;
	s8 =	simm.s32 @p0 $0x80  }
0xb0: {  	[spmem:s1] =	stream.indirect.scatter.add.f32 @p0 [tilespmem:s6], [sflag:$0x5], $0x80, s10, s8, $0xb8;
	[tilespmem:$0x1D000] =	vst v63  }
0xb1: {  	s6 =	simm.s32 @p0 $0x5  }
0xb2: {  	_ =	swait.ge @p0 [sflag:s6], $0x4000  }
0xb3: {  	[sflag:s6] =	ssyncset.done @p0 $0x0  }
0xb4: {  	[sflag:s6] =	ssyncadd.s32 @p0 $0xFFFFC000;
	s6 =	simm.s32 @!p0 $0x3  }
0xb5: {  	_ =	swait.ge @!p0 [sflag:s6], $0x800  }
0xb6: {  	[sflag:s6] =	ssyncset.done @!p0 $0x0  }
0xb7: {  	[sflag:s6] =	ssyncadd.s32 @!p0 $0xFFFFF800;
	s6 =	simm.s32 @!p0 $0x1  }
0xb8: {  	_ =	swait.ge @!p0 [sflag:s6], $0x4000  }
0xb9: {  	s8 =	simm.s32 @!p0 $0x14F00;
	[sflag:s6] =	ssyncset.done @!p0 $0x0  }
0xba: {  	s10 =	simm.s32 @!p0 $0x15000;
	[sflag:s6] =	ssyncadd.s32 @!p0 $0xFFFFC000;
	s6 =	simm.s32 @!p0 $0x80  }
0xbb: {  	[spmem:s1] =	stream.indirect.scatter.add.f32 @!p0 [tilespmem:s10], [sflag:$0x5], $0x80, s8, s6, $0xb8;
	[tilespmem:$0x1D000] =	vst v63  }
0xbc: {  	s8 =	simm.s32 @!p0 $0x5  }
0xbd: {  	_ =	swait.ge @!p0 [sflag:s8], $0x4000  }
0xbe: {  	[sflag:s8] =	ssyncset.done @!p0 $0x0  }
0xbf: {  	[sflag:s8] =	ssyncadd.s32 @!p0 $0xFFFFC000  }
0xc0: {  	[tilespmem:s10], [sflag:$0x1] =	stream.indirect.gather @!p0 [hbm4b:s4+s6], $0x80, s5, s6, $0xb8;
	[tilespmem:$0x1D000] =	vst v63  }
0xc1: {  	_ =	swait.ge [sflag:s24], $0x4000  }
0xc2: {  	[sflag:s24] =	ssyncset.done $0x0  }
.Ltmp2:
0xc3: {  	[sflag:s24] =	ssyncadd.s32 $0xFFFFC000;
	(pc) =	sbr.rel @p0 .LBB2_4-.Ltmp2, $4  }
0xc4: {  	[spmem:s1] =	stream.indirect.scatter.add.f32 [tilespmem:s20], [sflag:$0x5], $0x80, s0, s17, $0xb8;
	[tilespmem:$0x1D000] =	vst v63  }
0xc5: {  	_ =	swait.ge [sflag:s14], $0x4000  }
0xc6: {  	[sflag:s14] =	ssyncset.done $0x0  }
0xc7: {  	[sflag:s14] =	ssyncadd.s32 $0xFFFFC000  }
.Ltmp3:
0xc8: {  	(pc) =	sbr.rel .LBB2_2-.Ltmp3, $4  }
0xc9: {  	s5 =	simm.s32 $0x14080  }
0xca: {  	[tilespmem:s20], [sflag:$0x2] =	stream.indirect.gather [hbm4b:s4+s17], $0x80, s5, s17, $0xb8;
	[tilespmem:$0x1D000] =	vst v63  }
0xcb: {  	s10 =	sadd.s32 s2, s11;
	s2 =	sadd.s32 $0x200, s2  }
0xcc: {  	[tilespmem:s16], [sflag:$0x4] =	stream.linear.gather [hbm4b:s10+s15], $0x800, $0x38;
	[tilespmem:$0x1D000] =	vst v63  }
.LBB2_5:
0xcd: {  	_ =	sfence.sel $0x180000  }
0xce: {  	[bflag:$0x0] =	sbarrier.arrive $0xFFFF  }
0xcf: {  	_ =	strace $0x90000047  }
0xd0: {  	s0 =	stileid.u32;
	[bflag:$0x2] =	sbarrier.arrive $0xFFFF  }
0xd1: {  	p0 =	sne.s32 s0, $0x0;
	s0 =	rddreg [dreg:$0x2]  }
0xd2: {  	s0 =	sadd.s32 @!p0 $0x100000, s0  }
0xd3: {  	[sflag:s0] =	ssyncadd.tile.s32 @!p0 $0x1;
	_ =	shalt  }
.Lfunc_end2:
_tile_overlayer_lowered:
.L_overlay_start_2:
0xd4: {  	(tag) =	ssettag $0x2  }
0xd5: {  	s0 =	rddreg [dreg:$0x0];
	s2 =	stileid.u32  }
0xd6: {  	s1 =	rddreg [dreg:$0x1];
	p0 =	sne.s32 s2, $0x0  }
0xd7: {  	s3 =	rddreg [dreg:$0x2];
	[bflag:$0x3] =	sbarrier.arrive $0xFFFF;
	s2 =	simm.s32 @!p0 $0x1C05  }
0xd8: {  	[timem:s3], [sflag:s2] =	dma.local @!p0 [hbm:s0], s1  }
0xd9: {  	s0 =	simm.s32 @!p0 $0x5  }
0xda: {  	_ =	swait.ge @!p0 [sflag:s0], s1  }
0xdb: {  	s1 =	ssub.s32 @!p0 $0x0, s1;
	[sflag:s0] =	ssyncset.done @!p0 $0x0  }
0xdc: {  	[sflag:s0] =	ssyncadd.s32 @!p0 s1  }
0xdd: {  	[bflag:$0x3] =	sbarrier.arrive $0xFFFF  }
0xde: {  	_ =	shalt  }

</sc_bundles>
